<compile_context>
chip_gen: v7x
topology: tpu7x:2x2x1
jax: 0.10.2.dev20260603
libtpu: 0.0.44.dev20260713+nightly
codegen_flags: <defaults>
</compile_context>

<pallas_src>
import functools

import jax
import jax.numpy as jnp
from jax import lax
from jax.experimental import pallas as pl
from jax.experimental.pallas import tpu as pltpu
from jax.experimental.pallas import tpu_sc as plsc

N = 10000
E = 320000
DF = 128
DH = 16

NC = 2
NS = 16
NW = NC * NS
ET = E // 128
CET = 20
ECB = CET * 128
TOTCH = ET // CET
CPT = (TOTCH + NW - 1) // NW
RPT = N // NS



def _xs_body(x_ref, w_ref, o_ref):
    o_ref[...] = jnp.dot(x_ref[...], w_ref[...].T,
                         preferred_element_type=jnp.float32)


def _node_pre(x, mw1a):
    bm = 2000
    return pl.pallas_call(
        _xs_body,
        grid=(N // bm,),
        in_specs=[pl.BlockSpec((bm, DF), lambda i: (i, 0)),
                  pl.BlockSpec((DH, DF), lambda i: (0, 0))],
        out_specs=pl.BlockSpec((bm, DH), lambda i: (i, 0)),
        out_shape=jax.ShapeDtypeStruct((N, DH), jnp.float32),
    )(x, mw1a)


def _eat_body(ea_ref, w_ref, b_ref, o_ref):
    for k in range(o_ref.shape[0]):
        blk = jnp.dot(w_ref[...], ea_ref[:, k * 128:(k + 1) * 128],
                      preferred_element_type=jnp.float32) + b_ref[...]
        o_ref[k, :, :] = blk


def _eat_tc(ea_t, w1b, b1):
    bm = 12800
    kt = bm // 128
    return pl.pallas_call(
        _eat_body,
        grid=(E // bm,),
        in_specs=[pl.BlockSpec((DH, bm), lambda i: (0, i)),
                  pl.BlockSpec((DH, DH), lambda i: (0, 0)),
                  pl.BlockSpec((DH, 1), lambda i: (0, 0))],
        out_specs=pl.BlockSpec((kt, DH, 128), lambda i: (i, 0, 0)),
        out_shape=jax.ShapeDtypeStruct((ET, DH, 128), jnp.float32),
    )(ea_t, w1b, b1)


KB = CET * DH


def _edge_body(eat_ref, xg_ref, w2_ref, b2_ref, w3_ref, b3_ref, o_ref):
    t = jnp.maximum(xg_ref[...] + eat_ref[...], 0.0).reshape(KB, 128)
    t = jnp.maximum(
        jnp.dot(w2_ref[...], t, preferred_element_type=jnp.float32)
        + b2_ref[...], 0.0)
    t = jnp.dot(w3_ref[...], t, preferred_element_type=jnp.float32) + b3_ref[...]
    o_ref[...] = t.reshape(CET, DH, 128)


def _edge_tc(eat, xgt, w2k, b2k, w3k, b3k):
    kt = CET
    wspec = pl.BlockSpec((KB, KB), lambda i: (0, 0))
    bspec = pl.BlockSpec((KB, 1), lambda i: (0, 0))
    return pl.pallas_call(
        _edge_body,
        grid=(ET // kt,),
        in_specs=[pl.BlockSpec((kt, DH, 128), lambda i: (i, 0, 0)),
                  pl.BlockSpec((kt, DH, 128), lambda i: (i, 0, 0)),
                  wspec, bspec, wspec, bspec],
        out_specs=pl.BlockSpec((kt, DH, 128), lambda i: (i, 0, 0)),
        out_shape=jax.ShapeDtypeStruct((ET, DH, 128), jnp.float32),
    )(eat, xgt, w2k, b2k, w3k, b3k)


def _node_body(x_ref, p0_ref, p1_ref, w1a_ref, w1b_ref, b1_ref, w2_ref,
               b2_ref, w3_ref, b3_ref, o_ref):
    agg = p0_ref[...] + p1_ref[...]
    t = (jnp.dot(x_ref[...], w1a_ref[...].T, preferred_element_type=jnp.float32)
         + jnp.dot(agg, w1b_ref[...].T, preferred_element_type=jnp.float32)
         + b1_ref[...])
    t = jnp.maximum(t, 0.0)
    t = jnp.dot(t, w2_ref[...].T, preferred_element_type=jnp.float32) + b2_ref[...]
    t = jnp.maximum(t, 0.0)
    o_ref[...] = jnp.dot(t, w3_ref[...].T,
                         preferred_element_type=jnp.float32) + b3_ref[...]


def _node_mlp(x, parts, w1a, w1b, b1, w2, b2, w3, b3):
    bm = 2000
    nb = N // bm
    wspec = pl.BlockSpec((DH, DH), lambda i: (0, 0))
    bspec = pl.BlockSpec((1, DH), lambda i: (0, 0))
    return pl.pallas_call(
        _node_body,
        grid=(nb,),
        in_specs=[pl.BlockSpec((bm, DF), lambda i: (i, 0)),
                  pl.BlockSpec((bm, DH), lambda i: (i, 0)),
                  pl.BlockSpec((bm, DH), lambda i: (i + nb, 0)),
                  pl.BlockSpec((DH, DF), lambda i: (0, 0)),
                  wspec, bspec, wspec, bspec, wspec, bspec],
        out_specs=pl.BlockSpec((bm, DH), lambda i: (i, 0)),
        out_shape=jax.ShapeDtypeStruct((N, DH), jnp.float32),
    )(x, parts, parts, w1a, w1b, b1, w2, b2, w3, b3)




def _gather_sc(xs, send):
    mesh = plsc.VectorSubcoreMesh(core_axis_name="c", subcore_axis_name="s")

    @functools.partial(
        pl.kernel,
        out_type=jax.ShapeDtypeStruct((ET, DH, 128), jnp.float32),
        mesh=mesh,
        scratch_types=[pltpu.VMEM((CPT * ECB,), jnp.int32),
                       pltpu.VMEM((ECB, DH), jnp.float32),
                       pltpu.VMEM((CET, DH, 128), jnp.float32),
                       pltpu.SemaphoreType.DMA,
                       pltpu.SemaphoreType.DMA],
        compiler_params=pltpu.CompilerParams(use_tc_tiling_on_sc=False,
                                             needs_layout_passes=False),
    )
    def k(xs_hbm, send_hbm, out_hbm, sidx_v, xg_v, xgt_v, isem, gsem):
        wid = lax.axis_index("s") * NC + lax.axis_index("c")

        for j in range(CPT):
            c = wid + NW * j
            off = jnp.where(c < TOTCH, c * ECB, 0)
            pltpu.async_copy(send_hbm.at[pl.ds(off, ECB)],
                             sidx_v.at[pl.ds(j * ECB, ECB)], isem)
        pltpu.make_async_copy(send_hbm.at[pl.ds(0, CPT * ECB)],
                              sidx_v, isem).wait()

        iota = lax.iota(jnp.int32, 16)

        def do_chunk(j, carry):
            c = wid + NW * j

            @pl.when(c < TOTCH)
            def _():
                pltpu.async_copy(
                    xs_hbm.at[sidx_v.at[pl.ds(j * ECB, ECB)]], xg_v,
                    gsem).wait()

                def group(t, carry2):
                    for gg in range(2):
                        g = 2 * t + gg
                        eidx = g * 16 + iota
                        ktile = g // 8
                        coff = (g % 8) * 16
                        for f in range(DH):
                            v = plsc.load_gather(
                                xg_v, [eidx, jnp.full((16,), f, jnp.int32)])
                            xgt_v[ktile, f, pl.ds(coff, 16)] = v
                    return carry2

                lax.fori_loop(0, ECB // 32, group, 0)
                pltpu.sync_copy(xgt_v, out_hbm.at[pl.ds(CET * c, CET)])

            return carry

        lax.fori_loop(0, CPT, do_chunk, 0)

    return k(xs, send)


def _scatter_sc(m3t, rec):
    mesh = plsc.VectorSubcoreMesh(core_axis_name="c", subcore_axis_name="s")

    @functools.partial(
        pl.kernel,
        out_type=jax.ShapeDtypeStruct((NC * N, DH), jnp.float32),
        mesh=mesh,
        scratch_types=[pltpu.VMEM_SHARED((N, DH), jnp.float32),
                       pltpu.VMEM((RPT, DH), jnp.float32),
                       pltpu.VMEM((CPT, ECB), jnp.int32),
                       pltpu.VMEM((CET, DH, 128), jnp.float32),
                       pltpu.VMEM((ECB, DH), jnp.float32),
                       pltpu.SemaphoreType.DMA,
                       pltpu.SemaphoreType.DMA],
        compiler_params=pltpu.CompilerParams(use_tc_tiling_on_sc=False,
                                             needs_layout_passes=False),
    )
    def k(m3_hbm, rec_hbm, out_hbm, agg_sh, zrows_v, recb_v, m3t_v, m3_v,
          rsem, lsem):
        cid = lax.axis_index("c")
        sid = lax.axis_index("s")
        wid = sid * NC + cid

        for j in range(CPT):
            c = wid + NW * j
            off = jnp.where(c < TOTCH, c * ECB, 0)
            pltpu.async_copy(rec_hbm.at[pl.ds(off, ECB)], recb_v.at[j], rsem)
        for j in range(CPT):
            pltpu.make_async_copy(rec_hbm.at[pl.ds(0, ECB)],
                                  recb_v.at[j], rsem).wait()

        def zero_body(r, carry):
            zrows_v[r, :] = jnp.zeros((DH,), jnp.float32)
            return carry

        lax.fori_loop(0, RPT, zero_body, 0)
        pltpu.sync_copy(zrows_v, agg_sh.at[pl.ds(sid * RPT, RPT)])
        plsc.subcore_barrier()

        iota = lax.iota(jnp.int32, 16)

        def do_chunk(j, carry):
            c = wid + NW * j

            @pl.when(c < TOTCH)
            def _():
                pltpu.async_copy(m3_hbm.at[pl.ds(CET * c, CET)], m3t_v,
                                 lsem).wait()

                def group(t, carry2):
                    for gg in range(2):
                        g = 2 * t + gg
                        eidx = g * 16 + iota
                        ktile = g // 8
                        coff = (g % 8) * 16
                        for f in range(DH):
                            v = m3t_v[ktile, f, pl.ds(coff, 16)]
                            plsc.store_scatter(
                                m3_v, [eidx, jnp.full((16,), f, jnp.int32)], v)
                    return carry2

                lax.fori_loop(0, ECB // 32, group, 0)
                pltpu.sync_copy(m3_v, agg_sh.at[recb_v.at[j]], add=True)

            return carry

        lax.fori_loop(0, CPT, do_chunk, 0)
        plsc.subcore_barrier()
        pltpu.sync_copy(agg_sh.at[pl.ds(sid * RPT, RPT)],
                        out_hbm.at[pl.ds(cid * N + sid * RPT, RPT)])

    return k(m3t, rec)




def kernel(x, edge_index, edge_attr, u, batch, mw1, mb1, mw2, mb2, mw3, mb3,
           nw1, nb1, nw2, nb2, nw3, nb3):
    send = edge_index[0]
    rec = edge_index[1]
    mw1a = mw1[:, :DF]
    mw1b = mw1[:, DF:]
    nw1a = nw1[:, :DF]
    nw1b = nw1[:, DF:]

    eye20 = jnp.eye(CET, dtype=jnp.float32)
    w2k = jnp.kron(eye20, mw2)
    w3k = jnp.kron(eye20, mw3)
    b2k = jnp.tile(mb2, CET).reshape(KB, 1)
    b3k = jnp.tile(mb3, CET).reshape(KB, 1)

    xs = _node_pre(x, mw1a)
    eat = _eat_tc(edge_attr.T, mw1b, mb1.reshape(DH, 1))
    xgt = _gather_sc(xs, send)
    m3t = _edge_tc(eat, xgt, w2k, b2k, w3k, b3k)
    parts = _scatter_sc(m3t, rec)
    h = _node_mlp(x, parts, nw1a, nw1b, nb1.reshape(1, DH),
                  nw2, nb2.reshape(1, DH), nw3, nb3.reshape(1, DH))
    return h

# --- scband reference (transcript-rebuilt; emitter-appended) ---
"""Pipeline reference for scband-node-model-73650099192116 (READ-ONLY COPY).

The authoritative reference and input builder live on the scoring server;
editing this copy changes nothing except your own understanding.
"""

import jax, jax.numpy as jnp
import numpy as np

N = 10000
E = 320000
DF = 128
DH = 16

def _lin(x, w, b):
    return x @ w.T + b

def setup_inputs(seed: int = 0):
    key = jax.random.key(seed)
    ks = jax.random.split(key, 16)
    x = jax.random.normal(ks[0], (N, DF), dtype=jnp.float32)
    edge_index = jax.random.randint(ks[1], (2, E), 0, N, dtype=jnp.int32)
    edge_attr = jax.random.normal(ks[2], (E, DH), dtype=jnp.float32)
    u = jnp.zeros((1, DH), dtype=jnp.float32)
    batch = jnp.zeros((E,), dtype=jnp.int32)
    def init_lin(k, fan_in, fan_out):
        k1, k2 = jax.random.split(k)
        bound = 1.0 / np.sqrt(fan_in)
        w = jax.random.uniform(k1, (fan_out, fan_in), minval=-bound, maxval=bound, dtype=jnp.float32)
        b = jax.random.uniform(k2, (fan_out,), minval=-bound, maxval=bound, dtype=jnp.float32)
        return w, b
    mw1, mb1 = init_lin(ks[3], DF + DH, DH)
    mw2, mb2 = init_lin(ks[4], DH, DH)
    mw3, mb3 = init_lin(ks[5], DH, DH)
    nw1, nb1 = init_lin(ks[6], DF + DH, DH)
    nw2, nb2 = init_lin(ks[7], DH, DH)
    nw3, nb3 = init_lin(ks[8], DH, DH)
    return {"x": x, "edge_index": edge_index, "edge_attr": edge_attr, "u": u, "batch": batch,
            "mw1": mw1, "mb1": mb1, "mw2": mw2, "mb2": mb2, "mw3": mw3, "mb3": mb3,
            "nw1": nw1, "nb1": nb1, "nw2": nw2, "nb2": nb2, "nw3": nw3, "nb3": nb3}

def reference(x, edge_index, edge_attr, u, batch, mw1, mb1, mw2, mb2, mw3, mb3, nw1, nb1, nw2, nb2, nw3, nb3):
    send_idx = edge_index[0]
    rec_idx = edge_index[1]
    out = jnp.concatenate([x[send_idx], edge_attr], axis=1)
    out = _lin(out, mw1, mb1)
    out = jax.nn.relu(out)
    out = _lin(out, mw2, mb2)
    out = jax.nn.relu(out)
    out = _lin(out, mw3, mb3)
    agg = jnp.zeros((x.shape[0], out.shape[1]), dtype=out.dtype).at[rec_idx].add(out)
    h = jnp.concatenate([x, agg], axis=1)
    h = _lin(h, nw1, nb1)
    h = jax.nn.relu(h)
    h = _lin(h, nw2, nb2)
    h = jax.nn.relu(h)
    h = _lin(h, nw3, nb3)
    return h

if __name__ == "__main__":
    import jax
    _d = setup_inputs()
    print(jax.jit(kernel)(*tuple(_d.values())))

</pallas_src>

<mosaic_0001>
#map = affine_map<(d0, d1) -> (0, 0, 0)>
#map1 = affine_map<(d0, d1) -> (0)>
#map2 = affine_map<(d0, d1) -> (0, 0)>
module attributes {stable_mosaic.version = 14 : i64} {
  func.func @k(%arg0: i32, %arg1: i32, %arg2: memref<2500x16x128xf32, #tpu.memory_space<hbm>>, %arg3: memref<320000xi32, #tpu.memory_space<hbm>>, %arg4: memref<20000x16xf32, #tpu.memory_space<hbm>>, %arg5: memref<10000x16xf32, #tpu.memory_space<vmem_shared>>, %arg6: memref<625x16xf32, #tpu.memory_space<vmem>>, %arg7: memref<4x2560xi32, #tpu.memory_space<vmem>>, %arg8: memref<20x16x128xf32, #tpu.memory_space<vmem>>, %arg9: memref<2560x16xf32, #tpu.memory_space<vmem>>, %arg10: memref<!tpu.dma_semaphore, #tpu.memory_space<semaphore_mem>>, %arg11: memref<!tpu.dma_semaphore, #tpu.memory_space<semaphore_mem>>) attributes {dimension_semantics = [#tpu.dimension_semantics<core_parallel>, #tpu.dimension_semantics<subcore_parallel>], iteration_bounds = array<i64: 2, 16>, scalar_prefetch = 0 : i64, scratch_operands = 7 : i64, tpu.core_type = #tpu.core_type<sc_vector_subcore>, window_params = [{transform_indices = #map}, {transform_indices = #map1}, {transform_indices = #map2}]} {
    %mul3A = arith.constant 2 : i32
    %mul3A_0 = arith.muli %arg1, %mul3A : i32
    %add3A = arith.addi %mul3A_0, %arg0 : i32
    %add3A_1 = arith.constant 0 : i32
    %add3A_2 = arith.addi %add3A, %add3A_1 : i32
    %lt3A = arith.constant 125 : i32
    %lt3A_3 = arith.cmpi slt, %add3A_2, %lt3A : i32
    %mul3A_4 = arith.constant 2560 : i32
    %mul3A_5 = arith.muli %add3A_2, %mul3A_4 : i32
    %jit3A = arith.constant 0 : i32
    %select_n3A = arith.select %lt3A_3, %mul3A_5, %jit3A : i32
    %dma_start3A = arith.constant 0 : i32
    %dma_start3A_6 = arith.constant 0 : i32
    %dma_start3A_7 = tpu.memref_slice %arg7[%dma_start3A, %dma_start3A_6] : memref<4x2560xi32, #tpu.memory_space<vmem>> -> memref<1x2560xi32, #tpu.memory_space<vmem>>
    %dma_start3A_8 = tpu.memref_squeeze %dma_start3A_7 : memref<1x2560xi32, #tpu.memory_space<vmem>> -> memref<2560xi32, #tpu.memory_space<vmem>>
    %dma_start3A_9 = tpu.memref_slice %arg3[%select_n3A] : memref<320000xi32, #tpu.memory_space<hbm>> -> memref<2560xi32, #tpu.memory_space<hbm>>
    %dma_start3A_10 = arith.constant 0 : i32
    %dma_start3A_11 = tpu.memref_slice %arg7[%dma_start3A, %dma_start3A_10] : memref<4x2560xi32, #tpu.memory_space<vmem>> -> memref<1x2560xi32, #tpu.memory_space<vmem>>
    %dma_start3A_12 = tpu.memref_squeeze %dma_start3A_11 : memref<1x2560xi32, #tpu.memory_space<vmem>> -> memref<2560xi32, #tpu.memory_space<vmem>>
    %dma_start3A_13 = tpu.memref_slice %arg3[%select_n3A] : memref<320000xi32, #tpu.memory_space<hbm>> -> memref<2560xi32, #tpu.memory_space<hbm>>
    tpu.enqueue_dma source(%dma_start3A_13 : memref<2560xi32, #tpu.memory_space<hbm>>) target(%dma_start3A_12 : memref<2560xi32, #tpu.memory_space<vmem>>) target_semaphore(%arg10 : memref<!tpu.dma_semaphore, #tpu.memory_space<semaphore_mem>>)
    %add3A_14 = arith.constant 32 : i32
    %add3A_15 = arith.addi %add3A, %add3A_14 : i32
    %lt3A_16 = arith.constant 125 : i32
    %lt3A_17 = arith.cmpi slt, %add3A_15, %lt3A_16 : i32
    %mul3A_18 = arith.constant 2560 : i32
    %mul3A_19 = arith.muli %add3A_15, %mul3A_18 : i32
    %jit3A_20 = arith.constant 0 : i32
    %select_n3A_21 = arith.select %lt3A_17, %mul3A_19, %jit3A_20 : i32
    %dma_start3A_22 = arith.constant 1 : i32
    %dma_start3A_23 = arith.constant 0 : i32
    %dma_start3A_24 = tpu.memref_slice %arg7[%dma_start3A_22, %dma_start3A_23] : memref<4x2560xi32, #tpu.memory_space<vmem>> -> memref<1x2560xi32, #tpu.memory_space<vmem>>
    %dma_start3A_25 = tpu.memref_squeeze %dma_start3A_24 : memref<1x2560xi32, #tpu.memory_space<vmem>> -> memref<2560xi32, #tpu.memory_space<vmem>>
    %dma_start3A_26 = tpu.memref_slice %arg3[%select_n3A_21] : memref<320000xi32, #tpu.memory_space<hbm>> -> memref<2560xi32, #tpu.memory_space<hbm>>
    %dma_start3A_27 = arith.constant 0 : i32
    %dma_start3A_28 = tpu.memref_slice %arg7[%dma_start3A_22, %dma_start3A_27] : memref<4x2560xi32, #tpu.memory_space<vmem>> -> memref<1x2560xi32, #tpu.memory_space<vmem>>
    %dma_start3A_29 = tpu.memref_squeeze %dma_start3A_28 : memref<1x2560xi32, #tpu.memory_space<vmem>> -> memref<2560xi32, #tpu.memory_space<vmem>>
    %dma_start3A_30 = tpu.memref_slice %arg3[%select_n3A_21] : memref<320000xi32, #tpu.memory_space<hbm>> -> memref<2560xi32, #tpu.memory_space<hbm>>
    tpu.enqueue_dma source(%dma_start3A_30 : memref<2560xi32, #tpu.memory_space<hbm>>) target(%dma_start3A_29 : memref<2560xi32, #tpu.memory_space<vmem>>) target_semaphore(%arg10 : memref<!tpu.dma_semaphore, #tpu.memory_space<semaphore_mem>>)
    %add3A_31 = arith.constant 64 : i32
    %add3A_32 = arith.addi %add3A, %add3A_31 : i32
    %lt3A_33 = arith.constant 125 : i32
    %lt3A_34 = arith.cmpi slt, %add3A_32, %lt3A_33 : i32
    %mul3A_35 = arith.constant 2560 : i32
    %mul3A_36 = arith.muli %add3A_32, %mul3A_35 : i32
    %jit3A_37 = arith.constant 0 : i32
    %select_n3A_38 = arith.select %lt3A_34, %mul3A_36, %jit3A_37 : i32
    %dma_start3A_39 = arith.constant 2 : i32
    %dma_start3A_40 = arith.constant 0 : i32
    %dma_start3A_41 = tpu.memref_slice %arg7[%dma_start3A_39, %dma_start3A_40] : memref<4x2560xi32, #tpu.memory_space<vmem>> -> memref<1x2560xi32, #tpu.memory_space<vmem>>
    %dma_start3A_42 = tpu.memref_squeeze %dma_start3A_41 : memref<1x2560xi32, #tpu.memory_space<vmem>> -> memref<2560xi32, #tpu.memory_space<vmem>>
    %dma_start3A_43 = tpu.memref_slice %arg3[%select_n3A_38] : memref<320000xi32, #tpu.memory_space<hbm>> -> memref<2560xi32, #tpu.memory_space<hbm>>
    %dma_start3A_44 = arith.constant 0 : i32
    %dma_start3A_45 = tpu.memref_slice %arg7[%dma_start3A_39, %dma_start3A_44] : memref<4x2560xi32, #tpu.memory_space<vmem>> -> memref<1x2560xi32, #tpu.memory_space<vmem>>
    %dma_start3A_46 = tpu.memref_squeeze %dma_start3A_45 : memref<1x2560xi32, #tpu.memory_space<vmem>> -> memref<2560xi32, #tpu.memory_space<vmem>>
    %dma_start3A_47 = tpu.memref_slice %arg3[%select_n3A_38] : memref<320000xi32, #tpu.memory_space<hbm>> -> memref<2560xi32, #tpu.memory_space<hbm>>
    tpu.enqueue_dma source(%dma_start3A_47 : memref<2560xi32, #tpu.memory_space<hbm>>) target(%dma_start3A_46 : memref<2560xi32, #tpu.memory_space<vmem>>) target_semaphore(%arg10 : memref<!tpu.dma_semaphore, #tpu.memory_space<semaphore_mem>>)
    %add3A_48 = arith.constant 96 : i32
    %add3A_49 = arith.addi %add3A, %add3A_48 : i32
    %lt3A_50 = arith.constant 125 : i32
    %lt3A_51 = arith.cmpi slt, %add3A_49, %lt3A_50 : i32
    %mul3A_52 = arith.constant 2560 : i32
    %mul3A_53 = arith.muli %add3A_49, %mul3A_52 : i32
    %jit3A_54 = arith.constant 0 : i32
    %select_n3A_55 = arith.select %lt3A_51, %mul3A_53, %jit3A_54 : i32
    %dma_start3A_56 = arith.constant 3 : i32
    %dma_start3A_57 = arith.constant 0 : i32
    %dma_start3A_58 = tpu.memref_slice %arg7[%dma_start3A_56, %dma_start3A_57] : memref<4x2560xi32, #tpu.memory_space<vmem>> -> memref<1x2560xi32, #tpu.memory_space<vmem>>
    %dma_start3A_59 = tpu.memref_squeeze %dma_start3A_58 : memref<1x2560xi32, #tpu.memory_space<vmem>> -> memref<2560xi32, #tpu.memory_space<vmem>>
    %dma_start3A_60 = tpu.memref_slice %arg3[%select_n3A_55] : memref<320000xi32, #tpu.memory_space<hbm>> -> memref<2560xi32, #tpu.memory_space<hbm>>
    %dma_start3A_61 = arith.constant 0 : i32
    %dma_start3A_62 = tpu.memref_slice %arg7[%dma_start3A_56, %dma_start3A_61] : memref<4x2560xi32, #tpu.memory_space<vmem>> -> memref<1x2560xi32, #tpu.memory_space<vmem>>
    %dma_start3A_63 = tpu.memref_squeeze %dma_start3A_62 : memref<1x2560xi32, #tpu.memory_space<vmem>> -> memref<2560xi32, #tpu.memory_space<vmem>>
    %dma_start3A_64 = tpu.memref_slice %arg3[%select_n3A_55] : memref<320000xi32, #tpu.memory_space<hbm>> -> memref<2560xi32, #tpu.memory_space<hbm>>
    tpu.enqueue_dma source(%dma_start3A_64 : memref<2560xi32, #tpu.memory_space<hbm>>) target(%dma_start3A_63 : memref<2560xi32, #tpu.memory_space<vmem>>) target_semaphore(%arg10 : memref<!tpu.dma_semaphore, #tpu.memory_space<semaphore_mem>>)
    %dma_wait3A = arith.constant 0 : i32
    %dma_wait3A_65 = arith.constant 0 : i32
    %dma_wait3A_66 = tpu.memref_slice %arg7[%dma_wait3A, %dma_wait3A_65] : memref<4x2560xi32, #tpu.memory_space<vmem>> -> memref<1x2560xi32, #tpu.memory_space<vmem>>
    %dma_wait3A_67 = tpu.memref_squeeze %dma_wait3A_66 : memref<1x2560xi32, #tpu.memory_space<vmem>> -> memref<2560xi32, #tpu.memory_space<vmem>>
    %dma_wait3A_68 = arith.constant 0 : i32
    %dma_wait3A_69 = tpu.memref_slice %arg3[%dma_wait3A_68] : memref<320000xi32, #tpu.memory_space<hbm>> -> memref<2560xi32, #tpu.memory_space<hbm>>
    %dma_wait3A_70 = arith.constant 0 : i32
    %dma_wait3A_71 = tpu.memref_slice %arg7[%dma_wait3A, %dma_wait3A_70] : memref<4x2560xi32, #tpu.memory_space<vmem>> -> memref<1x2560xi32, #tpu.memory_space<vmem>>
    %dma_wait3A_72 = tpu.memref_squeeze %dma_wait3A_71 : memref<1x2560xi32, #tpu.memory_space<vmem>> -> memref<2560xi32, #tpu.memory_space<vmem>>
    %dma_wait3A_73 = arith.constant 0 : i32
    %dma_wait3A_74 = tpu.memref_slice %arg3[%dma_wait3A_73] : memref<320000xi32, #tpu.memory_space<hbm>> -> memref<2560xi32, #tpu.memory_space<hbm>>
    tpu.wait_dma2 semaphore(%arg10 : memref<!tpu.dma_semaphore, #tpu.memory_space<semaphore_mem>>) src(%dma_wait3A_74 : memref<2560xi32, #tpu.memory_space<hbm>>) dst(%dma_wait3A_72 : memref<2560xi32, #tpu.memory_space<vmem>>)
    %dma_wait3A_75 = arith.constant 1 : i32
    %dma_wait3A_76 = arith.constant 0 : i32
    %dma_wait3A_77 = tpu.memref_slice %arg7[%dma_wait3A_75, %dma_wait3A_76] : memref<4x2560xi32, #tpu.memory_space<vmem>> -> memref<1x2560xi32, #tpu.memory_space<vmem>>
    %dma_wait3A_78 = tpu.memref_squeeze %dma_wait3A_77 : memref<1x2560xi32, #tpu.memory_space<vmem>> -> memref<2560xi32, #tpu.memory_space<vmem>>
    %dma_wait3A_79 = arith.constant 0 : i32
    %dma_wait3A_80 = tpu.memref_slice %arg3[%dma_wait3A_79] : memref<320000xi32, #tpu.memory_space<hbm>> -> memref<2560xi32, #tpu.memory_space<hbm>>
    %dma_wait3A_81 = arith.constant 0 : i32
    %dma_wait3A_82 = tpu.memref_slice %arg7[%dma_wait3A_75, %dma_wait3A_81] : memref<4x2560xi32, #tpu.memory_space<vmem>> -> memref<1x2560xi32, #tpu.memory_space<vmem>>
    %dma_wait3A_83 = tpu.memref_squeeze %dma_wait3A_82 : memref<1x2560xi32, #tpu.memory_space<vmem>> -> memref<2560xi32, #tpu.memory_space<vmem>>
    %dma_wait3A_84 = arith.constant 0 : i32
    %dma_wait3A_85 = tpu.memref_slice %arg3[%dma_wait3A_84] : memref<320000xi32, #tpu.memory_space<hbm>> -> memref<2560xi32, #tpu.memory_space<hbm>>
    tpu.wait_dma2 semaphore(%arg10 : memref<!tpu.dma_semaphore, #tpu.memory_space<semaphore_mem>>) src(%dma_wait3A_85 : memref<2560xi32, #tpu.memory_space<hbm>>) dst(%dma_wait3A_83 : memref<2560xi32, #tpu.memory_space<vmem>>)
    %dma_wait3A_86 = arith.constant 2 : i32
    %dma_wait3A_87 = arith.constant 0 : i32
    %dma_wait3A_88 = tpu.memref_slice %arg7[%dma_wait3A_86, %dma_wait3A_87] : memref<4x2560xi32, #tpu.memory_space<vmem>> -> memref<1x2560xi32, #tpu.memory_space<vmem>>
    %dma_wait3A_89 = tpu.memref_squeeze %dma_wait3A_88 : memref<1x2560xi32, #tpu.memory_space<vmem>> -> memref<2560xi32, #tpu.memory_space<vmem>>
    %dma_wait3A_90 = arith.constant 0 : i32
    %dma_wait3A_91 = tpu.memref_slice %arg3[%dma_wait3A_90] : memref<320000xi32, #tpu.memory_space<hbm>> -> memref<2560xi32, #tpu.memory_space<hbm>>
    %dma_wait3A_92 = arith.constant 0 : i32
    %dma_wait3A_93 = tpu.memref_slice %arg7[%dma_wait3A_86, %dma_wait3A_92] : memref<4x2560xi32, #tpu.memory_space<vmem>> -> memref<1x2560xi32, #tpu.memory_space<vmem>>
    %dma_wait3A_94 = tpu.memref_squeeze %dma_wait3A_93 : memref<1x2560xi32, #tpu.memory_space<vmem>> -> memref<2560xi32, #tpu.memory_space<vmem>>
    %dma_wait3A_95 = arith.constant 0 : i32
    %dma_wait3A_96 = tpu.memref_slice %arg3[%dma_wait3A_95] : memref<320000xi32, #tpu.memory_space<hbm>> -> memref<2560xi32, #tpu.memory_space<hbm>>
    tpu.wait_dma2 semaphore(%arg10 : memref<!tpu.dma_semaphore, #tpu.memory_space<semaphore_mem>>) src(%dma_wait3A_96 : memref<2560xi32, #tpu.memory_space<hbm>>) dst(%dma_wait3A_94 : memref<2560xi32, #tpu.memory_space<vmem>>)
    %dma_wait3A_97 = arith.constant 3 : i32
    %dma_wait3A_98 = arith.constant 0 : i32
    %dma_wait3A_99 = tpu.memref_slice %arg7[%dma_wait3A_97, %dma_wait3A_98] : memref<4x2560xi32, #tpu.memory_space<vmem>> -> memref<1x2560xi32, #tpu.memory_space<vmem>>
    %dma_wait3A_100 = tpu.memref_squeeze %dma_wait3A_99 : memref<1x2560xi32, #tpu.memory_space<vmem>> -> memref<2560xi32, #tpu.memory_space<vmem>>
    %dma_wait3A_101 = arith.constant 0 : i32
    %dma_wait3A_102 = tpu.memref_slice %arg3[%dma_wait3A_101] : memref<320000xi32, #tpu.memory_space<hbm>> -> memref<2560xi32, #tpu.memory_space<hbm>>
    %dma_wait3A_103 = arith.constant 0 : i32
    %dma_wait3A_104 = tpu.memref_slice %arg7[%dma_wait3A_97, %dma_wait3A_103] : memref<4x2560xi32, #tpu.memory_space<vmem>> -> memref<1x2560xi32, #tpu.memory_space<vmem>>
    %dma_wait3A_105 = tpu.memref_squeeze %dma_wait3A_104 : memref<1x2560xi32, #tpu.memory_space<vmem>> -> memref<2560xi32, #tpu.memory_space<vmem>>
    %dma_wait3A_106 = arith.constant 0 : i32
    %dma_wait3A_107 = tpu.memref_slice %arg3[%dma_wait3A_106] : memref<320000xi32, #tpu.memory_space<hbm>> -> memref<2560xi32, #tpu.memory_space<hbm>>
    tpu.wait_dma2 semaphore(%arg10 : memref<!tpu.dma_semaphore, #tpu.memory_space<semaphore_mem>>) src(%dma_wait3A_107 : memref<2560xi32, #tpu.memory_space<hbm>>) dst(%dma_wait3A_105 : memref<2560xi32, #tpu.memory_space<vmem>>)
    %scan3A = arith.constant 0 : i32
    %scan3A_108 = arith.constant 0 : i32
    %scan3A_109 = arith.constant 625 : i32
    %scan3A_110 = arith.addi %scan3A_108, %scan3A_109 : i32
    %scan3A_111 = arith.constant 1 : i32
    scf.for %scan3A_129 = %scan3A_108 to %scan3A_110 step %scan3A_111  : i32 {
      %broadcast_in_dim3A = arith.constant 0.000000e+00 : f32
      %broadcast_in_dim3A_130 = vector.broadcast %broadcast_in_dim3A : f32 to vector<16xf32>
      %swap3A = arith.index_cast %scan3A_129 : i32 to index
      %swap3A_131 = arith.constant 0 : index
      %swap3A_132 = tpu.vector_load %arg6[%swap3A, %swap3A_131] {strides = array<i32>} : memref<625x16xf32, #tpu.memory_space<vmem>>, vector<16xf32>,
      tpu.vector_store %arg6[%swap3A, %swap3A_131], %broadcast_in_dim3A_130 {strides = array<i32>} : memref<625x16xf32, #tpu.memory_space<vmem>>, vector<16xf32>,
    }
    %scan3A_112 = arith.constant 625 : i32
    %mul3A_113 = arith.constant 625 : i32
    %mul3A_114 = arith.muli %arg1, %mul3A_113 : i32
    "tpu.region"() ({
      %run_scoped3A = tpu.sem_alloc : memref<!tpu.dma_semaphore, #tpu.memory_space<semaphore_mem>>
      %dma_start3A_129 = arith.constant 0 : i32
      %dma_start3A_130 = tpu.memref_slice %arg5[%mul3A_114, %dma_start3A_129] : memref<10000x16xf32, #tpu.memory_space<vmem_shared>> -> memref<625x16xf32, #tpu.memory_space<vmem_shared>>
      %dma_start3A_131 = arith.constant 0 : i32
      %dma_start3A_132 = tpu.memref_slice %arg5[%mul3A_114, %dma_start3A_131] : memref<10000x16xf32, #tpu.memory_space<vmem_shared>> -> memref<625x16xf32, #tpu.memory_space<vmem_shared>>
      tpu.enqueue_dma source(%arg6 : memref<625x16xf32, #tpu.memory_space<vmem>>) target(%dma_start3A_132 : memref<625x16xf32, #tpu.memory_space<vmem_shared>>) target_semaphore(%run_scoped3A : memref<!tpu.dma_semaphore, #tpu.memory_space<semaphore_mem>>)
      %dma_wait3A_133 = arith.constant 0 : i32
      %dma_wait3A_134 = tpu.memref_slice %arg5[%mul3A_114, %dma_wait3A_133] : memref<10000x16xf32, #tpu.memory_space<vmem_shared>> -> memref<625x16xf32, #tpu.memory_space<vmem_shared>>
      %dma_wait3A_135 = arith.constant 0 : i32
      %dma_wait3A_136 = tpu.memref_slice %arg5[%mul3A_114, %dma_wait3A_135] : memref<10000x16xf32, #tpu.memory_space<vmem_shared>> -> memref<625x16xf32, #tpu.memory_space<vmem_shared>>
      tpu.wait_dma2 semaphore(%run_scoped3A : memref<!tpu.dma_semaphore, #tpu.memory_space<semaphore_mem>>) src(%arg6 : memref<625x16xf32, #tpu.memory_space<vmem>>) dst(%dma_wait3A_136 : memref<625x16xf32, #tpu.memory_space<vmem_shared>>)
      tpu.yield
    }) : () -> ()
    %barrier3A = arith.constant 0 : index
    tpu.barrier barrier_id(%barrier3A)
    %iota3A = tpu.iota {dimensions = array<i32: 0>} : vector<16xi32>
    %scan3A_115 = arith.constant 0 : i32
    %scan3A_116 = arith.constant 0 : i32
    %scan3A_117 = arith.constant 4 : i32
    %scan3A_118 = arith.addi %scan3A_116, %scan3A_117 : i32
    %scan3A_119 = arith.constant 1 : i32
    scf.for %scan3A_129 = %scan3A_116 to %scan3A_118 step %scan3A_119  : i32 {
      %mul3A_130 = arith.constant 32 : i32
      %mul3A_131 = arith.muli %mul3A_130, %scan3A_129 : i32
      %add3A_132 = arith.addi %add3A, %mul3A_131 : i32
      %lt3A_133 = arith.constant 125 : i32
      %lt3A_134 = arith.cmpi slt, %add3A_132, %lt3A_133 : i32
      %convert_element_type3A = arith.extui %lt3A_134 : i1 to i32
      %cond3A = arith.constant 0 : i32
      %cond3A_135 = arith.cmpi ne, %convert_element_type3A, %cond3A : i32
      scf.if %cond3A_135 {
        %mul3A_136 = arith.constant 20 : i32
        %mul3A_137 = arith.muli %mul3A_136, %add3A_132 : i32
        %dma_start3A_138 = arith.constant 0 : i32
        %dma_start3A_139 = arith.constant 0 : i32
        %dma_start3A_140 = tpu.memref_slice %arg2[%mul3A_137, %dma_start3A_138, %dma_start3A_139] : memref<2500x16x128xf32, #tpu.memory_space<hbm>> -> memref<20x16x128xf32, #tpu.memory_space<hbm>>
        %dma_start3A_141 = arith.constant 0 : i32
        %dma_start3A_142 = arith.constant 0 : i32
        %dma_start3A_143 = tpu.memref_slice %arg2[%mul3A_137, %dma_start3A_141, %dma_start3A_142] : memref<2500x16x128xf32, #tpu.memory_space<hbm>> -> memref<20x16x128xf32, #tpu.memory_space<hbm>>
        tpu.enqueue_dma source(%dma_start3A_143 : memref<20x16x128xf32, #tpu.memory_space<hbm>>) target(%arg8 : memref<20x16x128xf32, #tpu.memory_space<vmem>>) target_semaphore(%arg11 : memref<!tpu.dma_semaphore, #tpu.memory_space<semaphore_mem>>)
        %dma_wait3A_144 = arith.constant 0 : i32
        %dma_wait3A_145 = arith.constant 0 : i32
        %dma_wait3A_146 = tpu.memref_slice %arg2[%mul3A_137, %dma_wait3A_144, %dma_wait3A_145] : memref<2500x16x128xf32, #tpu.memory_space<hbm>> -> memref<20x16x128xf32, #tpu.memory_space<hbm>>
        %dma_wait3A_147 = arith.constant 0 : i32
        %dma_wait3A_148 = arith.constant 0 : i32
        %dma_wait3A_149 = tpu.memref_slice %arg2[%mul3A_137, %dma_wait3A_147, %dma_wait3A_148] : memref<2500x16x128xf32, #tpu.memory_space<hbm>> -> memref<20x16x128xf32, #tpu.memory_space<hbm>>
        tpu.wait_dma2 semaphore(%arg11 : memref<!tpu.dma_semaphore, #tpu.memory_space<semaphore_mem>>) src(%dma_wait3A_149 : memref<20x16x128xf32, #tpu.memory_space<hbm>>) dst(%arg8 : memref<20x16x128xf32, #tpu.memory_space<vmem>>)
        %scan3A_150 = arith.constant 0 : i32
        %scan3A_151 = arith.constant 0 : i32
        %scan3A_152 = arith.constant 80 : i32
        %scan3A_153 = arith.addi %scan3A_151, %scan3A_152 : i32
        %scan3A_154 = arith.constant 1 : i32
        scf.for %scan3A_156 = %scan3A_151 to %scan3A_153 step %scan3A_154  : i32 {
          %mul3A_157 = arith.constant 2 : i32
          %mul3A_158 = arith.muli %mul3A_157, %scan3A_156 : i32
          %add3A_159 = arith.constant 0 : i32
          %add3A_160 = arith.addi %mul3A_158, %add3A_159 : i32
          %mul3A_161 = arith.constant 16 : i32
          %mul3A_162 = arith.muli %add3A_160, %mul3A_161 : i32
          %add3A_163 = vector.broadcast %mul3A_162 : i32 to vector<16xi32>
          %add3A_164 = arith.addi %add3A_163, %iota3A : vector<16xi32>
          %jit3A_165 = arith.constant 8 : i32
          %div3A = arith.divsi %add3A_160, %jit3A_165 : i32
          %sign3A = arith.constant 0 : i32
          %sign3A_166 = arith.cmpi sgt, %add3A_160, %sign3A : i32
          %sign3A_167 = arith.extui %sign3A_166 : i1 to i32
          %sign3A_168 = arith.constant 0 : i32
          %sign3A_169 = arith.cmpi slt, %add3A_160, %sign3A_168 : i32
          %sign3A_170 = arith.extui %sign3A_169 : i1 to i32
          %sign3A_171 = arith.subi %sign3A_167, %sign3A_170 : i32
          %sign3A_172 = arith.constant 0 : i32
          %sign3A_173 = arith.cmpi sgt, %jit3A_165, %sign3A_172 : i32
          %sign3A_174 = arith.extui %sign3A_173 : i1 to i32
          %sign3A_175 = arith.constant 0 : i32
          %sign3A_176 = arith.cmpi slt, %jit3A_165, %sign3A_175 : i32
          %sign3A_177 = arith.extui %sign3A_176 : i1 to i32
          %sign3A_178 = arith.subi %sign3A_174, %sign3A_177 : i32
          %ne3A = arith.cmpi ne, %sign3A_171, %sign3A_178 : i32
          %rem3A = arith.remsi %add3A_160, %jit3A_165 : i32
          %ne3A_179 = arith.constant 0 : i32
          %ne3A_180 = arith.cmpi ne, %rem3A, %ne3A_179 : i32
          %and3A = arith.andi %ne3A, %ne3A_180 : i1
          %sub3A = arith.constant 1 : i32
          %sub3A_181 = arith.subi %div3A, %sub3A : i32
          %select_n3A_182 = arith.select %and3A, %sub3A_181, %div3A : i32
          %jit3A_183 = arith.constant 8 : i32
          %eq3A = arith.constant 0 : i32
          %eq3A_184 = arith.cmpi eq, %jit3A_183, %eq3A : i32
          %jit3A_185 = arith.constant 1 : i32
          %select_n3A_186 = arith.select %eq3A_184, %jit3A_185, %jit3A_183 : i32
          %rem3A_187 = arith.remsi %add3A_160, %select_n3A_186 : i32
          %ne3A_188 = arith.constant 0 : i32
          %ne3A_189 = arith.cmpi ne, %rem3A_187, %ne3A_188 : i32
          %lt3A_190 = arith.constant 0 : i32
          %lt3A_191 = arith.cmpi slt, %rem3A_187, %lt3A_190 : i32
          %lt3A_192 = arith.constant 0 : i32
          %lt3A_193 = arith.cmpi slt, %select_n3A_186, %lt3A_192 : i32
          %ne3A_194 = arith.xori %lt3A_191, %lt3A_193 : i1
          %and3A_195 = arith.andi %ne3A_194, %ne3A_189 : i1
          %add3A_196 = arith.addi %rem3A_187, %select_n3A_186 : i32
          %select_n3A_197 = arith.select %and3A_195, %add3A_196, %rem3A_187 : i32
          %mul3A_198 = arith.constant 16 : i32
          %mul3A_199 = arith.muli %select_n3A_197, %mul3A_198 : i32
          %get3A = arith.constant 0 : i32
          %get3A_200 = arith.index_cast %select_n3A_182 : i32 to index
          %get3A_201 = arith.index_cast %get3A : i32 to index
          %get3A_202 = arith.index_cast %mul3A_199 : i32 to index
          %get3A_203 = tpu.vector_load %arg8[%get3A_200, %get3A_201, %get3A_202] {strides = array<i32>} : memref<20x16x128xf32, #tpu.memory_space<vmem>>, vector<16xf32>,
          %broadcast_in_dim3A = arith.constant 0 : i32
          %broadcast_in_dim3A_204 = vector.broadcast %broadcast_in_dim3A : i32 to vector<16xi32>
          tpu.vector_store_idx %arg9[%add3A_164, %broadcast_in_dim3A_204], %get3A_203 : memref<2560x16xf32, #tpu.memory_space<vmem>>[vector<16xi32>, vector<16xi32>], vector<16xf32>,
          %get3A_205 = arith.constant 1 : i32
          %get3A_206 = arith.index_cast %select_n3A_182 : i32 to index
          %get3A_207 = arith.index_cast %get3A_205 : i32 to index
          %get3A_208 = arith.index_cast %mul3A_199 : i32 to index
          %get3A_209 = tpu.vector_load %arg8[%get3A_206, %get3A_207, %get3A_208] {strides = array<i32>} : memref<20x16x128xf32, #tpu.memory_space<vmem>>, vector<16xf32>,
          %broadcast_in_dim3A_210 = arith.constant 1 : i32
          %broadcast_in_dim3A_211 = vector.broadcast %broadcast_in_dim3A_210 : i32 to vector<16xi32>
          tpu.vector_store_idx %arg9[%add3A_164, %broadcast_in_dim3A_211], %get3A_209 : memref<2560x16xf32, #tpu.memory_space<vmem>>[vector<16xi32>, vector<16xi32>], vector<16xf32>,
          %get3A_212 = arith.constant 2 : i32
          %get3A_213 = arith.index_cast %select_n3A_182 : i32 to index
          %get3A_214 = arith.index_cast %get3A_212 : i32 to index
          %get3A_215 = arith.index_cast %mul3A_199 : i32 to index
          %get3A_216 = tpu.vector_load %arg8[%get3A_213, %get3A_214, %get3A_215] {strides = array<i32>} : memref<20x16x128xf32, #tpu.memory_space<vmem>>, vector<16xf32>,
          %broadcast_in_dim3A_217 = arith.constant 2 : i32
          %broadcast_in_dim3A_218 = vector.broadcast %broadcast_in_dim3A_217 : i32 to vector<16xi32>
          tpu.vector_store_idx %arg9[%add3A_164, %broadcast_in_dim3A_218], %get3A_216 : memref<2560x16xf32, #tpu.memory_space<vmem>>[vector<16xi32>, vector<16xi32>], vector<16xf32>,
          %get3A_219 = arith.constant 3 : i32
          %get3A_220 = arith.index_cast %select_n3A_182 : i32 to index
          %get3A_221 = arith.index_cast %get3A_219 : i32 to index
          %get3A_222 = arith.index_cast %mul3A_199 : i32 to index
          %get3A_223 = tpu.vector_load %arg8[%get3A_220, %get3A_221, %get3A_222] {strides = array<i32>} : memref<20x16x128xf32, #tpu.memory_space<vmem>>, vector<16xf32>,
          %broadcast_in_dim3A_224 = arith.constant 3 : i32
          %broadcast_in_dim3A_225 = vector.broadcast %broadcast_in_dim3A_224 : i32 to vector<16xi32>
          tpu.vector_store_idx %arg9[%add3A_164, %broadcast_in_dim3A_225], %get3A_223 : memref<2560x16xf32, #tpu.memory_space<vmem>>[vector<16xi32>, vector<16xi32>], vector<16xf32>,
          %get3A_226 = arith.constant 4 : i32
          %get3A_227 = arith.index_cast %select_n3A_182 : i32 to index
          %get3A_228 = arith.index_cast %get3A_226 : i32 to index
          %get3A_229 = arith.index_cast %mul3A_199 : i32 to index
          %get3A_230 = tpu.vector_load %arg8[%get3A_227, %get3A_228, %get3A_229] {strides = array<i32>} : memref<20x16x128xf32, #tpu.memory_space<vmem>>, vector<16xf32>,
          %broadcast_in_dim3A_231 = arith.constant 4 : i32
          %broadcast_in_dim3A_232 = vector.broadcast %broadcast_in_dim3A_231 : i32 to vector<16xi32>
          tpu.vector_store_idx %arg9[%add3A_164, %broadcast_in_dim3A_232], %get3A_230 : memref<2560x16xf32, #tpu.memory_space<vmem>>[vector<16xi32>, vector<16xi32>], vector<16xf32>,
          %get3A_233 = arith.constant 5 : i32
          %get3A_234 = arith.index_cast %select_n3A_182 : i32 to index
          %get3A_235 = arith.index_cast %get3A_233 : i32 to index
          %get3A_236 = arith.index_cast %mul3A_199 : i32 to index
          %get3A_237 = tpu.vector_load %arg8[%get3A_234, %get3A_235, %get3A_236] {strides = array<i32>} : memref<20x16x128xf32, #tpu.memory_space<vmem>>, vector<16xf32>,
          %broadcast_in_dim3A_238 = arith.constant 5 : i32
          %broadcast_in_dim3A_239 = vector.broadcast %broadcast_in_dim3A_238 : i32 to vector<16xi32>
          tpu.vector_store_idx %arg9[%add3A_164, %broadcast_in_dim3A_239], %get3A_237 : memref<2560x16xf32, #tpu.memory_space<vmem>>[vector<16xi32>, vector<16xi32>], vector<16xf32>,
          %get3A_240 = arith.constant 6 : i32
          %get3A_241 = arith.index_cast %select_n3A_182 : i32 to index
          %get3A_242 = arith.index_cast %get3A_240 : i32 to index
          %get3A_243 = arith.index_cast %mul3A_199 : i32 to index
          %get3A_244 = tpu.vector_load %arg8[%get3A_241, %get3A_242, %get3A_243] {strides = array<i32>} : memref<20x16x128xf32, #tpu.memory_space<vmem>>, vector<16xf32>,
          %broadcast_in_dim3A_245 = arith.constant 6 : i32
          %broadcast_in_dim3A_246 = vector.broadcast %broadcast_in_dim3A_245 : i32 to vector<16xi32>
          tpu.vector_store_idx %arg9[%add3A_164, %broadcast_in_dim3A_246], %get3A_244 : memref<2560x16xf32, #tpu.memory_space<vmem>>[vector<16xi32>, vector<16xi32>], vector<16xf32>,
          %get3A_247 = arith.constant 7 : i32
          %get3A_248 = arith.index_cast %select_n3A_182 : i32 to index
          %get3A_249 = arith.index_cast %get3A_247 : i32 to index
          %get3A_250 = arith.index_cast %mul3A_199 : i32 to index
          %get3A_251 = tpu.vector_load %arg8[%get3A_248, %get3A_249, %get3A_250] {strides = array<i32>} : memref<20x16x128xf32, #tpu.memory_space<vmem>>, vector<16xf32>,
          %broadcast_in_dim3A_252 = arith.constant 7 : i32
          %broadcast_in_dim3A_253 = vector.broadcast %broadcast_in_dim3A_252 : i32 to vector<16xi32>
          tpu.vector_store_idx %arg9[%add3A_164, %broadcast_in_dim3A_253], %get3A_251 : memref<2560x16xf32, #tpu.memory_space<vmem>>[vector<16xi32>, vector<16xi32>], vector<16xf32>,
          %get3A_254 = arith.constant 8 : i32
          %get3A_255 = arith.index_cast %select_n3A_182 : i32 to index
          %get3A_256 = arith.index_cast %get3A_254 : i32 to index
          %get3A_257 = arith.index_cast %mul3A_199 : i32 to index
          %get3A_258 = tpu.vector_load %arg8[%get3A_255, %get3A_256, %get3A_257] {strides = array<i32>} : memref<20x16x128xf32, #tpu.memory_space<vmem>>, vector<16xf32>,
          %broadcast_in_dim3A_259 = arith.constant 8 : i32
          %broadcast_in_dim3A_260 = vector.broadcast %broadcast_in_dim3A_259 : i32 to vector<16xi32>
          tpu.vector_store_idx %arg9[%add3A_164, %broadcast_in_dim3A_260], %get3A_258 : memref<2560x16xf32, #tpu.memory_space<vmem>>[vector<16xi32>, vector<16xi32>], vector<16xf32>,
          %get3A_261 = arith.constant 9 : i32
          %get3A_262 = arith.index_cast %select_n3A_182 : i32 to index
          %get3A_263 = arith.index_cast %get3A_261 : i32 to index
          %get3A_264 = arith.index_cast %mul3A_199 : i32 to index
          %get3A_265 = tpu.vector_load %arg8[%get3A_262, %get3A_263, %get3A_264] {strides = array<i32>} : memref<20x16x128xf32, #tpu.memory_space<vmem>>, vector<16xf32>,
          %broadcast_in_dim3A_266 = arith.constant 9 : i32
          %broadcast_in_dim3A_267 = vector.broadcast %broadcast_in_dim3A_266 : i32 to vector<16xi32>
          tpu.vector_store_idx %arg9[%add3A_164, %broadcast_in_dim3A_267], %get3A_265 : memref<2560x16xf32, #tpu.memory_space<vmem>>[vector<16xi32>, vector<16xi32>], vector<16xf32>,
          %get3A_268 = arith.constant 10 : i32
          %get3A_269 = arith.index_cast %select_n3A_182 : i32 to index
          %get3A_270 = arith.index_cast %get3A_268 : i32 to index
          %get3A_271 = arith.index_cast %mul3A_199 : i32 to index
          %get3A_272 = tpu.vector_load %arg8[%get3A_269, %get3A_270, %get3A_271] {strides = array<i32>} : memref<20x16x128xf32, #tpu.memory_space<vmem>>, vector<16xf32>,
          %broadcast_in_dim3A_273 = arith.constant 10 : i32
          %broadcast_in_dim3A_274 = vector.broadcast %broadcast_in_dim3A_273 : i32 to vector<16xi32>
          tpu.vector_store_idx %arg9[%add3A_164, %broadcast_in_dim3A_274], %get3A_272 : memref<2560x16xf32, #tpu.memory_space<vmem>>[vector<16xi32>, vector<16xi32>], vector<16xf32>,
          %get3A_275 = arith.constant 11 : i32
          %get3A_276 = arith.index_cast %select_n3A_182 : i32 to index
          %get3A_277 = arith.index_cast %get3A_275 : i32 to index
          %get3A_278 = arith.index_cast %mul3A_199 : i32 to index
          %get3A_279 = tpu.vector_load %arg8[%get3A_276, %get3A_277, %get3A_278] {strides = array<i32>} : memref<20x16x128xf32, #tpu.memory_space<vmem>>, vector<16xf32>,
          %broadcast_in_dim3A_280 = arith.constant 11 : i32
          %broadcast_in_dim3A_281 = vector.broadcast %broadcast_in_dim3A_280 : i32 to vector<16xi32>
          tpu.vector_store_idx %arg9[%add3A_164, %broadcast_in_dim3A_281], %get3A_279 : memref<2560x16xf32, #tpu.memory_space<vmem>>[vector<16xi32>, vector<16xi32>], vector<16xf32>,
          %get3A_282 = arith.constant 12 : i32
          %get3A_283 = arith.index_cast %select_n3A_182 : i32 to index
          %get3A_284 = arith.index_cast %get3A_282 : i32 to index
          %get3A_285 = arith.index_cast %mul3A_199 : i32 to index
          %get3A_286 = tpu.vector_load %arg8[%get3A_283, %get3A_284, %get3A_285] {strides = array<i32>} : memref<20x16x128xf32, #tpu.memory_space<vmem>>, vector<16xf32>,
          %broadcast_in_dim3A_287 = arith.constant 12 : i32
          %broadcast_in_dim3A_288 = vector.broadcast %broadcast_in_dim3A_287 : i32 to vector<16xi32>
          tpu.vector_store_idx %arg9[%add3A_164, %broadcast_in_dim3A_288], %get3A_286 : memref<2560x16xf32, #tpu.memory_space<vmem>>[vector<16xi32>, vector<16xi32>], vector<16xf32>,
          %get3A_289 = arith.constant 13 : i32
          %get3A_290 = arith.index_cast %select_n3A_182 : i32 to index
          %get3A_291 = arith.index_cast %get3A_289 : i32 to index
          %get3A_292 = arith.index_cast %mul3A_199 : i32 to index
          %get3A_293 = tpu.vector_load %arg8[%get3A_290, %get3A_291, %get3A_292] {strides = array<i32>} : memref<20x16x128xf32, #tpu.memory_space<vmem>>, vector<16xf32>,
          %broadcast_in_dim3A_294 = arith.constant 13 : i32
          %broadcast_in_dim3A_295 = vector.broadcast %broadcast_in_dim3A_294 : i32 to vector<16xi32>
          tpu.vector_store_idx %arg9[%add3A_164, %broadcast_in_dim3A_295], %get3A_293 : memref<2560x16xf32, #tpu.memory_space<vmem>>[vector<16xi32>, vector<16xi32>], vector<16xf32>,
          %get3A_296 = arith.constant 14 : i32
          %get3A_297 = arith.index_cast %select_n3A_182 : i32 to index
          %get3A_298 = arith.index_cast %get3A_296 : i32 to index
          %get3A_299 = arith.index_cast %mul3A_199 : i32 to index
          %get3A_300 = tpu.vector_load %arg8[%get3A_297, %get3A_298, %get3A_299] {strides = array<i32>} : memref<20x16x128xf32, #tpu.memory_space<vmem>>, vector<16xf32>,
          %broadcast_in_dim3A_301 = arith.constant 14 : i32
          %broadcast_in_dim3A_302 = vector.broadcast %broadcast_in_dim3A_301 : i32 to vector<16xi32>
          tpu.vector_store_idx %arg9[%add3A_164, %broadcast_in_dim3A_302], %get3A_300 : memref<2560x16xf32, #tpu.memory_space<vmem>>[vector<16xi32>, vector<16xi32>], vector<16xf32>,
          %get3A_303 = arith.constant 15 : i32
          %get3A_304 = arith.index_cast %select_n3A_182 : i32 to index
          %get3A_305 = arith.index_cast %get3A_303 : i32 to index
          %get3A_306 = arith.index_cast %mul3A_199 : i32 to index
          %get3A_307 = tpu.vector_load %arg8[%get3A_304, %get3A_305, %get3A_306] {strides = array<i32>} : memref<20x16x128xf32, #tpu.memory_space<vmem>>, vector<16xf32>,
          %broadcast_in_dim3A_308 = arith.constant 15 : i32
          %broadcast_in_dim3A_309 = vector.broadcast %broadcast_in_dim3A_308 : i32 to vector<16xi32>
          tpu.vector_store_idx %arg9[%add3A_164, %broadcast_in_dim3A_309], %get3A_307 : memref<2560x16xf32, #tpu.memory_space<vmem>>[vector<16xi32>, vector<16xi32>], vector<16xf32>,
          %mul3A_310 = arith.constant 2 : i32
          %mul3A_311 = arith.muli %mul3A_310, %scan3A_156 : i32
          %add3A_312 = arith.constant 1 : i32
          %add3A_313 = arith.addi %mul3A_311, %add3A_312 : i32
          %mul3A_314 = arith.constant 16 : i32
          %mul3A_315 = arith.muli %add3A_313, %mul3A_314 : i32
          %add3A_316 = vector.broadcast %mul3A_315 : i32 to vector<16xi32>
          %add3A_317 = arith.addi %add3A_316, %iota3A : vector<16xi32>
          %jit3A_318 = arith.constant 8 : i32
          %div3A_319 = arith.divsi %add3A_313, %jit3A_318 : i32
          %sign3A_320 = arith.constant 0 : i32
          %sign3A_321 = arith.cmpi sgt, %add3A_313, %sign3A_320 : i32
          %sign3A_322 = arith.extui %sign3A_321 : i1 to i32
          %sign3A_323 = arith.constant 0 : i32
          %sign3A_324 = arith.cmpi slt, %add3A_313, %sign3A_323 : i32
          %sign3A_325 = arith.extui %sign3A_324 : i1 to i32
          %sign3A_326 = arith.subi %sign3A_322, %sign3A_325 : i32
          %sign3A_327 = arith.constant 0 : i32
          %sign3A_328 = arith.cmpi sgt, %jit3A_318, %sign3A_327 : i32
          %sign3A_329 = arith.extui %sign3A_328 : i1 to i32
          %sign3A_330 = arith.constant 0 : i32
          %sign3A_331 = arith.cmpi slt, %jit3A_318, %sign3A_330 : i32
          %sign3A_332 = arith.extui %sign3A_331 : i1 to i32
          %sign3A_333 = arith.subi %sign3A_329, %sign3A_332 : i32
          %ne3A_334 = arith.cmpi ne, %sign3A_326, %sign3A_333 : i32
          %rem3A_335 = arith.remsi %add3A_313, %jit3A_318 : i32
          %ne3A_336 = arith.constant 0 : i32
          %ne3A_337 = arith.cmpi ne, %rem3A_335, %ne3A_336 : i32
          %and3A_338 = arith.andi %ne3A_334, %ne3A_337 : i1
          %sub3A_339 = arith.constant 1 : i32
          %sub3A_340 = arith.subi %div3A_319, %sub3A_339 : i32
          %select_n3A_341 = arith.select %and3A_338, %sub3A_340, %div3A_319 : i32
          %jit3A_342 = arith.constant 8 : i32
          %eq3A_343 = arith.constant 0 : i32
          %eq3A_344 = arith.cmpi eq, %jit3A_342, %eq3A_343 : i32
          %jit3A_345 = arith.constant 1 : i32
          %select_n3A_346 = arith.select %eq3A_344, %jit3A_345, %jit3A_342 : i32
          %rem3A_347 = arith.remsi %add3A_313, %select_n3A_346 : i32
          %ne3A_348 = arith.constant 0 : i32
          %ne3A_349 = arith.cmpi ne, %rem3A_347, %ne3A_348 : i32
          %lt3A_350 = arith.constant 0 : i32
          %lt3A_351 = arith.cmpi slt, %rem3A_347, %lt3A_350 : i32
          %lt3A_352 = arith.constant 0 : i32
          %lt3A_353 = arith.cmpi slt, %select_n3A_346, %lt3A_352 : i32
          %ne3A_354 = arith.xori %lt3A_351, %lt3A_353 : i1
          %and3A_355 = arith.andi %ne3A_354, %ne3A_349 : i1
          %add3A_356 = arith.addi %rem3A_347, %select_n3A_346 : i32
          %select_n3A_357 = arith.select %and3A_355, %add3A_356, %rem3A_347 : i32
          %mul3A_358 = arith.constant 16 : i32
          %mul3A_359 = arith.muli %select_n3A_357, %mul3A_358 : i32
          %get3A_360 = arith.constant 0 : i32
          %get3A_361 = arith.index_cast %select_n3A_341 : i32 to index
          %get3A_362 = arith.index_cast %get3A_360 : i32 to index
          %get3A_363 = arith.index_cast %mul3A_359 : i32 to index
          %get3A_364 = tpu.vector_load %arg8[%get3A_361, %get3A_362, %get3A_363] {strides = array<i32>} : memref<20x16x128xf32, #tpu.memory_space<vmem>>, vector<16xf32>,
          %broadcast_in_dim3A_365 = arith.constant 0 : i32
          %broadcast_in_dim3A_366 = vector.broadcast %broadcast_in_dim3A_365 : i32 to vector<16xi32>
          tpu.vector_store_idx %arg9[%add3A_317, %broadcast_in_dim3A_366], %get3A_364 : memref<2560x16xf32, #tpu.memory_space<vmem>>[vector<16xi32>, vector<16xi32>], vector<16xf32>,
          %get3A_367 = arith.constant 1 : i32
          %get3A_368 = arith.index_cast %select_n3A_341 : i32 to index
          %get3A_369 = arith.index_cast %get3A_367 : i32 to index
          %get3A_370 = arith.index_cast %mul3A_359 : i32 to index
          %get3A_371 = tpu.vector_load %arg8[%get3A_368, %get3A_369, %get3A_370] {strides = array<i32>} : memref<20x16x128xf32, #tpu.memory_space<vmem>>, vector<16xf32>,
          %broadcast_in_dim3A_372 = arith.constant 1 : i32
          %broadcast_in_dim3A_373 = vector.broadcast %broadcast_in_dim3A_372 : i32 to vector<16xi32>
          tpu.vector_store_idx %arg9[%add3A_317, %broadcast_in_dim3A_373], %get3A_371 : memref<2560x16xf32, #tpu.memory_space<vmem>>[vector<16xi32>, vector<16xi32>], vector<16xf32>,
          %get3A_374 = arith.constant 2 : i32
          %get3A_375 = arith.index_cast %select_n3A_341 : i32 to index
          %get3A_376 = arith.index_cast %get3A_374 : i32 to index
          %get3A_377 = arith.index_cast %mul3A_359 : i32 to index
          %get3A_378 = tpu.vector_load %arg8[%get3A_375, %get3A_376, %get3A_377] {strides = array<i32>} : memref<20x16x128xf32, #tpu.memory_space<vmem>>, vector<16xf32>,
          %broadcast_in_dim3A_379 = arith.constant 2 : i32
          %broadcast_in_dim3A_380 = vector.broadcast %broadcast_in_dim3A_379 : i32 to vector<16xi32>
          tpu.vector_store_idx %arg9[%add3A_317, %broadcast_in_dim3A_380], %get3A_378 : memref<2560x16xf32, #tpu.memory_space<vmem>>[vector<16xi32>, vector<16xi32>], vector<16xf32>,
          %get3A_381 = arith.constant 3 : i32
          %get3A_382 = arith.index_cast %select_n3A_341 : i32 to index
          %get3A_383 = arith.index_cast %get3A_381 : i32 to index
          %get3A_384 = arith.index_cast %mul3A_359 : i32 to index
          %get3A_385 = tpu.vector_load %arg8[%get3A_382, %get3A_383, %get3A_384] {strides = array<i32>} : memref<20x16x128xf32, #tpu.memory_space<vmem>>, vector<16xf32>,
          %broadcast_in_dim3A_386 = arith.constant 3 : i32
          %broadcast_in_dim3A_387 = vector.broadcast %broadcast_in_dim3A_386 : i32 to vector<16xi32>
          tpu.vector_store_idx %arg9[%add3A_317, %broadcast_in_dim3A_387], %get3A_385 : memref<2560x16xf32, #tpu.memory_space<vmem>>[vector<16xi32>, vector<16xi32>], vector<16xf32>,
          %get3A_388 = arith.constant 4 : i32
          %get3A_389 = arith.index_cast %select_n3A_341 : i32 to index
          %get3A_390 = arith.index_cast %get3A_388 : i32 to index
          %get3A_391 = arith.index_cast %mul3A_359 : i32 to index
          %get3A_392 = tpu.vector_load %arg8[%get3A_389, %get3A_390, %get3A_391] {strides = array<i32>} : memref<20x16x128xf32, #tpu.memory_space<vmem>>, vector<16xf32>,
          %broadcast_in_dim3A_393 = arith.constant 4 : i32
          %broadcast_in_dim3A_394 = vector.broadcast %broadcast_in_dim3A_393 : i32 to vector<16xi32>
          tpu.vector_store_idx %arg9[%add3A_317, %broadcast_in_dim3A_394], %get3A_392 : memref<2560x16xf32, #tpu.memory_space<vmem>>[vector<16xi32>, vector<16xi32>], vector<16xf32>,
          %get3A_395 = arith.constant 5 : i32
          %get3A_396 = arith.index_cast %select_n3A_341 : i32 to index
          %get3A_397 = arith.index_cast %get3A_395 : i32 to index
          %get3A_398 = arith.index_cast %mul3A_359 : i32 to index
          %get3A_399 = tpu.vector_load %arg8[%get3A_396, %get3A_397, %get3A_398] {strides = array<i32>} : memref<20x16x128xf32, #tpu.memory_space<vmem>>, vector<16xf32>,
          %broadcast_in_dim3A_400 = arith.constant 5 : i32
          %broadcast_in_dim3A_401 = vector.broadcast %broadcast_in_dim3A_400 : i32 to vector<16xi32>
          tpu.vector_store_idx %arg9[%add3A_317, %broadcast_in_dim3A_401], %get3A_399 : memref<2560x16xf32, #tpu.memory_space<vmem>>[vector<16xi32>, vector<16xi32>], vector<16xf32>,
          %get3A_402 = arith.constant 6 : i32
          %get3A_403 = arith.index_cast %select_n3A_341 : i32 to index
          %get3A_404 = arith.index_cast %get3A_402 : i32 to index
          %get3A_405 = arith.index_cast %mul3A_359 : i32 to index
          %get3A_406 = tpu.vector_load %arg8[%get3A_403, %get3A_404, %get3A_405] {strides = array<i32>} : memref<20x16x128xf32, #tpu.memory_space<vmem>>, vector<16xf32>,
          %broadcast_in_dim3A_407 = arith.constant 6 : i32
          %broadcast_in_dim3A_408 = vector.broadcast %broadcast_in_dim3A_407 : i32 to vector<16xi32>
          tpu.vector_store_idx %arg9[%add3A_317, %broadcast_in_dim3A_408], %get3A_406 : memref<2560x16xf32, #tpu.memory_space<vmem>>[vector<16xi32>, vector<16xi32>], vector<16xf32>,
          %get3A_409 = arith.constant 7 : i32
          %get3A_410 = arith.index_cast %select_n3A_341 : i32 to index
          %get3A_411 = arith.index_cast %get3A_409 : i32 to index
          %get3A_412 = arith.index_cast %mul3A_359 : i32 to index
          %get3A_413 = tpu.vector_load %arg8[%get3A_410, %get3A_411, %get3A_412] {strides = array<i32>} : memref<20x16x128xf32, #tpu.memory_space<vmem>>, vector<16xf32>,
          %broadcast_in_dim3A_414 = arith.constant 7 : i32
          %broadcast_in_dim3A_415 = vector.broadcast %broadcast_in_dim3A_414 : i32 to vector<16xi32>
          tpu.vector_store_idx %arg9[%add3A_317, %broadcast_in_dim3A_415], %get3A_413 : memref<2560x16xf32, #tpu.memory_space<vmem>>[vector<16xi32>, vector<16xi32>], vector<16xf32>,
          %get3A_416 = arith.constant 8 : i32
          %get3A_417 = arith.index_cast %select_n3A_341 : i32 to index
          %get3A_418 = arith.index_cast %get3A_416 : i32 to index
          %get3A_419 = arith.index_cast %mul3A_359 : i32 to index
          %get3A_420 = tpu.vector_load %arg8[%get3A_417, %get3A_418, %get3A_419] {strides = array<i32>} : memref<20x16x128xf32, #tpu.memory_space<vmem>>, vector<16xf32>,
          %broadcast_in_dim3A_421 = arith.constant 8 : i32
          %broadcast_in_dim3A_422 = vector.broadcast %broadcast_in_dim3A_421 : i32 to vector<16xi32>
          tpu.vector_store_idx %arg9[%add3A_317, %broadcast_in_dim3A_422], %get3A_420 : memref<2560x16xf32, #tpu.memory_space<vmem>>[vector<16xi32>, vector<16xi32>], vector<16xf32>,
          %get3A_423 = arith.constant 9 : i32
          %get3A_424 = arith.index_cast %select_n3A_341 : i32 to index
          %get3A_425 = arith.index_cast %get3A_423 : i32 to index
          %get3A_426 = arith.index_cast %mul3A_359 : i32 to index
          %get3A_427 = tpu.vector_load %arg8[%get3A_424, %get3A_425, %get3A_426] {strides = array<i32>} : memref<20x16x128xf32, #tpu.memory_space<vmem>>, vector<16xf32>,
          %broadcast_in_dim3A_428 = arith.constant 9 : i32
          %broadcast_in_dim3A_429 = vector.broadcast %broadcast_in_dim3A_428 : i32 to vector<16xi32>
          tpu.vector_store_idx %arg9[%add3A_317, %broadcast_in_dim3A_429], %get3A_427 : memref<2560x16xf32, #tpu.memory_space<vmem>>[vector<16xi32>, vector<16xi32>], vector<16xf32>,
          %get3A_430 = arith.constant 10 : i32
          %get3A_431 = arith.index_cast %select_n3A_341 : i32 to index
          %get3A_432 = arith.index_cast %get3A_430 : i32 to index
          %get3A_433 = arith.index_cast %mul3A_359 : i32 to index
          %get3A_434 = tpu.vector_load %arg8[%get3A_431, %get3A_432, %get3A_433] {strides = array<i32>} : memref<20x16x128xf32, #tpu.memory_space<vmem>>, vector<16xf32>,
          %broadcast_in_dim3A_435 = arith.constant 10 : i32
          %broadcast_in_dim3A_436 = vector.broadcast %broadcast_in_dim3A_435 : i32 to vector<16xi32>
          tpu.vector_store_idx %arg9[%add3A_317, %broadcast_in_dim3A_436], %get3A_434 : memref<2560x16xf32, #tpu.memory_space<vmem>>[vector<16xi32>, vector<16xi32>], vector<16xf32>,
          %get3A_437 = arith.constant 11 : i32
          %get3A_438 = arith.index_cast %select_n3A_341 : i32 to index
          %get3A_439 = arith.index_cast %get3A_437 : i32 to index
          %get3A_440 = arith.index_cast %mul3A_359 : i32 to index
          %get3A_441 = tpu.vector_load %arg8[%get3A_438, %get3A_439, %get3A_440] {strides = array<i32>} : memref<20x16x128xf32, #tpu.memory_space<vmem>>, vector<16xf32>,
          %broadcast_in_dim3A_442 = arith.constant 11 : i32
          %broadcast_in_dim3A_443 = vector.broadcast %broadcast_in_dim3A_442 : i32 to vector<16xi32>
          tpu.vector_store_idx %arg9[%add3A_317, %broadcast_in_dim3A_443], %get3A_441 : memref<2560x16xf32, #tpu.memory_space<vmem>>[vector<16xi32>, vector<16xi32>], vector<16xf32>,
          %get3A_444 = arith.constant 12 : i32
          %get3A_445 = arith.index_cast %select_n3A_341 : i32 to index
          %get3A_446 = arith.index_cast %get3A_444 : i32 to index
          %get3A_447 = arith.index_cast %mul3A_359 : i32 to index
          %get3A_448 = tpu.vector_load %arg8[%get3A_445, %get3A_446, %get3A_447] {strides = array<i32>} : memref<20x16x128xf32, #tpu.memory_space<vmem>>, vector<16xf32>,
          %broadcast_in_dim3A_449 = arith.constant 12 : i32
          %broadcast_in_dim3A_450 = vector.broadcast %broadcast_in_dim3A_449 : i32 to vector<16xi32>
          tpu.vector_store_idx %arg9[%add3A_317, %broadcast_in_dim3A_450], %get3A_448 : memref<2560x16xf32, #tpu.memory_space<vmem>>[vector<16xi32>, vector<16xi32>], vector<16xf32>,
          %get3A_451 = arith.constant 13 : i32
          %get3A_452 = arith.index_cast %select_n3A_341 : i32 to index
          %get3A_453 = arith.index_cast %get3A_451 : i32 to index
          %get3A_454 = arith.index_cast %mul3A_359 : i32 to index
          %get3A_455 = tpu.vector_load %arg8[%get3A_452, %get3A_453, %get3A_454] {strides = array<i32>} : memref<20x16x128xf32, #tpu.memory_space<vmem>>, vector<16xf32>,
          %broadcast_in_dim3A_456 = arith.constant 13 : i32
          %broadcast_in_dim3A_457 = vector.broadcast %broadcast_in_dim3A_456 : i32 to vector<16xi32>
          tpu.vector_store_idx %arg9[%add3A_317, %broadcast_in_dim3A_457], %get3A_455 : memref<2560x16xf32, #tpu.memory_space<vmem>>[vector<16xi32>, vector<16xi32>], vector<16xf32>,
          %get3A_458 = arith.constant 14 : i32
          %get3A_459 = arith.index_cast %select_n3A_341 : i32 to index
          %get3A_460 = arith.index_cast %get3A_458 : i32 to index
          %get3A_461 = arith.index_cast %mul3A_359 : i32 to index
          %get3A_462 = tpu.vector_load %arg8[%get3A_459, %get3A_460, %get3A_461] {strides = array<i32>} : memref<20x16x128xf32, #tpu.memory_space<vmem>>, vector<16xf32>,
          %broadcast_in_dim3A_463 = arith.constant 14 : i32
          %broadcast_in_dim3A_464 = vector.broadcast %broadcast_in_dim3A_463 : i32 to vector<16xi32>
          tpu.vector_store_idx %arg9[%add3A_317, %broadcast_in_dim3A_464], %get3A_462 : memref<2560x16xf32, #tpu.memory_space<vmem>>[vector<16xi32>, vector<16xi32>], vector<16xf32>,
          %get3A_465 = arith.constant 15 : i32
          %get3A_466 = arith.index_cast %select_n3A_341 : i32 to index
          %get3A_467 = arith.index_cast %get3A_465 : i32 to index
          %get3A_468 = arith.index_cast %mul3A_359 : i32 to index
          %get3A_469 = tpu.vector_load %arg8[%get3A_466, %get3A_467, %get3A_468] {strides = array<i32>} : memref<20x16x128xf32, #tpu.memory_space<vmem>>, vector<16xf32>,
          %broadcast_in_dim3A_470 = arith.constant 15 : i32
          %broadcast_in_dim3A_471 = vector.broadcast %broadcast_in_dim3A_470 : i32 to vector<16xi32>
          tpu.vector_store_idx %arg9[%add3A_317, %broadcast_in_dim3A_471], %get3A_469 : memref<2560x16xf32, #tpu.memory_space<vmem>>[vector<16xi32>, vector<16xi32>], vector<16xf32>,
        }
        %scan3A_155 = arith.constant 80 : i32
        "tpu.region"() ({
          %run_scoped3A = tpu.sem_alloc : memref<!tpu.dma_semaphore, #tpu.memory_space<semaphore_mem>>
          %dma_start3A_156 = arith.constant 0 : i32
          %dma_start3A_157 = tpu.memref_slice %arg7[%scan3A_129, %dma_start3A_156] : memref<4x2560xi32, #tpu.memory_space<vmem>> -> memref<1x2560xi32, #tpu.memory_space<vmem>>
          %dma_start3A_158 = tpu.memref_squeeze %dma_start3A_157 : memref<1x2560xi32, #tpu.memory_space<vmem>> -> memref<2560xi32, #tpu.memory_space<vmem>>
          %dma_start3A_159 = arith.constant 0 : i32
          %dma_start3A_160 = arith.constant 0 : i32
          %dma_start3A_161 = tpu.memref_slice %arg5[%dma_start3A_159, %dma_start3A_160] : memref<10000x16xf32, #tpu.memory_space<vmem_shared>> -> memref<10000x16xf32, #tpu.memory_space<vmem_shared>>
          tpu.enqueue_indirect_dma source(%arg9 : memref<2560x16xf32, #tpu.memory_space<vmem>>) target(%dma_start3A_161 : memref<10000x16xf32, #tpu.memory_space<vmem_shared>>) offsets(%dma_start3A_158 : memref<2560xi32, #tpu.memory_space<vmem>>) semaphore(%run_scoped3A : memref<!tpu.dma_semaphore, #tpu.memory_space<semaphore_mem>>) {add = true}
          %dma_wait3A_162 = arith.constant 0 : i32
          %dma_wait3A_163 = tpu.memref_slice %arg7[%scan3A_129, %dma_wait3A_162] : memref<4x2560xi32, #tpu.memory_space<vmem>> -> memref<1x2560xi32, #tpu.memory_space<vmem>>
          %dma_wait3A_164 = tpu.memref_squeeze %dma_wait3A_163 : memref<1x2560xi32, #tpu.memory_space<vmem>> -> memref<2560xi32, #tpu.memory_space<vmem>>
          %dma_wait3A_165 = arith.constant 0 : i32
          %dma_wait3A_166 = arith.constant 0 : i32
          %dma_wait3A_167 = tpu.memref_slice %arg5[%dma_wait3A_165, %dma_wait3A_166] : memref<10000x16xf32, #tpu.memory_space<vmem_shared>> -> memref<10000x16xf32, #tpu.memory_space<vmem_shared>>
          tpu.wait_indirect_dma semaphore(%run_scoped3A : memref<!tpu.dma_semaphore, #tpu.memory_space<semaphore_mem>>) src(%arg9 : memref<2560x16xf32, #tpu.memory_space<vmem>>) dst(%dma_wait3A_167 : memref<10000x16xf32, #tpu.memory_space<vmem_shared>>)
          tpu.yield
        }) : () -> ()
      } else {
      }
    }
    %scan3A_120 = arith.constant 4 : i32
    %barrier3A_121 = arith.constant 0 : index
    tpu.barrier barrier_id(%barrier3A_121)
    %mul3A_122 = arith.constant 625 : i32
    %mul3A_123 = arith.muli %arg1, %mul3A_122 : i32
    %mul3A_124 = arith.constant 10000 : i32
    %mul3A_125 = arith.muli %arg0, %mul3A_124 : i32
    %mul3A_126 = arith.constant 625 : i32
    %mul3A_127 = arith.muli %arg1, %mul3A_126 : i32
    %add3A_128 = arith.addi %mul3A_125, %mul3A_127 : i32
    "tpu.region"() ({
      %run_scoped3A = tpu.sem_alloc : memref<!tpu.dma_semaphore, #tpu.memory_space<semaphore_mem>>
      %dma_start3A_129 = arith.constant 0 : i32
      %dma_start3A_130 = tpu.memref_slice %arg4[%add3A_128, %dma_start3A_129] : memref<20000x16xf32, #tpu.memory_space<hbm>> -> memref<625x16xf32, #tpu.memory_space<hbm>>
      %dma_start3A_131 = arith.constant 0 : i32
      %dma_start3A_132 = tpu.memref_slice %arg5[%mul3A_123, %dma_start3A_131] : memref<10000x16xf32, #tpu.memory_space<vmem_shared>> -> memref<625x16xf32, #tpu.memory_space<vmem_shared>>
      tpu.enqueue_dma source(%dma_start3A_132 : memref<625x16xf32, #tpu.memory_space<vmem_shared>>) target(%dma_start3A_130 : memref<625x16xf32, #tpu.memory_space<hbm>>) target_semaphore(%run_scoped3A : memref<!tpu.dma_semaphore, #tpu.memory_space<semaphore_mem>>)
      %dma_wait3A_133 = arith.constant 0 : i32
      %dma_wait3A_134 = tpu.memref_slice %arg4[%add3A_128, %dma_wait3A_133] : memref<20000x16xf32, #tpu.memory_space<hbm>> -> memref<625x16xf32, #tpu.memory_space<hbm>>
      %dma_wait3A_135 = arith.constant 0 : i32
      %dma_wait3A_136 = tpu.memref_slice %arg5[%mul3A_123, %dma_wait3A_135] : memref<10000x16xf32, #tpu.memory_space<vmem_shared>> -> memref<625x16xf32, #tpu.memory_space<vmem_shared>>
      tpu.wait_dma2 semaphore(%run_scoped3A : memref<!tpu.dma_semaphore, #tpu.memory_space<semaphore_mem>>) src(%dma_wait3A_136 : memref<625x16xf32, #tpu.memory_space<vmem_shared>>) dst(%dma_wait3A_134 : memref<625x16xf32, #tpu.memory_space<hbm>>)
      tpu.yield
    }) : () -> ()
    return
  }
}

#map = affine_map<(d0, d1) -> (0, 0)>
#map1 = affine_map<(d0, d1) -> (0)>
#map2 = affine_map<(d0, d1) -> (0, 0, 0)>
module attributes {stable_mosaic.version = 14 : i64} {
  func.func @k(%arg0: i32, %arg1: i32, %arg2: memref<10000x16xf32, #tpu.memory_space<hbm>>, %arg3: memref<320000xi32, #tpu.memory_space<hbm>>, %arg4: memref<2500x16x128xf32, #tpu.memory_space<hbm>>, %arg5: memref<10240xi32, #tpu.memory_space<vmem>>, %arg6: memref<2560x16xf32, #tpu.memory_space<vmem>>, %arg7: memref<20x16x128xf32, #tpu.memory_space<vmem>>, %arg8: memref<!tpu.dma_semaphore, #tpu.memory_space<semaphore_mem>>, %arg9: memref<!tpu.dma_semaphore, #tpu.memory_space<semaphore_mem>>) attributes {dimension_semantics = [#tpu.dimension_semantics<core_parallel>, #tpu.dimension_semantics<subcore_parallel>], iteration_bounds = array<i64: 2, 16>, scalar_prefetch = 0 : i64, scratch_operands = 5 : i64, tpu.core_type = #tpu.core_type<sc_vector_subcore>, window_params = [{transform_indices = #map}, {transform_indices = #map1}, {transform_indices = #map2}]} {
    %mul3A = arith.constant 2 : i32
    %mul3A_0 = arith.muli %arg1, %mul3A : i32
    %add3A = arith.addi %mul3A_0, %arg0 : i32
    %add3A_1 = arith.constant 0 : i32
    %add3A_2 = arith.addi %add3A, %add3A_1 : i32
    %lt3A = arith.constant 125 : i32
    %lt3A_3 = arith.cmpi slt, %add3A_2, %lt3A : i32
    %mul3A_4 = arith.constant 2560 : i32
    %mul3A_5 = arith.muli %add3A_2, %mul3A_4 : i32
    %jit3A = arith.constant 0 : i32
    %select_n3A = arith.select %lt3A_3, %mul3A_5, %jit3A : i32
    %dma_start3A = arith.constant 0 : i32
    %dma_start3A_6 = tpu.memref_slice %arg5[%dma_start3A] : memref<10240xi32, #tpu.memory_space<vmem>> -> memref<2560xi32, #tpu.memory_space<vmem>>
    %dma_start3A_7 = tpu.memref_slice %arg3[%select_n3A] : memref<320000xi32, #tpu.memory_space<hbm>> -> memref<2560xi32, #tpu.memory_space<hbm>>
    %dma_start3A_8 = arith.constant 0 : i32
    %dma_start3A_9 = tpu.memref_slice %arg5[%dma_start3A_8] : memref<10240xi32, #tpu.memory_space<vmem>> -> memref<2560xi32, #tpu.memory_space<vmem>>
    %dma_start3A_10 = tpu.memref_slice %arg3[%select_n3A] : memref<320000xi32, #tpu.memory_space<hbm>> -> memref<2560xi32, #tpu.memory_space<hbm>>
    tpu.enqueue_dma source(%dma_start3A_10 : memref<2560xi32, #tpu.memory_space<hbm>>) target(%dma_start3A_9 : memref<2560xi32, #tpu.memory_space<vmem>>) target_semaphore(%arg8 : memref<!tpu.dma_semaphore, #tpu.memory_space<semaphore_mem>>)
    %add3A_11 = arith.constant 32 : i32
    %add3A_12 = arith.addi %add3A, %add3A_11 : i32
    %lt3A_13 = arith.constant 125 : i32
    %lt3A_14 = arith.cmpi slt, %add3A_12, %lt3A_13 : i32
    %mul3A_15 = arith.constant 2560 : i32
    %mul3A_16 = arith.muli %add3A_12, %mul3A_15 : i32
    %jit3A_17 = arith.constant 0 : i32
    %select_n3A_18 = arith.select %lt3A_14, %mul3A_16, %jit3A_17 : i32
    %dma_start3A_19 = arith.constant 2560 : i32
    %dma_start3A_20 = tpu.memref_slice %arg5[%dma_start3A_19] : memref<10240xi32, #tpu.memory_space<vmem>> -> memref<2560xi32, #tpu.memory_space<vmem>>
    %dma_start3A_21 = tpu.memref_slice %arg3[%select_n3A_18] : memref<320000xi32, #tpu.memory_space<hbm>> -> memref<2560xi32, #tpu.memory_space<hbm>>
    %dma_start3A_22 = arith.constant 2560 : i32
    %dma_start3A_23 = tpu.memref_slice %arg5[%dma_start3A_22] : memref<10240xi32, #tpu.memory_space<vmem>> -> memref<2560xi32, #tpu.memory_space<vmem>>
    %dma_start3A_24 = tpu.memref_slice %arg3[%select_n3A_18] : memref<320000xi32, #tpu.memory_space<hbm>> -> memref<2560xi32, #tpu.memory_space<hbm>>
    tpu.enqueue_dma source(%dma_start3A_24 : memref<2560xi32, #tpu.memory_space<hbm>>) target(%dma_start3A_23 : memref<2560xi32, #tpu.memory_space<vmem>>) target_semaphore(%arg8 : memref<!tpu.dma_semaphore, #tpu.memory_space<semaphore_mem>>)
    %add3A_25 = arith.constant 64 : i32
    %add3A_26 = arith.addi %add3A, %add3A_25 : i32
    %lt3A_27 = arith.constant 125 : i32
    %lt3A_28 = arith.cmpi slt, %add3A_26, %lt3A_27 : i32
    %mul3A_29 = arith.constant 2560 : i32
    %mul3A_30 = arith.muli %add3A_26, %mul3A_29 : i32
    %jit3A_31 = arith.constant 0 : i32
    %select_n3A_32 = arith.select %lt3A_28, %mul3A_30, %jit3A_31 : i32
    %dma_start3A_33 = arith.constant 5120 : i32
    %dma_start3A_34 = tpu.memref_slice %arg5[%dma_start3A_33] : memref<10240xi32, #tpu.memory_space<vmem>> -> memref<2560xi32, #tpu.memory_space<vmem>>
    %dma_start3A_35 = tpu.memref_slice %arg3[%select_n3A_32] : memref<320000xi32, #tpu.memory_space<hbm>> -> memref<2560xi32, #tpu.memory_space<hbm>>
    %dma_start3A_36 = arith.constant 5120 : i32
    %dma_start3A_37 = tpu.memref_slice %arg5[%dma_start3A_36] : memref<10240xi32, #tpu.memory_space<vmem>> -> memref<2560xi32, #tpu.memory_space<vmem>>
    %dma_start3A_38 = tpu.memref_slice %arg3[%select_n3A_32] : memref<320000xi32, #tpu.memory_space<hbm>> -> memref<2560xi32, #tpu.memory_space<hbm>>
    tpu.enqueue_dma source(%dma_start3A_38 : memref<2560xi32, #tpu.memory_space<hbm>>) target(%dma_start3A_37 : memref<2560xi32, #tpu.memory_space<vmem>>) target_semaphore(%arg8 : memref<!tpu.dma_semaphore, #tpu.memory_space<semaphore_mem>>)
    %add3A_39 = arith.constant 96 : i32
    %add3A_40 = arith.addi %add3A, %add3A_39 : i32
    %lt3A_41 = arith.constant 125 : i32
    %lt3A_42 = arith.cmpi slt, %add3A_40, %lt3A_41 : i32
    %mul3A_43 = arith.constant 2560 : i32
    %mul3A_44 = arith.muli %add3A_40, %mul3A_43 : i32
    %jit3A_45 = arith.constant 0 : i32
    %select_n3A_46 = arith.select %lt3A_42, %mul3A_44, %jit3A_45 : i32
    %dma_start3A_47 = arith.constant 7680 : i32
    %dma_start3A_48 = tpu.memref_slice %arg5[%dma_start3A_47] : memref<10240xi32, #tpu.memory_space<vmem>> -> memref<2560xi32, #tpu.memory_space<vmem>>
    %dma_start3A_49 = tpu.memref_slice %arg3[%select_n3A_46] : memref<320000xi32, #tpu.memory_space<hbm>> -> memref<2560xi32, #tpu.memory_space<hbm>>
    %dma_start3A_50 = arith.constant 7680 : i32
    %dma_start3A_51 = tpu.memref_slice %arg5[%dma_start3A_50] : memref<10240xi32, #tpu.memory_space<vmem>> -> memref<2560xi32, #tpu.memory_space<vmem>>
    %dma_start3A_52 = tpu.memref_slice %arg3[%select_n3A_46] : memref<320000xi32, #tpu.memory_space<hbm>> -> memref<2560xi32, #tpu.memory_space<hbm>>
    tpu.enqueue_dma source(%dma_start3A_52 : memref<2560xi32, #tpu.memory_space<hbm>>) target(%dma_start3A_51 : memref<2560xi32, #tpu.memory_space<vmem>>) target_semaphore(%arg8 : memref<!tpu.dma_semaphore, #tpu.memory_space<semaphore_mem>>)
    %dma_wait3A = arith.constant 0 : i32
    %dma_wait3A_53 = tpu.memref_slice %arg3[%dma_wait3A] : memref<320000xi32, #tpu.memory_space<hbm>> -> memref<10240xi32, #tpu.memory_space<hbm>>
    %dma_wait3A_54 = arith.constant 0 : i32
    %dma_wait3A_55 = tpu.memref_slice %arg3[%dma_wait3A_54] : memref<320000xi32, #tpu.memory_space<hbm>> -> memref<10240xi32, #tpu.memory_space<hbm>>
    tpu.wait_dma2 semaphore(%arg8 : memref<!tpu.dma_semaphore, #tpu.memory_space<semaphore_mem>>) src(%dma_wait3A_55 : memref<10240xi32, #tpu.memory_space<hbm>>) dst(%arg5 : memref<10240xi32, #tpu.memory_space<vmem>>)
    %iota3A = tpu.iota {dimensions = array<i32: 0>} : vector<16xi32>
    %scan3A = arith.constant 0 : i32
    %scan3A_56 = arith.constant 0 : i32
    %scan3A_57 = arith.constant 4 : i32
    %scan3A_58 = arith.addi %scan3A_56, %scan3A_57 : i32
    %scan3A_59 = arith.constant 1 : i32
    scf.for %scan3A_61 = %scan3A_56 to %scan3A_58 step %scan3A_59  : i32 {
      %mul3A_62 = arith.constant 32 : i32
      %mul3A_63 = arith.muli %mul3A_62, %scan3A_61 : i32
      %add3A_64 = arith.addi %add3A, %mul3A_63 : i32
      %lt3A_65 = arith.constant 125 : i32
      %lt3A_66 = arith.cmpi slt, %add3A_64, %lt3A_65 : i32
      %convert_element_type3A = arith.extui %lt3A_66 : i1 to i32
      %cond3A = arith.constant 0 : i32
      %cond3A_67 = arith.cmpi ne, %convert_element_type3A, %cond3A : i32
      scf.if %cond3A_67 {
        %mul3A_68 = arith.constant 2560 : i32
        %mul3A_69 = arith.muli %scan3A_61, %mul3A_68 : i32
        %dma_start3A_70 = tpu.memref_slice %arg5[%mul3A_69] : memref<10240xi32, #tpu.memory_space<vmem>> -> memref<2560xi32, #tpu.memory_space<vmem>>
        %dma_start3A_71 = arith.constant 0 : i32
        %dma_start3A_72 = arith.constant 0 : i32
        %dma_start3A_73 = tpu.memref_slice %arg2[%dma_start3A_71, %dma_start3A_72] : memref<10000x16xf32, #tpu.memory_space<hbm>> -> memref<10000x16xf32, #tpu.memory_space<hbm>>
        tpu.enqueue_indirect_dma source(%dma_start3A_73 : memref<10000x16xf32, #tpu.memory_space<hbm>>) target(%arg6 : memref<2560x16xf32, #tpu.memory_space<vmem>>) offsets(%dma_start3A_70 : memref<2560xi32, #tpu.memory_space<vmem>>) semaphore(%arg9 : memref<!tpu.dma_semaphore, #tpu.memory_space<semaphore_mem>>)
        %dma_wait3A_74 = tpu.memref_slice %arg5[%mul3A_69] : memref<10240xi32, #tpu.memory_space<vmem>> -> memref<2560xi32, #tpu.memory_space<vmem>>
        %dma_wait3A_75 = arith.constant 0 : i32
        %dma_wait3A_76 = arith.constant 0 : i32
        %dma_wait3A_77 = tpu.memref_slice %arg2[%dma_wait3A_75, %dma_wait3A_76] : memref<10000x16xf32, #tpu.memory_space<hbm>> -> memref<10000x16xf32, #tpu.memory_space<hbm>>
        tpu.wait_indirect_dma semaphore(%arg9 : memref<!tpu.dma_semaphore, #tpu.memory_space<semaphore_mem>>) src(%dma_wait3A_77 : memref<10000x16xf32, #tpu.memory_space<hbm>>) dst(%arg6 : memref<2560x16xf32, #tpu.memory_space<vmem>>)
        %scan3A_78 = arith.constant 0 : i32
        %scan3A_79 = arith.constant 0 : i32
        %scan3A_80 = arith.constant 80 : i32
        %scan3A_81 = arith.addi %scan3A_79, %scan3A_80 : i32
        %scan3A_82 = arith.constant 1 : i32
        scf.for %scan3A_86 = %scan3A_79 to %scan3A_81 step %scan3A_82  : i32 {
          %mul3A_87 = arith.constant 2 : i32
          %mul3A_88 = arith.muli %mul3A_87, %scan3A_86 : i32
          %add3A_89 = arith.constant 0 : i32
          %add3A_90 = arith.addi %mul3A_88, %add3A_89 : i32
          %mul3A_91 = arith.constant 16 : i32
          %mul3A_92 = arith.muli %add3A_90, %mul3A_91 : i32
          %add3A_93 = vector.broadcast %mul3A_92 : i32 to vector<16xi32>
          %add3A_94 = arith.addi %add3A_93, %iota3A : vector<16xi32>
          %jit3A_95 = arith.constant 8 : i32
          %div3A = arith.divsi %add3A_90, %jit3A_95 : i32
          %sign3A = arith.constant 0 : i32
          %sign3A_96 = arith.cmpi sgt, %add3A_90, %sign3A : i32
          %sign3A_97 = arith.extui %sign3A_96 : i1 to i32
          %sign3A_98 = arith.constant 0 : i32
          %sign3A_99 = arith.cmpi slt, %add3A_90, %sign3A_98 : i32
          %sign3A_100 = arith.extui %sign3A_99 : i1 to i32
          %sign3A_101 = arith.subi %sign3A_97, %sign3A_100 : i32
          %sign3A_102 = arith.constant 0 : i32
          %sign3A_103 = arith.cmpi sgt, %jit3A_95, %sign3A_102 : i32
          %sign3A_104 = arith.extui %sign3A_103 : i1 to i32
          %sign3A_105 = arith.constant 0 : i32
          %sign3A_106 = arith.cmpi slt, %jit3A_95, %sign3A_105 : i32
          %sign3A_107 = arith.extui %sign3A_106 : i1 to i32
          %sign3A_108 = arith.subi %sign3A_104, %sign3A_107 : i32
          %ne3A = arith.cmpi ne, %sign3A_101, %sign3A_108 : i32
          %rem3A = arith.remsi %add3A_90, %jit3A_95 : i32
          %ne3A_109 = arith.constant 0 : i32
          %ne3A_110 = arith.cmpi ne, %rem3A, %ne3A_109 : i32
          %and3A = arith.andi %ne3A, %ne3A_110 : i1
          %sub3A = arith.constant 1 : i32
          %sub3A_111 = arith.subi %div3A, %sub3A : i32
          %select_n3A_112 = arith.select %and3A, %sub3A_111, %div3A : i32
          %jit3A_113 = arith.constant 8 : i32
          %eq3A = arith.constant 0 : i32
          %eq3A_114 = arith.cmpi eq, %jit3A_113, %eq3A : i32
          %jit3A_115 = arith.constant 1 : i32
          %select_n3A_116 = arith.select %eq3A_114, %jit3A_115, %jit3A_113 : i32
          %rem3A_117 = arith.remsi %add3A_90, %select_n3A_116 : i32
          %ne3A_118 = arith.constant 0 : i32
          %ne3A_119 = arith.cmpi ne, %rem3A_117, %ne3A_118 : i32
          %lt3A_120 = arith.constant 0 : i32
          %lt3A_121 = arith.cmpi slt, %rem3A_117, %lt3A_120 : i32
          %lt3A_122 = arith.constant 0 : i32
          %lt3A_123 = arith.cmpi slt, %select_n3A_116, %lt3A_122 : i32
          %ne3A_124 = arith.xori %lt3A_121, %lt3A_123 : i1
          %and3A_125 = arith.andi %ne3A_124, %ne3A_119 : i1
          %add3A_126 = arith.addi %rem3A_117, %select_n3A_116 : i32
          %select_n3A_127 = arith.select %and3A_125, %add3A_126, %rem3A_117 : i32
          %mul3A_128 = arith.constant 16 : i32
          %mul3A_129 = arith.muli %select_n3A_127, %mul3A_128 : i32
          %broadcast_in_dim3A = arith.constant 0 : i32
          %broadcast_in_dim3A_130 = vector.broadcast %broadcast_in_dim3A : i32 to vector<16xi32>
          %gather3A = tpu.vector_load_idx %arg6[%add3A_94, %broadcast_in_dim3A_130] : memref<2560x16xf32, #tpu.memory_space<vmem>>[vector<16xi32>, vector<16xi32>], vector<16xf32>,
          %swap3A = arith.constant 0 : i32
          %swap3A_131 = arith.index_cast %select_n3A_112 : i32 to index
          %swap3A_132 = arith.index_cast %swap3A : i32 to index
          %swap3A_133 = arith.index_cast %mul3A_129 : i32 to index
          %swap3A_134 = tpu.vector_load %arg7[%swap3A_131, %swap3A_132, %swap3A_133] {strides = array<i32>} : memref<20x16x128xf32, #tpu.memory_space<vmem>>, vector<16xf32>,
          tpu.vector_store %arg7[%swap3A_131, %swap3A_132, %swap3A_133], %gather3A {strides = array<i32>} : memref<20x16x128xf32, #tpu.memory_space<vmem>>, vector<16xf32>,
          %broadcast_in_dim3A_135 = arith.constant 1 : i32
          %broadcast_in_dim3A_136 = vector.broadcast %broadcast_in_dim3A_135 : i32 to vector<16xi32>
          %gather3A_137 = tpu.vector_load_idx %arg6[%add3A_94, %broadcast_in_dim3A_136] : memref<2560x16xf32, #tpu.memory_space<vmem>>[vector<16xi32>, vector<16xi32>], vector<16xf32>,
          %swap3A_138 = arith.constant 1 : i32
          %swap3A_139 = arith.index_cast %select_n3A_112 : i32 to index
          %swap3A_140 = arith.index_cast %swap3A_138 : i32 to index
          %swap3A_141 = arith.index_cast %mul3A_129 : i32 to index
          %swap3A_142 = tpu.vector_load %arg7[%swap3A_139, %swap3A_140, %swap3A_141] {strides = array<i32>} : memref<20x16x128xf32, #tpu.memory_space<vmem>>, vector<16xf32>,
          tpu.vector_store %arg7[%swap3A_139, %swap3A_140, %swap3A_141], %gather3A_137 {strides = array<i32>} : memref<20x16x128xf32, #tpu.memory_space<vmem>>, vector<16xf32>,
          %broadcast_in_dim3A_143 = arith.constant 2 : i32
          %broadcast_in_dim3A_144 = vector.broadcast %broadcast_in_dim3A_143 : i32 to vector<16xi32>
          %gather3A_145 = tpu.vector_load_idx %arg6[%add3A_94, %broadcast_in_dim3A_144] : memref<2560x16xf32, #tpu.memory_space<vmem>>[vector<16xi32>, vector<16xi32>], vector<16xf32>,
          %swap3A_146 = arith.constant 2 : i32
          %swap3A_147 = arith.index_cast %select_n3A_112 : i32 to index
          %swap3A_148 = arith.index_cast %swap3A_146 : i32 to index
          %swap3A_149 = arith.index_cast %mul3A_129 : i32 to index
          %swap3A_150 = tpu.vector_load %arg7[%swap3A_147, %swap3A_148, %swap3A_149] {strides = array<i32>} : memref<20x16x128xf32, #tpu.memory_space<vmem>>, vector<16xf32>,
          tpu.vector_store %arg7[%swap3A_147, %swap3A_148, %swap3A_149], %gather3A_145 {strides = array<i32>} : memref<20x16x128xf32, #tpu.memory_space<vmem>>, vector<16xf32>,
          %broadcast_in_dim3A_151 = arith.constant 3 : i32
          %broadcast_in_dim3A_152 = vector.broadcast %broadcast_in_dim3A_151 : i32 to vector<16xi32>
          %gather3A_153 = tpu.vector_load_idx %arg6[%add3A_94, %broadcast_in_dim3A_152] : memref<2560x16xf32, #tpu.memory_space<vmem>>[vector<16xi32>, vector<16xi32>], vector<16xf32>,
          %swap3A_154 = arith.constant 3 : i32
          %swap3A_155 = arith.index_cast %select_n3A_112 : i32 to index
          %swap3A_156 = arith.index_cast %swap3A_154 : i32 to index
          %swap3A_157 = arith.index_cast %mul3A_129 : i32 to index
          %swap3A_158 = tpu.vector_load %arg7[%swap3A_155, %swap3A_156, %swap3A_157] {strides = array<i32>} : memref<20x16x128xf32, #tpu.memory_space<vmem>>, vector<16xf32>,
          tpu.vector_store %arg7[%swap3A_155, %swap3A_156, %swap3A_157], %gather3A_153 {strides = array<i32>} : memref<20x16x128xf32, #tpu.memory_space<vmem>>, vector<16xf32>,
          %broadcast_in_dim3A_159 = arith.constant 4 : i32
          %broadcast_in_dim3A_160 = vector.broadcast %broadcast_in_dim3A_159 : i32 to vector<16xi32>
          %gather3A_161 = tpu.vector_load_idx %arg6[%add3A_94, %broadcast_in_dim3A_160] : memref<2560x16xf32, #tpu.memory_space<vmem>>[vector<16xi32>, vector<16xi32>], vector<16xf32>,
          %swap3A_162 = arith.constant 4 : i32
          %swap3A_163 = arith.index_cast %select_n3A_112 : i32 to index
          %swap3A_164 = arith.index_cast %swap3A_162 : i32 to index
          %swap3A_165 = arith.index_cast %mul3A_129 : i32 to index
          %swap3A_166 = tpu.vector_load %arg7[%swap3A_163, %swap3A_164, %swap3A_165] {strides = array<i32>} : memref<20x16x128xf32, #tpu.memory_space<vmem>>, vector<16xf32>,
          tpu.vector_store %arg7[%swap3A_163, %swap3A_164, %swap3A_165], %gather3A_161 {strides = array<i32>} : memref<20x16x128xf32, #tpu.memory_space<vmem>>, vector<16xf32>,
          %broadcast_in_dim3A_167 = arith.constant 5 : i32
          %broadcast_in_dim3A_168 = vector.broadcast %broadcast_in_dim3A_167 : i32 to vector<16xi32>
          %gather3A_169 = tpu.vector_load_idx %arg6[%add3A_94, %broadcast_in_dim3A_168] : memref<2560x16xf32, #tpu.memory_space<vmem>>[vector<16xi32>, vector<16xi32>], vector<16xf32>,
          %swap3A_170 = arith.constant 5 : i32
          %swap3A_171 = arith.index_cast %select_n3A_112 : i32 to index
          %swap3A_172 = arith.index_cast %swap3A_170 : i32 to index
          %swap3A_173 = arith.index_cast %mul3A_129 : i32 to index
          %swap3A_174 = tpu.vector_load %arg7[%swap3A_171, %swap3A_172, %swap3A_173] {strides = array<i32>} : memref<20x16x128xf32, #tpu.memory_space<vmem>>, vector<16xf32>,
          tpu.vector_store %arg7[%swap3A_171, %swap3A_172, %swap3A_173], %gather3A_169 {strides = array<i32>} : memref<20x16x128xf32, #tpu.memory_space<vmem>>, vector<16xf32>,
          %broadcast_in_dim3A_175 = arith.constant 6 : i32
          %broadcast_in_dim3A_176 = vector.broadcast %broadcast_in_dim3A_175 : i32 to vector<16xi32>
          %gather3A_177 = tpu.vector_load_idx %arg6[%add3A_94, %broadcast_in_dim3A_176] : memref<2560x16xf32, #tpu.memory_space<vmem>>[vector<16xi32>, vector<16xi32>], vector<16xf32>,
          %swap3A_178 = arith.constant 6 : i32
          %swap3A_179 = arith.index_cast %select_n3A_112 : i32 to index
          %swap3A_180 = arith.index_cast %swap3A_178 : i32 to index
          %swap3A_181 = arith.index_cast %mul3A_129 : i32 to index
          %swap3A_182 = tpu.vector_load %arg7[%swap3A_179, %swap3A_180, %swap3A_181] {strides = array<i32>} : memref<20x16x128xf32, #tpu.memory_space<vmem>>, vector<16xf32>,
          tpu.vector_store %arg7[%swap3A_179, %swap3A_180, %swap3A_181], %gather3A_177 {strides = array<i32>} : memref<20x16x128xf32, #tpu.memory_space<vmem>>, vector<16xf32>,
          %broadcast_in_dim3A_183 = arith.constant 7 : i32
          %broadcast_in_dim3A_184 = vector.broadcast %broadcast_in_dim3A_183 : i32 to vector<16xi32>
          %gather3A_185 = tpu.vector_load_idx %arg6[%add3A_94, %broadcast_in_dim3A_184] : memref<2560x16xf32, #tpu.memory_space<vmem>>[vector<16xi32>, vector<16xi32>], vector<16xf32>,
          %swap3A_186 = arith.constant 7 : i32
          %swap3A_187 = arith.index_cast %select_n3A_112 : i32 to index
          %swap3A_188 = arith.index_cast %swap3A_186 : i32 to index
          %swap3A_189 = arith.index_cast %mul3A_129 : i32 to index
          %swap3A_190 = tpu.vector_load %arg7[%swap3A_187, %swap3A_188, %swap3A_189] {strides = array<i32>} : memref<20x16x128xf32, #tpu.memory_space<vmem>>, vector<16xf32>,
          tpu.vector_store %arg7[%swap3A_187, %swap3A_188, %swap3A_189], %gather3A_185 {strides = array<i32>} : memref<20x16x128xf32, #tpu.memory_space<vmem>>, vector<16xf32>,
          %broadcast_in_dim3A_191 = arith.constant 8 : i32
          %broadcast_in_dim3A_192 = vector.broadcast %broadcast_in_dim3A_191 : i32 to vector<16xi32>
          %gather3A_193 = tpu.vector_load_idx %arg6[%add3A_94, %broadcast_in_dim3A_192] : memref<2560x16xf32, #tpu.memory_space<vmem>>[vector<16xi32>, vector<16xi32>], vector<16xf32>,
          %swap3A_194 = arith.constant 8 : i32
          %swap3A_195 = arith.index_cast %select_n3A_112 : i32 to index
          %swap3A_196 = arith.index_cast %swap3A_194 : i32 to index
          %swap3A_197 = arith.index_cast %mul3A_129 : i32 to index
          %swap3A_198 = tpu.vector_load %arg7[%swap3A_195, %swap3A_196, %swap3A_197] {strides = array<i32>} : memref<20x16x128xf32, #tpu.memory_space<vmem>>, vector<16xf32>,
          tpu.vector_store %arg7[%swap3A_195, %swap3A_196, %swap3A_197], %gather3A_193 {strides = array<i32>} : memref<20x16x128xf32, #tpu.memory_space<vmem>>, vector<16xf32>,
          %broadcast_in_dim3A_199 = arith.constant 9 : i32
          %broadcast_in_dim3A_200 = vector.broadcast %broadcast_in_dim3A_199 : i32 to vector<16xi32>
          %gather3A_201 = tpu.vector_load_idx %arg6[%add3A_94, %broadcast_in_dim3A_200] : memref<2560x16xf32, #tpu.memory_space<vmem>>[vector<16xi32>, vector<16xi32>], vector<16xf32>,
          %swap3A_202 = arith.constant 9 : i32
          %swap3A_203 = arith.index_cast %select_n3A_112 : i32 to index
          %swap3A_204 = arith.index_cast %swap3A_202 : i32 to index
          %swap3A_205 = arith.index_cast %mul3A_129 : i32 to index
          %swap3A_206 = tpu.vector_load %arg7[%swap3A_203, %swap3A_204, %swap3A_205] {strides = array<i32>} : memref<20x16x128xf32, #tpu.memory_space<vmem>>, vector<16xf32>,
          tpu.vector_store %arg7[%swap3A_203, %swap3A_204, %swap3A_205], %gather3A_201 {strides = array<i32>} : memref<20x16x128xf32, #tpu.memory_space<vmem>>, vector<16xf32>,
          %broadcast_in_dim3A_207 = arith.constant 10 : i32
          %broadcast_in_dim3A_208 = vector.broadcast %broadcast_in_dim3A_207 : i32 to vector<16xi32>
          %gather3A_209 = tpu.vector_load_idx %arg6[%add3A_94, %broadcast_in_dim3A_208] : memref<2560x16xf32, #tpu.memory_space<vmem>>[vector<16xi32>, vector<16xi32>], vector<16xf32>,
          %swap3A_210 = arith.constant 10 : i32
          %swap3A_211 = arith.index_cast %select_n3A_112 : i32 to index
          %swap3A_212 = arith.index_cast %swap3A_210 : i32 to index
          %swap3A_213 = arith.index_cast %mul3A_129 : i32 to index
          %swap3A_214 = tpu.vector_load %arg7[%swap3A_211, %swap3A_212, %swap3A_213] {strides = array<i32>} : memref<20x16x128xf32, #tpu.memory_space<vmem>>, vector<16xf32>,
          tpu.vector_store %arg7[%swap3A_211, %swap3A_212, %swap3A_213], %gather3A_209 {strides = array<i32>} : memref<20x16x128xf32, #tpu.memory_space<vmem>>, vector<16xf32>,
          %broadcast_in_dim3A_215 = arith.constant 11 : i32
          %broadcast_in_dim3A_216 = vector.broadcast %broadcast_in_dim3A_215 : i32 to vector<16xi32>
          %gather3A_217 = tpu.vector_load_idx %arg6[%add3A_94, %broadcast_in_dim3A_216] : memref<2560x16xf32, #tpu.memory_space<vmem>>[vector<16xi32>, vector<16xi32>], vector<16xf32>,
          %swap3A_218 = arith.constant 11 : i32
          %swap3A_219 = arith.index_cast %select_n3A_112 : i32 to index
          %swap3A_220 = arith.index_cast %swap3A_218 : i32 to index
          %swap3A_221 = arith.index_cast %mul3A_129 : i32 to index
          %swap3A_222 = tpu.vector_load %arg7[%swap3A_219, %swap3A_220, %swap3A_221] {strides = array<i32>} : memref<20x16x128xf32, #tpu.memory_space<vmem>>, vector<16xf32>,
          tpu.vector_store %arg7[%swap3A_219, %swap3A_220, %swap3A_221], %gather3A_217 {strides = array<i32>} : memref<20x16x128xf32, #tpu.memory_space<vmem>>, vector<16xf32>,
          %broadcast_in_dim3A_223 = arith.constant 12 : i32
          %broadcast_in_dim3A_224 = vector.broadcast %broadcast_in_dim3A_223 : i32 to vector<16xi32>
          %gather3A_225 = tpu.vector_load_idx %arg6[%add3A_94, %broadcast_in_dim3A_224] : memref<2560x16xf32, #tpu.memory_space<vmem>>[vector<16xi32>, vector<16xi32>], vector<16xf32>,
          %swap3A_226 = arith.constant 12 : i32
          %swap3A_227 = arith.index_cast %select_n3A_112 : i32 to index
          %swap3A_228 = arith.index_cast %swap3A_226 : i32 to index
          %swap3A_229 = arith.index_cast %mul3A_129 : i32 to index
          %swap3A_230 = tpu.vector_load %arg7[%swap3A_227, %swap3A_228, %swap3A_229] {strides = array<i32>} : memref<20x16x128xf32, #tpu.memory_space<vmem>>, vector<16xf32>,
          tpu.vector_store %arg7[%swap3A_227, %swap3A_228, %swap3A_229], %gather3A_225 {strides = array<i32>} : memref<20x16x128xf32, #tpu.memory_space<vmem>>, vector<16xf32>,
          %broadcast_in_dim3A_231 = arith.constant 13 : i32
          %broadcast_in_dim3A_232 = vector.broadcast %broadcast_in_dim3A_231 : i32 to vector<16xi32>
          %gather3A_233 = tpu.vector_load_idx %arg6[%add3A_94, %broadcast_in_dim3A_232] : memref<2560x16xf32, #tpu.memory_space<vmem>>[vector<16xi32>, vector<16xi32>], vector<16xf32>,
          %swap3A_234 = arith.constant 13 : i32
          %swap3A_235 = arith.index_cast %select_n3A_112 : i32 to index
          %swap3A_236 = arith.index_cast %swap3A_234 : i32 to index
          %swap3A_237 = arith.index_cast %mul3A_129 : i32 to index
          %swap3A_238 = tpu.vector_load %arg7[%swap3A_235, %swap3A_236, %swap3A_237] {strides = array<i32>} : memref<20x16x128xf32, #tpu.memory_space<vmem>>, vector<16xf32>,
          tpu.vector_store %arg7[%swap3A_235, %swap3A_236, %swap3A_237], %gather3A_233 {strides = array<i32>} : memref<20x16x128xf32, #tpu.memory_space<vmem>>, vector<16xf32>,
          %broadcast_in_dim3A_239 = arith.constant 14 : i32
          %broadcast_in_dim3A_240 = vector.broadcast %broadcast_in_dim3A_239 : i32 to vector<16xi32>
          %gather3A_241 = tpu.vector_load_idx %arg6[%add3A_94, %broadcast_in_dim3A_240] : memref<2560x16xf32, #tpu.memory_space<vmem>>[vector<16xi32>, vector<16xi32>], vector<16xf32>,
          %swap3A_242 = arith.constant 14 : i32
          %swap3A_243 = arith.index_cast %select_n3A_112 : i32 to index
          %swap3A_244 = arith.index_cast %swap3A_242 : i32 to index
          %swap3A_245 = arith.index_cast %mul3A_129 : i32 to index
          %swap3A_246 = tpu.vector_load %arg7[%swap3A_243, %swap3A_244, %swap3A_245] {strides = array<i32>} : memref<20x16x128xf32, #tpu.memory_space<vmem>>, vector<16xf32>,
          tpu.vector_store %arg7[%swap3A_243, %swap3A_244, %swap3A_245], %gather3A_241 {strides = array<i32>} : memref<20x16x128xf32, #tpu.memory_space<vmem>>, vector<16xf32>,
          %broadcast_in_dim3A_247 = arith.constant 15 : i32
          %broadcast_in_dim3A_248 = vector.broadcast %broadcast_in_dim3A_247 : i32 to vector<16xi32>
          %gather3A_249 = tpu.vector_load_idx %arg6[%add3A_94, %broadcast_in_dim3A_248] : memref<2560x16xf32, #tpu.memory_space<vmem>>[vector<16xi32>, vector<16xi32>], vector<16xf32>,
          %swap3A_250 = arith.constant 15 : i32
          %swap3A_251 = arith.index_cast %select_n3A_112 : i32 to index
          %swap3A_252 = arith.index_cast %swap3A_250 : i32 to index
          %swap3A_253 = arith.index_cast %mul3A_129 : i32 to index
          %swap3A_254 = tpu.vector_load %arg7[%swap3A_251, %swap3A_252, %swap3A_253] {strides = array<i32>} : memref<20x16x128xf32, #tpu.memory_space<vmem>>, vector<16xf32>,
          tpu.vector_store %arg7[%swap3A_251, %swap3A_252, %swap3A_253], %gather3A_249 {strides = array<i32>} : memref<20x16x128xf32, #tpu.memory_space<vmem>>, vector<16xf32>,
          %mul3A_255 = arith.constant 2 : i32
          %mul3A_256 = arith.muli %mul3A_255, %scan3A_86 : i32
          %add3A_257 = arith.constant 1 : i32
          %add3A_258 = arith.addi %mul3A_256, %add3A_257 : i32
          %mul3A_259 = arith.constant 16 : i32
          %mul3A_260 = arith.muli %add3A_258, %mul3A_259 : i32
          %add3A_261 = vector.broadcast %mul3A_260 : i32 to vector<16xi32>
          %add3A_262 = arith.addi %add3A_261, %iota3A : vector<16xi32>
          %jit3A_263 = arith.constant 8 : i32
          %div3A_264 = arith.divsi %add3A_258, %jit3A_263 : i32
          %sign3A_265 = arith.constant 0 : i32
          %sign3A_266 = arith.cmpi sgt, %add3A_258, %sign3A_265 : i32
          %sign3A_267 = arith.extui %sign3A_266 : i1 to i32
          %sign3A_268 = arith.constant 0 : i32
          %sign3A_269 = arith.cmpi slt, %add3A_258, %sign3A_268 : i32
          %sign3A_270 = arith.extui %sign3A_269 : i1 to i32
          %sign3A_271 = arith.subi %sign3A_267, %sign3A_270 : i32
          %sign3A_272 = arith.constant 0 : i32
          %sign3A_273 = arith.cmpi sgt, %jit3A_263, %sign3A_272 : i32
          %sign3A_274 = arith.extui %sign3A_273 : i1 to i32
          %sign3A_275 = arith.constant 0 : i32
          %sign3A_276 = arith.cmpi slt, %jit3A_263, %sign3A_275 : i32
          %sign3A_277 = arith.extui %sign3A_276 : i1 to i32
          %sign3A_278 = arith.subi %sign3A_274, %sign3A_277 : i32
          %ne3A_279 = arith.cmpi ne, %sign3A_271, %sign3A_278 : i32
          %rem3A_280 = arith.remsi %add3A_258, %jit3A_263 : i32
          %ne3A_281 = arith.constant 0 : i32
          %ne3A_282 = arith.cmpi ne, %rem3A_280, %ne3A_281 : i32
          %and3A_283 = arith.andi %ne3A_279, %ne3A_282 : i1
          %sub3A_284 = arith.constant 1 : i32
          %sub3A_285 = arith.subi %div3A_264, %sub3A_284 : i32
          %select_n3A_286 = arith.select %and3A_283, %sub3A_285, %div3A_264 : i32
          %jit3A_287 = arith.constant 8 : i32
          %eq3A_288 = arith.constant 0 : i32
          %eq3A_289 = arith.cmpi eq, %jit3A_287, %eq3A_288 : i32
          %jit3A_290 = arith.constant 1 : i32
          %select_n3A_291 = arith.select %eq3A_289, %jit3A_290, %jit3A_287 : i32
          %rem3A_292 = arith.remsi %add3A_258, %select_n3A_291 : i32
          %ne3A_293 = arith.constant 0 : i32
          %ne3A_294 = arith.cmpi ne, %rem3A_292, %ne3A_293 : i32
          %lt3A_295 = arith.constant 0 : i32
          %lt3A_296 = arith.cmpi slt, %rem3A_292, %lt3A_295 : i32
          %lt3A_297 = arith.constant 0 : i32
          %lt3A_298 = arith.cmpi slt, %select_n3A_291, %lt3A_297 : i32
          %ne3A_299 = arith.xori %lt3A_296, %lt3A_298 : i1
          %and3A_300 = arith.andi %ne3A_299, %ne3A_294 : i1
          %add3A_301 = arith.addi %rem3A_292, %select_n3A_291 : i32
          %select_n3A_302 = arith.select %and3A_300, %add3A_301, %rem3A_292 : i32
          %mul3A_303 = arith.constant 16 : i32
          %mul3A_304 = arith.muli %select_n3A_302, %mul3A_303 : i32
          %broadcast_in_dim3A_305 = arith.constant 0 : i32
          %broadcast_in_dim3A_306 = vector.broadcast %broadcast_in_dim3A_305 : i32 to vector<16xi32>
          %gather3A_307 = tpu.vector_load_idx %arg6[%add3A_262, %broadcast_in_dim3A_306] : memref<2560x16xf32, #tpu.memory_space<vmem>>[vector<16xi32>, vector<16xi32>], vector<16xf32>,
          %swap3A_308 = arith.constant 0 : i32
          %swap3A_309 = arith.index_cast %select_n3A_286 : i32 to index
          %swap3A_310 = arith.index_cast %swap3A_308 : i32 to index
          %swap3A_311 = arith.index_cast %mul3A_304 : i32 to index
          %swap3A_312 = tpu.vector_load %arg7[%swap3A_309, %swap3A_310, %swap3A_311] {strides = array<i32>} : memref<20x16x128xf32, #tpu.memory_space<vmem>>, vector<16xf32>,
          tpu.vector_store %arg7[%swap3A_309, %swap3A_310, %swap3A_311], %gather3A_307 {strides = array<i32>} : memref<20x16x128xf32, #tpu.memory_space<vmem>>, vector<16xf32>,
          %broadcast_in_dim3A_313 = arith.constant 1 : i32
          %broadcast_in_dim3A_314 = vector.broadcast %broadcast_in_dim3A_313 : i32 to vector<16xi32>
          %gather3A_315 = tpu.vector_load_idx %arg6[%add3A_262, %broadcast_in_dim3A_314] : memref<2560x16xf32, #tpu.memory_space<vmem>>[vector<16xi32>, vector<16xi32>], vector<16xf32>,
          %swap3A_316 = arith.constant 1 : i32
          %swap3A_317 = arith.index_cast %select_n3A_286 : i32 to index
          %swap3A_318 = arith.index_cast %swap3A_316 : i32 to index
          %swap3A_319 = arith.index_cast %mul3A_304 : i32 to index
          %swap3A_320 = tpu.vector_load %arg7[%swap3A_317, %swap3A_318, %swap3A_319] {strides = array<i32>} : memref<20x16x128xf32, #tpu.memory_space<vmem>>, vector<16xf32>,
          tpu.vector_store %arg7[%swap3A_317, %swap3A_318, %swap3A_319], %gather3A_315 {strides = array<i32>} : memref<20x16x128xf32, #tpu.memory_space<vmem>>, vector<16xf32>,
          %broadcast_in_dim3A_321 = arith.constant 2 : i32
          %broadcast_in_dim3A_322 = vector.broadcast %broadcast_in_dim3A_321 : i32 to vector<16xi32>
          %gather3A_323 = tpu.vector_load_idx %arg6[%add3A_262, %broadcast_in_dim3A_322] : memref<2560x16xf32, #tpu.memory_space<vmem>>[vector<16xi32>, vector<16xi32>], vector<16xf32>,
          %swap3A_324 = arith.constant 2 : i32
          %swap3A_325 = arith.index_cast %select_n3A_286 : i32 to index
          %swap3A_326 = arith.index_cast %swap3A_324 : i32 to index
          %swap3A_327 = arith.index_cast %mul3A_304 : i32 to index
          %swap3A_328 = tpu.vector_load %arg7[%swap3A_325, %swap3A_326, %swap3A_327] {strides = array<i32>} : memref<20x16x128xf32, #tpu.memory_space<vmem>>, vector<16xf32>,
          tpu.vector_store %arg7[%swap3A_325, %swap3A_326, %swap3A_327], %gather3A_323 {strides = array<i32>} : memref<20x16x128xf32, #tpu.memory_space<vmem>>, vector<16xf32>,
          %broadcast_in_dim3A_329 = arith.constant 3 : i32
          %broadcast_in_dim3A_330 = vector.broadcast %broadcast_in_dim3A_329 : i32 to vector<16xi32>
          %gather3A_331 = tpu.vector_load_idx %arg6[%add3A_262, %broadcast_in_dim3A_330] : memref<2560x16xf32, #tpu.memory_space<vmem>>[vector<16xi32>, vector<16xi32>], vector<16xf32>,
          %swap3A_332 = arith.constant 3 : i32
          %swap3A_333 = arith.index_cast %select_n3A_286 : i32 to index
          %swap3A_334 = arith.index_cast %swap3A_332 : i32 to index
          %swap3A_335 = arith.index_cast %mul3A_304 : i32 to index
          %swap3A_336 = tpu.vector_load %arg7[%swap3A_333, %swap3A_334, %swap3A_335] {strides = array<i32>} : memref<20x16x128xf32, #tpu.memory_space<vmem>>, vector<16xf32>,
          tpu.vector_store %arg7[%swap3A_333, %swap3A_334, %swap3A_335], %gather3A_331 {strides = array<i32>} : memref<20x16x128xf32, #tpu.memory_space<vmem>>, vector<16xf32>,
          %broadcast_in_dim3A_337 = arith.constant 4 : i32
          %broadcast_in_dim3A_338 = vector.broadcast %broadcast_in_dim3A_337 : i32 to vector<16xi32>
          %gather3A_339 = tpu.vector_load_idx %arg6[%add3A_262, %broadcast_in_dim3A_338] : memref<2560x16xf32, #tpu.memory_space<vmem>>[vector<16xi32>, vector<16xi32>], vector<16xf32>,
          %swap3A_340 = arith.constant 4 : i32
          %swap3A_341 = arith.index_cast %select_n3A_286 : i32 to index
          %swap3A_342 = arith.index_cast %swap3A_340 : i32 to index
          %swap3A_343 = arith.index_cast %mul3A_304 : i32 to index
          %swap3A_344 = tpu.vector_load %arg7[%swap3A_341, %swap3A_342, %swap3A_343] {strides = array<i32>} : memref<20x16x128xf32, #tpu.memory_space<vmem>>, vector<16xf32>,
          tpu.vector_store %arg7[%swap3A_341, %swap3A_342, %swap3A_343], %gather3A_339 {strides = array<i32>} : memref<20x16x128xf32, #tpu.memory_space<vmem>>, vector<16xf32>,
          %broadcast_in_dim3A_345 = arith.constant 5 : i32
          %broadcast_in_dim3A_346 = vector.broadcast %broadcast_in_dim3A_345 : i32 to vector<16xi32>
          %gather3A_347 = tpu.vector_load_idx %arg6[%add3A_262, %broadcast_in_dim3A_346] : memref<2560x16xf32, #tpu.memory_space<vmem>>[vector<16xi32>, vector<16xi32>], vector<16xf32>,
          %swap3A_348 = arith.constant 5 : i32
          %swap3A_349 = arith.index_cast %select_n3A_286 : i32 to index
          %swap3A_350 = arith.index_cast %swap3A_348 : i32 to index
          %swap3A_351 = arith.index_cast %mul3A_304 : i32 to index
          %swap3A_352 = tpu.vector_load %arg7[%swap3A_349, %swap3A_350, %swap3A_351] {strides = array<i32>} : memref<20x16x128xf32, #tpu.memory_space<vmem>>, vector<16xf32>,
          tpu.vector_store %arg7[%swap3A_349, %swap3A_350, %swap3A_351], %gather3A_347 {strides = array<i32>} : memref<20x16x128xf32, #tpu.memory_space<vmem>>, vector<16xf32>,
          %broadcast_in_dim3A_353 = arith.constant 6 : i32
          %broadcast_in_dim3A_354 = vector.broadcast %broadcast_in_dim3A_353 : i32 to vector<16xi32>
          %gather3A_355 = tpu.vector_load_idx %arg6[%add3A_262, %broadcast_in_dim3A_354] : memref<2560x16xf32, #tpu.memory_space<vmem>>[vector<16xi32>, vector<16xi32>], vector<16xf32>,
          %swap3A_356 = arith.constant 6 : i32
          %swap3A_357 = arith.index_cast %select_n3A_286 : i32 to index
          %swap3A_358 = arith.index_cast %swap3A_356 : i32 to index
          %swap3A_359 = arith.index_cast %mul3A_304 : i32 to index
          %swap3A_360 = tpu.vector_load %arg7[%swap3A_357, %swap3A_358, %swap3A_359] {strides = array<i32>} : memref<20x16x128xf32, #tpu.memory_space<vmem>>, vector<16xf32>,
          tpu.vector_store %arg7[%swap3A_357, %swap3A_358, %swap3A_359], %gather3A_355 {strides = array<i32>} : memref<20x16x128xf32, #tpu.memory_space<vmem>>, vector<16xf32>,
          %broadcast_in_dim3A_361 = arith.constant 7 : i32
          %broadcast_in_dim3A_362 = vector.broadcast %broadcast_in_dim3A_361 : i32 to vector<16xi32>
          %gather3A_363 = tpu.vector_load_idx %arg6[%add3A_262, %broadcast_in_dim3A_362] : memref<2560x16xf32, #tpu.memory_space<vmem>>[vector<16xi32>, vector<16xi32>], vector<16xf32>,
          %swap3A_364 = arith.constant 7 : i32
          %swap3A_365 = arith.index_cast %select_n3A_286 : i32 to index
          %swap3A_366 = arith.index_cast %swap3A_364 : i32 to index
          %swap3A_367 = arith.index_cast %mul3A_304 : i32 to index
          %swap3A_368 = tpu.vector_load %arg7[%swap3A_365, %swap3A_366, %swap3A_367] {strides = array<i32>} : memref<20x16x128xf32, #tpu.memory_space<vmem>>, vector<16xf32>,
          tpu.vector_store %arg7[%swap3A_365, %swap3A_366, %swap3A_367], %gather3A_363 {strides = array<i32>} : memref<20x16x128xf32, #tpu.memory_space<vmem>>, vector<16xf32>,
          %broadcast_in_dim3A_369 = arith.constant 8 : i32
          %broadcast_in_dim3A_370 = vector.broadcast %broadcast_in_dim3A_369 : i32 to vector<16xi32>
          %gather3A_371 = tpu.vector_load_idx %arg6[%add3A_262, %broadcast_in_dim3A_370] : memref<2560x16xf32, #tpu.memory_space<vmem>>[vector<16xi32>, vector<16xi32>], vector<16xf32>,
          %swap3A_372 = arith.constant 8 : i32
          %swap3A_373 = arith.index_cast %select_n3A_286 : i32 to index
          %swap3A_374 = arith.index_cast %swap3A_372 : i32 to index
          %swap3A_375 = arith.index_cast %mul3A_304 : i32 to index
          %swap3A_376 = tpu.vector_load %arg7[%swap3A_373, %swap3A_374, %swap3A_375] {strides = array<i32>} : memref<20x16x128xf32, #tpu.memory_space<vmem>>, vector<16xf32>,
          tpu.vector_store %arg7[%swap3A_373, %swap3A_374, %swap3A_375], %gather3A_371 {strides = array<i32>} : memref<20x16x128xf32, #tpu.memory_space<vmem>>, vector<16xf32>,
          %broadcast_in_dim3A_377 = arith.constant 9 : i32
          %broadcast_in_dim3A_378 = vector.broadcast %broadcast_in_dim3A_377 : i32 to vector<16xi32>
          %gather3A_379 = tpu.vector_load_idx %arg6[%add3A_262, %broadcast_in_dim3A_378] : memref<2560x16xf32, #tpu.memory_space<vmem>>[vector<16xi32>, vector<16xi32>], vector<16xf32>,
          %swap3A_380 = arith.constant 9 : i32
          %swap3A_381 = arith.index_cast %select_n3A_286 : i32 to index
          %swap3A_382 = arith.index_cast %swap3A_380 : i32 to index
          %swap3A_383 = arith.index_cast %mul3A_304 : i32 to index
          %swap3A_384 = tpu.vector_load %arg7[%swap3A_381, %swap3A_382, %swap3A_383] {strides = array<i32>} : memref<20x16x128xf32, #tpu.memory_space<vmem>>, vector<16xf32>,
          tpu.vector_store %arg7[%swap3A_381, %swap3A_382, %swap3A_383], %gather3A_379 {strides = array<i32>} : memref<20x16x128xf32, #tpu.memory_space<vmem>>, vector<16xf32>,
          %broadcast_in_dim3A_385 = arith.constant 10 : i32
          %broadcast_in_dim3A_386 = vector.broadcast %broadcast_in_dim3A_385 : i32 to vector<16xi32>
          %gather3A_387 = tpu.vector_load_idx %arg6[%add3A_262, %broadcast_in_dim3A_386] : memref<2560x16xf32, #tpu.memory_space<vmem>>[vector<16xi32>, vector<16xi32>], vector<16xf32>,
          %swap3A_388 = arith.constant 10 : i32
          %swap3A_389 = arith.index_cast %select_n3A_286 : i32 to index
          %swap3A_390 = arith.index_cast %swap3A_388 : i32 to index
          %swap3A_391 = arith.index_cast %mul3A_304 : i32 to index
          %swap3A_392 = tpu.vector_load %arg7[%swap3A_389, %swap3A_390, %swap3A_391] {strides = array<i32>} : memref<20x16x128xf32, #tpu.memory_space<vmem>>, vector<16xf32>,
          tpu.vector_store %arg7[%swap3A_389, %swap3A_390, %swap3A_391], %gather3A_387 {strides = array<i32>} : memref<20x16x128xf32, #tpu.memory_space<vmem>>, vector<16xf32>,
          %broadcast_in_dim3A_393 = arith.constant 11 : i32
          %broadcast_in_dim3A_394 = vector.broadcast %broadcast_in_dim3A_393 : i32 to vector<16xi32>
          %gather3A_395 = tpu.vector_load_idx %arg6[%add3A_262, %broadcast_in_dim3A_394] : memref<2560x16xf32, #tpu.memory_space<vmem>>[vector<16xi32>, vector<16xi32>], vector<16xf32>,
          %swap3A_396 = arith.constant 11 : i32
          %swap3A_397 = arith.index_cast %select_n3A_286 : i32 to index
          %swap3A_398 = arith.index_cast %swap3A_396 : i32 to index
          %swap3A_399 = arith.index_cast %mul3A_304 : i32 to index
          %swap3A_400 = tpu.vector_load %arg7[%swap3A_397, %swap3A_398, %swap3A_399] {strides = array<i32>} : memref<20x16x128xf32, #tpu.memory_space<vmem>>, vector<16xf32>,
          tpu.vector_store %arg7[%swap3A_397, %swap3A_398, %swap3A_399], %gather3A_395 {strides = array<i32>} : memref<20x16x128xf32, #tpu.memory_space<vmem>>, vector<16xf32>,
          %broadcast_in_dim3A_401 = arith.constant 12 : i32
          %broadcast_in_dim3A_402 = vector.broadcast %broadcast_in_dim3A_401 : i32 to vector<16xi32>
          %gather3A_403 = tpu.vector_load_idx %arg6[%add3A_262, %broadcast_in_dim3A_402] : memref<2560x16xf32, #tpu.memory_space<vmem>>[vector<16xi32>, vector<16xi32>], vector<16xf32>,
          %swap3A_404 = arith.constant 12 : i32
          %swap3A_405 = arith.index_cast %select_n3A_286 : i32 to index
          %swap3A_406 = arith.index_cast %swap3A_404 : i32 to index
          %swap3A_407 = arith.index_cast %mul3A_304 : i32 to index
          %swap3A_408 = tpu.vector_load %arg7[%swap3A_405, %swap3A_406, %swap3A_407] {strides = array<i32>} : memref<20x16x128xf32, #tpu.memory_space<vmem>>, vector<16xf32>,
          tpu.vector_store %arg7[%swap3A_405, %swap3A_406, %swap3A_407], %gather3A_403 {strides = array<i32>} : memref<20x16x128xf32, #tpu.memory_space<vmem>>, vector<16xf32>,
          %broadcast_in_dim3A_409 = arith.constant 13 : i32
          %broadcast_in_dim3A_410 = vector.broadcast %broadcast_in_dim3A_409 : i32 to vector<16xi32>
          %gather3A_411 = tpu.vector_load_idx %arg6[%add3A_262, %broadcast_in_dim3A_410] : memref<2560x16xf32, #tpu.memory_space<vmem>>[vector<16xi32>, vector<16xi32>], vector<16xf32>,
          %swap3A_412 = arith.constant 13 : i32
          %swap3A_413 = arith.index_cast %select_n3A_286 : i32 to index
          %swap3A_414 = arith.index_cast %swap3A_412 : i32 to index
          %swap3A_415 = arith.index_cast %mul3A_304 : i32 to index
          %swap3A_416 = tpu.vector_load %arg7[%swap3A_413, %swap3A_414, %swap3A_415] {strides = array<i32>} : memref<20x16x128xf32, #tpu.memory_space<vmem>>, vector<16xf32>,
          tpu.vector_store %arg7[%swap3A_413, %swap3A_414, %swap3A_415], %gather3A_411 {strides = array<i32>} : memref<20x16x128xf32, #tpu.memory_space<vmem>>, vector<16xf32>,
          %broadcast_in_dim3A_417 = arith.constant 14 : i32
          %broadcast_in_dim3A_418 = vector.broadcast %broadcast_in_dim3A_417 : i32 to vector<16xi32>
          %gather3A_419 = tpu.vector_load_idx %arg6[%add3A_262, %broadcast_in_dim3A_418] : memref<2560x16xf32, #tpu.memory_space<vmem>>[vector<16xi32>, vector<16xi32>], vector<16xf32>,
          %swap3A_420 = arith.constant 14 : i32
          %swap3A_421 = arith.index_cast %select_n3A_286 : i32 to index
          %swap3A_422 = arith.index_cast %swap3A_420 : i32 to index
          %swap3A_423 = arith.index_cast %mul3A_304 : i32 to index
          %swap3A_424 = tpu.vector_load %arg7[%swap3A_421, %swap3A_422, %swap3A_423] {strides = array<i32>} : memref<20x16x128xf32, #tpu.memory_space<vmem>>, vector<16xf32>,
          tpu.vector_store %arg7[%swap3A_421, %swap3A_422, %swap3A_423], %gather3A_419 {strides = array<i32>} : memref<20x16x128xf32, #tpu.memory_space<vmem>>, vector<16xf32>,
          %broadcast_in_dim3A_425 = arith.constant 15 : i32
          %broadcast_in_dim3A_426 = vector.broadcast %broadcast_in_dim3A_425 : i32 to vector<16xi32>
          %gather3A_427 = tpu.vector_load_idx %arg6[%add3A_262, %broadcast_in_dim3A_426] : memref<2560x16xf32, #tpu.memory_space<vmem>>[vector<16xi32>, vector<16xi32>], vector<16xf32>,
          %swap3A_428 = arith.constant 15 : i32
          %swap3A_429 = arith.index_cast %select_n3A_286 : i32 to index
          %swap3A_430 = arith.index_cast %swap3A_428 : i32 to index
          %swap3A_431 = arith.index_cast %mul3A_304 : i32 to index
          %swap3A_432 = tpu.vector_load %arg7[%swap3A_429, %swap3A_430, %swap3A_431] {strides = array<i32>} : memref<20x16x128xf32, #tpu.memory_space<vmem>>, vector<16xf32>,
          tpu.vector_store %arg7[%swap3A_429, %swap3A_430, %swap3A_431], %gather3A_427 {strides = array<i32>} : memref<20x16x128xf32, #tpu.memory_space<vmem>>, vector<16xf32>,
        }
        %scan3A_83 = arith.constant 80 : i32
        %mul3A_84 = arith.constant 20 : i32
        %mul3A_85 = arith.muli %mul3A_84, %add3A_64 : i32
        "tpu.region"() ({
          %run_scoped3A = tpu.sem_alloc : memref<!tpu.dma_semaphore, #tpu.memory_space<semaphore_mem>>
          %dma_start3A_86 = arith.constant 0 : i32
          %dma_start3A_87 = arith.constant 0 : i32
          %dma_start3A_88 = tpu.memref_slice %arg4[%mul3A_85, %dma_start3A_86, %dma_start3A_87] : memref<2500x16x128xf32, #tpu.memory_space<hbm>> -> memref<20x16x128xf32, #tpu.memory_space<hbm>>
          %dma_start3A_89 = arith.constant 0 : i32
          %dma_start3A_90 = arith.constant 0 : i32
          %dma_start3A_91 = tpu.memref_slice %arg4[%mul3A_85, %dma_start3A_89, %dma_start3A_90] : memref<2500x16x128xf32, #tpu.memory_space<hbm>> -> memref<20x16x128xf32, #tpu.memory_space<hbm>>
          tpu.enqueue_dma source(%arg7 : memref<20x16x128xf32, #tpu.memory_space<vmem>>) target(%dma_start3A_91 : memref<20x16x128xf32, #tpu.memory_space<hbm>>) target_semaphore(%run_scoped3A : memref<!tpu.dma_semaphore, #tpu.memory_space<semaphore_mem>>)
          %dma_wait3A_92 = arith.constant 0 : i32
          %dma_wait3A_93 = arith.constant 0 : i32
          %dma_wait3A_94 = tpu.memref_slice %arg4[%mul3A_85, %dma_wait3A_92, %dma_wait3A_93] : memref<2500x16x128xf32, #tpu.memory_space<hbm>> -> memref<20x16x128xf32, #tpu.memory_space<hbm>>
          %dma_wait3A_95 = arith.constant 0 : i32
          %dma_wait3A_96 = arith.constant 0 : i32
          %dma_wait3A_97 = tpu.memref_slice %arg4[%mul3A_85, %dma_wait3A_95, %dma_wait3A_96] : memref<2500x16x128xf32, #tpu.memory_space<hbm>> -> memref<20x16x128xf32, #tpu.memory_space<hbm>>
          tpu.wait_dma2 semaphore(%run_scoped3A : memref<!tpu.dma_semaphore, #tpu.memory_space<semaphore_mem>>) src(%arg7 : memref<20x16x128xf32, #tpu.memory_space<vmem>>) dst(%dma_wait3A_97 : memref<20x16x128xf32, #tpu.memory_space<hbm>>)
          tpu.yield
        }) : () -> ()
      } else {
      }
    }
    %scan3A_60 = arith.constant 4 : i32
    return
  }
}

module attributes {stable_mosaic.version = 14 : i64} {
  func.func @_xs_body(%arg0: i32, %arg1: memref<2000x128xf32, #tpu.memory_space<vmem>>, %arg2: memref<16x128xf32, #tpu.memory_space<vmem>>, %arg3: memref<2000x16xf32, #tpu.memory_space<vmem>>) attributes {dimension_semantics = [#tpu.dimension_semantics<arbitrary>], iteration_bounds = array<i64: 5>, scalar_prefetch = 0 : i64, scratch_operands = 0 : i64, tpu.core_type = #tpu.core_type<tc>, window_params = [{transform_indices = @transform_0, window_bounds = array<i64: 2000, 128>}, {pipeline_mode = #tpu.pipeline_mode<synchronous>, transform_indices = @transform_1, window_bounds = array<i64: 16, 128>}, {transform_indices = @transform_2, window_bounds = array<i64: 2000, 16>}]} {
    %get3A = arith.constant 0 : index
    %get3A_0 = arith.constant 0 : index
    %get3A_1 = vector.load %arg1[%get3A, %get3A_0] : memref<2000x128xf32, #tpu.memory_space<vmem>>, vector<2000x128xf32>
    %get3A_2 = arith.constant 0 : index
    %get3A_3 = arith.constant 0 : index
    %get3A_4 = vector.load %arg2[%get3A_2, %get3A_3] : memref<16x128xf32, #tpu.memory_space<vmem>>, vector<16x128xf32>
    %transpose3A = tpu.transpose %get3A_4, [1, 0] : vector<16x128xf32> -> vector<128x16xf32>
    %dot_general3A = arith.constant dense<0.000000e+00> : vector<2000x16xf32>
    %dot_general3A_5 = tpu.matmul %get3A_1, %transpose3A, %dot_general3A {dimension_numbers = #tpu.dot_dimension_numbers<[1], [0], [0], [1], [0, 0, 1, 1], [], []>, transpose_lhs_hint = false} : vector<2000x128xf32>, vector<128x16xf32>, vector<2000x16xf32> -> vector<2000x16xf32>
    %swap3A = arith.constant 0 : index
    %swap3A_6 = arith.constant 0 : index
    %swap3A_7 = vector.load %arg3[%swap3A, %swap3A_6] : memref<2000x16xf32, #tpu.memory_space<vmem>>, vector<2000x16xf32>
    tpu.vector_store %arg3[%swap3A, %swap3A_6], %dot_general3A_5 {strides = array<i32>} : memref<2000x16xf32, #tpu.memory_space<vmem>>, vector<2000x16xf32>,
    return
  }
  func.func @transform_0(%arg0: i32) -> (i32, i32) {
    %c0_i32 = arith.constant 0 : i32
    %c0_i32_0 = arith.constant 0 : i32
    return %arg0, %c0_i32 : i32, i32
  }
  func.func @transform_1(%arg0: i32) -> (i32, i32) {
    %c0_i32 = arith.constant 0 : i32
    %c0_i32_0 = arith.constant 0 : i32
    %c0_i32_1 = arith.constant 0 : i32
    return %c0_i32, %c0_i32_0 : i32, i32
  }
  func.func @transform_2(%arg0: i32) -> (i32, i32) {
    %c0_i32 = arith.constant 0 : i32
    %c0_i32_0 = arith.constant 0 : i32
    return %arg0, %c0_i32 : i32, i32
  }
}

module attributes {stable_mosaic.version = 14 : i64} {
  func.func @_eat_body(%arg0: i32, %arg1: memref<16x12800xf32, #tpu.memory_space<vmem>>, %arg2: memref<16x16xf32, #tpu.memory_space<vmem>>, %arg3: memref<16x1xf32, #tpu.memory_space<vmem>>, %arg4: memref<100x16x128xf32, #tpu.memory_space<vmem>>) attributes {dimension_semantics = [#tpu.dimension_semantics<arbitrary>], iteration_bounds = array<i64: 25>, scalar_prefetch = 0 : i64, scratch_operands = 0 : i64, tpu.core_type = #tpu.core_type<tc>, window_params = [{transform_indices = @transform_0, window_bounds = array<i64: 16, 12800>}, {pipeline_mode = #tpu.pipeline_mode<synchronous>, transform_indices = @transform_1, window_bounds = array<i64: 16, 16>}, {pipeline_mode = #tpu.pipeline_mode<synchronous>, transform_indices = @transform_2, window_bounds = array<i64: 16, 1>}, {transform_indices = @transform_3, window_bounds = array<i64: 100, 16, 128>}]} {
    %get3A = arith.constant 0 : index
    %get3A_0 = arith.constant 0 : index
    %get3A_1 = vector.load %arg2[%get3A, %get3A_0] : memref<16x16xf32, #tpu.memory_space<vmem>>, vector<16x16xf32>
    %get3A_2 = arith.constant 0 : index
    %get3A_3 = arith.constant 0 : index
    %get3A_4 = vector.load %arg1[%get3A_2, %get3A_3] : memref<16x12800xf32, #tpu.memory_space<vmem>>, vector<16x128xf32>
    %dot_general3A = arith.constant dense<0.000000e+00> : vector<16x128xf32>
    %dot_general3A_5 = tpu.matmul %get3A_1, %get3A_4, %dot_general3A {dimension_numbers = #tpu.dot_dimension_numbers<[1], [0], [0], [1], [0, 0, 1, 1], [], []>, transpose_lhs_hint = false} : vector<16x16xf32>, vector<16x128xf32>, vector<16x128xf32> -> vector<16x128xf32>
    %get3A_6 = arith.constant 0 : index
    %get3A_7 = arith.constant 0 : index
    %get3A_8 = vector.load %arg3[%get3A_6, %get3A_7] : memref<16x1xf32, #tpu.memory_space<vmem>>, vector<16x1xf32>
    %add3A = vector.broadcast %get3A_8 : vector<16x1xf32> to vector<16x128xf32>
    %add3A_9 = arith.addf %dot_general3A_5, %add3A : vector<16x128xf32>
    %swap3A = arith.constant 0 : index
    %swap3A_10 = arith.constant 0 : index
    %swap3A_11 = arith.constant 0 : index
    %swap3A_12 = vector.load %arg4[%swap3A, %swap3A_10, %swap3A_11] : memref<100x16x128xf32, #tpu.memory_space<vmem>>, vector<1x16x128xf32>
    %swap3A_13 = vector.shape_cast %swap3A_12 : vector<1x16x128xf32> to vector<16x128xf32>
    %swap3A_14 = vector.shape_cast %add3A_9 : vector<16x128xf32> to vector<1x16x128xf32>
    tpu.vector_store %arg4[%swap3A, %swap3A_10, %swap3A_11], %swap3A_14 {strides = array<i32>} : memref<100x16x128xf32, #tpu.memory_space<vmem>>, vector<1x16x128xf32>,
    %get3A_15 = arith.constant 0 : index
    %get3A_16 = arith.constant 0 : index
    %get3A_17 = vector.load %arg2[%get3A_15, %get3A_16] : memref<16x16xf32, #tpu.memory_space<vmem>>, vector<16x16xf32>
    %get3A_18 = arith.constant 0 : index
    %get3A_19 = arith.constant 128 : index
    %get3A_20 = vector.load %arg1[%get3A_18, %get3A_19] : memref<16x12800xf32, #tpu.memory_space<vmem>>, vector<16x128xf32>
    %dot_general3A_21 = arith.constant dense<0.000000e+00> : vector<16x128xf32>
    %dot_general3A_22 = tpu.matmul %get3A_17, %get3A_20, %dot_general3A_21 {dimension_numbers = #tpu.dot_dimension_numbers<[1], [0], [0], [1], [0, 0, 1, 1], [], []>, transpose_lhs_hint = false} : vector<16x16xf32>, vector<16x128xf32>, vector<16x128xf32> -> vector<16x128xf32>
    %get3A_23 = arith.constant 0 : index
    %get3A_24 = arith.constant 0 : index
    %get3A_25 = vector.load %arg3[%get3A_23, %get3A_24] : memref<16x1xf32, #tpu.memory_space<vmem>>, vector<16x1xf32>
    %add3A_26 = vector.broadcast %get3A_25 : vector<16x1xf32> to vector<16x128xf32>
    %add3A_27 = arith.addf %dot_general3A_22, %add3A_26 : vector<16x128xf32>
    %swap3A_28 = arith.constant 1 : index
    %swap3A_29 = arith.constant 0 : index
    %swap3A_30 = arith.constant 0 : index
    %swap3A_31 = vector.load %arg4[%swap3A_28, %swap3A_29, %swap3A_30] : memref<100x16x128xf32, #tpu.memory_space<vmem>>, vector<1x16x128xf32>
    %swap3A_32 = vector.shape_cast %swap3A_31 : vector<1x16x128xf32> to vector<16x128xf32>
    %swap3A_33 = vector.shape_cast %add3A_27 : vector<16x128xf32> to vector<1x16x128xf32>
    tpu.vector_store %arg4[%swap3A_28, %swap3A_29, %swap3A_30], %swap3A_33 {strides = array<i32>} : memref<100x16x128xf32, #tpu.memory_space<vmem>>, vector<1x16x128xf32>,
    %get3A_34 = arith.constant 0 : index
    %get3A_35 = arith.constant 0 : index
    %get3A_36 = vector.load %arg2[%get3A_34, %get3A_35] : memref<16x16xf32, #tpu.memory_space<vmem>>, vector<16x16xf32>
    %get3A_37 = arith.constant 0 : index
    %get3A_38 = arith.constant 256 : index
    %get3A_39 = vector.load %arg1[%get3A_37, %get3A_38] : memref<16x12800xf32, #tpu.memory_space<vmem>>, vector<16x128xf32>
    %dot_general3A_40 = arith.constant dense<0.000000e+00> : vector<16x128xf32>
    %dot_general3A_41 = tpu.matmul %get3A_36, %get3A_39, %dot_general3A_40 {dimension_numbers = #tpu.dot_dimension_numbers<[1], [0], [0], [1], [0, 0, 1, 1], [], []>, transpose_lhs_hint = false} : vector<16x16xf32>, vector<16x128xf32>, vector<16x128xf32> -> vector<16x128xf32>
    %get3A_42 = arith.constant 0 : index
    %get3A_43 = arith.constant 0 : index
    %get3A_44 = vector.load %arg3[%get3A_42, %get3A_43] : memref<16x1xf32, #tpu.memory_space<vmem>>, vector<16x1xf32>
    %add3A_45 = vector.broadcast %get3A_44 : vector<16x1xf32> to vector<16x128xf32>
    %add3A_46 = arith.addf %dot_general3A_41, %add3A_45 : vector<16x128xf32>
    %swap3A_47 = arith.constant 2 : index
    %swap3A_48 = arith.constant 0 : index
    %swap3A_49 = arith.constant 0 : index
    %swap3A_50 = vector.load %arg4[%swap3A_47, %swap3A_48, %swap3A_49] : memref<100x16x128xf32, #tpu.memory_space<vmem>>, vector<1x16x128xf32>
    %swap3A_51 = vector.shape_cast %swap3A_50 : vector<1x16x128xf32> to vector<16x128xf32>
    %swap3A_52 = vector.shape_cast %add3A_46 : vector<16x128xf32> to vector<1x16x128xf32>
    tpu.vector_store %arg4[%swap3A_47, %swap3A_48, %swap3A_49], %swap3A_52 {strides = array<i32>} : memref<100x16x128xf32, #tpu.memory_space<vmem>>, vector<1x16x128xf32>,
    %get3A_53 = arith.constant 0 : index
    %get3A_54 = arith.constant 0 : index
    %get3A_55 = vector.load %arg2[%get3A_53, %get3A_54] : memref<16x16xf32, #tpu.memory_space<vmem>>, vector<16x16xf32>
    %get3A_56 = arith.constant 0 : index
    %get3A_57 = arith.constant 384 : index
    %get3A_58 = vector.load %arg1[%get3A_56, %get3A_57] : memref<16x12800xf32, #tpu.memory_space<vmem>>, vector<16x128xf32>
    %dot_general3A_59 = arith.constant dense<0.000000e+00> : vector<16x128xf32>
    %dot_general3A_60 = tpu.matmul %get3A_55, %get3A_58, %dot_general3A_59 {dimension_numbers = #tpu.dot_dimension_numbers<[1], [0], [0], [1], [0, 0, 1, 1], [], []>, transpose_lhs_hint = false} : vector<16x16xf32>, vector<16x128xf32>, vector<16x128xf32> -> vector<16x128xf32>
    %get3A_61 = arith.constant 0 : index
    %get3A_62 = arith.constant 0 : index
    %get3A_63 = vector.load %arg3[%get3A_61, %get3A_62] : memref<16x1xf32, #tpu.memory_space<vmem>>, vector<16x1xf32>
    %add3A_64 = vector.broadcast %get3A_63 : vector<16x1xf32> to vector<16x128xf32>
    %add3A_65 = arith.addf %dot_general3A_60, %add3A_64 : vector<16x128xf32>
    %swap3A_66 = arith.constant 3 : index
    %swap3A_67 = arith.constant 0 : index
    %swap3A_68 = arith.constant 0 : index
    %swap3A_69 = vector.load %arg4[%swap3A_66, %swap3A_67, %swap3A_68] : memref<100x16x128xf32, #tpu.memory_space<vmem>>, vector<1x16x128xf32>
    %swap3A_70 = vector.shape_cast %swap3A_69 : vector<1x16x128xf32> to vector<16x128xf32>
    %swap3A_71 = vector.shape_cast %add3A_65 : vector<16x128xf32> to vector<1x16x128xf32>
    tpu.vector_store %arg4[%swap3A_66, %swap3A_67, %swap3A_68], %swap3A_71 {strides = array<i32>} : memref<100x16x128xf32, #tpu.memory_space<vmem>>, vector<1x16x128xf32>,
    %get3A_72 = arith.constant 0 : index
    %get3A_73 = arith.constant 0 : index
    %get3A_74 = vector.load %arg2[%get3A_72, %get3A_73] : memref<16x16xf32, #tpu.memory_space<vmem>>, vector<16x16xf32>
    %get3A_75 = arith.constant 0 : index
    %get3A_76 = arith.constant 512 : index
    %get3A_77 = vector.load %arg1[%get3A_75, %get3A_76] : memref<16x12800xf32, #tpu.memory_space<vmem>>, vector<16x128xf32>
    %dot_general3A_78 = arith.constant dense<0.000000e+00> : vector<16x128xf32>
    %dot_general3A_79 = tpu.matmul %get3A_74, %get3A_77, %dot_general3A_78 {dimension_numbers = #tpu.dot_dimension_numbers<[1], [0], [0], [1], [0, 0, 1, 1], [], []>, transpose_lhs_hint = false} : vector<16x16xf32>, vector<16x128xf32>, vector<16x128xf32> -> vector<16x128xf32>
    %get3A_80 = arith.constant 0 : index
    %get3A_81 = arith.constant 0 : index
    %get3A_82 = vector.load %arg3[%get3A_80, %get3A_81] : memref<16x1xf32, #tpu.memory_space<vmem>>, vector<16x1xf32>
    %add3A_83 = vector.broadcast %get3A_82 : vector<16x1xf32> to vector<16x128xf32>
    %add3A_84 = arith.addf %dot_general3A_79, %add3A_83 : vector<16x128xf32>
    %swap3A_85 = arith.constant 4 : index
    %swap3A_86 = arith.constant 0 : index
    %swap3A_87 = arith.constant 0 : index
    %swap3A_88 = vector.load %arg4[%swap3A_85, %swap3A_86, %swap3A_87] : memref<100x16x128xf32, #tpu.memory_space<vmem>>, vector<1x16x128xf32>
    %swap3A_89 = vector.shape_cast %swap3A_88 : vector<1x16x128xf32> to vector<16x128xf32>
    %swap3A_90 = vector.shape_cast %add3A_84 : vector<16x128xf32> to vector<1x16x128xf32>
    tpu.vector_store %arg4[%swap3A_85, %swap3A_86, %swap3A_87], %swap3A_90 {strides = array<i32>} : memref<100x16x128xf32, #tpu.memory_space<vmem>>, vector<1x16x128xf32>,
    %get3A_91 = arith.constant 0 : index
    %get3A_92 = arith.constant 0 : index
    %get3A_93 = vector.load %arg2[%get3A_91, %get3A_92] : memref<16x16xf32, #tpu.memory_space<vmem>>, vector<16x16xf32>
    %get3A_94 = arith.constant 0 : index
    %get3A_95 = arith.constant 640 : index
    %get3A_96 = vector.load %arg1[%get3A_94, %get3A_95] : memref<16x12800xf32, #tpu.memory_space<vmem>>, vector<16x128xf32>
    %dot_general3A_97 = arith.constant dense<0.000000e+00> : vector<16x128xf32>
    %dot_general3A_98 = tpu.matmul %get3A_93, %get3A_96, %dot_general3A_97 {dimension_numbers = #tpu.dot_dimension_numbers<[1], [0], [0], [1], [0, 0, 1, 1], [], []>, transpose_lhs_hint = false} : vector<16x16xf32>, vector<16x128xf32>, vector<16x128xf32> -> vector<16x128xf32>
    %get3A_99 = arith.constant 0 : index
    %get3A_100 = arith.constant 0 : index
    %get3A_101 = vector.load %arg3[%get3A_99, %get3A_100] : memref<16x1xf32, #tpu.memory_space<vmem>>, vector<16x1xf32>
    %add3A_102 = vector.broadcast %get3A_101 : vector<16x1xf32> to vector<16x128xf32>
    %add3A_103 = arith.addf %dot_general3A_98, %add3A_102 : vector<16x128xf32>
    %swap3A_104 = arith.constant 5 : index
    %swap3A_105 = arith.constant 0 : index
    %swap3A_106 = arith.constant 0 : index
    %swap3A_107 = vector.load %arg4[%swap3A_104, %swap3A_105, %swap3A_106] : memref<100x16x128xf32, #tpu.memory_space<vmem>>, vector<1x16x128xf32>
    %swap3A_108 = vector.shape_cast %swap3A_107 : vector<1x16x128xf32> to vector<16x128xf32>
    %swap3A_109 = vector.shape_cast %add3A_103 : vector<16x128xf32> to vector<1x16x128xf32>
    tpu.vector_store %arg4[%swap3A_104, %swap3A_105, %swap3A_106], %swap3A_109 {strides = array<i32>} : memref<100x16x128xf32, #tpu.memory_space<vmem>>, vector<1x16x128xf32>,
    %get3A_110 = arith.constant 0 : index
    %get3A_111 = arith.constant 0 : index
    %get3A_112 = vector.load %arg2[%get3A_110, %get3A_111] : memref<16x16xf32, #tpu.memory_space<vmem>>, vector<16x16xf32>
    %get3A_113 = arith.constant 0 : index
    %get3A_114 = arith.constant 768 : index
    %get3A_115 = vector.load %arg1[%get3A_113, %get3A_114] : memref<16x12800xf32, #tpu.memory_space<vmem>>, vector<16x128xf32>
    %dot_general3A_116 = arith.constant dense<0.000000e+00> : vector<16x128xf32>
    %dot_general3A_117 = tpu.matmul %get3A_112, %get3A_115, %dot_general3A_116 {dimension_numbers = #tpu.dot_dimension_numbers<[1], [0], [0], [1], [0, 0, 1, 1], [], []>, transpose_lhs_hint = false} : vector<16x16xf32>, vector<16x128xf32>, vector<16x128xf32> -> vector<16x128xf32>
    %get3A_118 = arith.constant 0 : index
    %get3A_119 = arith.constant 0 : index
    %get3A_120 = vector.load %arg3[%get3A_118, %get3A_119] : memref<16x1xf32, #tpu.memory_space<vmem>>, vector<16x1xf32>
    %add3A_121 = vector.broadcast %get3A_120 : vector<16x1xf32> to vector<16x128xf32>
    %add3A_122 = arith.addf %dot_general3A_117, %add3A_121 : vector<16x128xf32>
    %swap3A_123 = arith.constant 6 : index
    %swap3A_124 = arith.constant 0 : index
    %swap3A_125 = arith.constant 0 : index
    %swap3A_126 = vector.load %arg4[%swap3A_123, %swap3A_124, %swap3A_125] : memref<100x16x128xf32, #tpu.memory_space<vmem>>, vector<1x16x128xf32>
    %swap3A_127 = vector.shape_cast %swap3A_126 : vector<1x16x128xf32> to vector<16x128xf32>
    %swap3A_128 = vector.shape_cast %add3A_122 : vector<16x128xf32> to vector<1x16x128xf32>
    tpu.vector_store %arg4[%swap3A_123, %swap3A_124, %swap3A_125], %swap3A_128 {strides = array<i32>} : memref<100x16x128xf32, #tpu.memory_space<vmem>>, vector<1x16x128xf32>,
    %get3A_129 = arith.constant 0 : index
    %get3A_130 = arith.constant 0 : index
    %get3A_131 = vector.load %arg2[%get3A_129, %get3A_130] : memref<16x16xf32, #tpu.memory_space<vmem>>, vector<16x16xf32>
    %get3A_132 = arith.constant 0 : index
    %get3A_133 = arith.constant 896 : index
    %get3A_134 = vector.load %arg1[%get3A_132, %get3A_133] : memref<16x12800xf32, #tpu.memory_space<vmem>>, vector<16x128xf32>
    %dot_general3A_135 = arith.constant dense<0.000000e+00> : vector<16x128xf32>
    %dot_general3A_136 = tpu.matmul %get3A_131, %get3A_134, %dot_general3A_135 {dimension_numbers = #tpu.dot_dimension_numbers<[1], [0], [0], [1], [0, 0, 1, 1], [], []>, transpose_lhs_hint = false} : vector<16x16xf32>, vector<16x128xf32>, vector<16x128xf32> -> vector<16x128xf32>
    %get3A_137 = arith.constant 0 : index
    %get3A_138 = arith.constant 0 : index
    %get3A_139 = vector.load %arg3[%get3A_137, %get3A_138] : memref<16x1xf32, #tpu.memory_space<vmem>>, vector<16x1xf32>
    %add3A_140 = vector.broadcast %get3A_139 : vector<16x1xf32> to vector<16x128xf32>
    %add3A_141 = arith.addf %dot_general3A_136, %add3A_140 : vector<16x128xf32>
    %swap3A_142 = arith.constant 7 : index
    %swap3A_143 = arith.constant 0 : index
    %swap3A_144 = arith.constant 0 : index
    %swap3A_145 = vector.load %arg4[%swap3A_142, %swap3A_143, %swap3A_144] : memref<100x16x128xf32, #tpu.memory_space<vmem>>, vector<1x16x128xf32>
    %swap3A_146 = vector.shape_cast %swap3A_145 : vector<1x16x128xf32> to vector<16x128xf32>
    %swap3A_147 = vector.shape_cast %add3A_141 : vector<16x128xf32> to vector<1x16x128xf32>
    tpu.vector_store %arg4[%swap3A_142, %swap3A_143, %swap3A_144], %swap3A_147 {strides = array<i32>} : memref<100x16x128xf32, #tpu.memory_space<vmem>>, vector<1x16x128xf32>,
    %get3A_148 = arith.constant 0 : index
    %get3A_149 = arith.constant 0 : index
    %get3A_150 = vector.load %arg2[%get3A_148, %get3A_149] : memref<16x16xf32, #tpu.memory_space<vmem>>, vector<16x16xf32>
    %get3A_151 = arith.constant 0 : index
    %get3A_152 = arith.constant 1024 : index
    %get3A_153 = vector.load %arg1[%get3A_151, %get3A_152] : memref<16x12800xf32, #tpu.memory_space<vmem>>, vector<16x128xf32>
    %dot_general3A_154 = arith.constant dense<0.000000e+00> : vector<16x128xf32>
    %dot_general3A_155 = tpu.matmul %get3A_150, %get3A_153, %dot_general3A_154 {dimension_numbers = #tpu.dot_dimension_numbers<[1], [0], [0], [1], [0, 0, 1, 1], [], []>, transpose_lhs_hint = false} : vector<16x16xf32>, vector<16x128xf32>, vector<16x128xf32> -> vector<16x128xf32>
    %get3A_156 = arith.constant 0 : index
    %get3A_157 = arith.constant 0 : index
    %get3A_158 = vector.load %arg3[%get3A_156, %get3A_157] : memref<16x1xf32, #tpu.memory_space<vmem>>, vector<16x1xf32>
    %add3A_159 = vector.broadcast %get3A_158 : vector<16x1xf32> to vector<16x128xf32>
    %add3A_160 = arith.addf %dot_general3A_155, %add3A_159 : vector<16x128xf32>
    %swap3A_161 = arith.constant 8 : index
    %swap3A_162 = arith.constant 0 : index
    %swap3A_163 = arith.constant 0 : index
    %swap3A_164 = vector.load %arg4[%swap3A_161, %swap3A_162, %swap3A_163] : memref<100x16x128xf32, #tpu.memory_space<vmem>>, vector<1x16x128xf32>
    %swap3A_165 = vector.shape_cast %swap3A_164 : vector<1x16x128xf32> to vector<16x128xf32>
    %swap3A_166 = vector.shape_cast %add3A_160 : vector<16x128xf32> to vector<1x16x128xf32>
    tpu.vector_store %arg4[%swap3A_161, %swap3A_162, %swap3A_163], %swap3A_166 {strides = array<i32>} : memref<100x16x128xf32, #tpu.memory_space<vmem>>, vector<1x16x128xf32>,
    %get3A_167 = arith.constant 0 : index
    %get3A_168 = arith.constant 0 : index
    %get3A_169 = vector.load %arg2[%get3A_167, %get3A_168] : memref<16x16xf32, #tpu.memory_space<vmem>>, vector<16x16xf32>
    %get3A_170 = arith.constant 0 : index
    %get3A_171 = arith.constant 1152 : index
    %get3A_172 = vector.load %arg1[%get3A_170, %get3A_171] : memref<16x12800xf32, #tpu.memory_space<vmem>>, vector<16x128xf32>
    %dot_general3A_173 = arith.constant dense<0.000000e+00> : vector<16x128xf32>
    %dot_general3A_174 = tpu.matmul %get3A_169, %get3A_172, %dot_general3A_173 {dimension_numbers = #tpu.dot_dimension_numbers<[1], [0], [0], [1], [0, 0, 1, 1], [], []>, transpose_lhs_hint = false} : vector<16x16xf32>, vector<16x128xf32>, vector<16x128xf32> -> vector<16x128xf32>
    %get3A_175 = arith.constant 0 : index
    %get3A_176 = arith.constant 0 : index
    %get3A_177 = vector.load %arg3[%get3A_175, %get3A_176] : memref<16x1xf32, #tpu.memory_space<vmem>>, vector<16x1xf32>
    %add3A_178 = vector.broadcast %get3A_177 : vector<16x1xf32> to vector<16x128xf32>
    %add3A_179 = arith.addf %dot_general3A_174, %add3A_178 : vector<16x128xf32>
    %swap3A_180 = arith.constant 9 : index
    %swap3A_181 = arith.constant 0 : index
    %swap3A_182 = arith.constant 0 : index
    %swap3A_183 = vector.load %arg4[%swap3A_180, %swap3A_181, %swap3A_182] : memref<100x16x128xf32, #tpu.memory_space<vmem>>, vector<1x16x128xf32>
    %swap3A_184 = vector.shape_cast %swap3A_183 : vector<1x16x128xf32> to vector<16x128xf32>
    %swap3A_185 = vector.shape_cast %add3A_179 : vector<16x128xf32> to vector<1x16x128xf32>
    tpu.vector_store %arg4[%swap3A_180, %swap3A_181, %swap3A_182], %swap3A_185 {strides = array<i32>} : memref<100x16x128xf32, #tpu.memory_space<vmem>>, vector<1x16x128xf32>,
    %get3A_186 = arith.constant 0 : index
    %get3A_187 = arith.constant 0 : index
    %get3A_188 = vector.load %arg2[%get3A_186, %get3A_187] : memref<16x16xf32, #tpu.memory_space<vmem>>, vector<16x16xf32>
    %get3A_189 = arith.constant 0 : index
    %get3A_190 = arith.constant 1280 : index
    %get3A_191 = vector.load %arg1[%get3A_189, %get3A_190] : memref<16x12800xf32, #tpu.memory_space<vmem>>, vector<16x128xf32>
    %dot_general3A_192 = arith.constant dense<0.000000e+00> : vector<16x128xf32>
    %dot_general3A_193 = tpu.matmul %get3A_188, %get3A_191, %dot_general3A_192 {dimension_numbers = #tpu.dot_dimension_numbers<[1], [0], [0], [1], [0, 0, 1, 1], [], []>, transpose_lhs_hint = false} : vector<16x16xf32>, vector<16x128xf32>, vector<16x128xf32> -> vector<16x128xf32>
    %get3A_194 = arith.constant 0 : index
    %get3A_195 = arith.constant 0 : index
    %get3A_196 = vector.load %arg3[%get3A_194, %get3A_195] : memref<16x1xf32, #tpu.memory_space<vmem>>, vector<16x1xf32>
    %add3A_197 = vector.broadcast %get3A_196 : vector<16x1xf32> to vector<16x128xf32>
    %add3A_198 = arith.addf %dot_general3A_193, %add3A_197 : vector<16x128xf32>
    %swap3A_199 = arith.constant 10 : index
    %swap3A_200 = arith.constant 0 : index
    %swap3A_201 = arith.constant 0 : index
    %swap3A_202 = vector.load %arg4[%swap3A_199, %swap3A_200, %swap3A_201] : memref<100x16x128xf32, #tpu.memory_space<vmem>>, vector<1x16x128xf32>
    %swap3A_203 = vector.shape_cast %swap3A_202 : vector<1x16x128xf32> to vector<16x128xf32>
    %swap3A_204 = vector.shape_cast %add3A_198 : vector<16x128xf32> to vector<1x16x128xf32>
    tpu.vector_store %arg4[%swap3A_199, %swap3A_200, %swap3A_201], %swap3A_204 {strides = array<i32>} : memref<100x16x128xf32, #tpu.memory_space<vmem>>, vector<1x16x128xf32>,
    %get3A_205 = arith.constant 0 : index
    %get3A_206 = arith.constant 0 : index
    %get3A_207 = vector.load %arg2[%get3A_205, %get3A_206] : memref<16x16xf32, #tpu.memory_space<vmem>>, vector<16x16xf32>
    %get3A_208 = arith.constant 0 : index
    %get3A_209 = arith.constant 1408 : index
    %get3A_210 = vector.load %arg1[%get3A_208, %get3A_209] : memref<16x12800xf32, #tpu.memory_space<vmem>>, vector<16x128xf32>
    %dot_general3A_211 = arith.constant dense<0.000000e+00> : vector<16x128xf32>
    %dot_general3A_212 = tpu.matmul %get3A_207, %get3A_210, %dot_general3A_211 {dimension_numbers = #tpu.dot_dimension_numbers<[1], [0], [0], [1], [0, 0, 1, 1], [], []>, transpose_lhs_hint = false} : vector<16x16xf32>, vector<16x128xf32>, vector<16x128xf32> -> vector<16x128xf32>
    %get3A_213 = arith.constant 0 : index
    %get3A_214 = arith.constant 0 : index
    %get3A_215 = vector.load %arg3[%get3A_213, %get3A_214] : memref<16x1xf32, #tpu.memory_space<vmem>>, vector<16x1xf32>
    %add3A_216 = vector.broadcast %get3A_215 : vector<16x1xf32> to vector<16x128xf32>
    %add3A_217 = arith.addf %dot_general3A_212, %add3A_216 : vector<16x128xf32>
    %swap3A_218 = arith.constant 11 : index
    %swap3A_219 = arith.constant 0 : index
    %swap3A_220 = arith.constant 0 : index
    %swap3A_221 = vector.load %arg4[%swap3A_218, %swap3A_219, %swap3A_220] : memref<100x16x128xf32, #tpu.memory_space<vmem>>, vector<1x16x128xf32>
    %swap3A_222 = vector.shape_cast %swap3A_221 : vector<1x16x128xf32> to vector<16x128xf32>
    %swap3A_223 = vector.shape_cast %add3A_217 : vector<16x128xf32> to vector<1x16x128xf32>
    tpu.vector_store %arg4[%swap3A_218, %swap3A_219, %swap3A_220], %swap3A_223 {strides = array<i32>} : memref<100x16x128xf32, #tpu.memory_space<vmem>>, vector<1x16x128xf32>,
    %get3A_224 = arith.constant 0 : index
    %get3A_225 = arith.constant 0 : index
    %get3A_226 = vector.load %arg2[%get3A_224, %get3A_225] : memref<16x16xf32, #tpu.memory_space<vmem>>, vector<16x16xf32>
    %get3A_227 = arith.constant 0 : index
    %get3A_228 = arith.constant 1536 : index
    %get3A_229 = vector.load %arg1[%get3A_227, %get3A_228] : memref<16x12800xf32, #tpu.memory_space<vmem>>, vector<16x128xf32>
    %dot_general3A_230 = arith.constant dense<0.000000e+00> : vector<16x128xf32>
    %dot_general3A_231 = tpu.matmul %get3A_226, %get3A_229, %dot_general3A_230 {dimension_numbers = #tpu.dot_dimension_numbers<[1], [0], [0], [1], [0, 0, 1, 1], [], []>, transpose_lhs_hint = false} : vector<16x16xf32>, vector<16x128xf32>, vector<16x128xf32> -> vector<16x128xf32>
    %get3A_232 = arith.constant 0 : index
    %get3A_233 = arith.constant 0 : index
    %get3A_234 = vector.load %arg3[%get3A_232, %get3A_233] : memref<16x1xf32, #tpu.memory_space<vmem>>, vector<16x1xf32>
    %add3A_235 = vector.broadcast %get3A_234 : vector<16x1xf32> to vector<16x128xf32>
    %add3A_236 = arith.addf %dot_general3A_231, %add3A_235 : vector<16x128xf32>
    %swap3A_237 = arith.constant 12 : index
    %swap3A_238 = arith.constant 0 : index
    %swap3A_239 = arith.constant 0 : index
    %swap3A_240 = vector.load %arg4[%swap3A_237, %swap3A_238, %swap3A_239] : memref<100x16x128xf32, #tpu.memory_space<vmem>>, vector<1x16x128xf32>
    %swap3A_241 = vector.shape_cast %swap3A_240 : vector<1x16x128xf32> to vector<16x128xf32>
    %swap3A_242 = vector.shape_cast %add3A_236 : vector<16x128xf32> to vector<1x16x128xf32>
    tpu.vector_store %arg4[%swap3A_237, %swap3A_238, %swap3A_239], %swap3A_242 {strides = array<i32>} : memref<100x16x128xf32, #tpu.memory_space<vmem>>, vector<1x16x128xf32>,
    %get3A_243 = arith.constant 0 : index
    %get3A_244 = arith.constant 0 : index
    %get3A_245 = vector.load %arg2[%get3A_243, %get3A_244] : memref<16x16xf32, #tpu.memory_space<vmem>>, vector<16x16xf32>
    %get3A_246 = arith.constant 0 : index
    %get3A_247 = arith.constant 1664 : index
    %get3A_248 = vector.load %arg1[%get3A_246, %get3A_247] : memref<16x12800xf32, #tpu.memory_space<vmem>>, vector<16x128xf32>
    %dot_general3A_249 = arith.constant dense<0.000000e+00> : vector<16x128xf32>
    %dot_general3A_250 = tpu.matmul %get3A_245, %get3A_248, %dot_general3A_249 {dimension_numbers = #tpu.dot_dimension_numbers<[1], [0], [0], [1], [0, 0, 1, 1], [], []>, transpose_lhs_hint = false} : vector<16x16xf32>, vector<16x128xf32>, vector<16x128xf32> -> vector<16x128xf32>
    %get3A_251 = arith.constant 0 : index
    %get3A_252 = arith.constant 0 : index
    %get3A_253 = vector.load %arg3[%get3A_251, %get3A_252] : memref<16x1xf32, #tpu.memory_space<vmem>>, vector<16x1xf32>
    %add3A_254 = vector.broadcast %get3A_253 : vector<16x1xf32> to vector<16x128xf32>
    %add3A_255 = arith.addf %dot_general3A_250, %add3A_254 : vector<16x128xf32>
    %swap3A_256 = arith.constant 13 : index
    %swap3A_257 = arith.constant 0 : index
    %swap3A_258 = arith.constant 0 : index
    %swap3A_259 = vector.load %arg4[%swap3A_256, %swap3A_257, %swap3A_258] : memref<100x16x128xf32, #tpu.memory_space<vmem>>, vector<1x16x128xf32>
    %swap3A_260 = vector.shape_cast %swap3A_259 : vector<1x16x128xf32> to vector<16x128xf32>
    %swap3A_261 = vector.shape_cast %add3A_255 : vector<16x128xf32> to vector<1x16x128xf32>
    tpu.vector_store %arg4[%swap3A_256, %swap3A_257, %swap3A_258], %swap3A_261 {strides = array<i32>} : memref<100x16x128xf32, #tpu.memory_space<vmem>>, vector<1x16x128xf32>,
    %get3A_262 = arith.constant 0 : index
    %get3A_263 = arith.constant 0 : index
    %get3A_264 = vector.load %arg2[%get3A_262, %get3A_263] : memref<16x16xf32, #tpu.memory_space<vmem>>, vector<16x16xf32>
    %get3A_265 = arith.constant 0 : index
    %get3A_266 = arith.constant 1792 : index
    %get3A_267 = vector.load %arg1[%get3A_265, %get3A_266] : memref<16x12800xf32, #tpu.memory_space<vmem>>, vector<16x128xf32>
    %dot_general3A_268 = arith.constant dense<0.000000e+00> : vector<16x128xf32>
    %dot_general3A_269 = tpu.matmul %get3A_264, %get3A_267, %dot_general3A_268 {dimension_numbers = #tpu.dot_dimension_numbers<[1], [0], [0], [1], [0, 0, 1, 1], [], []>, transpose_lhs_hint = false} : vector<16x16xf32>, vector<16x128xf32>, vector<16x128xf32> -> vector<16x128xf32>
    %get3A_270 = arith.constant 0 : index
    %get3A_271 = arith.constant 0 : index
    %get3A_272 = vector.load %arg3[%get3A_270, %get3A_271] : memref<16x1xf32, #tpu.memory_space<vmem>>, vector<16x1xf32>
    %add3A_273 = vector.broadcast %get3A_272 : vector<16x1xf32> to vector<16x128xf32>
    %add3A_274 = arith.addf %dot_general3A_269, %add3A_273 : vector<16x128xf32>
    %swap3A_275 = arith.constant 14 : index
    %swap3A_276 = arith.constant 0 : index
    %swap3A_277 = arith.constant 0 : index
    %swap3A_278 = vector.load %arg4[%swap3A_275, %swap3A_276, %swap3A_277] : memref<100x16x128xf32, #tpu.memory_space<vmem>>, vector<1x16x128xf32>
    %swap3A_279 = vector.shape_cast %swap3A_278 : vector<1x16x128xf32> to vector<16x128xf32>
    %swap3A_280 = vector.shape_cast %add3A_274 : vector<16x128xf32> to vector<1x16x128xf32>
    tpu.vector_store %arg4[%swap3A_275, %swap3A_276, %swap3A_277], %swap3A_280 {strides = array<i32>} : memref<100x16x128xf32, #tpu.memory_space<vmem>>, vector<1x16x128xf32>,
    %get3A_281 = arith.constant 0 : index
    %get3A_282 = arith.constant 0 : index
    %get3A_283 = vector.load %arg2[%get3A_281, %get3A_282] : memref<16x16xf32, #tpu.memory_space<vmem>>, vector<16x16xf32>
    %get3A_284 = arith.constant 0 : index
    %get3A_285 = arith.constant 1920 : index
    %get3A_286 = vector.load %arg1[%get3A_284, %get3A_285] : memref<16x12800xf32, #tpu.memory_space<vmem>>, vector<16x128xf32>
    %dot_general3A_287 = arith.constant dense<0.000000e+00> : vector<16x128xf32>
    %dot_general3A_288 = tpu.matmul %get3A_283, %get3A_286, %dot_general3A_287 {dimension_numbers = #tpu.dot_dimension_numbers<[1], [0], [0], [1], [0, 0, 1, 1], [], []>, transpose_lhs_hint = false} : vector<16x16xf32>, vector<16x128xf32>, vector<16x128xf32> -> vector<16x128xf32>
    %get3A_289 = arith.constant 0 : index
    %get3A_290 = arith.constant 0 : index
    %get3A_291 = vector.load %arg3[%get3A_289, %get3A_290] : memref<16x1xf32, #tpu.memory_space<vmem>>, vector<16x1xf32>
    %add3A_292 = vector.broadcast %get3A_291 : vector<16x1xf32> to vector<16x128xf32>
    %add3A_293 = arith.addf %dot_general3A_288, %add3A_292 : vector<16x128xf32>
    %swap3A_294 = arith.constant 15 : index
    %swap3A_295 = arith.constant 0 : index
    %swap3A_296 = arith.constant 0 : index
    %swap3A_297 = vector.load %arg4[%swap3A_294, %swap3A_295, %swap3A_296] : memref<100x16x128xf32, #tpu.memory_space<vmem>>, vector<1x16x128xf32>
    %swap3A_298 = vector.shape_cast %swap3A_297 : vector<1x16x128xf32> to vector<16x128xf32>
    %swap3A_299 = vector.shape_cast %add3A_293 : vector<16x128xf32> to vector<1x16x128xf32>
    tpu.vector_store %arg4[%swap3A_294, %swap3A_295, %swap3A_296], %swap3A_299 {strides = array<i32>} : memref<100x16x128xf32, #tpu.memory_space<vmem>>, vector<1x16x128xf32>,
    %get3A_300 = arith.constant 0 : index
    %get3A_301 = arith.constant 0 : index
    %get3A_302 = vector.load %arg2[%get3A_300, %get3A_301] : memref<16x16xf32, #tpu.memory_space<vmem>>, vector<16x16xf32>
    %get3A_303 = arith.constant 0 : index
    %get3A_304 = arith.constant 2048 : index
    %get3A_305 = vector.load %arg1[%get3A_303, %get3A_304] : memref<16x12800xf32, #tpu.memory_space<vmem>>, vector<16x128xf32>
    %dot_general3A_306 = arith.constant dense<0.000000e+00> : vector<16x128xf32>
    %dot_general3A_307 = tpu.matmul %get3A_302, %get3A_305, %dot_general3A_306 {dimension_numbers = #tpu.dot_dimension_numbers<[1], [0], [0], [1], [0, 0, 1, 1], [], []>, transpose_lhs_hint = false} : vector<16x16xf32>, vector<16x128xf32>, vector<16x128xf32> -> vector<16x128xf32>
    %get3A_308 = arith.constant 0 : index
    %get3A_309 = arith.constant 0 : index
    %get3A_310 = vector.load %arg3[%get3A_308, %get3A_309] : memref<16x1xf32, #tpu.memory_space<vmem>>, vector<16x1xf32>
    %add3A_311 = vector.broadcast %get3A_310 : vector<16x1xf32> to vector<16x128xf32>
    %add3A_312 = arith.addf %dot_general3A_307, %add3A_311 : vector<16x128xf32>
    %swap3A_313 = arith.constant 16 : index
    %swap3A_314 = arith.constant 0 : index
    %swap3A_315 = arith.constant 0 : index
    %swap3A_316 = vector.load %arg4[%swap3A_313, %swap3A_314, %swap3A_315] : memref<100x16x128xf32, #tpu.memory_space<vmem>>, vector<1x16x128xf32>
    %swap3A_317 = vector.shape_cast %swap3A_316 : vector<1x16x128xf32> to vector<16x128xf32>
    %swap3A_318 = vector.shape_cast %add3A_312 : vector<16x128xf32> to vector<1x16x128xf32>
    tpu.vector_store %arg4[%swap3A_313, %swap3A_314, %swap3A_315], %swap3A_318 {strides = array<i32>} : memref<100x16x128xf32, #tpu.memory_space<vmem>>, vector<1x16x128xf32>,
    %get3A_319 = arith.constant 0 : index
    %get3A_320 = arith.constant 0 : index
    %get3A_321 = vector.load %arg2[%get3A_319, %get3A_320] : memref<16x16xf32, #tpu.memory_space<vmem>>, vector<16x16xf32>
    %get3A_322 = arith.constant 0 : index
    %get3A_323 = arith.constant 2176 : index
    %get3A_324 = vector.load %arg1[%get3A_322, %get3A_323] : memref<16x12800xf32, #tpu.memory_space<vmem>>, vector<16x128xf32>
    %dot_general3A_325 = arith.constant dense<0.000000e+00> : vector<16x128xf32>
    %dot_general3A_326 = tpu.matmul %get3A_321, %get3A_324, %dot_general3A_325 {dimension_numbers = #tpu.dot_dimension_numbers<[1], [0], [0], [1], [0, 0, 1, 1], [], []>, transpose_lhs_hint = false} : vector<16x16xf32>, vector<16x128xf32>, vector<16x128xf32> -> vector<16x128xf32>
    %get3A_327 = arith.constant 0 : index
    %get3A_328 = arith.constant 0 : index
    %get3A_329 = vector.load %arg3[%get3A_327, %get3A_328] : memref<16x1xf32, #tpu.memory_space<vmem>>, vector<16x1xf32>
    %add3A_330 = vector.broadcast %get3A_329 : vector<16x1xf32> to vector<16x128xf32>
    %add3A_331 = arith.addf %dot_general3A_326, %add3A_330 : vector<16x128xf32>
    %swap3A_332 = arith.constant 17 : index
    %swap3A_333 = arith.constant 0 : index
    %swap3A_334 = arith.constant 0 : index
    %swap3A_335 = vector.load %arg4[%swap3A_332, %swap3A_333, %swap3A_334] : memref<100x16x128xf32, #tpu.memory_space<vmem>>, vector<1x16x128xf32>
    %swap3A_336 = vector.shape_cast %swap3A_335 : vector<1x16x128xf32> to vector<16x128xf32>
    %swap3A_337 = vector.shape_cast %add3A_331 : vector<16x128xf32> to vector<1x16x128xf32>
    tpu.vector_store %arg4[%swap3A_332, %swap3A_333, %swap3A_334], %swap3A_337 {strides = array<i32>} : memref<100x16x128xf32, #tpu.memory_space<vmem>>, vector<1x16x128xf32>,
    %get3A_338 = arith.constant 0 : index
    %get3A_339 = arith.constant 0 : index
    %get3A_340 = vector.load %arg2[%get3A_338, %get3A_339] : memref<16x16xf32, #tpu.memory_space<vmem>>, vector<16x16xf32>
    %get3A_341 = arith.constant 0 : index
    %get3A_342 = arith.constant 2304 : index
    %get3A_343 = vector.load %arg1[%get3A_341, %get3A_342] : memref<16x12800xf32, #tpu.memory_space<vmem>>, vector<16x128xf32>
    %dot_general3A_344 = arith.constant dense<0.000000e+00> : vector<16x128xf32>
    %dot_general3A_345 = tpu.matmul %get3A_340, %get3A_343, %dot_general3A_344 {dimension_numbers = #tpu.dot_dimension_numbers<[1], [0], [0], [1], [0, 0, 1, 1], [], []>, transpose_lhs_hint = false} : vector<16x16xf32>, vector<16x128xf32>, vector<16x128xf32> -> vector<16x128xf32>
    %get3A_346 = arith.constant 0 : index
    %get3A_347 = arith.constant 0 : index
    %get3A_348 = vector.load %arg3[%get3A_346, %get3A_347] : memref<16x1xf32, #tpu.memory_space<vmem>>, vector<16x1xf32>
    %add3A_349 = vector.broadcast %get3A_348 : vector<16x1xf32> to vector<16x128xf32>
    %add3A_350 = arith.addf %dot_general3A_345, %add3A_349 : vector<16x128xf32>
    %swap3A_351 = arith.constant 18 : index
    %swap3A_352 = arith.constant 0 : index
    %swap3A_353 = arith.constant 0 : index
    %swap3A_354 = vector.load %arg4[%swap3A_351, %swap3A_352, %swap3A_353] : memref<100x16x128xf32, #tpu.memory_space<vmem>>, vector<1x16x128xf32>
    %swap3A_355 = vector.shape_cast %swap3A_354 : vector<1x16x128xf32> to vector<16x128xf32>
    %swap3A_356 = vector.shape_cast %add3A_350 : vector<16x128xf32> to vector<1x16x128xf32>
    tpu.vector_store %arg4[%swap3A_351, %swap3A_352, %swap3A_353], %swap3A_356 {strides = array<i32>} : memref<100x16x128xf32, #tpu.memory_space<vmem>>, vector<1x16x128xf32>,
    %get3A_357 = arith.constant 0 : index
    %get3A_358 = arith.constant 0 : index
    %get3A_359 = vector.load %arg2[%get3A_357, %get3A_358] : memref<16x16xf32, #tpu.memory_space<vmem>>, vector<16x16xf32>
    %get3A_360 = arith.constant 0 : index
    %get3A_361 = arith.constant 2432 : index
    %get3A_362 = vector.load %arg1[%get3A_360, %get3A_361] : memref<16x12800xf32, #tpu.memory_space<vmem>>, vector<16x128xf32>
    %dot_general3A_363 = arith.constant dense<0.000000e+00> : vector<16x128xf32>
    %dot_general3A_364 = tpu.matmul %get3A_359, %get3A_362, %dot_general3A_363 {dimension_numbers = #tpu.dot_dimension_numbers<[1], [0], [0], [1], [0, 0, 1, 1], [], []>, transpose_lhs_hint = false} : vector<16x16xf32>, vector<16x128xf32>, vector<16x128xf32> -> vector<16x128xf32>
    %get3A_365 = arith.constant 0 : index
    %get3A_366 = arith.constant 0 : index
    %get3A_367 = vector.load %arg3[%get3A_365, %get3A_366] : memref<16x1xf32, #tpu.memory_space<vmem>>, vector<16x1xf32>
    %add3A_368 = vector.broadcast %get3A_367 : vector<16x1xf32> to vector<16x128xf32>
    %add3A_369 = arith.addf %dot_general3A_364, %add3A_368 : vector<16x128xf32>
    %swap3A_370 = arith.constant 19 : index
    %swap3A_371 = arith.constant 0 : index
    %swap3A_372 = arith.constant 0 : index
    %swap3A_373 = vector.load %arg4[%swap3A_370, %swap3A_371, %swap3A_372] : memref<100x16x128xf32, #tpu.memory_space<vmem>>, vector<1x16x128xf32>
    %swap3A_374 = vector.shape_cast %swap3A_373 : vector<1x16x128xf32> to vector<16x128xf32>
    %swap3A_375 = vector.shape_cast %add3A_369 : vector<16x128xf32> to vector<1x16x128xf32>
    tpu.vector_store %arg4[%swap3A_370, %swap3A_371, %swap3A_372], %swap3A_375 {strides = array<i32>} : memref<100x16x128xf32, #tpu.memory_space<vmem>>, vector<1x16x128xf32>,
    %get3A_376 = arith.constant 0 : index
    %get3A_377 = arith.constant 0 : index
    %get3A_378 = vector.load %arg2[%get3A_376, %get3A_377] : memref<16x16xf32, #tpu.memory_space<vmem>>, vector<16x16xf32>
    %get3A_379 = arith.constant 0 : index
    %get3A_380 = arith.constant 2560 : index
    %get3A_381 = vector.load %arg1[%get3A_379, %get3A_380] : memref<16x12800xf32, #tpu.memory_space<vmem>>, vector<16x128xf32>
    %dot_general3A_382 = arith.constant dense<0.000000e+00> : vector<16x128xf32>
    %dot_general3A_383 = tpu.matmul %get3A_378, %get3A_381, %dot_general3A_382 {dimension_numbers = #tpu.dot_dimension_numbers<[1], [0], [0], [1], [0, 0, 1, 1], [], []>, transpose_lhs_hint = false} : vector<16x16xf32>, vector<16x128xf32>, vector<16x128xf32> -> vector<16x128xf32>
    %get3A_384 = arith.constant 0 : index
    %get3A_385 = arith.constant 0 : index
    %get3A_386 = vector.load %arg3[%get3A_384, %get3A_385] : memref<16x1xf32, #tpu.memory_space<vmem>>, vector<16x1xf32>
    %add3A_387 = vector.broadcast %get3A_386 : vector<16x1xf32> to vector<16x128xf32>
    %add3A_388 = arith.addf %dot_general3A_383, %add3A_387 : vector<16x128xf32>
    %swap3A_389 = arith.constant 20 : index
    %swap3A_390 = arith.constant 0 : index
    %swap3A_391 = arith.constant 0 : index
    %swap3A_392 = vector.load %arg4[%swap3A_389, %swap3A_390, %swap3A_391] : memref<100x16x128xf32, #tpu.memory_space<vmem>>, vector<1x16x128xf32>
    %swap3A_393 = vector.shape_cast %swap3A_392 : vector<1x16x128xf32> to vector<16x128xf32>
    %swap3A_394 = vector.shape_cast %add3A_388 : vector<16x128xf32> to vector<1x16x128xf32>
    tpu.vector_store %arg4[%swap3A_389, %swap3A_390, %swap3A_391], %swap3A_394 {strides = array<i32>} : memref<100x16x128xf32, #tpu.memory_space<vmem>>, vector<1x16x128xf32>,
    %get3A_395 = arith.constant 0 : index
    %get3A_396 = arith.constant 0 : index
    %get3A_397 = vector.load %arg2[%get3A_395, %get3A_396] : memref<16x16xf32, #tpu.memory_space<vmem>>, vector<16x16xf32>
    %get3A_398 = arith.constant 0 : index
    %get3A_399 = arith.constant 2688 : index
    %get3A_400 = vector.load %arg1[%get3A_398, %get3A_399] : memref<16x12800xf32, #tpu.memory_space<vmem>>, vector<16x128xf32>
    %dot_general3A_401 = arith.constant dense<0.000000e+00> : vector<16x128xf32>
    %dot_general3A_402 = tpu.matmul %get3A_397, %get3A_400, %dot_general3A_401 {dimension_numbers = #tpu.dot_dimension_numbers<[1], [0], [0], [1], [0, 0, 1, 1], [], []>, transpose_lhs_hint = false} : vector<16x16xf32>, vector<16x128xf32>, vector<16x128xf32> -> vector<16x128xf32>
    %get3A_403 = arith.constant 0 : index
    %get3A_404 = arith.constant 0 : index
    %get3A_405 = vector.load %arg3[%get3A_403, %get3A_404] : memref<16x1xf32, #tpu.memory_space<vmem>>, vector<16x1xf32>
    %add3A_406 = vector.broadcast %get3A_405 : vector<16x1xf32> to vector<16x128xf32>
    %add3A_407 = arith.addf %dot_general3A_402, %add3A_406 : vector<16x128xf32>
    %swap3A_408 = arith.constant 21 : index
    %swap3A_409 = arith.constant 0 : index
    %swap3A_410 = arith.constant 0 : index
    %swap3A_411 = vector.load %arg4[%swap3A_408, %swap3A_409, %swap3A_410] : memref<100x16x128xf32, #tpu.memory_space<vmem>>, vector<1x16x128xf32>
    %swap3A_412 = vector.shape_cast %swap3A_411 : vector<1x16x128xf32> to vector<16x128xf32>
    %swap3A_413 = vector.shape_cast %add3A_407 : vector<16x128xf32> to vector<1x16x128xf32>
    tpu.vector_store %arg4[%swap3A_408, %swap3A_409, %swap3A_410], %swap3A_413 {strides = array<i32>} : memref<100x16x128xf32, #tpu.memory_space<vmem>>, vector<1x16x128xf32>,
    %get3A_414 = arith.constant 0 : index
    %get3A_415 = arith.constant 0 : index
    %get3A_416 = vector.load %arg2[%get3A_414, %get3A_415] : memref<16x16xf32, #tpu.memory_space<vmem>>, vector<16x16xf32>
    %get3A_417 = arith.constant 0 : index
    %get3A_418 = arith.constant 2816 : index
    %get3A_419 = vector.load %arg1[%get3A_417, %get3A_418] : memref<16x12800xf32, #tpu.memory_space<vmem>>, vector<16x128xf32>
    %dot_general3A_420 = arith.constant dense<0.000000e+00> : vector<16x128xf32>
    %dot_general3A_421 = tpu.matmul %get3A_416, %get3A_419, %dot_general3A_420 {dimension_numbers = #tpu.dot_dimension_numbers<[1], [0], [0], [1], [0, 0, 1, 1], [], []>, transpose_lhs_hint = false} : vector<16x16xf32>, vector<16x128xf32>, vector<16x128xf32> -> vector<16x128xf32>
    %get3A_422 = arith.constant 0 : index
    %get3A_423 = arith.constant 0 : index
    %get3A_424 = vector.load %arg3[%get3A_422, %get3A_423] : memref<16x1xf32, #tpu.memory_space<vmem>>, vector<16x1xf32>
    %add3A_425 = vector.broadcast %get3A_424 : vector<16x1xf32> to vector<16x128xf32>
    %add3A_426 = arith.addf %dot_general3A_421, %add3A_425 : vector<16x128xf32>
    %swap3A_427 = arith.constant 22 : index
    %swap3A_428 = arith.constant 0 : index
    %swap3A_429 = arith.constant 0 : index
    %swap3A_430 = vector.load %arg4[%swap3A_427, %swap3A_428, %swap3A_429] : memref<100x16x128xf32, #tpu.memory_space<vmem>>, vector<1x16x128xf32>
    %swap3A_431 = vector.shape_cast %swap3A_430 : vector<1x16x128xf32> to vector<16x128xf32>
    %swap3A_432 = vector.shape_cast %add3A_426 : vector<16x128xf32> to vector<1x16x128xf32>
    tpu.vector_store %arg4[%swap3A_427, %swap3A_428, %swap3A_429], %swap3A_432 {strides = array<i32>} : memref<100x16x128xf32, #tpu.memory_space<vmem>>, vector<1x16x128xf32>,
    %get3A_433 = arith.constant 0 : index
    %get3A_434 = arith.constant 0 : index
    %get3A_435 = vector.load %arg2[%get3A_433, %get3A_434] : memref<16x16xf32, #tpu.memory_space<vmem>>, vector<16x16xf32>
    %get3A_436 = arith.constant 0 : index
    %get3A_437 = arith.constant 2944 : index
    %get3A_438 = vector.load %arg1[%get3A_436, %get3A_437] : memref<16x12800xf32, #tpu.memory_space<vmem>>, vector<16x128xf32>
    %dot_general3A_439 = arith.constant dense<0.000000e+00> : vector<16x128xf32>
    %dot_general3A_440 = tpu.matmul %get3A_435, %get3A_438, %dot_general3A_439 {dimension_numbers = #tpu.dot_dimension_numbers<[1], [0], [0], [1], [0, 0, 1, 1], [], []>, transpose_lhs_hint = false} : vector<16x16xf32>, vector<16x128xf32>, vector<16x128xf32> -> vector<16x128xf32>
    %get3A_441 = arith.constant 0 : index
    %get3A_442 = arith.constant 0 : index
    %get3A_443 = vector.load %arg3[%get3A_441, %get3A_442] : memref<16x1xf32, #tpu.memory_space<vmem>>, vector<16x1xf32>
    %add3A_444 = vector.broadcast %get3A_443 : vector<16x1xf32> to vector<16x128xf32>
    %add3A_445 = arith.addf %dot_general3A_440, %add3A_444 : vector<16x128xf32>
    %swap3A_446 = arith.constant 23 : index
    %swap3A_447 = arith.constant 0 : index
    %swap3A_448 = arith.constant 0 : index
    %swap3A_449 = vector.load %arg4[%swap3A_446, %swap3A_447, %swap3A_448] : memref<100x16x128xf32, #tpu.memory_space<vmem>>, vector<1x16x128xf32>
    %swap3A_450 = vector.shape_cast %swap3A_449 : vector<1x16x128xf32> to vector<16x128xf32>
    %swap3A_451 = vector.shape_cast %add3A_445 : vector<16x128xf32> to vector<1x16x128xf32>
    tpu.vector_store %arg4[%swap3A_446, %swap3A_447, %swap3A_448], %swap3A_451 {strides = array<i32>} : memref<100x16x128xf32, #tpu.memory_space<vmem>>, vector<1x16x128xf32>,
    %get3A_452 = arith.constant 0 : index
    %get3A_453 = arith.constant 0 : index
    %get3A_454 = vector.load %arg2[%get3A_452, %get3A_453] : memref<16x16xf32, #tpu.memory_space<vmem>>, vector<16x16xf32>
    %get3A_455 = arith.constant 0 : index
    %get3A_456 = arith.constant 3072 : index
    %get3A_457 = vector.load %arg1[%get3A_455, %get3A_456] : memref<16x12800xf32, #tpu.memory_space<vmem>>, vector<16x128xf32>
    %dot_general3A_458 = arith.constant dense<0.000000e+00> : vector<16x128xf32>
    %dot_general3A_459 = tpu.matmul %get3A_454, %get3A_457, %dot_general3A_458 {dimension_numbers = #tpu.dot_dimension_numbers<[1], [0], [0], [1], [0, 0, 1, 1], [], []>, transpose_lhs_hint = false} : vector<16x16xf32>, vector<16x128xf32>, vector<16x128xf32> -> vector<16x128xf32>
    %get3A_460 = arith.constant 0 : index
    %get3A_461 = arith.constant 0 : index
    %get3A_462 = vector.load %arg3[%get3A_460, %get3A_461] : memref<16x1xf32, #tpu.memory_space<vmem>>, vector<16x1xf32>
    %add3A_463 = vector.broadcast %get3A_462 : vector<16x1xf32> to vector<16x128xf32>
    %add3A_464 = arith.addf %dot_general3A_459, %add3A_463 : vector<16x128xf32>
    %swap3A_465 = arith.constant 24 : index
    %swap3A_466 = arith.constant 0 : index
    %swap3A_467 = arith.constant 0 : index
    %swap3A_468 = vector.load %arg4[%swap3A_465, %swap3A_466, %swap3A_467] : memref<100x16x128xf32, #tpu.memory_space<vmem>>, vector<1x16x128xf32>
    %swap3A_469 = vector.shape_cast %swap3A_468 : vector<1x16x128xf32> to vector<16x128xf32>
    %swap3A_470 = vector.shape_cast %add3A_464 : vector<16x128xf32> to vector<1x16x128xf32>
    tpu.vector_store %arg4[%swap3A_465, %swap3A_466, %swap3A_467], %swap3A_470 {strides = array<i32>} : memref<100x16x128xf32, #tpu.memory_space<vmem>>, vector<1x16x128xf32>,
    %get3A_471 = arith.constant 0 : index
    %get3A_472 = arith.constant 0 : index
    %get3A_473 = vector.load %arg2[%get3A_471, %get3A_472] : memref<16x16xf32, #tpu.memory_space<vmem>>, vector<16x16xf32>
    %get3A_474 = arith.constant 0 : index
    %get3A_475 = arith.constant 3200 : index
    %get3A_476 = vector.load %arg1[%get3A_474, %get3A_475] : memref<16x12800xf32, #tpu.memory_space<vmem>>, vector<16x128xf32>
    %dot_general3A_477 = arith.constant dense<0.000000e+00> : vector<16x128xf32>
    %dot_general3A_478 = tpu.matmul %get3A_473, %get3A_476, %dot_general3A_477 {dimension_numbers = #tpu.dot_dimension_numbers<[1], [0], [0], [1], [0, 0, 1, 1], [], []>, transpose_lhs_hint = false} : vector<16x16xf32>, vector<16x128xf32>, vector<16x128xf32> -> vector<16x128xf32>
    %get3A_479 = arith.constant 0 : index
    %get3A_480 = arith.constant 0 : index
    %get3A_481 = vector.load %arg3[%get3A_479, %get3A_480] : memref<16x1xf32, #tpu.memory_space<vmem>>, vector<16x1xf32>
    %add3A_482 = vector.broadcast %get3A_481 : vector<16x1xf32> to vector<16x128xf32>
    %add3A_483 = arith.addf %dot_general3A_478, %add3A_482 : vector<16x128xf32>
    %swap3A_484 = arith.constant 25 : index
    %swap3A_485 = arith.constant 0 : index
    %swap3A_486 = arith.constant 0 : index
    %swap3A_487 = vector.load %arg4[%swap3A_484, %swap3A_485, %swap3A_486] : memref<100x16x128xf32, #tpu.memory_space<vmem>>, vector<1x16x128xf32>
    %swap3A_488 = vector.shape_cast %swap3A_487 : vector<1x16x128xf32> to vector<16x128xf32>
    %swap3A_489 = vector.shape_cast %add3A_483 : vector<16x128xf32> to vector<1x16x128xf32>
    tpu.vector_store %arg4[%swap3A_484, %swap3A_485, %swap3A_486], %swap3A_489 {strides = array<i32>} : memref<100x16x128xf32, #tpu.memory_space<vmem>>, vector<1x16x128xf32>,
    %get3A_490 = arith.constant 0 : index
    %get3A_491 = arith.constant 0 : index
    %get3A_492 = vector.load %arg2[%get3A_490, %get3A_491] : memref<16x16xf32, #tpu.memory_space<vmem>>, vector<16x16xf32>
    %get3A_493 = arith.constant 0 : index
    %get3A_494 = arith.constant 3328 : index
    %get3A_495 = vector.load %arg1[%get3A_493, %get3A_494] : memref<16x12800xf32, #tpu.memory_space<vmem>>, vector<16x128xf32>
    %dot_general3A_496 = arith.constant dense<0.000000e+00> : vector<16x128xf32>
    %dot_general3A_497 = tpu.matmul %get3A_492, %get3A_495, %dot_general3A_496 {dimension_numbers = #tpu.dot_dimension_numbers<[1], [0], [0], [1], [0, 0, 1, 1], [], []>, transpose_lhs_hint = false} : vector<16x16xf32>, vector<16x128xf32>, vector<16x128xf32> -> vector<16x128xf32>
    %get3A_498 = arith.constant 0 : index
    %get3A_499 = arith.constant 0 : index
    %get3A_500 = vector.load %arg3[%get3A_498, %get3A_499] : memref<16x1xf32, #tpu.memory_space<vmem>>, vector<16x1xf32>
    %add3A_501 = vector.broadcast %get3A_500 : vector<16x1xf32> to vector<16x128xf32>
    %add3A_502 = arith.addf %dot_general3A_497, %add3A_501 : vector<16x128xf32>
    %swap3A_503 = arith.constant 26 : index
    %swap3A_504 = arith.constant 0 : index
    %swap3A_505 = arith.constant 0 : index
    %swap3A_506 = vector.load %arg4[%swap3A_503, %swap3A_504, %swap3A_505] : memref<100x16x128xf32, #tpu.memory_space<vmem>>, vector<1x16x128xf32>
    %swap3A_507 = vector.shape_cast %swap3A_506 : vector<1x16x128xf32> to vector<16x128xf32>
    %swap3A_508 = vector.shape_cast %add3A_502 : vector<16x128xf32> to vector<1x16x128xf32>
    tpu.vector_store %arg4[%swap3A_503, %swap3A_504, %swap3A_505], %swap3A_508 {strides = array<i32>} : memref<100x16x128xf32, #tpu.memory_space<vmem>>, vector<1x16x128xf32>,
    %get3A_509 = arith.constant 0 : index
    %get3A_510 = arith.constant 0 : index
    %get3A_511 = vector.load %arg2[%get3A_509, %get3A_510] : memref<16x16xf32, #tpu.memory_space<vmem>>, vector<16x16xf32>
    %get3A_512 = arith.constant 0 : index
    %get3A_513 = arith.constant 3456 : index
    %get3A_514 = vector.load %arg1[%get3A_512, %get3A_513] : memref<16x12800xf32, #tpu.memory_space<vmem>>, vector<16x128xf32>
    %dot_general3A_515 = arith.constant dense<0.000000e+00> : vector<16x128xf32>
    %dot_general3A_516 = tpu.matmul %get3A_511, %get3A_514, %dot_general3A_515 {dimension_numbers = #tpu.dot_dimension_numbers<[1], [0], [0], [1], [0, 0, 1, 1], [], []>, transpose_lhs_hint = false} : vector<16x16xf32>, vector<16x128xf32>, vector<16x128xf32> -> vector<16x128xf32>
    %get3A_517 = arith.constant 0 : index
    %get3A_518 = arith.constant 0 : index
    %get3A_519 = vector.load %arg3[%get3A_517, %get3A_518] : memref<16x1xf32, #tpu.memory_space<vmem>>, vector<16x1xf32>
    %add3A_520 = vector.broadcast %get3A_519 : vector<16x1xf32> to vector<16x128xf32>
    %add3A_521 = arith.addf %dot_general3A_516, %add3A_520 : vector<16x128xf32>
    %swap3A_522 = arith.constant 27 : index
    %swap3A_523 = arith.constant 0 : index
    %swap3A_524 = arith.constant 0 : index
    %swap3A_525 = vector.load %arg4[%swap3A_522, %swap3A_523, %swap3A_524] : memref<100x16x128xf32, #tpu.memory_space<vmem>>, vector<1x16x128xf32>
    %swap3A_526 = vector.shape_cast %swap3A_525 : vector<1x16x128xf32> to vector<16x128xf32>
    %swap3A_527 = vector.shape_cast %add3A_521 : vector<16x128xf32> to vector<1x16x128xf32>
    tpu.vector_store %arg4[%swap3A_522, %swap3A_523, %swap3A_524], %swap3A_527 {strides = array<i32>} : memref<100x16x128xf32, #tpu.memory_space<vmem>>, vector<1x16x128xf32>,
    %get3A_528 = arith.constant 0 : index
    %get3A_529 = arith.constant 0 : index
    %get3A_530 = vector.load %arg2[%get3A_528, %get3A_529] : memref<16x16xf32, #tpu.memory_space<vmem>>, vector<16x16xf32>
    %get3A_531 = arith.constant 0 : index
    %get3A_532 = arith.constant 3584 : index
    %get3A_533 = vector.load %arg1[%get3A_531, %get3A_532] : memref<16x12800xf32, #tpu.memory_space<vmem>>, vector<16x128xf32>
    %dot_general3A_534 = arith.constant dense<0.000000e+00> : vector<16x128xf32>
    %dot_general3A_535 = tpu.matmul %get3A_530, %get3A_533, %dot_general3A_534 {dimension_numbers = #tpu.dot_dimension_numbers<[1], [0], [0], [1], [0, 0, 1, 1], [], []>, transpose_lhs_hint = false} : vector<16x16xf32>, vector<16x128xf32>, vector<16x128xf32> -> vector<16x128xf32>
    %get3A_536 = arith.constant 0 : index
    %get3A_537 = arith.constant 0 : index
    %get3A_538 = vector.load %arg3[%get3A_536, %get3A_537] : memref<16x1xf32, #tpu.memory_space<vmem>>, vector<16x1xf32>
    %add3A_539 = vector.broadcast %get3A_538 : vector<16x1xf32> to vector<16x128xf32>
    %add3A_540 = arith.addf %dot_general3A_535, %add3A_539 : vector<16x128xf32>
    %swap3A_541 = arith.constant 28 : index
    %swap3A_542 = arith.constant 0 : index
    %swap3A_543 = arith.constant 0 : index
    %swap3A_544 = vector.load %arg4[%swap3A_541, %swap3A_542, %swap3A_543] : memref<100x16x128xf32, #tpu.memory_space<vmem>>, vector<1x16x128xf32>
    %swap3A_545 = vector.shape_cast %swap3A_544 : vector<1x16x128xf32> to vector<16x128xf32>
    %swap3A_546 = vector.shape_cast %add3A_540 : vector<16x128xf32> to vector<1x16x128xf32>
    tpu.vector_store %arg4[%swap3A_541, %swap3A_542, %swap3A_543], %swap3A_546 {strides = array<i32>} : memref<100x16x128xf32, #tpu.memory_space<vmem>>, vector<1x16x128xf32>,
    %get3A_547 = arith.constant 0 : index
    %get3A_548 = arith.constant 0 : index
    %get3A_549 = vector.load %arg2[%get3A_547, %get3A_548] : memref<16x16xf32, #tpu.memory_space<vmem>>, vector<16x16xf32>
    %get3A_550 = arith.constant 0 : index
    %get3A_551 = arith.constant 3712 : index
    %get3A_552 = vector.load %arg1[%get3A_550, %get3A_551] : memref<16x12800xf32, #tpu.memory_space<vmem>>, vector<16x128xf32>
    %dot_general3A_553 = arith.constant dense<0.000000e+00> : vector<16x128xf32>
    %dot_general3A_554 = tpu.matmul %get3A_549, %get3A_552, %dot_general3A_553 {dimension_numbers = #tpu.dot_dimension_numbers<[1], [0], [0], [1], [0, 0, 1, 1], [], []>, transpose_lhs_hint = false} : vector<16x16xf32>, vector<16x128xf32>, vector<16x128xf32> -> vector<16x128xf32>
    %get3A_555 = arith.constant 0 : index
    %get3A_556 = arith.constant 0 : index
    %get3A_557 = vector.load %arg3[%get3A_555, %get3A_556] : memref<16x1xf32, #tpu.memory_space<vmem>>, vector<16x1xf32>
    %add3A_558 = vector.broadcast %get3A_557 : vector<16x1xf32> to vector<16x128xf32>
    %add3A_559 = arith.addf %dot_general3A_554, %add3A_558 : vector<16x128xf32>
    %swap3A_560 = arith.constant 29 : index
    %swap3A_561 = arith.constant 0 : index
    %swap3A_562 = arith.constant 0 : index
    %swap3A_563 = vector.load %arg4[%swap3A_560, %swap3A_561, %swap3A_562] : memref<100x16x128xf32, #tpu.memory_space<vmem>>, vector<1x16x128xf32>
    %swap3A_564 = vector.shape_cast %swap3A_563 : vector<1x16x128xf32> to vector<16x128xf32>
    %swap3A_565 = vector.shape_cast %add3A_559 : vector<16x128xf32> to vector<1x16x128xf32>
    tpu.vector_store %arg4[%swap3A_560, %swap3A_561, %swap3A_562], %swap3A_565 {strides = array<i32>} : memref<100x16x128xf32, #tpu.memory_space<vmem>>, vector<1x16x128xf32>,
    %get3A_566 = arith.constant 0 : index
    %get3A_567 = arith.constant 0 : index
    %get3A_568 = vector.load %arg2[%get3A_566, %get3A_567] : memref<16x16xf32, #tpu.memory_space<vmem>>, vector<16x16xf32>
    %get3A_569 = arith.constant 0 : index
    %get3A_570 = arith.constant 3840 : index
    %get3A_571 = vector.load %arg1[%get3A_569, %get3A_570] : memref<16x12800xf32, #tpu.memory_space<vmem>>, vector<16x128xf32>
    %dot_general3A_572 = arith.constant dense<0.000000e+00> : vector<16x128xf32>
    %dot_general3A_573 = tpu.matmul %get3A_568, %get3A_571, %dot_general3A_572 {dimension_numbers = #tpu.dot_dimension_numbers<[1], [0], [0], [1], [0, 0, 1, 1], [], []>, transpose_lhs_hint = false} : vector<16x16xf32>, vector<16x128xf32>, vector<16x128xf32> -> vector<16x128xf32>
    %get3A_574 = arith.constant 0 : index
    %get3A_575 = arith.constant 0 : index
    %get3A_576 = vector.load %arg3[%get3A_574, %get3A_575] : memref<16x1xf32, #tpu.memory_space<vmem>>, vector<16x1xf32>
    %add3A_577 = vector.broadcast %get3A_576 : vector<16x1xf32> to vector<16x128xf32>
    %add3A_578 = arith.addf %dot_general3A_573, %add3A_577 : vector<16x128xf32>
    %swap3A_579 = arith.constant 30 : index
    %swap3A_580 = arith.constant 0 : index
    %swap3A_581 = arith.constant 0 : index
    %swap3A_582 = vector.load %arg4[%swap3A_579, %swap3A_580, %swap3A_581] : memref<100x16x128xf32, #tpu.memory_space<vmem>>, vector<1x16x128xf32>
    %swap3A_583 = vector.shape_cast %swap3A_582 : vector<1x16x128xf32> to vector<16x128xf32>
    %swap3A_584 = vector.shape_cast %add3A_578 : vector<16x128xf32> to vector<1x16x128xf32>
    tpu.vector_store %arg4[%swap3A_579, %swap3A_580, %swap3A_581], %swap3A_584 {strides = array<i32>} : memref<100x16x128xf32, #tpu.memory_space<vmem>>, vector<1x16x128xf32>,
    %get3A_585 = arith.constant 0 : index
    %get3A_586 = arith.constant 0 : index
    %get3A_587 = vector.load %arg2[%get3A_585, %get3A_586] : memref<16x16xf32, #tpu.memory_space<vmem>>, vector<16x16xf32>
    %get3A_588 = arith.constant 0 : index
    %get3A_589 = arith.constant 3968 : index
    %get3A_590 = vector.load %arg1[%get3A_588, %get3A_589] : memref<16x12800xf32, #tpu.memory_space<vmem>>, vector<16x128xf32>
    %dot_general3A_591 = arith.constant dense<0.000000e+00> : vector<16x128xf32>
    %dot_general3A_592 = tpu.matmul %get3A_587, %get3A_590, %dot_general3A_591 {dimension_numbers = #tpu.dot_dimension_numbers<[1], [0], [0], [1], [0, 0, 1, 1], [], []>, transpose_lhs_hint = false} : vector<16x16xf32>, vector<16x128xf32>, vector<16x128xf32> -> vector<16x128xf32>
    %get3A_593 = arith.constant 0 : index
    %get3A_594 = arith.constant 0 : index
    %get3A_595 = vector.load %arg3[%get3A_593, %get3A_594] : memref<16x1xf32, #tpu.memory_space<vmem>>, vector<16x1xf32>
    %add3A_596 = vector.broadcast %get3A_595 : vector<16x1xf32> to vector<16x128xf32>
    %add3A_597 = arith.addf %dot_general3A_592, %add3A_596 : vector<16x128xf32>
    %swap3A_598 = arith.constant 31 : index
    %swap3A_599 = arith.constant 0 : index
    %swap3A_600 = arith.constant 0 : index
    %swap3A_601 = vector.load %arg4[%swap3A_598, %swap3A_599, %swap3A_600] : memref<100x16x128xf32, #tpu.memory_space<vmem>>, vector<1x16x128xf32>
    %swap3A_602 = vector.shape_cast %swap3A_601 : vector<1x16x128xf32> to vector<16x128xf32>
    %swap3A_603 = vector.shape_cast %add3A_597 : vector<16x128xf32> to vector<1x16x128xf32>
    tpu.vector_store %arg4[%swap3A_598, %swap3A_599, %swap3A_600], %swap3A_603 {strides = array<i32>} : memref<100x16x128xf32, #tpu.memory_space<vmem>>, vector<1x16x128xf32>,
    %get3A_604 = arith.constant 0 : index
    %get3A_605 = arith.constant 0 : index
    %get3A_606 = vector.load %arg2[%get3A_604, %get3A_605] : memref<16x16xf32, #tpu.memory_space<vmem>>, vector<16x16xf32>
    %get3A_607 = arith.constant 0 : index
    %get3A_608 = arith.constant 4096 : index
    %get3A_609 = vector.load %arg1[%get3A_607, %get3A_608] : memref<16x12800xf32, #tpu.memory_space<vmem>>, vector<16x128xf32>
    %dot_general3A_610 = arith.constant dense<0.000000e+00> : vector<16x128xf32>
    %dot_general3A_611 = tpu.matmul %get3A_606, %get3A_609, %dot_general3A_610 {dimension_numbers = #tpu.dot_dimension_numbers<[1], [0], [0], [1], [0, 0, 1, 1], [], []>, transpose_lhs_hint = false} : vector<16x16xf32>, vector<16x128xf32>, vector<16x128xf32> -> vector<16x128xf32>
    %get3A_612 = arith.constant 0 : index
    %get3A_613 = arith.constant 0 : index
    %get3A_614 = vector.load %arg3[%get3A_612, %get3A_613] : memref<16x1xf32, #tpu.memory_space<vmem>>, vector<16x1xf32>
    %add3A_615 = vector.broadcast %get3A_614 : vector<16x1xf32> to vector<16x128xf32>
    %add3A_616 = arith.addf %dot_general3A_611, %add3A_615 : vector<16x128xf32>
    %swap3A_617 = arith.constant 32 : index
    %swap3A_618 = arith.constant 0 : index
    %swap3A_619 = arith.constant 0 : index
    %swap3A_620 = vector.load %arg4[%swap3A_617, %swap3A_618, %swap3A_619] : memref<100x16x128xf32, #tpu.memory_space<vmem>>, vector<1x16x128xf32>
    %swap3A_621 = vector.shape_cast %swap3A_620 : vector<1x16x128xf32> to vector<16x128xf32>
    %swap3A_622 = vector.shape_cast %add3A_616 : vector<16x128xf32> to vector<1x16x128xf32>
    tpu.vector_store %arg4[%swap3A_617, %swap3A_618, %swap3A_619], %swap3A_622 {strides = array<i32>} : memref<100x16x128xf32, #tpu.memory_space<vmem>>, vector<1x16x128xf32>,
    %get3A_623 = arith.constant 0 : index
    %get3A_624 = arith.constant 0 : index
    %get3A_625 = vector.load %arg2[%get3A_623, %get3A_624] : memref<16x16xf32, #tpu.memory_space<vmem>>, vector<16x16xf32>
    %get3A_626 = arith.constant 0 : index
    %get3A_627 = arith.constant 4224 : index
    %get3A_628 = vector.load %arg1[%get3A_626, %get3A_627] : memref<16x12800xf32, #tpu.memory_space<vmem>>, vector<16x128xf32>
    %dot_general3A_629 = arith.constant dense<0.000000e+00> : vector<16x128xf32>
    %dot_general3A_630 = tpu.matmul %get3A_625, %get3A_628, %dot_general3A_629 {dimension_numbers = #tpu.dot_dimension_numbers<[1], [0], [0], [1], [0, 0, 1, 1], [], []>, transpose_lhs_hint = false} : vector<16x16xf32>, vector<16x128xf32>, vector<16x128xf32> -> vector<16x128xf32>
    %get3A_631 = arith.constant 0 : index
    %get3A_632 = arith.constant 0 : index
    %get3A_633 = vector.load %arg3[%get3A_631, %get3A_632] : memref<16x1xf32, #tpu.memory_space<vmem>>, vector<16x1xf32>
    %add3A_634 = vector.broadcast %get3A_633 : vector<16x1xf32> to vector<16x128xf32>
    %add3A_635 = arith.addf %dot_general3A_630, %add3A_634 : vector<16x128xf32>
    %swap3A_636 = arith.constant 33 : index
    %swap3A_637 = arith.constant 0 : index
    %swap3A_638 = arith.constant 0 : index
    %swap3A_639 = vector.load %arg4[%swap3A_636, %swap3A_637, %swap3A_638] : memref<100x16x128xf32, #tpu.memory_space<vmem>>, vector<1x16x128xf32>
    %swap3A_640 = vector.shape_cast %swap3A_639 : vector<1x16x128xf32> to vector<16x128xf32>
    %swap3A_641 = vector.shape_cast %add3A_635 : vector<16x128xf32> to vector<1x16x128xf32>
    tpu.vector_store %arg4[%swap3A_636, %swap3A_637, %swap3A_638], %swap3A_641 {strides = array<i32>} : memref<100x16x128xf32, #tpu.memory_space<vmem>>, vector<1x16x128xf32>,
    %get3A_642 = arith.constant 0 : index
    %get3A_643 = arith.constant 0 : index
    %get3A_644 = vector.load %arg2[%get3A_642, %get3A_643] : memref<16x16xf32, #tpu.memory_space<vmem>>, vector<16x16xf32>
    %get3A_645 = arith.constant 0 : index
    %get3A_646 = arith.constant 4352 : index
    %get3A_647 = vector.load %arg1[%get3A_645, %get3A_646] : memref<16x12800xf32, #tpu.memory_space<vmem>>, vector<16x128xf32>
    %dot_general3A_648 = arith.constant dense<0.000000e+00> : vector<16x128xf32>
    %dot_general3A_649 = tpu.matmul %get3A_644, %get3A_647, %dot_general3A_648 {dimension_numbers = #tpu.dot_dimension_numbers<[1], [0], [0], [1], [0, 0, 1, 1], [], []>, transpose_lhs_hint = false} : vector<16x16xf32>, vector<16x128xf32>, vector<16x128xf32> -> vector<16x128xf32>
    %get3A_650 = arith.constant 0 : index
    %get3A_651 = arith.constant 0 : index
    %get3A_652 = vector.load %arg3[%get3A_650, %get3A_651] : memref<16x1xf32, #tpu.memory_space<vmem>>, vector<16x1xf32>
    %add3A_653 = vector.broadcast %get3A_652 : vector<16x1xf32> to vector<16x128xf32>
    %add3A_654 = arith.addf %dot_general3A_649, %add3A_653 : vector<16x128xf32>
    %swap3A_655 = arith.constant 34 : index
    %swap3A_656 = arith.constant 0 : index
    %swap3A_657 = arith.constant 0 : index
    %swap3A_658 = vector.load %arg4[%swap3A_655, %swap3A_656, %swap3A_657] : memref<100x16x128xf32, #tpu.memory_space<vmem>>, vector<1x16x128xf32>
    %swap3A_659 = vector.shape_cast %swap3A_658 : vector<1x16x128xf32> to vector<16x128xf32>
    %swap3A_660 = vector.shape_cast %add3A_654 : vector<16x128xf32> to vector<1x16x128xf32>
    tpu.vector_store %arg4[%swap3A_655, %swap3A_656, %swap3A_657], %swap3A_660 {strides = array<i32>} : memref<100x16x128xf32, #tpu.memory_space<vmem>>, vector<1x16x128xf32>,
    %get3A_661 = arith.constant 0 : index
    %get3A_662 = arith.constant 0 : index
    %get3A_663 = vector.load %arg2[%get3A_661, %get3A_662] : memref<16x16xf32, #tpu.memory_space<vmem>>, vector<16x16xf32>
    %get3A_664 = arith.constant 0 : index
    %get3A_665 = arith.constant 4480 : index
    %get3A_666 = vector.load %arg1[%get3A_664, %get3A_665] : memref<16x12800xf32, #tpu.memory_space<vmem>>, vector<16x128xf32>
    %dot_general3A_667 = arith.constant dense<0.000000e+00> : vector<16x128xf32>
    %dot_general3A_668 = tpu.matmul %get3A_663, %get3A_666, %dot_general3A_667 {dimension_numbers = #tpu.dot_dimension_numbers<[1], [0], [0], [1], [0, 0, 1, 1], [], []>, transpose_lhs_hint = false} : vector<16x16xf32>, vector<16x128xf32>, vector<16x128xf32> -> vector<16x128xf32>
    %get3A_669 = arith.constant 0 : index
    %get3A_670 = arith.constant 0 : index
    %get3A_671 = vector.load %arg3[%get3A_669, %get3A_670] : memref<16x1xf32, #tpu.memory_space<vmem>>, vector<16x1xf32>
    %add3A_672 = vector.broadcast %get3A_671 : vector<16x1xf32> to vector<16x128xf32>
    %add3A_673 = arith.addf %dot_general3A_668, %add3A_672 : vector<16x128xf32>
    %swap3A_674 = arith.constant 35 : index
    %swap3A_675 = arith.constant 0 : index
    %swap3A_676 = arith.constant 0 : index
    %swap3A_677 = vector.load %arg4[%swap3A_674, %swap3A_675, %swap3A_676] : memref<100x16x128xf32, #tpu.memory_space<vmem>>, vector<1x16x128xf32>
    %swap3A_678 = vector.shape_cast %swap3A_677 : vector<1x16x128xf32> to vector<16x128xf32>
    %swap3A_679 = vector.shape_cast %add3A_673 : vector<16x128xf32> to vector<1x16x128xf32>
    tpu.vector_store %arg4[%swap3A_674, %swap3A_675, %swap3A_676], %swap3A_679 {strides = array<i32>} : memref<100x16x128xf32, #tpu.memory_space<vmem>>, vector<1x16x128xf32>,
    %get3A_680 = arith.constant 0 : index
    %get3A_681 = arith.constant 0 : index
    %get3A_682 = vector.load %arg2[%get3A_680, %get3A_681] : memref<16x16xf32, #tpu.memory_space<vmem>>, vector<16x16xf32>
    %get3A_683 = arith.constant 0 : index
    %get3A_684 = arith.constant 4608 : index
    %get3A_685 = vector.load %arg1[%get3A_683, %get3A_684] : memref<16x12800xf32, #tpu.memory_space<vmem>>, vector<16x128xf32>
    %dot_general3A_686 = arith.constant dense<0.000000e+00> : vector<16x128xf32>
    %dot_general3A_687 = tpu.matmul %get3A_682, %get3A_685, %dot_general3A_686 {dimension_numbers = #tpu.dot_dimension_numbers<[1], [0], [0], [1], [0, 0, 1, 1], [], []>, transpose_lhs_hint = false} : vector<16x16xf32>, vector<16x128xf32>, vector<16x128xf32> -> vector<16x128xf32>
    %get3A_688 = arith.constant 0 : index
    %get3A_689 = arith.constant 0 : index
    %get3A_690 = vector.load %arg3[%get3A_688, %get3A_689] : memref<16x1xf32, #tpu.memory_space<vmem>>, vector<16x1xf32>
    %add3A_691 = vector.broadcast %get3A_690 : vector<16x1xf32> to vector<16x128xf32>
    %add3A_692 = arith.addf %dot_general3A_687, %add3A_691 : vector<16x128xf32>
    %swap3A_693 = arith.constant 36 : index
    %swap3A_694 = arith.constant 0 : index
    %swap3A_695 = arith.constant 0 : index
    %swap3A_696 = vector.load %arg4[%swap3A_693, %swap3A_694, %swap3A_695] : memref<100x16x128xf32, #tpu.memory_space<vmem>>, vector<1x16x128xf32>
    %swap3A_697 = vector.shape_cast %swap3A_696 : vector<1x16x128xf32> to vector<16x128xf32>
    %swap3A_698 = vector.shape_cast %add3A_692 : vector<16x128xf32> to vector<1x16x128xf32>
    tpu.vector_store %arg4[%swap3A_693, %swap3A_694, %swap3A_695], %swap3A_698 {strides = array<i32>} : memref<100x16x128xf32, #tpu.memory_space<vmem>>, vector<1x16x128xf32>,
    %get3A_699 = arith.constant 0 : index
    %get3A_700 = arith.constant 0 : index
    %get3A_701 = vector.load %arg2[%get3A_699, %get3A_700] : memref<16x16xf32, #tpu.memory_space<vmem>>, vector<16x16xf32>
    %get3A_702 = arith.constant 0 : index
    %get3A_703 = arith.constant 4736 : index
    %get3A_704 = vector.load %arg1[%get3A_702, %get3A_703] : memref<16x12800xf32, #tpu.memory_space<vmem>>, vector<16x128xf32>
    %dot_general3A_705 = arith.constant dense<0.000000e+00> : vector<16x128xf32>
    %dot_general3A_706 = tpu.matmul %get3A_701, %get3A_704, %dot_general3A_705 {dimension_numbers = #tpu.dot_dimension_numbers<[1], [0], [0], [1], [0, 0, 1, 1], [], []>, transpose_lhs_hint = false} : vector<16x16xf32>, vector<16x128xf32>, vector<16x128xf32> -> vector<16x128xf32>
    %get3A_707 = arith.constant 0 : index
    %get3A_708 = arith.constant 0 : index
    %get3A_709 = vector.load %arg3[%get3A_707, %get3A_708] : memref<16x1xf32, #tpu.memory_space<vmem>>, vector<16x1xf32>
    %add3A_710 = vector.broadcast %get3A_709 : vector<16x1xf32> to vector<16x128xf32>
    %add3A_711 = arith.addf %dot_general3A_706, %add3A_710 : vector<16x128xf32>
    %swap3A_712 = arith.constant 37 : index
    %swap3A_713 = arith.constant 0 : index
    %swap3A_714 = arith.constant 0 : index
    %swap3A_715 = vector.load %arg4[%swap3A_712, %swap3A_713, %swap3A_714] : memref<100x16x128xf32, #tpu.memory_space<vmem>>, vector<1x16x128xf32>
    %swap3A_716 = vector.shape_cast %swap3A_715 : vector<1x16x128xf32> to vector<16x128xf32>
    %swap3A_717 = vector.shape_cast %add3A_711 : vector<16x128xf32> to vector<1x16x128xf32>
    tpu.vector_store %arg4[%swap3A_712, %swap3A_713, %swap3A_714], %swap3A_717 {strides = array<i32>} : memref<100x16x128xf32, #tpu.memory_space<vmem>>, vector<1x16x128xf32>,
    %get3A_718 = arith.constant 0 : index
    %get3A_719 = arith.constant 0 : index
    %get3A_720 = vector.load %arg2[%get3A_718, %get3A_719] : memref<16x16xf32, #tpu.memory_space<vmem>>, vector<16x16xf32>
    %get3A_721 = arith.constant 0 : index
    %get3A_722 = arith.constant 4864 : index
    %get3A_723 = vector.load %arg1[%get3A_721, %get3A_722] : memref<16x12800xf32, #tpu.memory_space<vmem>>, vector<16x128xf32>
    %dot_general3A_724 = arith.constant dense<0.000000e+00> : vector<16x128xf32>
    %dot_general3A_725 = tpu.matmul %get3A_720, %get3A_723, %dot_general3A_724 {dimension_numbers = #tpu.dot_dimension_numbers<[1], [0], [0], [1], [0, 0, 1, 1], [], []>, transpose_lhs_hint = false} : vector<16x16xf32>, vector<16x128xf32>, vector<16x128xf32> -> vector<16x128xf32>
    %get3A_726 = arith.constant 0 : index
    %get3A_727 = arith.constant 0 : index
    %get3A_728 = vector.load %arg3[%get3A_726, %get3A_727] : memref<16x1xf32, #tpu.memory_space<vmem>>, vector<16x1xf32>
    %add3A_729 = vector.broadcast %get3A_728 : vector<16x1xf32> to vector<16x128xf32>
    %add3A_730 = arith.addf %dot_general3A_725, %add3A_729 : vector<16x128xf32>
    %swap3A_731 = arith.constant 38 : index
    %swap3A_732 = arith.constant 0 : index
    %swap3A_733 = arith.constant 0 : index
    %swap3A_734 = vector.load %arg4[%swap3A_731, %swap3A_732, %swap3A_733] : memref<100x16x128xf32, #tpu.memory_space<vmem>>, vector<1x16x128xf32>
    %swap3A_735 = vector.shape_cast %swap3A_734 : vector<1x16x128xf32> to vector<16x128xf32>
    %swap3A_736 = vector.shape_cast %add3A_730 : vector<16x128xf32> to vector<1x16x128xf32>
    tpu.vector_store %arg4[%swap3A_731, %swap3A_732, %swap3A_733], %swap3A_736 {strides = array<i32>} : memref<100x16x128xf32, #tpu.memory_space<vmem>>, vector<1x16x128xf32>,
    %get3A_737 = arith.constant 0 : index
    %get3A_738 = arith.constant 0 : index
    %get3A_739 = vector.load %arg2[%get3A_737, %get3A_738] : memref<16x16xf32, #tpu.memory_space<vmem>>, vector<16x16xf32>
    %get3A_740 = arith.constant 0 : index
    %get3A_741 = arith.constant 4992 : index
    %get3A_742 = vector.load %arg1[%get3A_740, %get3A_741] : memref<16x12800xf32, #tpu.memory_space<vmem>>, vector<16x128xf32>
    %dot_general3A_743 = arith.constant dense<0.000000e+00> : vector<16x128xf32>
    %dot_general3A_744 = tpu.matmul %get3A_739, %get3A_742, %dot_general3A_743 {dimension_numbers = #tpu.dot_dimension_numbers<[1], [0], [0], [1], [0, 0, 1, 1], [], []>, transpose_lhs_hint = false} : vector<16x16xf32>, vector<16x128xf32>, vector<16x128xf32> -> vector<16x128xf32>
    %get3A_745 = arith.constant 0 : index
    %get3A_746 = arith.constant 0 : index
    %get3A_747 = vector.load %arg3[%get3A_745, %get3A_746] : memref<16x1xf32, #tpu.memory_space<vmem>>, vector<16x1xf32>
    %add3A_748 = vector.broadcast %get3A_747 : vector<16x1xf32> to vector<16x128xf32>
    %add3A_749 = arith.addf %dot_general3A_744, %add3A_748 : vector<16x128xf32>
    %swap3A_750 = arith.constant 39 : index
    %swap3A_751 = arith.constant 0 : index
    %swap3A_752 = arith.constant 0 : index
    %swap3A_753 = vector.load %arg4[%swap3A_750, %swap3A_751, %swap3A_752] : memref<100x16x128xf32, #tpu.memory_space<vmem>>, vector<1x16x128xf32>
    %swap3A_754 = vector.shape_cast %swap3A_753 : vector<1x16x128xf32> to vector<16x128xf32>
    %swap3A_755 = vector.shape_cast %add3A_749 : vector<16x128xf32> to vector<1x16x128xf32>
    tpu.vector_store %arg4[%swap3A_750, %swap3A_751, %swap3A_752], %swap3A_755 {strides = array<i32>} : memref<100x16x128xf32, #tpu.memory_space<vmem>>, vector<1x16x128xf32>,
    %get3A_756 = arith.constant 0 : index
    %get3A_757 = arith.constant 0 : index
    %get3A_758 = vector.load %arg2[%get3A_756, %get3A_757] : memref<16x16xf32, #tpu.memory_space<vmem>>, vector<16x16xf32>
    %get3A_759 = arith.constant 0 : index
    %get3A_760 = arith.constant 5120 : index
    %get3A_761 = vector.load %arg1[%get3A_759, %get3A_760] : memref<16x12800xf32, #tpu.memory_space<vmem>>, vector<16x128xf32>
    %dot_general3A_762 = arith.constant dense<0.000000e+00> : vector<16x128xf32>
    %dot_general3A_763 = tpu.matmul %get3A_758, %get3A_761, %dot_general3A_762 {dimension_numbers = #tpu.dot_dimension_numbers<[1], [0], [0], [1], [0, 0, 1, 1], [], []>, transpose_lhs_hint = false} : vector<16x16xf32>, vector<16x128xf32>, vector<16x128xf32> -> vector<16x128xf32>
    %get3A_764 = arith.constant 0 : index
    %get3A_765 = arith.constant 0 : index
    %get3A_766 = vector.load %arg3[%get3A_764, %get3A_765] : memref<16x1xf32, #tpu.memory_space<vmem>>, vector<16x1xf32>
    %add3A_767 = vector.broadcast %get3A_766 : vector<16x1xf32> to vector<16x128xf32>
    %add3A_768 = arith.addf %dot_general3A_763, %add3A_767 : vector<16x128xf32>
    %swap3A_769 = arith.constant 40 : index
    %swap3A_770 = arith.constant 0 : index
    %swap3A_771 = arith.constant 0 : index
    %swap3A_772 = vector.load %arg4[%swap3A_769, %swap3A_770, %swap3A_771] : memref<100x16x128xf32, #tpu.memory_space<vmem>>, vector<1x16x128xf32>
    %swap3A_773 = vector.shape_cast %swap3A_772 : vector<1x16x128xf32> to vector<16x128xf32>
    %swap3A_774 = vector.shape_cast %add3A_768 : vector<16x128xf32> to vector<1x16x128xf32>
    tpu.vector_store %arg4[%swap3A_769, %swap3A_770, %swap3A_771], %swap3A_774 {strides = array<i32>} : memref<100x16x128xf32, #tpu.memory_space<vmem>>, vector<1x16x128xf32>,
    %get3A_775 = arith.constant 0 : index
    %get3A_776 = arith.constant 0 : index
    %get3A_777 = vector.load %arg2[%get3A_775, %get3A_776] : memref<16x16xf32, #tpu.memory_space<vmem>>, vector<16x16xf32>
    %get3A_778 = arith.constant 0 : index
    %get3A_779 = arith.constant 5248 : index
    %get3A_780 = vector.load %arg1[%get3A_778, %get3A_779] : memref<16x12800xf32, #tpu.memory_space<vmem>>, vector<16x128xf32>
    %dot_general3A_781 = arith.constant dense<0.000000e+00> : vector<16x128xf32>
    %dot_general3A_782 = tpu.matmul %get3A_777, %get3A_780, %dot_general3A_781 {dimension_numbers = #tpu.dot_dimension_numbers<[1], [0], [0], [1], [0, 0, 1, 1], [], []>, transpose_lhs_hint = false} : vector<16x16xf32>, vector<16x128xf32>, vector<16x128xf32> -> vector<16x128xf32>
    %get3A_783 = arith.constant 0 : index
    %get3A_784 = arith.constant 0 : index
    %get3A_785 = vector.load %arg3[%get3A_783, %get3A_784] : memref<16x1xf32, #tpu.memory_space<vmem>>, vector<16x1xf32>
    %add3A_786 = vector.broadcast %get3A_785 : vector<16x1xf32> to vector<16x128xf32>
    %add3A_787 = arith.addf %dot_general3A_782, %add3A_786 : vector<16x128xf32>
    %swap3A_788 = arith.constant 41 : index
    %swap3A_789 = arith.constant 0 : index
    %swap3A_790 = arith.constant 0 : index
    %swap3A_791 = vector.load %arg4[%swap3A_788, %swap3A_789, %swap3A_790] : memref<100x16x128xf32, #tpu.memory_space<vmem>>, vector<1x16x128xf32>
    %swap3A_792 = vector.shape_cast %swap3A_791 : vector<1x16x128xf32> to vector<16x128xf32>
    %swap3A_793 = vector.shape_cast %add3A_787 : vector<16x128xf32> to vector<1x16x128xf32>
    tpu.vector_store %arg4[%swap3A_788, %swap3A_789, %swap3A_790], %swap3A_793 {strides = array<i32>} : memref<100x16x128xf32, #tpu.memory_space<vmem>>, vector<1x16x128xf32>,
    %get3A_794 = arith.constant 0 : index
    %get3A_795 = arith.constant 0 : index
    %get3A_796 = vector.load %arg2[%get3A_794, %get3A_795] : memref<16x16xf32, #tpu.memory_space<vmem>>, vector<16x16xf32>
    %get3A_797 = arith.constant 0 : index
    %get3A_798 = arith.constant 5376 : index
    %get3A_799 = vector.load %arg1[%get3A_797, %get3A_798] : memref<16x12800xf32, #tpu.memory_space<vmem>>, vector<16x128xf32>
    %dot_general3A_800 = arith.constant dense<0.000000e+00> : vector<16x128xf32>
    %dot_general3A_801 = tpu.matmul %get3A_796, %get3A_799, %dot_general3A_800 {dimension_numbers = #tpu.dot_dimension_numbers<[1], [0], [0], [1], [0, 0, 1, 1], [], []>, transpose_lhs_hint = false} : vector<16x16xf32>, vector<16x128xf32>, vector<16x128xf32> -> vector<16x128xf32>
    %get3A_802 = arith.constant 0 : index
    %get3A_803 = arith.constant 0 : index
    %get3A_804 = vector.load %arg3[%get3A_802, %get3A_803] : memref<16x1xf32, #tpu.memory_space<vmem>>, vector<16x1xf32>
    %add3A_805 = vector.broadcast %get3A_804 : vector<16x1xf32> to vector<16x128xf32>
    %add3A_806 = arith.addf %dot_general3A_801, %add3A_805 : vector<16x128xf32>
    %swap3A_807 = arith.constant 42 : index
    %swap3A_808 = arith.constant 0 : index
    %swap3A_809 = arith.constant 0 : index
    %swap3A_810 = vector.load %arg4[%swap3A_807, %swap3A_808, %swap3A_809] : memref<100x16x128xf32, #tpu.memory_space<vmem>>, vector<1x16x128xf32>
    %swap3A_811 = vector.shape_cast %swap3A_810 : vector<1x16x128xf32> to vector<16x128xf32>
    %swap3A_812 = vector.shape_cast %add3A_806 : vector<16x128xf32> to vector<1x16x128xf32>
    tpu.vector_store %arg4[%swap3A_807, %swap3A_808, %swap3A_809], %swap3A_812 {strides = array<i32>} : memref<100x16x128xf32, #tpu.memory_space<vmem>>, vector<1x16x128xf32>,
    %get3A_813 = arith.constant 0 : index
    %get3A_814 = arith.constant 0 : index
    %get3A_815 = vector.load %arg2[%get3A_813, %get3A_814] : memref<16x16xf32, #tpu.memory_space<vmem>>, vector<16x16xf32>
    %get3A_816 = arith.constant 0 : index
    %get3A_817 = arith.constant 5504 : index
    %get3A_818 = vector.load %arg1[%get3A_816, %get3A_817] : memref<16x12800xf32, #tpu.memory_space<vmem>>, vector<16x128xf32>
    %dot_general3A_819 = arith.constant dense<0.000000e+00> : vector<16x128xf32>
    %dot_general3A_820 = tpu.matmul %get3A_815, %get3A_818, %dot_general3A_819 {dimension_numbers = #tpu.dot_dimension_numbers<[1], [0], [0], [1], [0, 0, 1, 1], [], []>, transpose_lhs_hint = false} : vector<16x16xf32>, vector<16x128xf32>, vector<16x128xf32> -> vector<16x128xf32>
    %get3A_821 = arith.constant 0 : index
    %get3A_822 = arith.constant 0 : index
    %get3A_823 = vector.load %arg3[%get3A_821, %get3A_822] : memref<16x1xf32, #tpu.memory_space<vmem>>, vector<16x1xf32>
    %add3A_824 = vector.broadcast %get3A_823 : vector<16x1xf32> to vector<16x128xf32>
    %add3A_825 = arith.addf %dot_general3A_820, %add3A_824 : vector<16x128xf32>
    %swap3A_826 = arith.constant 43 : index
    %swap3A_827 = arith.constant 0 : index
    %swap3A_828 = arith.constant 0 : index
    %swap3A_829 = vector.load %arg4[%swap3A_826, %swap3A_827, %swap3A_828] : memref<100x16x128xf32, #tpu.memory_space<vmem>>, vector<1x16x128xf32>
    %swap3A_830 = vector.shape_cast %swap3A_829 : vector<1x16x128xf32> to vector<16x128xf32>
    %swap3A_831 = vector.shape_cast %add3A_825 : vector<16x128xf32> to vector<1x16x128xf32>
    tpu.vector_store %arg4[%swap3A_826, %swap3A_827, %swap3A_828], %swap3A_831 {strides = array<i32>} : memref<100x16x128xf32, #tpu.memory_space<vmem>>, vector<1x16x128xf32>,
    %get3A_832 = arith.constant 0 : index
    %get3A_833 = arith.constant 0 : index
    %get3A_834 = vector.load %arg2[%get3A_832, %get3A_833] : memref<16x16xf32, #tpu.memory_space<vmem>>, vector<16x16xf32>
    %get3A_835 = arith.constant 0 : index
    %get3A_836 = arith.constant 5632 : index
    %get3A_837 = vector.load %arg1[%get3A_835, %get3A_836] : memref<16x12800xf32, #tpu.memory_space<vmem>>, vector<16x128xf32>
    %dot_general3A_838 = arith.constant dense<0.000000e+00> : vector<16x128xf32>
    %dot_general3A_839 = tpu.matmul %get3A_834, %get3A_837, %dot_general3A_838 {dimension_numbers = #tpu.dot_dimension_numbers<[1], [0], [0], [1], [0, 0, 1, 1], [], []>, transpose_lhs_hint = false} : vector<16x16xf32>, vector<16x128xf32>, vector<16x128xf32> -> vector<16x128xf32>
    %get3A_840 = arith.constant 0 : index
    %get3A_841 = arith.constant 0 : index
    %get3A_842 = vector.load %arg3[%get3A_840, %get3A_841] : memref<16x1xf32, #tpu.memory_space<vmem>>, vector<16x1xf32>
    %add3A_843 = vector.broadcast %get3A_842 : vector<16x1xf32> to vector<16x128xf32>
    %add3A_844 = arith.addf %dot_general3A_839, %add3A_843 : vector<16x128xf32>
    %swap3A_845 = arith.constant 44 : index
    %swap3A_846 = arith.constant 0 : index
    %swap3A_847 = arith.constant 0 : index
    %swap3A_848 = vector.load %arg4[%swap3A_845, %swap3A_846, %swap3A_847] : memref<100x16x128xf32, #tpu.memory_space<vmem>>, vector<1x16x128xf32>
    %swap3A_849 = vector.shape_cast %swap3A_848 : vector<1x16x128xf32> to vector<16x128xf32>
    %swap3A_850 = vector.shape_cast %add3A_844 : vector<16x128xf32> to vector<1x16x128xf32>
    tpu.vector_store %arg4[%swap3A_845, %swap3A_846, %swap3A_847], %swap3A_850 {strides = array<i32>} : memref<100x16x128xf32, #tpu.memory_space<vmem>>, vector<1x16x128xf32>,
    %get3A_851 = arith.constant 0 : index
    %get3A_852 = arith.constant 0 : index
    %get3A_853 = vector.load %arg2[%get3A_851, %get3A_852] : memref<16x16xf32, #tpu.memory_space<vmem>>, vector<16x16xf32>
    %get3A_854 = arith.constant 0 : index
    %get3A_855 = arith.constant 5760 : index
    %get3A_856 = vector.load %arg1[%get3A_854, %get3A_855] : memref<16x12800xf32, #tpu.memory_space<vmem>>, vector<16x128xf32>
    %dot_general3A_857 = arith.constant dense<0.000000e+00> : vector<16x128xf32>
    %dot_general3A_858 = tpu.matmul %get3A_853, %get3A_856, %dot_general3A_857 {dimension_numbers = #tpu.dot_dimension_numbers<[1], [0], [0], [1], [0, 0, 1, 1], [], []>, transpose_lhs_hint = false} : vector<16x16xf32>, vector<16x128xf32>, vector<16x128xf32> -> vector<16x128xf32>
    %get3A_859 = arith.constant 0 : index
    %get3A_860 = arith.constant 0 : index
    %get3A_861 = vector.load %arg3[%get3A_859, %get3A_860] : memref<16x1xf32, #tpu.memory_space<vmem>>, vector<16x1xf32>
    %add3A_862 = vector.broadcast %get3A_861 : vector<16x1xf32> to vector<16x128xf32>
    %add3A_863 = arith.addf %dot_general3A_858, %add3A_862 : vector<16x128xf32>
    %swap3A_864 = arith.constant 45 : index
    %swap3A_865 = arith.constant 0 : index
    %swap3A_866 = arith.constant 0 : index
    %swap3A_867 = vector.load %arg4[%swap3A_864, %swap3A_865, %swap3A_866] : memref<100x16x128xf32, #tpu.memory_space<vmem>>, vector<1x16x128xf32>
    %swap3A_868 = vector.shape_cast %swap3A_867 : vector<1x16x128xf32> to vector<16x128xf32>
    %swap3A_869 = vector.shape_cast %add3A_863 : vector<16x128xf32> to vector<1x16x128xf32>
    tpu.vector_store %arg4[%swap3A_864, %swap3A_865, %swap3A_866], %swap3A_869 {strides = array<i32>} : memref<100x16x128xf32, #tpu.memory_space<vmem>>, vector<1x16x128xf32>,
    %get3A_870 = arith.constant 0 : index
    %get3A_871 = arith.constant 0 : index
    %get3A_872 = vector.load %arg2[%get3A_870, %get3A_871] : memref<16x16xf32, #tpu.memory_space<vmem>>, vector<16x16xf32>
    %get3A_873 = arith.constant 0 : index
    %get3A_874 = arith.constant 5888 : index
    %get3A_875 = vector.load %arg1[%get3A_873, %get3A_874] : memref<16x12800xf32, #tpu.memory_space<vmem>>, vector<16x128xf32>
    %dot_general3A_876 = arith.constant dense<0.000000e+00> : vector<16x128xf32>
    %dot_general3A_877 = tpu.matmul %get3A_872, %get3A_875, %dot_general3A_876 {dimension_numbers = #tpu.dot_dimension_numbers<[1], [0], [0], [1], [0, 0, 1, 1], [], []>, transpose_lhs_hint = false} : vector<16x16xf32>, vector<16x128xf32>, vector<16x128xf32> -> vector<16x128xf32>
    %get3A_878 = arith.constant 0 : index
    %get3A_879 = arith.constant 0 : index
    %get3A_880 = vector.load %arg3[%get3A_878, %get3A_879] : memref<16x1xf32, #tpu.memory_space<vmem>>, vector<16x1xf32>
    %add3A_881 = vector.broadcast %get3A_880 : vector<16x1xf32> to vector<16x128xf32>
    %add3A_882 = arith.addf %dot_general3A_877, %add3A_881 : vector<16x128xf32>
    %swap3A_883 = arith.constant 46 : index
    %swap3A_884 = arith.constant 0 : index
    %swap3A_885 = arith.constant 0 : index
    %swap3A_886 = vector.load %arg4[%swap3A_883, %swap3A_884, %swap3A_885] : memref<100x16x128xf32, #tpu.memory_space<vmem>>, vector<1x16x128xf32>
    %swap3A_887 = vector.shape_cast %swap3A_886 : vector<1x16x128xf32> to vector<16x128xf32>
    %swap3A_888 = vector.shape_cast %add3A_882 : vector<16x128xf32> to vector<1x16x128xf32>
    tpu.vector_store %arg4[%swap3A_883, %swap3A_884, %swap3A_885], %swap3A_888 {strides = array<i32>} : memref<100x16x128xf32, #tpu.memory_space<vmem>>, vector<1x16x128xf32>,
    %get3A_889 = arith.constant 0 : index
    %get3A_890 = arith.constant 0 : index
    %get3A_891 = vector.load %arg2[%get3A_889, %get3A_890] : memref<16x16xf32, #tpu.memory_space<vmem>>, vector<16x16xf32>
    %get3A_892 = arith.constant 0 : index
    %get3A_893 = arith.constant 6016 : index
    %get3A_894 = vector.load %arg1[%get3A_892, %get3A_893] : memref<16x12800xf32, #tpu.memory_space<vmem>>, vector<16x128xf32>
    %dot_general3A_895 = arith.constant dense<0.000000e+00> : vector<16x128xf32>
    %dot_general3A_896 = tpu.matmul %get3A_891, %get3A_894, %dot_general3A_895 {dimension_numbers = #tpu.dot_dimension_numbers<[1], [0], [0], [1], [0, 0, 1, 1], [], []>, transpose_lhs_hint = false} : vector<16x16xf32>, vector<16x128xf32>, vector<16x128xf32> -> vector<16x128xf32>
    %get3A_897 = arith.constant 0 : index
    %get3A_898 = arith.constant 0 : index
    %get3A_899 = vector.load %arg3[%get3A_897, %get3A_898] : memref<16x1xf32, #tpu.memory_space<vmem>>, vector<16x1xf32>
    %add3A_900 = vector.broadcast %get3A_899 : vector<16x1xf32> to vector<16x128xf32>
    %add3A_901 = arith.addf %dot_general3A_896, %add3A_900 : vector<16x128xf32>
    %swap3A_902 = arith.constant 47 : index
    %swap3A_903 = arith.constant 0 : index
    %swap3A_904 = arith.constant 0 : index
    %swap3A_905 = vector.load %arg4[%swap3A_902, %swap3A_903, %swap3A_904] : memref<100x16x128xf32, #tpu.memory_space<vmem>>, vector<1x16x128xf32>
    %swap3A_906 = vector.shape_cast %swap3A_905 : vector<1x16x128xf32> to vector<16x128xf32>
    %swap3A_907 = vector.shape_cast %add3A_901 : vector<16x128xf32> to vector<1x16x128xf32>
    tpu.vector_store %arg4[%swap3A_902, %swap3A_903, %swap3A_904], %swap3A_907 {strides = array<i32>} : memref<100x16x128xf32, #tpu.memory_space<vmem>>, vector<1x16x128xf32>,
    %get3A_908 = arith.constant 0 : index
    %get3A_909 = arith.constant 0 : index
    %get3A_910 = vector.load %arg2[%get3A_908, %get3A_909] : memref<16x16xf32, #tpu.memory_space<vmem>>, vector<16x16xf32>
    %get3A_911 = arith.constant 0 : index
    %get3A_912 = arith.constant 6144 : index
    %get3A_913 = vector.load %arg1[%get3A_911, %get3A_912] : memref<16x12800xf32, #tpu.memory_space<vmem>>, vector<16x128xf32>
    %dot_general3A_914 = arith.constant dense<0.000000e+00> : vector<16x128xf32>
    %dot_general3A_915 = tpu.matmul %get3A_910, %get3A_913, %dot_general3A_914 {dimension_numbers = #tpu.dot_dimension_numbers<[1], [0], [0], [1], [0, 0, 1, 1], [], []>, transpose_lhs_hint = false} : vector<16x16xf32>, vector<16x128xf32>, vector<16x128xf32> -> vector<16x128xf32>
    %get3A_916 = arith.constant 0 : index
    %get3A_917 = arith.constant 0 : index
    %get3A_918 = vector.load %arg3[%get3A_916, %get3A_917] : memref<16x1xf32, #tpu.memory_space<vmem>>, vector<16x1xf32>
    %add3A_919 = vector.broadcast %get3A_918 : vector<16x1xf32> to vector<16x128xf32>
    %add3A_920 = arith.addf %dot_general3A_915, %add3A_919 : vector<16x128xf32>
    %swap3A_921 = arith.constant 48 : index
    %swap3A_922 = arith.constant 0 : index
    %swap3A_923 = arith.constant 0 : index
    %swap3A_924 = vector.load %arg4[%swap3A_921, %swap3A_922, %swap3A_923] : memref<100x16x128xf32, #tpu.memory_space<vmem>>, vector<1x16x128xf32>
    %swap3A_925 = vector.shape_cast %swap3A_924 : vector<1x16x128xf32> to vector<16x128xf32>
    %swap3A_926 = vector.shape_cast %add3A_920 : vector<16x128xf32> to vector<1x16x128xf32>
    tpu.vector_store %arg4[%swap3A_921, %swap3A_922, %swap3A_923], %swap3A_926 {strides = array<i32>} : memref<100x16x128xf32, #tpu.memory_space<vmem>>, vector<1x16x128xf32>,
    %get3A_927 = arith.constant 0 : index
    %get3A_928 = arith.constant 0 : index
    %get3A_929 = vector.load %arg2[%get3A_927, %get3A_928] : memref<16x16xf32, #tpu.memory_space<vmem>>, vector<16x16xf32>
    %get3A_930 = arith.constant 0 : index
    %get3A_931 = arith.constant 6272 : index
    %get3A_932 = vector.load %arg1[%get3A_930, %get3A_931] : memref<16x12800xf32, #tpu.memory_space<vmem>>, vector<16x128xf32>
    %dot_general3A_933 = arith.constant dense<0.000000e+00> : vector<16x128xf32>
    %dot_general3A_934 = tpu.matmul %get3A_929, %get3A_932, %dot_general3A_933 {dimension_numbers = #tpu.dot_dimension_numbers<[1], [0], [0], [1], [0, 0, 1, 1], [], []>, transpose_lhs_hint = false} : vector<16x16xf32>, vector<16x128xf32>, vector<16x128xf32> -> vector<16x128xf32>
    %get3A_935 = arith.constant 0 : index
    %get3A_936 = arith.constant 0 : index
    %get3A_937 = vector.load %arg3[%get3A_935, %get3A_936] : memref<16x1xf32, #tpu.memory_space<vmem>>, vector<16x1xf32>
    %add3A_938 = vector.broadcast %get3A_937 : vector<16x1xf32> to vector<16x128xf32>
    %add3A_939 = arith.addf %dot_general3A_934, %add3A_938 : vector<16x128xf32>
    %swap3A_940 = arith.constant 49 : index
    %swap3A_941 = arith.constant 0 : index
    %swap3A_942 = arith.constant 0 : index
    %swap3A_943 = vector.load %arg4[%swap3A_940, %swap3A_941, %swap3A_942] : memref<100x16x128xf32, #tpu.memory_space<vmem>>, vector<1x16x128xf32>
    %swap3A_944 = vector.shape_cast %swap3A_943 : vector<1x16x128xf32> to vector<16x128xf32>
    %swap3A_945 = vector.shape_cast %add3A_939 : vector<16x128xf32> to vector<1x16x128xf32>
    tpu.vector_store %arg4[%swap3A_940, %swap3A_941, %swap3A_942], %swap3A_945 {strides = array<i32>} : memref<100x16x128xf32, #tpu.memory_space<vmem>>, vector<1x16x128xf32>,
    %get3A_946 = arith.constant 0 : index
    %get3A_947 = arith.constant 0 : index
    %get3A_948 = vector.load %arg2[%get3A_946, %get3A_947] : memref<16x16xf32, #tpu.memory_space<vmem>>, vector<16x16xf32>
    %get3A_949 = arith.constant 0 : index
    %get3A_950 = arith.constant 6400 : index
    %get3A_951 = vector.load %arg1[%get3A_949, %get3A_950] : memref<16x12800xf32, #tpu.memory_space<vmem>>, vector<16x128xf32>
    %dot_general3A_952 = arith.constant dense<0.000000e+00> : vector<16x128xf32>
    %dot_general3A_953 = tpu.matmul %get3A_948, %get3A_951, %dot_general3A_952 {dimension_numbers = #tpu.dot_dimension_numbers<[1], [0], [0], [1], [0, 0, 1, 1], [], []>, transpose_lhs_hint = false} : vector<16x16xf32>, vector<16x128xf32>, vector<16x128xf32> -> vector<16x128xf32>
    %get3A_954 = arith.constant 0 : index
    %get3A_955 = arith.constant 0 : index
    %get3A_956 = vector.load %arg3[%get3A_954, %get3A_955] : memref<16x1xf32, #tpu.memory_space<vmem>>, vector<16x1xf32>
    %add3A_957 = vector.broadcast %get3A_956 : vector<16x1xf32> to vector<16x128xf32>
    %add3A_958 = arith.addf %dot_general3A_953, %add3A_957 : vector<16x128xf32>
    %swap3A_959 = arith.constant 50 : index
    %swap3A_960 = arith.constant 0 : index
    %swap3A_961 = arith.constant 0 : index
    %swap3A_962 = vector.load %arg4[%swap3A_959, %swap3A_960, %swap3A_961] : memref<100x16x128xf32, #tpu.memory_space<vmem>>, vector<1x16x128xf32>
    %swap3A_963 = vector.shape_cast %swap3A_962 : vector<1x16x128xf32> to vector<16x128xf32>
    %swap3A_964 = vector.shape_cast %add3A_958 : vector<16x128xf32> to vector<1x16x128xf32>
    tpu.vector_store %arg4[%swap3A_959, %swap3A_960, %swap3A_961], %swap3A_964 {strides = array<i32>} : memref<100x16x128xf32, #tpu.memory_space<vmem>>, vector<1x16x128xf32>,
    %get3A_965 = arith.constant 0 : index
    %get3A_966 = arith.constant 0 : index
    %get3A_967 = vector.load %arg2[%get3A_965, %get3A_966] : memref<16x16xf32, #tpu.memory_space<vmem>>, vector<16x16xf32>
    %get3A_968 = arith.constant 0 : index
    %get3A_969 = arith.constant 6528 : index
    %get3A_970 = vector.load %arg1[%get3A_968, %get3A_969] : memref<16x12800xf32, #tpu.memory_space<vmem>>, vector<16x128xf32>
    %dot_general3A_971 = arith.constant dense<0.000000e+00> : vector<16x128xf32>
    %dot_general3A_972 = tpu.matmul %get3A_967, %get3A_970, %dot_general3A_971 {dimension_numbers = #tpu.dot_dimension_numbers<[1], [0], [0], [1], [0, 0, 1, 1], [], []>, transpose_lhs_hint = false} : vector<16x16xf32>, vector<16x128xf32>, vector<16x128xf32> -> vector<16x128xf32>
    %get3A_973 = arith.constant 0 : index
    %get3A_974 = arith.constant 0 : index
    %get3A_975 = vector.load %arg3[%get3A_973, %get3A_974] : memref<16x1xf32, #tpu.memory_space<vmem>>, vector<16x1xf32>
    %add3A_976 = vector.broadcast %get3A_975 : vector<16x1xf32> to vector<16x128xf32>
    %add3A_977 = arith.addf %dot_general3A_972, %add3A_976 : vector<16x128xf32>
    %swap3A_978 = arith.constant 51 : index
    %swap3A_979 = arith.constant 0 : index
    %swap3A_980 = arith.constant 0 : index
    %swap3A_981 = vector.load %arg4[%swap3A_978, %swap3A_979, %swap3A_980] : memref<100x16x128xf32, #tpu.memory_space<vmem>>, vector<1x16x128xf32>
    %swap3A_982 = vector.shape_cast %swap3A_981 : vector<1x16x128xf32> to vector<16x128xf32>
    %swap3A_983 = vector.shape_cast %add3A_977 : vector<16x128xf32> to vector<1x16x128xf32>
    tpu.vector_store %arg4[%swap3A_978, %swap3A_979, %swap3A_980], %swap3A_983 {strides = array<i32>} : memref<100x16x128xf32, #tpu.memory_space<vmem>>, vector<1x16x128xf32>,
    %get3A_984 = arith.constant 0 : index
    %get3A_985 = arith.constant 0 : index
    %get3A_986 = vector.load %arg2[%get3A_984, %get3A_985] : memref<16x16xf32, #tpu.memory_space<vmem>>, vector<16x16xf32>
    %get3A_987 = arith.constant 0 : index
    %get3A_988 = arith.constant 6656 : index
    %get3A_989 = vector.load %arg1[%get3A_987, %get3A_988] : memref<16x12800xf32, #tpu.memory_space<vmem>>, vector<16x128xf32>
    %dot_general3A_990 = arith.constant dense<0.000000e+00> : vector<16x128xf32>
    %dot_general3A_991 = tpu.matmul %get3A_986, %get3A_989, %dot_general3A_990 {dimension_numbers = #tpu.dot_dimension_numbers<[1], [0], [0], [1], [0, 0, 1, 1], [], []>, transpose_lhs_hint = false} : vector<16x16xf32>, vector<16x128xf32>, vector<16x128xf32> -> vector<16x128xf32>
    %get3A_992 = arith.constant 0 : index
    %get3A_993 = arith.constant 0 : index
    %get3A_994 = vector.load %arg3[%get3A_992, %get3A_993] : memref<16x1xf32, #tpu.memory_space<vmem>>, vector<16x1xf32>
    %add3A_995 = vector.broadcast %get3A_994 : vector<16x1xf32> to vector<16x128xf32>
    %add3A_996 = arith.addf %dot_general3A_991, %add3A_995 : vector<16x128xf32>
    %swap3A_997 = arith.constant 52 : index
    %swap3A_998 = arith.constant 0 : index
    %swap3A_999 = arith.constant 0 : index
    %swap3A_1000 = vector.load %arg4[%swap3A_997, %swap3A_998, %swap3A_999] : memref<100x16x128xf32, #tpu.memory_space<vmem>>, vector<1x16x128xf32>
    %swap3A_1001 = vector.shape_cast %swap3A_1000 : vector<1x16x128xf32> to vector<16x128xf32>
    %swap3A_1002 = vector.shape_cast %add3A_996 : vector<16x128xf32> to vector<1x16x128xf32>
    tpu.vector_store %arg4[%swap3A_997, %swap3A_998, %swap3A_999], %swap3A_1002 {strides = array<i32>} : memref<100x16x128xf32, #tpu.memory_space<vmem>>, vector<1x16x128xf32>,
    %get3A_1003 = arith.constant 0 : index
    %get3A_1004 = arith.constant 0 : index
    %get3A_1005 = vector.load %arg2[%get3A_1003, %get3A_1004] : memref<16x16xf32, #tpu.memory_space<vmem>>, vector<16x16xf32>
    %get3A_1006 = arith.constant 0 : index
    %get3A_1007 = arith.constant 6784 : index
    %get3A_1008 = vector.load %arg1[%get3A_1006, %get3A_1007] : memref<16x12800xf32, #tpu.memory_space<vmem>>, vector<16x128xf32>
    %dot_general3A_1009 = arith.constant dense<0.000000e+00> : vector<16x128xf32>
    %dot_general3A_1010 = tpu.matmul %get3A_1005, %get3A_1008, %dot_general3A_1009 {dimension_numbers = #tpu.dot_dimension_numbers<[1], [0], [0], [1], [0, 0, 1, 1], [], []>, transpose_lhs_hint = false} : vector<16x16xf32>, vector<16x128xf32>, vector<16x128xf32> -> vector<16x128xf32>
    %get3A_1011 = arith.constant 0 : index
    %get3A_1012 = arith.constant 0 : index
    %get3A_1013 = vector.load %arg3[%get3A_1011, %get3A_1012] : memref<16x1xf32, #tpu.memory_space<vmem>>, vector<16x1xf32>
    %add3A_1014 = vector.broadcast %get3A_1013 : vector<16x1xf32> to vector<16x128xf32>
    %add3A_1015 = arith.addf %dot_general3A_1010, %add3A_1014 : vector<16x128xf32>
    %swap3A_1016 = arith.constant 53 : index
    %swap3A_1017 = arith.constant 0 : index
    %swap3A_1018 = arith.constant 0 : index
    %swap3A_1019 = vector.load %arg4[%swap3A_1016, %swap3A_1017, %swap3A_1018] : memref<100x16x128xf32, #tpu.memory_space<vmem>>, vector<1x16x128xf32>
    %swap3A_1020 = vector.shape_cast %swap3A_1019 : vector<1x16x128xf32> to vector<16x128xf32>
    %swap3A_1021 = vector.shape_cast %add3A_1015 : vector<16x128xf32> to vector<1x16x128xf32>
    tpu.vector_store %arg4[%swap3A_1016, %swap3A_1017, %swap3A_1018], %swap3A_1021 {strides = array<i32>} : memref<100x16x128xf32, #tpu.memory_space<vmem>>, vector<1x16x128xf32>,
    %get3A_1022 = arith.constant 0 : index
    %get3A_1023 = arith.constant 0 : index
    %get3A_1024 = vector.load %arg2[%get3A_1022, %get3A_1023] : memref<16x16xf32, #tpu.memory_space<vmem>>, vector<16x16xf32>
    %get3A_1025 = arith.constant 0 : index
    %get3A_1026 = arith.constant 6912 : index
    %get3A_1027 = vector.load %arg1[%get3A_1025, %get3A_1026] : memref<16x12800xf32, #tpu.memory_space<vmem>>, vector<16x128xf32>
    %dot_general3A_1028 = arith.constant dense<0.000000e+00> : vector<16x128xf32>
    %dot_general3A_1029 = tpu.matmul %get3A_1024, %get3A_1027, %dot_general3A_1028 {dimension_numbers = #tpu.dot_dimension_numbers<[1], [0], [0], [1], [0, 0, 1, 1], [], []>, transpose_lhs_hint = false} : vector<16x16xf32>, vector<16x128xf32>, vector<16x128xf32> -> vector<16x128xf32>
    %get3A_1030 = arith.constant 0 : index
    %get3A_1031 = arith.constant 0 : index
    %get3A_1032 = vector.load %arg3[%get3A_1030, %get3A_1031] : memref<16x1xf32, #tpu.memory_space<vmem>>, vector<16x1xf32>
    %add3A_1033 = vector.broadcast %get3A_1032 : vector<16x1xf32> to vector<16x128xf32>
    %add3A_1034 = arith.addf %dot_general3A_1029, %add3A_1033 : vector<16x128xf32>
    %swap3A_1035 = arith.constant 54 : index
    %swap3A_1036 = arith.constant 0 : index
    %swap3A_1037 = arith.constant 0 : index
    %swap3A_1038 = vector.load %arg4[%swap3A_1035, %swap3A_1036, %swap3A_1037] : memref<100x16x128xf32, #tpu.memory_space<vmem>>, vector<1x16x128xf32>
    %swap3A_1039 = vector.shape_cast %swap3A_1038 : vector<1x16x128xf32> to vector<16x128xf32>
    %swap3A_1040 = vector.shape_cast %add3A_1034 : vector<16x128xf32> to vector<1x16x128xf32>
    tpu.vector_store %arg4[%swap3A_1035, %swap3A_1036, %swap3A_1037], %swap3A_1040 {strides = array<i32>} : memref<100x16x128xf32, #tpu.memory_space<vmem>>, vector<1x16x128xf32>,
    %get3A_1041 = arith.constant 0 : index
    %get3A_1042 = arith.constant 0 : index
    %get3A_1043 = vector.load %arg2[%get3A_1041, %get3A_1042] : memref<16x16xf32, #tpu.memory_space<vmem>>, vector<16x16xf32>
    %get3A_1044 = arith.constant 0 : index
    %get3A_1045 = arith.constant 7040 : index
    %get3A_1046 = vector.load %arg1[%get3A_1044, %get3A_1045] : memref<16x12800xf32, #tpu.memory_space<vmem>>, vector<16x128xf32>
    %dot_general3A_1047 = arith.constant dense<0.000000e+00> : vector<16x128xf32>
    %dot_general3A_1048 = tpu.matmul %get3A_1043, %get3A_1046, %dot_general3A_1047 {dimension_numbers = #tpu.dot_dimension_numbers<[1], [0], [0], [1], [0, 0, 1, 1], [], []>, transpose_lhs_hint = false} : vector<16x16xf32>, vector<16x128xf32>, vector<16x128xf32> -> vector<16x128xf32>
    %get3A_1049 = arith.constant 0 : index
    %get3A_1050 = arith.constant 0 : index
    %get3A_1051 = vector.load %arg3[%get3A_1049, %get3A_1050] : memref<16x1xf32, #tpu.memory_space<vmem>>, vector<16x1xf32>
    %add3A_1052 = vector.broadcast %get3A_1051 : vector<16x1xf32> to vector<16x128xf32>
    %add3A_1053 = arith.addf %dot_general3A_1048, %add3A_1052 : vector<16x128xf32>
    %swap3A_1054 = arith.constant 55 : index
    %swap3A_1055 = arith.constant 0 : index
    %swap3A_1056 = arith.constant 0 : index
    %swap3A_1057 = vector.load %arg4[%swap3A_1054, %swap3A_1055, %swap3A_1056] : memref<100x16x128xf32, #tpu.memory_space<vmem>>, vector<1x16x128xf32>
    %swap3A_1058 = vector.shape_cast %swap3A_1057 : vector<1x16x128xf32> to vector<16x128xf32>
    %swap3A_1059 = vector.shape_cast %add3A_1053 : vector<16x128xf32> to vector<1x16x128xf32>
    tpu.vector_store %arg4[%swap3A_1054, %swap3A_1055, %swap3A_1056], %swap3A_1059 {strides = array<i32>} : memref<100x16x128xf32, #tpu.memory_space<vmem>>, vector<1x16x128xf32>,
    %get3A_1060 = arith.constant 0 : index
    %get3A_1061 = arith.constant 0 : index
    %get3A_1062 = vector.load %arg2[%get3A_1060, %get3A_1061] : memref<16x16xf32, #tpu.memory_space<vmem>>, vector<16x16xf32>
    %get3A_1063 = arith.constant 0 : index
    %get3A_1064 = arith.constant 7168 : index
    %get3A_1065 = vector.load %arg1[%get3A_1063, %get3A_1064] : memref<16x12800xf32, #tpu.memory_space<vmem>>, vector<16x128xf32>
    %dot_general3A_1066 = arith.constant dense<0.000000e+00> : vector<16x128xf32>
    %dot_general3A_1067 = tpu.matmul %get3A_1062, %get3A_1065, %dot_general3A_1066 {dimension_numbers = #tpu.dot_dimension_numbers<[1], [0], [0], [1], [0, 0, 1, 1], [], []>, transpose_lhs_hint = false} : vector<16x16xf32>, vector<16x128xf32>, vector<16x128xf32> -> vector<16x128xf32>
    %get3A_1068 = arith.constant 0 : index
    %get3A_1069 = arith.constant 0 : index
    %get3A_1070 = vector.load %arg3[%get3A_1068, %get3A_1069] : memref<16x1xf32, #tpu.memory_space<vmem>>, vector<16x1xf32>
    %add3A_1071 = vector.broadcast %get3A_1070 : vector<16x1xf32> to vector<16x128xf32>
    %add3A_1072 = arith.addf %dot_general3A_1067, %add3A_1071 : vector<16x128xf32>
    %swap3A_1073 = arith.constant 56 : index
    %swap3A_1074 = arith.constant 0 : index
    %swap3A_1075 = arith.constant 0 : index
    %swap3A_1076 = vector.load %arg4[%swap3A_1073, %swap3A_1074, %swap3A_1075] : memref<100x16x128xf32, #tpu.memory_space<vmem>>, vector<1x16x128xf32>
    %swap3A_1077 = vector.shape_cast %swap3A_1076 : vector<1x16x128xf32> to vector<16x128xf32>
    %swap3A_1078 = vector.shape_cast %add3A_1072 : vector<16x128xf32> to vector<1x16x128xf32>
    tpu.vector_store %arg4[%swap3A_1073, %swap3A_1074, %swap3A_1075], %swap3A_1078 {strides = array<i32>} : memref<100x16x128xf32, #tpu.memory_space<vmem>>, vector<1x16x128xf32>,
    %get3A_1079 = arith.constant 0 : index
    %get3A_1080 = arith.constant 0 : index
    %get3A_1081 = vector.load %arg2[%get3A_1079, %get3A_1080] : memref<16x16xf32, #tpu.memory_space<vmem>>, vector<16x16xf32>
    %get3A_1082 = arith.constant 0 : index
    %get3A_1083 = arith.constant 7296 : index
    %get3A_1084 = vector.load %arg1[%get3A_1082, %get3A_1083] : memref<16x12800xf32, #tpu.memory_space<vmem>>, vector<16x128xf32>
    %dot_general3A_1085 = arith.constant dense<0.000000e+00> : vector<16x128xf32>
    %dot_general3A_1086 = tpu.matmul %get3A_1081, %get3A_1084, %dot_general3A_1085 {dimension_numbers = #tpu.dot_dimension_numbers<[1], [0], [0], [1], [0, 0, 1, 1], [], []>, transpose_lhs_hint = false} : vector<16x16xf32>, vector<16x128xf32>, vector<16x128xf32> -> vector<16x128xf32>
    %get3A_1087 = arith.constant 0 : index
    %get3A_1088 = arith.constant 0 : index
    %get3A_1089 = vector.load %arg3[%get3A_1087, %get3A_1088] : memref<16x1xf32, #tpu.memory_space<vmem>>, vector<16x1xf32>
    %add3A_1090 = vector.broadcast %get3A_1089 : vector<16x1xf32> to vector<16x128xf32>
    %add3A_1091 = arith.addf %dot_general3A_1086, %add3A_1090 : vector<16x128xf32>
    %swap3A_1092 = arith.constant 57 : index
    %swap3A_1093 = arith.constant 0 : index
    %swap3A_1094 = arith.constant 0 : index
    %swap3A_1095 = vector.load %arg4[%swap3A_1092, %swap3A_1093, %swap3A_1094] : memref<100x16x128xf32, #tpu.memory_space<vmem>>, vector<1x16x128xf32>
    %swap3A_1096 = vector.shape_cast %swap3A_1095 : vector<1x16x128xf32> to vector<16x128xf32>
    %swap3A_1097 = vector.shape_cast %add3A_1091 : vector<16x128xf32> to vector<1x16x128xf32>
    tpu.vector_store %arg4[%swap3A_1092, %swap3A_1093, %swap3A_1094], %swap3A_1097 {strides = array<i32>} : memref<100x16x128xf32, #tpu.memory_space<vmem>>, vector<1x16x128xf32>,
    %get3A_1098 = arith.constant 0 : index
    %get3A_1099 = arith.constant 0 : index
    %get3A_1100 = vector.load %arg2[%get3A_1098, %get3A_1099] : memref<16x16xf32, #tpu.memory_space<vmem>>, vector<16x16xf32>
    %get3A_1101 = arith.constant 0 : index
    %get3A_1102 = arith.constant 7424 : index
    %get3A_1103 = vector.load %arg1[%get3A_1101, %get3A_1102] : memref<16x12800xf32, #tpu.memory_space<vmem>>, vector<16x128xf32>
    %dot_general3A_1104 = arith.constant dense<0.000000e+00> : vector<16x128xf32>
    %dot_general3A_1105 = tpu.matmul %get3A_1100, %get3A_1103, %dot_general3A_1104 {dimension_numbers = #tpu.dot_dimension_numbers<[1], [0], [0], [1], [0, 0, 1, 1], [], []>, transpose_lhs_hint = false} : vector<16x16xf32>, vector<16x128xf32>, vector<16x128xf32> -> vector<16x128xf32>
    %get3A_1106 = arith.constant 0 : index
    %get3A_1107 = arith.constant 0 : index
    %get3A_1108 = vector.load %arg3[%get3A_1106, %get3A_1107] : memref<16x1xf32, #tpu.memory_space<vmem>>, vector<16x1xf32>
    %add3A_1109 = vector.broadcast %get3A_1108 : vector<16x1xf32> to vector<16x128xf32>
    %add3A_1110 = arith.addf %dot_general3A_1105, %add3A_1109 : vector<16x128xf32>
    %swap3A_1111 = arith.constant 58 : index
    %swap3A_1112 = arith.constant 0 : index
    %swap3A_1113 = arith.constant 0 : index
    %swap3A_1114 = vector.load %arg4[%swap3A_1111, %swap3A_1112, %swap3A_1113] : memref<100x16x128xf32, #tpu.memory_space<vmem>>, vector<1x16x128xf32>
    %swap3A_1115 = vector.shape_cast %swap3A_1114 : vector<1x16x128xf32> to vector<16x128xf32>
    %swap3A_1116 = vector.shape_cast %add3A_1110 : vector<16x128xf32> to vector<1x16x128xf32>
    tpu.vector_store %arg4[%swap3A_1111, %swap3A_1112, %swap3A_1113], %swap3A_1116 {strides = array<i32>} : memref<100x16x128xf32, #tpu.memory_space<vmem>>, vector<1x16x128xf32>,
    %get3A_1117 = arith.constant 0 : index
    %get3A_1118 = arith.constant 0 : index
    %get3A_1119 = vector.load %arg2[%get3A_1117, %get3A_1118] : memref<16x16xf32, #tpu.memory_space<vmem>>, vector<16x16xf32>
    %get3A_1120 = arith.constant 0 : index
    %get3A_1121 = arith.constant 7552 : index
    %get3A_1122 = vector.load %arg1[%get3A_1120, %get3A_1121] : memref<16x12800xf32, #tpu.memory_space<vmem>>, vector<16x128xf32>
    %dot_general3A_1123 = arith.constant dense<0.000000e+00> : vector<16x128xf32>
    %dot_general3A_1124 = tpu.matmul %get3A_1119, %get3A_1122, %dot_general3A_1123 {dimension_numbers = #tpu.dot_dimension_numbers<[1], [0], [0], [1], [0, 0, 1, 1], [], []>, transpose_lhs_hint = false} : vector<16x16xf32>, vector<16x128xf32>, vector<16x128xf32> -> vector<16x128xf32>
    %get3A_1125 = arith.constant 0 : index
    %get3A_1126 = arith.constant 0 : index
    %get3A_1127 = vector.load %arg3[%get3A_1125, %get3A_1126] : memref<16x1xf32, #tpu.memory_space<vmem>>, vector<16x1xf32>
    %add3A_1128 = vector.broadcast %get3A_1127 : vector<16x1xf32> to vector<16x128xf32>
    %add3A_1129 = arith.addf %dot_general3A_1124, %add3A_1128 : vector<16x128xf32>
    %swap3A_1130 = arith.constant 59 : index
    %swap3A_1131 = arith.constant 0 : index
    %swap3A_1132 = arith.constant 0 : index
    %swap3A_1133 = vector.load %arg4[%swap3A_1130, %swap3A_1131, %swap3A_1132] : memref<100x16x128xf32, #tpu.memory_space<vmem>>, vector<1x16x128xf32>
    %swap3A_1134 = vector.shape_cast %swap3A_1133 : vector<1x16x128xf32> to vector<16x128xf32>
    %swap3A_1135 = vector.shape_cast %add3A_1129 : vector<16x128xf32> to vector<1x16x128xf32>
    tpu.vector_store %arg4[%swap3A_1130, %swap3A_1131, %swap3A_1132], %swap3A_1135 {strides = array<i32>} : memref<100x16x128xf32, #tpu.memory_space<vmem>>, vector<1x16x128xf32>,
    %get3A_1136 = arith.constant 0 : index
    %get3A_1137 = arith.constant 0 : index
    %get3A_1138 = vector.load %arg2[%get3A_1136, %get3A_1137] : memref<16x16xf32, #tpu.memory_space<vmem>>, vector<16x16xf32>
    %get3A_1139 = arith.constant 0 : index
    %get3A_1140 = arith.constant 7680 : index
    %get3A_1141 = vector.load %arg1[%get3A_1139, %get3A_1140] : memref<16x12800xf32, #tpu.memory_space<vmem>>, vector<16x128xf32>
    %dot_general3A_1142 = arith.constant dense<0.000000e+00> : vector<16x128xf32>
    %dot_general3A_1143 = tpu.matmul %get3A_1138, %get3A_1141, %dot_general3A_1142 {dimension_numbers = #tpu.dot_dimension_numbers<[1], [0], [0], [1], [0, 0, 1, 1], [], []>, transpose_lhs_hint = false} : vector<16x16xf32>, vector<16x128xf32>, vector<16x128xf32> -> vector<16x128xf32>
    %get3A_1144 = arith.constant 0 : index
    %get3A_1145 = arith.constant 0 : index
    %get3A_1146 = vector.load %arg3[%get3A_1144, %get3A_1145] : memref<16x1xf32, #tpu.memory_space<vmem>>, vector<16x1xf32>
    %add3A_1147 = vector.broadcast %get3A_1146 : vector<16x1xf32> to vector<16x128xf32>
    %add3A_1148 = arith.addf %dot_general3A_1143, %add3A_1147 : vector<16x128xf32>
    %swap3A_1149 = arith.constant 60 : index
    %swap3A_1150 = arith.constant 0 : index
    %swap3A_1151 = arith.constant 0 : index
    %swap3A_1152 = vector.load %arg4[%swap3A_1149, %swap3A_1150, %swap3A_1151] : memref<100x16x128xf32, #tpu.memory_space<vmem>>, vector<1x16x128xf32>
    %swap3A_1153 = vector.shape_cast %swap3A_1152 : vector<1x16x128xf32> to vector<16x128xf32>
    %swap3A_1154 = vector.shape_cast %add3A_1148 : vector<16x128xf32> to vector<1x16x128xf32>
    tpu.vector_store %arg4[%swap3A_1149, %swap3A_1150, %swap3A_1151], %swap3A_1154 {strides = array<i32>} : memref<100x16x128xf32, #tpu.memory_space<vmem>>, vector<1x16x128xf32>,
    %get3A_1155 = arith.constant 0 : index
    %get3A_1156 = arith.constant 0 : index
    %get3A_1157 = vector.load %arg2[%get3A_1155, %get3A_1156] : memref<16x16xf32, #tpu.memory_space<vmem>>, vector<16x16xf32>
    %get3A_1158 = arith.constant 0 : index
    %get3A_1159 = arith.constant 7808 : index
    %get3A_1160 = vector.load %arg1[%get3A_1158, %get3A_1159] : memref<16x12800xf32, #tpu.memory_space<vmem>>, vector<16x128xf32>
    %dot_general3A_1161 = arith.constant dense<0.000000e+00> : vector<16x128xf32>
    %dot_general3A_1162 = tpu.matmul %get3A_1157, %get3A_1160, %dot_general3A_1161 {dimension_numbers = #tpu.dot_dimension_numbers<[1], [0], [0], [1], [0, 0, 1, 1], [], []>, transpose_lhs_hint = false} : vector<16x16xf32>, vector<16x128xf32>, vector<16x128xf32> -> vector<16x128xf32>
    %get3A_1163 = arith.constant 0 : index
    %get3A_1164 = arith.constant 0 : index
    %get3A_1165 = vector.load %arg3[%get3A_1163, %get3A_1164] : memref<16x1xf32, #tpu.memory_space<vmem>>, vector<16x1xf32>
    %add3A_1166 = vector.broadcast %get3A_1165 : vector<16x1xf32> to vector<16x128xf32>
    %add3A_1167 = arith.addf %dot_general3A_1162, %add3A_1166 : vector<16x128xf32>
    %swap3A_1168 = arith.constant 61 : index
    %swap3A_1169 = arith.constant 0 : index
    %swap3A_1170 = arith.constant 0 : index
    %swap3A_1171 = vector.load %arg4[%swap3A_1168, %swap3A_1169, %swap3A_1170] : memref<100x16x128xf32, #tpu.memory_space<vmem>>, vector<1x16x128xf32>
    %swap3A_1172 = vector.shape_cast %swap3A_1171 : vector<1x16x128xf32> to vector<16x128xf32>
    %swap3A_1173 = vector.shape_cast %add3A_1167 : vector<16x128xf32> to vector<1x16x128xf32>
    tpu.vector_store %arg4[%swap3A_1168, %swap3A_1169, %swap3A_1170], %swap3A_1173 {strides = array<i32>} : memref<100x16x128xf32, #tpu.memory_space<vmem>>, vector<1x16x128xf32>,
    %get3A_1174 = arith.constant 0 : index
    %get3A_1175 = arith.constant 0 : index
    %get3A_1176 = vector.load %arg2[%get3A_1174, %get3A_1175] : memref<16x16xf32, #tpu.memory_space<vmem>>, vector<16x16xf32>
    %get3A_1177 = arith.constant 0 : index
    %get3A_1178 = arith.constant 7936 : index
    %get3A_1179 = vector.load %arg1[%get3A_1177, %get3A_1178] : memref<16x12800xf32, #tpu.memory_space<vmem>>, vector<16x128xf32>
    %dot_general3A_1180 = arith.constant dense<0.000000e+00> : vector<16x128xf32>
    %dot_general3A_1181 = tpu.matmul %get3A_1176, %get3A_1179, %dot_general3A_1180 {dimension_numbers = #tpu.dot_dimension_numbers<[1], [0], [0], [1], [0, 0, 1, 1], [], []>, transpose_lhs_hint = false} : vector<16x16xf32>, vector<16x128xf32>, vector<16x128xf32> -> vector<16x128xf32>
    %get3A_1182 = arith.constant 0 : index
    %get3A_1183 = arith.constant 0 : index
    %get3A_1184 = vector.load %arg3[%get3A_1182, %get3A_1183] : memref<16x1xf32, #tpu.memory_space<vmem>>, vector<16x1xf32>
    %add3A_1185 = vector.broadcast %get3A_1184 : vector<16x1xf32> to vector<16x128xf32>
    %add3A_1186 = arith.addf %dot_general3A_1181, %add3A_1185 : vector<16x128xf32>
    %swap3A_1187 = arith.constant 62 : index
    %swap3A_1188 = arith.constant 0 : index
    %swap3A_1189 = arith.constant 0 : index
    %swap3A_1190 = vector.load %arg4[%swap3A_1187, %swap3A_1188, %swap3A_1189] : memref<100x16x128xf32, #tpu.memory_space<vmem>>, vector<1x16x128xf32>
    %swap3A_1191 = vector.shape_cast %swap3A_1190 : vector<1x16x128xf32> to vector<16x128xf32>
    %swap3A_1192 = vector.shape_cast %add3A_1186 : vector<16x128xf32> to vector<1x16x128xf32>
    tpu.vector_store %arg4[%swap3A_1187, %swap3A_1188, %swap3A_1189], %swap3A_1192 {strides = array<i32>} : memref<100x16x128xf32, #tpu.memory_space<vmem>>, vector<1x16x128xf32>,
    %get3A_1193 = arith.constant 0 : index
    %get3A_1194 = arith.constant 0 : index
    %get3A_1195 = vector.load %arg2[%get3A_1193, %get3A_1194] : memref<16x16xf32, #tpu.memory_space<vmem>>, vector<16x16xf32>
    %get3A_1196 = arith.constant 0 : index
    %get3A_1197 = arith.constant 8064 : index
    %get3A_1198 = vector.load %arg1[%get3A_1196, %get3A_1197] : memref<16x12800xf32, #tpu.memory_space<vmem>>, vector<16x128xf32>
    %dot_general3A_1199 = arith.constant dense<0.000000e+00> : vector<16x128xf32>
    %dot_general3A_1200 = tpu.matmul %get3A_1195, %get3A_1198, %dot_general3A_1199 {dimension_numbers = #tpu.dot_dimension_numbers<[1], [0], [0], [1], [0, 0, 1, 1], [], []>, transpose_lhs_hint = false} : vector<16x16xf32>, vector<16x128xf32>, vector<16x128xf32> -> vector<16x128xf32>
    %get3A_1201 = arith.constant 0 : index
    %get3A_1202 = arith.constant 0 : index
    %get3A_1203 = vector.load %arg3[%get3A_1201, %get3A_1202] : memref<16x1xf32, #tpu.memory_space<vmem>>, vector<16x1xf32>
    %add3A_1204 = vector.broadcast %get3A_1203 : vector<16x1xf32> to vector<16x128xf32>
    %add3A_1205 = arith.addf %dot_general3A_1200, %add3A_1204 : vector<16x128xf32>
    %swap3A_1206 = arith.constant 63 : index
    %swap3A_1207 = arith.constant 0 : index
    %swap3A_1208 = arith.constant 0 : index
    %swap3A_1209 = vector.load %arg4[%swap3A_1206, %swap3A_1207, %swap3A_1208] : memref<100x16x128xf32, #tpu.memory_space<vmem>>, vector<1x16x128xf32>
    %swap3A_1210 = vector.shape_cast %swap3A_1209 : vector<1x16x128xf32> to vector<16x128xf32>
    %swap3A_1211 = vector.shape_cast %add3A_1205 : vector<16x128xf32> to vector<1x16x128xf32>
    tpu.vector_store %arg4[%swap3A_1206, %swap3A_1207, %swap3A_1208], %swap3A_1211 {strides = array<i32>} : memref<100x16x128xf32, #tpu.memory_space<vmem>>, vector<1x16x128xf32>,
    %get3A_1212 = arith.constant 0 : index
    %get3A_1213 = arith.constant 0 : index
    %get3A_1214 = vector.load %arg2[%get3A_1212, %get3A_1213] : memref<16x16xf32, #tpu.memory_space<vmem>>, vector<16x16xf32>
    %get3A_1215 = arith.constant 0 : index
    %get3A_1216 = arith.constant 8192 : index
    %get3A_1217 = vector.load %arg1[%get3A_1215, %get3A_1216] : memref<16x12800xf32, #tpu.memory_space<vmem>>, vector<16x128xf32>
    %dot_general3A_1218 = arith.constant dense<0.000000e+00> : vector<16x128xf32>
    %dot_general3A_1219 = tpu.matmul %get3A_1214, %get3A_1217, %dot_general3A_1218 {dimension_numbers = #tpu.dot_dimension_numbers<[1], [0], [0], [1], [0, 0, 1, 1], [], []>, transpose_lhs_hint = false} : vector<16x16xf32>, vector<16x128xf32>, vector<16x128xf32> -> vector<16x128xf32>
    %get3A_1220 = arith.constant 0 : index
    %get3A_1221 = arith.constant 0 : index
    %get3A_1222 = vector.load %arg3[%get3A_1220, %get3A_1221] : memref<16x1xf32, #tpu.memory_space<vmem>>, vector<16x1xf32>
    %add3A_1223 = vector.broadcast %get3A_1222 : vector<16x1xf32> to vector<16x128xf32>
    %add3A_1224 = arith.addf %dot_general3A_1219, %add3A_1223 : vector<16x128xf32>
    %swap3A_1225 = arith.constant 64 : index
    %swap3A_1226 = arith.constant 0 : index
    %swap3A_1227 = arith.constant 0 : index
    %swap3A_1228 = vector.load %arg4[%swap3A_1225, %swap3A_1226, %swap3A_1227] : memref<100x16x128xf32, #tpu.memory_space<vmem>>, vector<1x16x128xf32>
    %swap3A_1229 = vector.shape_cast %swap3A_1228 : vector<1x16x128xf32> to vector<16x128xf32>
    %swap3A_1230 = vector.shape_cast %add3A_1224 : vector<16x128xf32> to vector<1x16x128xf32>
    tpu.vector_store %arg4[%swap3A_1225, %swap3A_1226, %swap3A_1227], %swap3A_1230 {strides = array<i32>} : memref<100x16x128xf32, #tpu.memory_space<vmem>>, vector<1x16x128xf32>,
    %get3A_1231 = arith.constant 0 : index
    %get3A_1232 = arith.constant 0 : index
    %get3A_1233 = vector.load %arg2[%get3A_1231, %get3A_1232] : memref<16x16xf32, #tpu.memory_space<vmem>>, vector<16x16xf32>
    %get3A_1234 = arith.constant 0 : index
    %get3A_1235 = arith.constant 8320 : index
    %get3A_1236 = vector.load %arg1[%get3A_1234, %get3A_1235] : memref<16x12800xf32, #tpu.memory_space<vmem>>, vector<16x128xf32>
    %dot_general3A_1237 = arith.constant dense<0.000000e+00> : vector<16x128xf32>
    %dot_general3A_1238 = tpu.matmul %get3A_1233, %get3A_1236, %dot_general3A_1237 {dimension_numbers = #tpu.dot_dimension_numbers<[1], [0], [0], [1], [0, 0, 1, 1], [], []>, transpose_lhs_hint = false} : vector<16x16xf32>, vector<16x128xf32>, vector<16x128xf32> -> vector<16x128xf32>
    %get3A_1239 = arith.constant 0 : index
    %get3A_1240 = arith.constant 0 : index
    %get3A_1241 = vector.load %arg3[%get3A_1239, %get3A_1240] : memref<16x1xf32, #tpu.memory_space<vmem>>, vector<16x1xf32>
    %add3A_1242 = vector.broadcast %get3A_1241 : vector<16x1xf32> to vector<16x128xf32>
    %add3A_1243 = arith.addf %dot_general3A_1238, %add3A_1242 : vector<16x128xf32>
    %swap3A_1244 = arith.constant 65 : index
    %swap3A_1245 = arith.constant 0 : index
    %swap3A_1246 = arith.constant 0 : index
    %swap3A_1247 = vector.load %arg4[%swap3A_1244, %swap3A_1245, %swap3A_1246] : memref<100x16x128xf32, #tpu.memory_space<vmem>>, vector<1x16x128xf32>
    %swap3A_1248 = vector.shape_cast %swap3A_1247 : vector<1x16x128xf32> to vector<16x128xf32>
    %swap3A_1249 = vector.shape_cast %add3A_1243 : vector<16x128xf32> to vector<1x16x128xf32>
    tpu.vector_store %arg4[%swap3A_1244, %swap3A_1245, %swap3A_1246], %swap3A_1249 {strides = array<i32>} : memref<100x16x128xf32, #tpu.memory_space<vmem>>, vector<1x16x128xf32>,
    %get3A_1250 = arith.constant 0 : index
    %get3A_1251 = arith.constant 0 : index
    %get3A_1252 = vector.load %arg2[%get3A_1250, %get3A_1251] : memref<16x16xf32, #tpu.memory_space<vmem>>, vector<16x16xf32>
    %get3A_1253 = arith.constant 0 : index
    %get3A_1254 = arith.constant 8448 : index
    %get3A_1255 = vector.load %arg1[%get3A_1253, %get3A_1254] : memref<16x12800xf32, #tpu.memory_space<vmem>>, vector<16x128xf32>
    %dot_general3A_1256 = arith.constant dense<0.000000e+00> : vector<16x128xf32>
    %dot_general3A_1257 = tpu.matmul %get3A_1252, %get3A_1255, %dot_general3A_1256 {dimension_numbers = #tpu.dot_dimension_numbers<[1], [0], [0], [1], [0, 0, 1, 1], [], []>, transpose_lhs_hint = false} : vector<16x16xf32>, vector<16x128xf32>, vector<16x128xf32> -> vector<16x128xf32>
    %get3A_1258 = arith.constant 0 : index
    %get3A_1259 = arith.constant 0 : index
    %get3A_1260 = vector.load %arg3[%get3A_1258, %get3A_1259] : memref<16x1xf32, #tpu.memory_space<vmem>>, vector<16x1xf32>
    %add3A_1261 = vector.broadcast %get3A_1260 : vector<16x1xf32> to vector<16x128xf32>
    %add3A_1262 = arith.addf %dot_general3A_1257, %add3A_1261 : vector<16x128xf32>
    %swap3A_1263 = arith.constant 66 : index
    %swap3A_1264 = arith.constant 0 : index
    %swap3A_1265 = arith.constant 0 : index
    %swap3A_1266 = vector.load %arg4[%swap3A_1263, %swap3A_1264, %swap3A_1265] : memref<100x16x128xf32, #tpu.memory_space<vmem>>, vector<1x16x128xf32>
    %swap3A_1267 = vector.shape_cast %swap3A_1266 : vector<1x16x128xf32> to vector<16x128xf32>
    %swap3A_1268 = vector.shape_cast %add3A_1262 : vector<16x128xf32> to vector<1x16x128xf32>
    tpu.vector_store %arg4[%swap3A_1263, %swap3A_1264, %swap3A_1265], %swap3A_1268 {strides = array<i32>} : memref<100x16x128xf32, #tpu.memory_space<vmem>>, vector<1x16x128xf32>,
    %get3A_1269 = arith.constant 0 : index
    %get3A_1270 = arith.constant 0 : index
    %get3A_1271 = vector.load %arg2[%get3A_1269, %get3A_1270] : memref<16x16xf32, #tpu.memory_space<vmem>>, vector<16x16xf32>
    %get3A_1272 = arith.constant 0 : index
    %get3A_1273 = arith.constant 8576 : index
    %get3A_1274 = vector.load %arg1[%get3A_1272, %get3A_1273] : memref<16x12800xf32, #tpu.memory_space<vmem>>, vector<16x128xf32>
    %dot_general3A_1275 = arith.constant dense<0.000000e+00> : vector<16x128xf32>
    %dot_general3A_1276 = tpu.matmul %get3A_1271, %get3A_1274, %dot_general3A_1275 {dimension_numbers = #tpu.dot_dimension_numbers<[1], [0], [0], [1], [0, 0, 1, 1], [], []>, transpose_lhs_hint = false} : vector<16x16xf32>, vector<16x128xf32>, vector<16x128xf32> -> vector<16x128xf32>
    %get3A_1277 = arith.constant 0 : index
    %get3A_1278 = arith.constant 0 : index
    %get3A_1279 = vector.load %arg3[%get3A_1277, %get3A_1278] : memref<16x1xf32, #tpu.memory_space<vmem>>, vector<16x1xf32>
    %add3A_1280 = vector.broadcast %get3A_1279 : vector<16x1xf32> to vector<16x128xf32>
    %add3A_1281 = arith.addf %dot_general3A_1276, %add3A_1280 : vector<16x128xf32>
    %swap3A_1282 = arith.constant 67 : index
    %swap3A_1283 = arith.constant 0 : index
    %swap3A_1284 = arith.constant 0 : index
    %swap3A_1285 = vector.load %arg4[%swap3A_1282, %swap3A_1283, %swap3A_1284] : memref<100x16x128xf32, #tpu.memory_space<vmem>>, vector<1x16x128xf32>
    %swap3A_1286 = vector.shape_cast %swap3A_1285 : vector<1x16x128xf32> to vector<16x128xf32>
    %swap3A_1287 = vector.shape_cast %add3A_1281 : vector<16x128xf32> to vector<1x16x128xf32>
    tpu.vector_store %arg4[%swap3A_1282, %swap3A_1283, %swap3A_1284], %swap3A_1287 {strides = array<i32>} : memref<100x16x128xf32, #tpu.memory_space<vmem>>, vector<1x16x128xf32>,
    %get3A_1288 = arith.constant 0 : index
    %get3A_1289 = arith.constant 0 : index
    %get3A_1290 = vector.load %arg2[%get3A_1288, %get3A_1289] : memref<16x16xf32, #tpu.memory_space<vmem>>, vector<16x16xf32>
    %get3A_1291 = arith.constant 0 : index
    %get3A_1292 = arith.constant 8704 : index
    %get3A_1293 = vector.load %arg1[%get3A_1291, %get3A_1292] : memref<16x12800xf32, #tpu.memory_space<vmem>>, vector<16x128xf32>
    %dot_general3A_1294 = arith.constant dense<0.000000e+00> : vector<16x128xf32>
    %dot_general3A_1295 = tpu.matmul %get3A_1290, %get3A_1293, %dot_general3A_1294 {dimension_numbers = #tpu.dot_dimension_numbers<[1], [0], [0], [1], [0, 0, 1, 1], [], []>, transpose_lhs_hint = false} : vector<16x16xf32>, vector<16x128xf32>, vector<16x128xf32> -> vector<16x128xf32>
    %get3A_1296 = arith.constant 0 : index
    %get3A_1297 = arith.constant 0 : index
    %get3A_1298 = vector.load %arg3[%get3A_1296, %get3A_1297] : memref<16x1xf32, #tpu.memory_space<vmem>>, vector<16x1xf32>
    %add3A_1299 = vector.broadcast %get3A_1298 : vector<16x1xf32> to vector<16x128xf32>
    %add3A_1300 = arith.addf %dot_general3A_1295, %add3A_1299 : vector<16x128xf32>
    %swap3A_1301 = arith.constant 68 : index
    %swap3A_1302 = arith.constant 0 : index
    %swap3A_1303 = arith.constant 0 : index
    %swap3A_1304 = vector.load %arg4[%swap3A_1301, %swap3A_1302, %swap3A_1303] : memref<100x16x128xf32, #tpu.memory_space<vmem>>, vector<1x16x128xf32>
    %swap3A_1305 = vector.shape_cast %swap3A_1304 : vector<1x16x128xf32> to vector<16x128xf32>
    %swap3A_1306 = vector.shape_cast %add3A_1300 : vector<16x128xf32> to vector<1x16x128xf32>
    tpu.vector_store %arg4[%swap3A_1301, %swap3A_1302, %swap3A_1303], %swap3A_1306 {strides = array<i32>} : memref<100x16x128xf32, #tpu.memory_space<vmem>>, vector<1x16x128xf32>,
    %get3A_1307 = arith.constant 0 : index
    %get3A_1308 = arith.constant 0 : index
    %get3A_1309 = vector.load %arg2[%get3A_1307, %get3A_1308] : memref<16x16xf32, #tpu.memory_space<vmem>>, vector<16x16xf32>
    %get3A_1310 = arith.constant 0 : index
    %get3A_1311 = arith.constant 8832 : index
    %get3A_1312 = vector.load %arg1[%get3A_1310, %get3A_1311] : memref<16x12800xf32, #tpu.memory_space<vmem>>, vector<16x128xf32>
    %dot_general3A_1313 = arith.constant dense<0.000000e+00> : vector<16x128xf32>
    %dot_general3A_1314 = tpu.matmul %get3A_1309, %get3A_1312, %dot_general3A_1313 {dimension_numbers = #tpu.dot_dimension_numbers<[1], [0], [0], [1], [0, 0, 1, 1], [], []>, transpose_lhs_hint = false} : vector<16x16xf32>, vector<16x128xf32>, vector<16x128xf32> -> vector<16x128xf32>
    %get3A_1315 = arith.constant 0 : index
    %get3A_1316 = arith.constant 0 : index
    %get3A_1317 = vector.load %arg3[%get3A_1315, %get3A_1316] : memref<16x1xf32, #tpu.memory_space<vmem>>, vector<16x1xf32>
    %add3A_1318 = vector.broadcast %get3A_1317 : vector<16x1xf32> to vector<16x128xf32>
    %add3A_1319 = arith.addf %dot_general3A_1314, %add3A_1318 : vector<16x128xf32>
    %swap3A_1320 = arith.constant 69 : index
    %swap3A_1321 = arith.constant 0 : index
    %swap3A_1322 = arith.constant 0 : index
    %swap3A_1323 = vector.load %arg4[%swap3A_1320, %swap3A_1321, %swap3A_1322] : memref<100x16x128xf32, #tpu.memory_space<vmem>>, vector<1x16x128xf32>
    %swap3A_1324 = vector.shape_cast %swap3A_1323 : vector<1x16x128xf32> to vector<16x128xf32>
    %swap3A_1325 = vector.shape_cast %add3A_1319 : vector<16x128xf32> to vector<1x16x128xf32>
    tpu.vector_store %arg4[%swap3A_1320, %swap3A_1321, %swap3A_1322], %swap3A_1325 {strides = array<i32>} : memref<100x16x128xf32, #tpu.memory_space<vmem>>, vector<1x16x128xf32>,
    %get3A_1326 = arith.constant 0 : index
    %get3A_1327 = arith.constant 0 : index
    %get3A_1328 = vector.load %arg2[%get3A_1326, %get3A_1327] : memref<16x16xf32, #tpu.memory_space<vmem>>, vector<16x16xf32>
    %get3A_1329 = arith.constant 0 : index
    %get3A_1330 = arith.constant 8960 : index
    %get3A_1331 = vector.load %arg1[%get3A_1329, %get3A_1330] : memref<16x12800xf32, #tpu.memory_space<vmem>>, vector<16x128xf32>
    %dot_general3A_1332 = arith.constant dense<0.000000e+00> : vector<16x128xf32>
    %dot_general3A_1333 = tpu.matmul %get3A_1328, %get3A_1331, %dot_general3A_1332 {dimension_numbers = #tpu.dot_dimension_numbers<[1], [0], [0], [1], [0, 0, 1, 1], [], []>, transpose_lhs_hint = false} : vector<16x16xf32>, vector<16x128xf32>, vector<16x128xf32> -> vector<16x128xf32>
    %get3A_1334 = arith.constant 0 : index
    %get3A_1335 = arith.constant 0 : index
    %get3A_1336 = vector.load %arg3[%get3A_1334, %get3A_1335] : memref<16x1xf32, #tpu.memory_space<vmem>>, vector<16x1xf32>
    %add3A_1337 = vector.broadcast %get3A_1336 : vector<16x1xf32> to vector<16x128xf32>
    %add3A_1338 = arith.addf %dot_general3A_1333, %add3A_1337 : vector<16x128xf32>
    %swap3A_1339 = arith.constant 70 : index
    %swap3A_1340 = arith.constant 0 : index
    %swap3A_1341 = arith.constant 0 : index
    %swap3A_1342 = vector.load %arg4[%swap3A_1339, %swap3A_1340, %swap3A_1341] : memref<100x16x128xf32, #tpu.memory_space<vmem>>, vector<1x16x128xf32>
    %swap3A_1343 = vector.shape_cast %swap3A_1342 : vector<1x16x128xf32> to vector<16x128xf32>
    %swap3A_1344 = vector.shape_cast %add3A_1338 : vector<16x128xf32> to vector<1x16x128xf32>
    tpu.vector_store %arg4[%swap3A_1339, %swap3A_1340, %swap3A_1341], %swap3A_1344 {strides = array<i32>} : memref<100x16x128xf32, #tpu.memory_space<vmem>>, vector<1x16x128xf32>,
    %get3A_1345 = arith.constant 0 : index
    %get3A_1346 = arith.constant 0 : index
    %get3A_1347 = vector.load %arg2[%get3A_1345, %get3A_1346] : memref<16x16xf32, #tpu.memory_space<vmem>>, vector<16x16xf32>
    %get3A_1348 = arith.constant 0 : index
    %get3A_1349 = arith.constant 9088 : index
    %get3A_1350 = vector.load %arg1[%get3A_1348, %get3A_1349] : memref<16x12800xf32, #tpu.memory_space<vmem>>, vector<16x128xf32>
    %dot_general3A_1351 = arith.constant dense<0.000000e+00> : vector<16x128xf32>
    %dot_general3A_1352 = tpu.matmul %get3A_1347, %get3A_1350, %dot_general3A_1351 {dimension_numbers = #tpu.dot_dimension_numbers<[1], [0], [0], [1], [0, 0, 1, 1], [], []>, transpose_lhs_hint = false} : vector<16x16xf32>, vector<16x128xf32>, vector<16x128xf32> -> vector<16x128xf32>
    %get3A_1353 = arith.constant 0 : index
    %get3A_1354 = arith.constant 0 : index
    %get3A_1355 = vector.load %arg3[%get3A_1353, %get3A_1354] : memref<16x1xf32, #tpu.memory_space<vmem>>, vector<16x1xf32>
    %add3A_1356 = vector.broadcast %get3A_1355 : vector<16x1xf32> to vector<16x128xf32>
    %add3A_1357 = arith.addf %dot_general3A_1352, %add3A_1356 : vector<16x128xf32>
    %swap3A_1358 = arith.constant 71 : index
    %swap3A_1359 = arith.constant 0 : index
    %swap3A_1360 = arith.constant 0 : index
    %swap3A_1361 = vector.load %arg4[%swap3A_1358, %swap3A_1359, %swap3A_1360] : memref<100x16x128xf32, #tpu.memory_space<vmem>>, vector<1x16x128xf32>
    %swap3A_1362 = vector.shape_cast %swap3A_1361 : vector<1x16x128xf32> to vector<16x128xf32>
    %swap3A_1363 = vector.shape_cast %add3A_1357 : vector<16x128xf32> to vector<1x16x128xf32>
    tpu.vector_store %arg4[%swap3A_1358, %swap3A_1359, %swap3A_1360], %swap3A_1363 {strides = array<i32>} : memref<100x16x128xf32, #tpu.memory_space<vmem>>, vector<1x16x128xf32>,
    %get3A_1364 = arith.constant 0 : index
    %get3A_1365 = arith.constant 0 : index
    %get3A_1366 = vector.load %arg2[%get3A_1364, %get3A_1365] : memref<16x16xf32, #tpu.memory_space<vmem>>, vector<16x16xf32>
    %get3A_1367 = arith.constant 0 : index
    %get3A_1368 = arith.constant 9216 : index
    %get3A_1369 = vector.load %arg1[%get3A_1367, %get3A_1368] : memref<16x12800xf32, #tpu.memory_space<vmem>>, vector<16x128xf32>
    %dot_general3A_1370 = arith.constant dense<0.000000e+00> : vector<16x128xf32>
    %dot_general3A_1371 = tpu.matmul %get3A_1366, %get3A_1369, %dot_general3A_1370 {dimension_numbers = #tpu.dot_dimension_numbers<[1], [0], [0], [1], [0, 0, 1, 1], [], []>, transpose_lhs_hint = false} : vector<16x16xf32>, vector<16x128xf32>, vector<16x128xf32> -> vector<16x128xf32>
    %get3A_1372 = arith.constant 0 : index
    %get3A_1373 = arith.constant 0 : index
    %get3A_1374 = vector.load %arg3[%get3A_1372, %get3A_1373] : memref<16x1xf32, #tpu.memory_space<vmem>>, vector<16x1xf32>
    %add3A_1375 = vector.broadcast %get3A_1374 : vector<16x1xf32> to vector<16x128xf32>
    %add3A_1376 = arith.addf %dot_general3A_1371, %add3A_1375 : vector<16x128xf32>
    %swap3A_1377 = arith.constant 72 : index
    %swap3A_1378 = arith.constant 0 : index
    %swap3A_1379 = arith.constant 0 : index
    %swap3A_1380 = vector.load %arg4[%swap3A_1377, %swap3A_1378, %swap3A_1379] : memref<100x16x128xf32, #tpu.memory_space<vmem>>, vector<1x16x128xf32>
    %swap3A_1381 = vector.shape_cast %swap3A_1380 : vector<1x16x128xf32> to vector<16x128xf32>
    %swap3A_1382 = vector.shape_cast %add3A_1376 : vector<16x128xf32> to vector<1x16x128xf32>
    tpu.vector_store %arg4[%swap3A_1377, %swap3A_1378, %swap3A_1379], %swap3A_1382 {strides = array<i32>} : memref<100x16x128xf32, #tpu.memory_space<vmem>>, vector<1x16x128xf32>,
    %get3A_1383 = arith.constant 0 : index
    %get3A_1384 = arith.constant 0 : index
    %get3A_1385 = vector.load %arg2[%get3A_1383, %get3A_1384] : memref<16x16xf32, #tpu.memory_space<vmem>>, vector<16x16xf32>
    %get3A_1386 = arith.constant 0 : index
    %get3A_1387 = arith.constant 9344 : index
    %get3A_1388 = vector.load %arg1[%get3A_1386, %get3A_1387] : memref<16x12800xf32, #tpu.memory_space<vmem>>, vector<16x128xf32>
    %dot_general3A_1389 = arith.constant dense<0.000000e+00> : vector<16x128xf32>
    %dot_general3A_1390 = tpu.matmul %get3A_1385, %get3A_1388, %dot_general3A_1389 {dimension_numbers = #tpu.dot_dimension_numbers<[1], [0], [0], [1], [0, 0, 1, 1], [], []>, transpose_lhs_hint = false} : vector<16x16xf32>, vector<16x128xf32>, vector<16x128xf32> -> vector<16x128xf32>
    %get3A_1391 = arith.constant 0 : index
    %get3A_1392 = arith.constant 0 : index
    %get3A_1393 = vector.load %arg3[%get3A_1391, %get3A_1392] : memref<16x1xf32, #tpu.memory_space<vmem>>, vector<16x1xf32>
    %add3A_1394 = vector.broadcast %get3A_1393 : vector<16x1xf32> to vector<16x128xf32>
    %add3A_1395 = arith.addf %dot_general3A_1390, %add3A_1394 : vector<16x128xf32>
    %swap3A_1396 = arith.constant 73 : index
    %swap3A_1397 = arith.constant 0 : index
    %swap3A_1398 = arith.constant 0 : index
    %swap3A_1399 = vector.load %arg4[%swap3A_1396, %swap3A_1397, %swap3A_1398] : memref<100x16x128xf32, #tpu.memory_space<vmem>>, vector<1x16x128xf32>
    %swap3A_1400 = vector.shape_cast %swap3A_1399 : vector<1x16x128xf32> to vector<16x128xf32>
    %swap3A_1401 = vector.shape_cast %add3A_1395 : vector<16x128xf32> to vector<1x16x128xf32>
    tpu.vector_store %arg4[%swap3A_1396, %swap3A_1397, %swap3A_1398], %swap3A_1401 {strides = array<i32>} : memref<100x16x128xf32, #tpu.memory_space<vmem>>, vector<1x16x128xf32>,
    %get3A_1402 = arith.constant 0 : index
    %get3A_1403 = arith.constant 0 : index
    %get3A_1404 = vector.load %arg2[%get3A_1402, %get3A_1403] : memref<16x16xf32, #tpu.memory_space<vmem>>, vector<16x16xf32>
    %get3A_1405 = arith.constant 0 : index
    %get3A_1406 = arith.constant 9472 : index
    %get3A_1407 = vector.load %arg1[%get3A_1405, %get3A_1406] : memref<16x12800xf32, #tpu.memory_space<vmem>>, vector<16x128xf32>
    %dot_general3A_1408 = arith.constant dense<0.000000e+00> : vector<16x128xf32>
    %dot_general3A_1409 = tpu.matmul %get3A_1404, %get3A_1407, %dot_general3A_1408 {dimension_numbers = #tpu.dot_dimension_numbers<[1], [0], [0], [1], [0, 0, 1, 1], [], []>, transpose_lhs_hint = false} : vector<16x16xf32>, vector<16x128xf32>, vector<16x128xf32> -> vector<16x128xf32>
    %get3A_1410 = arith.constant 0 : index
    %get3A_1411 = arith.constant 0 : index
    %get3A_1412 = vector.load %arg3[%get3A_1410, %get3A_1411] : memref<16x1xf32, #tpu.memory_space<vmem>>, vector<16x1xf32>
    %add3A_1413 = vector.broadcast %get3A_1412 : vector<16x1xf32> to vector<16x128xf32>
    %add3A_1414 = arith.addf %dot_general3A_1409, %add3A_1413 : vector<16x128xf32>
    %swap3A_1415 = arith.constant 74 : index
    %swap3A_1416 = arith.constant 0 : index
    %swap3A_1417 = arith.constant 0 : index
    %swap3A_1418 = vector.load %arg4[%swap3A_1415, %swap3A_1416, %swap3A_1417] : memref<100x16x128xf32, #tpu.memory_space<vmem>>, vector<1x16x128xf32>
    %swap3A_1419 = vector.shape_cast %swap3A_1418 : vector<1x16x128xf32> to vector<16x128xf32>
    %swap3A_1420 = vector.shape_cast %add3A_1414 : vector<16x128xf32> to vector<1x16x128xf32>
    tpu.vector_store %arg4[%swap3A_1415, %swap3A_1416, %swap3A_1417], %swap3A_1420 {strides = array<i32>} : memref<100x16x128xf32, #tpu.memory_space<vmem>>, vector<1x16x128xf32>,
    %get3A_1421 = arith.constant 0 : index
    %get3A_1422 = arith.constant 0 : index
    %get3A_1423 = vector.load %arg2[%get3A_1421, %get3A_1422] : memref<16x16xf32, #tpu.memory_space<vmem>>, vector<16x16xf32>
    %get3A_1424 = arith.constant 0 : index
    %get3A_1425 = arith.constant 9600 : index
    %get3A_1426 = vector.load %arg1[%get3A_1424, %get3A_1425] : memref<16x12800xf32, #tpu.memory_space<vmem>>, vector<16x128xf32>
    %dot_general3A_1427 = arith.constant dense<0.000000e+00> : vector<16x128xf32>
    %dot_general3A_1428 = tpu.matmul %get3A_1423, %get3A_1426, %dot_general3A_1427 {dimension_numbers = #tpu.dot_dimension_numbers<[1], [0], [0], [1], [0, 0, 1, 1], [], []>, transpose_lhs_hint = false} : vector<16x16xf32>, vector<16x128xf32>, vector<16x128xf32> -> vector<16x128xf32>
    %get3A_1429 = arith.constant 0 : index
    %get3A_1430 = arith.constant 0 : index
    %get3A_1431 = vector.load %arg3[%get3A_1429, %get3A_1430] : memref<16x1xf32, #tpu.memory_space<vmem>>, vector<16x1xf32>
    %add3A_1432 = vector.broadcast %get3A_1431 : vector<16x1xf32> to vector<16x128xf32>
    %add3A_1433 = arith.addf %dot_general3A_1428, %add3A_1432 : vector<16x128xf32>
    %swap3A_1434 = arith.constant 75 : index
    %swap3A_1435 = arith.constant 0 : index
    %swap3A_1436 = arith.constant 0 : index
    %swap3A_1437 = vector.load %arg4[%swap3A_1434, %swap3A_1435, %swap3A_1436] : memref<100x16x128xf32, #tpu.memory_space<vmem>>, vector<1x16x128xf32>
    %swap3A_1438 = vector.shape_cast %swap3A_1437 : vector<1x16x128xf32> to vector<16x128xf32>
    %swap3A_1439 = vector.shape_cast %add3A_1433 : vector<16x128xf32> to vector<1x16x128xf32>
    tpu.vector_store %arg4[%swap3A_1434, %swap3A_1435, %swap3A_1436], %swap3A_1439 {strides = array<i32>} : memref<100x16x128xf32, #tpu.memory_space<vmem>>, vector<1x16x128xf32>,
    %get3A_1440 = arith.constant 0 : index
    %get3A_1441 = arith.constant 0 : index
    %get3A_1442 = vector.load %arg2[%get3A_1440, %get3A_1441] : memref<16x16xf32, #tpu.memory_space<vmem>>, vector<16x16xf32>
    %get3A_1443 = arith.constant 0 : index
    %get3A_1444 = arith.constant 9728 : index
    %get3A_1445 = vector.load %arg1[%get3A_1443, %get3A_1444] : memref<16x12800xf32, #tpu.memory_space<vmem>>, vector<16x128xf32>
    %dot_general3A_1446 = arith.constant dense<0.000000e+00> : vector<16x128xf32>
    %dot_general3A_1447 = tpu.matmul %get3A_1442, %get3A_1445, %dot_general3A_1446 {dimension_numbers = #tpu.dot_dimension_numbers<[1], [0], [0], [1], [0, 0, 1, 1], [], []>, transpose_lhs_hint = false} : vector<16x16xf32>, vector<16x128xf32>, vector<16x128xf32> -> vector<16x128xf32>
    %get3A_1448 = arith.constant 0 : index
    %get3A_1449 = arith.constant 0 : index
    %get3A_1450 = vector.load %arg3[%get3A_1448, %get3A_1449] : memref<16x1xf32, #tpu.memory_space<vmem>>, vector<16x1xf32>
    %add3A_1451 = vector.broadcast %get3A_1450 : vector<16x1xf32> to vector<16x128xf32>
    %add3A_1452 = arith.addf %dot_general3A_1447, %add3A_1451 : vector<16x128xf32>
    %swap3A_1453 = arith.constant 76 : index
    %swap3A_1454 = arith.constant 0 : index
    %swap3A_1455 = arith.constant 0 : index
    %swap3A_1456 = vector.load %arg4[%swap3A_1453, %swap3A_1454, %swap3A_1455] : memref<100x16x128xf32, #tpu.memory_space<vmem>>, vector<1x16x128xf32>
    %swap3A_1457 = vector.shape_cast %swap3A_1456 : vector<1x16x128xf32> to vector<16x128xf32>
    %swap3A_1458 = vector.shape_cast %add3A_1452 : vector<16x128xf32> to vector<1x16x128xf32>
    tpu.vector_store %arg4[%swap3A_1453, %swap3A_1454, %swap3A_1455], %swap3A_1458 {strides = array<i32>} : memref<100x16x128xf32, #tpu.memory_space<vmem>>, vector<1x16x128xf32>,
    %get3A_1459 = arith.constant 0 : index
    %get3A_1460 = arith.constant 0 : index
    %get3A_1461 = vector.load %arg2[%get3A_1459, %get3A_1460] : memref<16x16xf32, #tpu.memory_space<vmem>>, vector<16x16xf32>
    %get3A_1462 = arith.constant 0 : index
    %get3A_1463 = arith.constant 9856 : index
    %get3A_1464 = vector.load %arg1[%get3A_1462, %get3A_1463] : memref<16x12800xf32, #tpu.memory_space<vmem>>, vector<16x128xf32>
    %dot_general3A_1465 = arith.constant dense<0.000000e+00> : vector<16x128xf32>
    %dot_general3A_1466 = tpu.matmul %get3A_1461, %get3A_1464, %dot_general3A_1465 {dimension_numbers = #tpu.dot_dimension_numbers<[1], [0], [0], [1], [0, 0, 1, 1], [], []>, transpose_lhs_hint = false} : vector<16x16xf32>, vector<16x128xf32>, vector<16x128xf32> -> vector<16x128xf32>
    %get3A_1467 = arith.constant 0 : index
    %get3A_1468 = arith.constant 0 : index
    %get3A_1469 = vector.load %arg3[%get3A_1467, %get3A_1468] : memref<16x1xf32, #tpu.memory_space<vmem>>, vector<16x1xf32>
    %add3A_1470 = vector.broadcast %get3A_1469 : vector<16x1xf32> to vector<16x128xf32>
    %add3A_1471 = arith.addf %dot_general3A_1466, %add3A_1470 : vector<16x128xf32>
    %swap3A_1472 = arith.constant 77 : index
    %swap3A_1473 = arith.constant 0 : index
    %swap3A_1474 = arith.constant 0 : index
    %swap3A_1475 = vector.load %arg4[%swap3A_1472, %swap3A_1473, %swap3A_1474] : memref<100x16x128xf32, #tpu.memory_space<vmem>>, vector<1x16x128xf32>
    %swap3A_1476 = vector.shape_cast %swap3A_1475 : vector<1x16x128xf32> to vector<16x128xf32>
    %swap3A_1477 = vector.shape_cast %add3A_1471 : vector<16x128xf32> to vector<1x16x128xf32>
    tpu.vector_store %arg4[%swap3A_1472, %swap3A_1473, %swap3A_1474], %swap3A_1477 {strides = array<i32>} : memref<100x16x128xf32, #tpu.memory_space<vmem>>, vector<1x16x128xf32>,
    %get3A_1478 = arith.constant 0 : index
    %get3A_1479 = arith.constant 0 : index
    %get3A_1480 = vector.load %arg2[%get3A_1478, %get3A_1479] : memref<16x16xf32, #tpu.memory_space<vmem>>, vector<16x16xf32>
    %get3A_1481 = arith.constant 0 : index
    %get3A_1482 = arith.constant 9984 : index
    %get3A_1483 = vector.load %arg1[%get3A_1481, %get3A_1482] : memref<16x12800xf32, #tpu.memory_space<vmem>>, vector<16x128xf32>
    %dot_general3A_1484 = arith.constant dense<0.000000e+00> : vector<16x128xf32>
    %dot_general3A_1485 = tpu.matmul %get3A_1480, %get3A_1483, %dot_general3A_1484 {dimension_numbers = #tpu.dot_dimension_numbers<[1], [0], [0], [1], [0, 0, 1, 1], [], []>, transpose_lhs_hint = false} : vector<16x16xf32>, vector<16x128xf32>, vector<16x128xf32> -> vector<16x128xf32>
    %get3A_1486 = arith.constant 0 : index
    %get3A_1487 = arith.constant 0 : index
    %get3A_1488 = vector.load %arg3[%get3A_1486, %get3A_1487] : memref<16x1xf32, #tpu.memory_space<vmem>>, vector<16x1xf32>
    %add3A_1489 = vector.broadcast %get3A_1488 : vector<16x1xf32> to vector<16x128xf32>
    %add3A_1490 = arith.addf %dot_general3A_1485, %add3A_1489 : vector<16x128xf32>
    %swap3A_1491 = arith.constant 78 : index
    %swap3A_1492 = arith.constant 0 : index
    %swap3A_1493 = arith.constant 0 : index
    %swap3A_1494 = vector.load %arg4[%swap3A_1491, %swap3A_1492, %swap3A_1493] : memref<100x16x128xf32, #tpu.memory_space<vmem>>, vector<1x16x128xf32>
    %swap3A_1495 = vector.shape_cast %swap3A_1494 : vector<1x16x128xf32> to vector<16x128xf32>
    %swap3A_1496 = vector.shape_cast %add3A_1490 : vector<16x128xf32> to vector<1x16x128xf32>
    tpu.vector_store %arg4[%swap3A_1491, %swap3A_1492, %swap3A_1493], %swap3A_1496 {strides = array<i32>} : memref<100x16x128xf32, #tpu.memory_space<vmem>>, vector<1x16x128xf32>,
    %get3A_1497 = arith.constant 0 : index
    %get3A_1498 = arith.constant 0 : index
    %get3A_1499 = vector.load %arg2[%get3A_1497, %get3A_1498] : memref<16x16xf32, #tpu.memory_space<vmem>>, vector<16x16xf32>
    %get3A_1500 = arith.constant 0 : index
    %get3A_1501 = arith.constant 10112 : index
    %get3A_1502 = vector.load %arg1[%get3A_1500, %get3A_1501] : memref<16x12800xf32, #tpu.memory_space<vmem>>, vector<16x128xf32>
    %dot_general3A_1503 = arith.constant dense<0.000000e+00> : vector<16x128xf32>
    %dot_general3A_1504 = tpu.matmul %get3A_1499, %get3A_1502, %dot_general3A_1503 {dimension_numbers = #tpu.dot_dimension_numbers<[1], [0], [0], [1], [0, 0, 1, 1], [], []>, transpose_lhs_hint = false} : vector<16x16xf32>, vector<16x128xf32>, vector<16x128xf32> -> vector<16x128xf32>
    %get3A_1505 = arith.constant 0 : index
    %get3A_1506 = arith.constant 0 : index
    %get3A_1507 = vector.load %arg3[%get3A_1505, %get3A_1506] : memref<16x1xf32, #tpu.memory_space<vmem>>, vector<16x1xf32>
    %add3A_1508 = vector.broadcast %get3A_1507 : vector<16x1xf32> to vector<16x128xf32>
    %add3A_1509 = arith.addf %dot_general3A_1504, %add3A_1508 : vector<16x128xf32>
    %swap3A_1510 = arith.constant 79 : index
    %swap3A_1511 = arith.constant 0 : index
    %swap3A_1512 = arith.constant 0 : index
    %swap3A_1513 = vector.load %arg4[%swap3A_1510, %swap3A_1511, %swap3A_1512] : memref<100x16x128xf32, #tpu.memory_space<vmem>>, vector<1x16x128xf32>
    %swap3A_1514 = vector.shape_cast %swap3A_1513 : vector<1x16x128xf32> to vector<16x128xf32>
    %swap3A_1515 = vector.shape_cast %add3A_1509 : vector<16x128xf32> to vector<1x16x128xf32>
    tpu.vector_store %arg4[%swap3A_1510, %swap3A_1511, %swap3A_1512], %swap3A_1515 {strides = array<i32>} : memref<100x16x128xf32, #tpu.memory_space<vmem>>, vector<1x16x128xf32>,
    %get3A_1516 = arith.constant 0 : index
    %get3A_1517 = arith.constant 0 : index
    %get3A_1518 = vector.load %arg2[%get3A_1516, %get3A_1517] : memref<16x16xf32, #tpu.memory_space<vmem>>, vector<16x16xf32>
    %get3A_1519 = arith.constant 0 : index
    %get3A_1520 = arith.constant 10240 : index
    %get3A_1521 = vector.load %arg1[%get3A_1519, %get3A_1520] : memref<16x12800xf32, #tpu.memory_space<vmem>>, vector<16x128xf32>
    %dot_general3A_1522 = arith.constant dense<0.000000e+00> : vector<16x128xf32>
    %dot_general3A_1523 = tpu.matmul %get3A_1518, %get3A_1521, %dot_general3A_1522 {dimension_numbers = #tpu.dot_dimension_numbers<[1], [0], [0], [1], [0, 0, 1, 1], [], []>, transpose_lhs_hint = false} : vector<16x16xf32>, vector<16x128xf32>, vector<16x128xf32> -> vector<16x128xf32>
    %get3A_1524 = arith.constant 0 : index
    %get3A_1525 = arith.constant 0 : index
    %get3A_1526 = vector.load %arg3[%get3A_1524, %get3A_1525] : memref<16x1xf32, #tpu.memory_space<vmem>>, vector<16x1xf32>
    %add3A_1527 = vector.broadcast %get3A_1526 : vector<16x1xf32> to vector<16x128xf32>
    %add3A_1528 = arith.addf %dot_general3A_1523, %add3A_1527 : vector<16x128xf32>
    %swap3A_1529 = arith.constant 80 : index
    %swap3A_1530 = arith.constant 0 : index
    %swap3A_1531 = arith.constant 0 : index
    %swap3A_1532 = vector.load %arg4[%swap3A_1529, %swap3A_1530, %swap3A_1531] : memref<100x16x128xf32, #tpu.memory_space<vmem>>, vector<1x16x128xf32>
    %swap3A_1533 = vector.shape_cast %swap3A_1532 : vector<1x16x128xf32> to vector<16x128xf32>
    %swap3A_1534 = vector.shape_cast %add3A_1528 : vector<16x128xf32> to vector<1x16x128xf32>
    tpu.vector_store %arg4[%swap3A_1529, %swap3A_1530, %swap3A_1531], %swap3A_1534 {strides = array<i32>} : memref<100x16x128xf32, #tpu.memory_space<vmem>>, vector<1x16x128xf32>,
    %get3A_1535 = arith.constant 0 : index
    %get3A_1536 = arith.constant 0 : index
    %get3A_1537 = vector.load %arg2[%get3A_1535, %get3A_1536] : memref<16x16xf32, #tpu.memory_space<vmem>>, vector<16x16xf32>
    %get3A_1538 = arith.constant 0 : index
    %get3A_1539 = arith.constant 10368 : index
    %get3A_1540 = vector.load %arg1[%get3A_1538, %get3A_1539] : memref<16x12800xf32, #tpu.memory_space<vmem>>, vector<16x128xf32>
    %dot_general3A_1541 = arith.constant dense<0.000000e+00> : vector<16x128xf32>
    %dot_general3A_1542 = tpu.matmul %get3A_1537, %get3A_1540, %dot_general3A_1541 {dimension_numbers = #tpu.dot_dimension_numbers<[1], [0], [0], [1], [0, 0, 1, 1], [], []>, transpose_lhs_hint = false} : vector<16x16xf32>, vector<16x128xf32>, vector<16x128xf32> -> vector<16x128xf32>
    %get3A_1543 = arith.constant 0 : index
    %get3A_1544 = arith.constant 0 : index
    %get3A_1545 = vector.load %arg3[%get3A_1543, %get3A_1544] : memref<16x1xf32, #tpu.memory_space<vmem>>, vector<16x1xf32>
    %add3A_1546 = vector.broadcast %get3A_1545 : vector<16x1xf32> to vector<16x128xf32>
    %add3A_1547 = arith.addf %dot_general3A_1542, %add3A_1546 : vector<16x128xf32>
    %swap3A_1548 = arith.constant 81 : index
    %swap3A_1549 = arith.constant 0 : index
    %swap3A_1550 = arith.constant 0 : index
    %swap3A_1551 = vector.load %arg4[%swap3A_1548, %swap3A_1549, %swap3A_1550] : memref<100x16x128xf32, #tpu.memory_space<vmem>>, vector<1x16x128xf32>
    %swap3A_1552 = vector.shape_cast %swap3A_1551 : vector<1x16x128xf32> to vector<16x128xf32>
    %swap3A_1553 = vector.shape_cast %add3A_1547 : vector<16x128xf32> to vector<1x16x128xf32>
    tpu.vector_store %arg4[%swap3A_1548, %swap3A_1549, %swap3A_1550], %swap3A_1553 {strides = array<i32>} : memref<100x16x128xf32, #tpu.memory_space<vmem>>, vector<1x16x128xf32>,
    %get3A_1554 = arith.constant 0 : index
    %get3A_1555 = arith.constant 0 : index
    %get3A_1556 = vector.load %arg2[%get3A_1554, %get3A_1555] : memref<16x16xf32, #tpu.memory_space<vmem>>, vector<16x16xf32>
    %get3A_1557 = arith.constant 0 : index
    %get3A_1558 = arith.constant 10496 : index
    %get3A_1559 = vector.load %arg1[%get3A_1557, %get3A_1558] : memref<16x12800xf32, #tpu.memory_space<vmem>>, vector<16x128xf32>
    %dot_general3A_1560 = arith.constant dense<0.000000e+00> : vector<16x128xf32>
    %dot_general3A_1561 = tpu.matmul %get3A_1556, %get3A_1559, %dot_general3A_1560 {dimension_numbers = #tpu.dot_dimension_numbers<[1], [0], [0], [1], [0, 0, 1, 1], [], []>, transpose_lhs_hint = false} : vector<16x16xf32>, vector<16x128xf32>, vector<16x128xf32> -> vector<16x128xf32>
    %get3A_1562 = arith.constant 0 : index
    %get3A_1563 = arith.constant 0 : index
    %get3A_1564 = vector.load %arg3[%get3A_1562, %get3A_1563] : memref<16x1xf32, #tpu.memory_space<vmem>>, vector<16x1xf32>
    %add3A_1565 = vector.broadcast %get3A_1564 : vector<16x1xf32> to vector<16x128xf32>
    %add3A_1566 = arith.addf %dot_general3A_1561, %add3A_1565 : vector<16x128xf32>
    %swap3A_1567 = arith.constant 82 : index
    %swap3A_1568 = arith.constant 0 : index
    %swap3A_1569 = arith.constant 0 : index
    %swap3A_1570 = vector.load %arg4[%swap3A_1567, %swap3A_1568, %swap3A_1569] : memref<100x16x128xf32, #tpu.memory_space<vmem>>, vector<1x16x128xf32>
    %swap3A_1571 = vector.shape_cast %swap3A_1570 : vector<1x16x128xf32> to vector<16x128xf32>
    %swap3A_1572 = vector.shape_cast %add3A_1566 : vector<16x128xf32> to vector<1x16x128xf32>
    tpu.vector_store %arg4[%swap3A_1567, %swap3A_1568, %swap3A_1569], %swap3A_1572 {strides = array<i32>} : memref<100x16x128xf32, #tpu.memory_space<vmem>>, vector<1x16x128xf32>,
    %get3A_1573 = arith.constant 0 : index
    %get3A_1574 = arith.constant 0 : index
    %get3A_1575 = vector.load %arg2[%get3A_1573, %get3A_1574] : memref<16x16xf32, #tpu.memory_space<vmem>>, vector<16x16xf32>
    %get3A_1576 = arith.constant 0 : index
    %get3A_1577 = arith.constant 10624 : index
    %get3A_1578 = vector.load %arg1[%get3A_1576, %get3A_1577] : memref<16x12800xf32, #tpu.memory_space<vmem>>, vector<16x128xf32>
    %dot_general3A_1579 = arith.constant dense<0.000000e+00> : vector<16x128xf32>
    %dot_general3A_1580 = tpu.matmul %get3A_1575, %get3A_1578, %dot_general3A_1579 {dimension_numbers = #tpu.dot_dimension_numbers<[1], [0], [0], [1], [0, 0, 1, 1], [], []>, transpose_lhs_hint = false} : vector<16x16xf32>, vector<16x128xf32>, vector<16x128xf32> -> vector<16x128xf32>
    %get3A_1581 = arith.constant 0 : index
    %get3A_1582 = arith.constant 0 : index
    %get3A_1583 = vector.load %arg3[%get3A_1581, %get3A_1582] : memref<16x1xf32, #tpu.memory_space<vmem>>, vector<16x1xf32>
    %add3A_1584 = vector.broadcast %get3A_1583 : vector<16x1xf32> to vector<16x128xf32>
    %add3A_1585 = arith.addf %dot_general3A_1580, %add3A_1584 : vector<16x128xf32>
    %swap3A_1586 = arith.constant 83 : index
    %swap3A_1587 = arith.constant 0 : index
    %swap3A_1588 = arith.constant 0 : index
    %swap3A_1589 = vector.load %arg4[%swap3A_1586, %swap3A_1587, %swap3A_1588] : memref<100x16x128xf32, #tpu.memory_space<vmem>>, vector<1x16x128xf32>
    %swap3A_1590 = vector.shape_cast %swap3A_1589 : vector<1x16x128xf32> to vector<16x128xf32>
    %swap3A_1591 = vector.shape_cast %add3A_1585 : vector<16x128xf32> to vector<1x16x128xf32>
    tpu.vector_store %arg4[%swap3A_1586, %swap3A_1587, %swap3A_1588], %swap3A_1591 {strides = array<i32>} : memref<100x16x128xf32, #tpu.memory_space<vmem>>, vector<1x16x128xf32>,
    %get3A_1592 = arith.constant 0 : index
    %get3A_1593 = arith.constant 0 : index
    %get3A_1594 = vector.load %arg2[%get3A_1592, %get3A_1593] : memref<16x16xf32, #tpu.memory_space<vmem>>, vector<16x16xf32>
    %get3A_1595 = arith.constant 0 : index
    %get3A_1596 = arith.constant 10752 : index
    %get3A_1597 = vector.load %arg1[%get3A_1595, %get3A_1596] : memref<16x12800xf32, #tpu.memory_space<vmem>>, vector<16x128xf32>
    %dot_general3A_1598 = arith.constant dense<0.000000e+00> : vector<16x128xf32>
    %dot_general3A_1599 = tpu.matmul %get3A_1594, %get3A_1597, %dot_general3A_1598 {dimension_numbers = #tpu.dot_dimension_numbers<[1], [0], [0], [1], [0, 0, 1, 1], [], []>, transpose_lhs_hint = false} : vector<16x16xf32>, vector<16x128xf32>, vector<16x128xf32> -> vector<16x128xf32>
    %get3A_1600 = arith.constant 0 : index
    %get3A_1601 = arith.constant 0 : index
    %get3A_1602 = vector.load %arg3[%get3A_1600, %get3A_1601] : memref<16x1xf32, #tpu.memory_space<vmem>>, vector<16x1xf32>
    %add3A_1603 = vector.broadcast %get3A_1602 : vector<16x1xf32> to vector<16x128xf32>
    %add3A_1604 = arith.addf %dot_general3A_1599, %add3A_1603 : vector<16x128xf32>
    %swap3A_1605 = arith.constant 84 : index
    %swap3A_1606 = arith.constant 0 : index
    %swap3A_1607 = arith.constant 0 : index
    %swap3A_1608 = vector.load %arg4[%swap3A_1605, %swap3A_1606, %swap3A_1607] : memref<100x16x128xf32, #tpu.memory_space<vmem>>, vector<1x16x128xf32>
    %swap3A_1609 = vector.shape_cast %swap3A_1608 : vector<1x16x128xf32> to vector<16x128xf32>
    %swap3A_1610 = vector.shape_cast %add3A_1604 : vector<16x128xf32> to vector<1x16x128xf32>
    tpu.vector_store %arg4[%swap3A_1605, %swap3A_1606, %swap3A_1607], %swap3A_1610 {strides = array<i32>} : memref<100x16x128xf32, #tpu.memory_space<vmem>>, vector<1x16x128xf32>,
    %get3A_1611 = arith.constant 0 : index
    %get3A_1612 = arith.constant 0 : index
    %get3A_1613 = vector.load %arg2[%get3A_1611, %get3A_1612] : memref<16x16xf32, #tpu.memory_space<vmem>>, vector<16x16xf32>
    %get3A_1614 = arith.constant 0 : index
    %get3A_1615 = arith.constant 10880 : index
    %get3A_1616 = vector.load %arg1[%get3A_1614, %get3A_1615] : memref<16x12800xf32, #tpu.memory_space<vmem>>, vector<16x128xf32>
    %dot_general3A_1617 = arith.constant dense<0.000000e+00> : vector<16x128xf32>
    %dot_general3A_1618 = tpu.matmul %get3A_1613, %get3A_1616, %dot_general3A_1617 {dimension_numbers = #tpu.dot_dimension_numbers<[1], [0], [0], [1], [0, 0, 1, 1], [], []>, transpose_lhs_hint = false} : vector<16x16xf32>, vector<16x128xf32>, vector<16x128xf32> -> vector<16x128xf32>
    %get3A_1619 = arith.constant 0 : index
    %get3A_1620 = arith.constant 0 : index
    %get3A_1621 = vector.load %arg3[%get3A_1619, %get3A_1620] : memref<16x1xf32, #tpu.memory_space<vmem>>, vector<16x1xf32>
    %add3A_1622 = vector.broadcast %get3A_1621 : vector<16x1xf32> to vector<16x128xf32>
    %add3A_1623 = arith.addf %dot_general3A_1618, %add3A_1622 : vector<16x128xf32>
    %swap3A_1624 = arith.constant 85 : index
    %swap3A_1625 = arith.constant 0 : index
    %swap3A_1626 = arith.constant 0 : index
    %swap3A_1627 = vector.load %arg4[%swap3A_1624, %swap3A_1625, %swap3A_1626] : memref<100x16x128xf32, #tpu.memory_space<vmem>>, vector<1x16x128xf32>
    %swap3A_1628 = vector.shape_cast %swap3A_1627 : vector<1x16x128xf32> to vector<16x128xf32>
    %swap3A_1629 = vector.shape_cast %add3A_1623 : vector<16x128xf32> to vector<1x16x128xf32>
    tpu.vector_store %arg4[%swap3A_1624, %swap3A_1625, %swap3A_1626], %swap3A_1629 {strides = array<i32>} : memref<100x16x128xf32, #tpu.memory_space<vmem>>, vector<1x16x128xf32>,
    %get3A_1630 = arith.constant 0 : index
    %get3A_1631 = arith.constant 0 : index
    %get3A_1632 = vector.load %arg2[%get3A_1630, %get3A_1631] : memref<16x16xf32, #tpu.memory_space<vmem>>, vector<16x16xf32>
    %get3A_1633 = arith.constant 0 : index
    %get3A_1634 = arith.constant 11008 : index
    %get3A_1635 = vector.load %arg1[%get3A_1633, %get3A_1634] : memref<16x12800xf32, #tpu.memory_space<vmem>>, vector<16x128xf32>
    %dot_general3A_1636 = arith.constant dense<0.000000e+00> : vector<16x128xf32>
    %dot_general3A_1637 = tpu.matmul %get3A_1632, %get3A_1635, %dot_general3A_1636 {dimension_numbers = #tpu.dot_dimension_numbers<[1], [0], [0], [1], [0, 0, 1, 1], [], []>, transpose_lhs_hint = false} : vector<16x16xf32>, vector<16x128xf32>, vector<16x128xf32> -> vector<16x128xf32>
    %get3A_1638 = arith.constant 0 : index
    %get3A_1639 = arith.constant 0 : index
    %get3A_1640 = vector.load %arg3[%get3A_1638, %get3A_1639] : memref<16x1xf32, #tpu.memory_space<vmem>>, vector<16x1xf32>
    %add3A_1641 = vector.broadcast %get3A_1640 : vector<16x1xf32> to vector<16x128xf32>
    %add3A_1642 = arith.addf %dot_general3A_1637, %add3A_1641 : vector<16x128xf32>
    %swap3A_1643 = arith.constant 86 : index
    %swap3A_1644 = arith.constant 0 : index
    %swap3A_1645 = arith.constant 0 : index
    %swap3A_1646 = vector.load %arg4[%swap3A_1643, %swap3A_1644, %swap3A_1645] : memref<100x16x128xf32, #tpu.memory_space<vmem>>, vector<1x16x128xf32>
    %swap3A_1647 = vector.shape_cast %swap3A_1646 : vector<1x16x128xf32> to vector<16x128xf32>
    %swap3A_1648 = vector.shape_cast %add3A_1642 : vector<16x128xf32> to vector<1x16x128xf32>
    tpu.vector_store %arg4[%swap3A_1643, %swap3A_1644, %swap3A_1645], %swap3A_1648 {strides = array<i32>} : memref<100x16x128xf32, #tpu.memory_space<vmem>>, vector<1x16x128xf32>,
    %get3A_1649 = arith.constant 0 : index
    %get3A_1650 = arith.constant 0 : index
    %get3A_1651 = vector.load %arg2[%get3A_1649, %get3A_1650] : memref<16x16xf32, #tpu.memory_space<vmem>>, vector<16x16xf32>
    %get3A_1652 = arith.constant 0 : index
    %get3A_1653 = arith.constant 11136 : index
    %get3A_1654 = vector.load %arg1[%get3A_1652, %get3A_1653] : memref<16x12800xf32, #tpu.memory_space<vmem>>, vector<16x128xf32>
    %dot_general3A_1655 = arith.constant dense<0.000000e+00> : vector<16x128xf32>
    %dot_general3A_1656 = tpu.matmul %get3A_1651, %get3A_1654, %dot_general3A_1655 {dimension_numbers = #tpu.dot_dimension_numbers<[1], [0], [0], [1], [0, 0, 1, 1], [], []>, transpose_lhs_hint = false} : vector<16x16xf32>, vector<16x128xf32>, vector<16x128xf32> -> vector<16x128xf32>
    %get3A_1657 = arith.constant 0 : index
    %get3A_1658 = arith.constant 0 : index
    %get3A_1659 = vector.load %arg3[%get3A_1657, %get3A_1658] : memref<16x1xf32, #tpu.memory_space<vmem>>, vector<16x1xf32>
    %add3A_1660 = vector.broadcast %get3A_1659 : vector<16x1xf32> to vector<16x128xf32>
    %add3A_1661 = arith.addf %dot_general3A_1656, %add3A_1660 : vector<16x128xf32>
    %swap3A_1662 = arith.constant 87 : index
    %swap3A_1663 = arith.constant 0 : index
    %swap3A_1664 = arith.constant 0 : index
    %swap3A_1665 = vector.load %arg4[%swap3A_1662, %swap3A_1663, %swap3A_1664] : memref<100x16x128xf32, #tpu.memory_space<vmem>>, vector<1x16x128xf32>
    %swap3A_1666 = vector.shape_cast %swap3A_1665 : vector<1x16x128xf32> to vector<16x128xf32>
    %swap3A_1667 = vector.shape_cast %add3A_1661 : vector<16x128xf32> to vector<1x16x128xf32>
    tpu.vector_store %arg4[%swap3A_1662, %swap3A_1663, %swap3A_1664], %swap3A_1667 {strides = array<i32>} : memref<100x16x128xf32, #tpu.memory_space<vmem>>, vector<1x16x128xf32>,
    %get3A_1668 = arith.constant 0 : index
    %get3A_1669 = arith.constant 0 : index
    %get3A_1670 = vector.load %arg2[%get3A_1668, %get3A_1669] : memref<16x16xf32, #tpu.memory_space<vmem>>, vector<16x16xf32>
    %get3A_1671 = arith.constant 0 : index
    %get3A_1672 = arith.constant 11264 : index
    %get3A_1673 = vector.load %arg1[%get3A_1671, %get3A_1672] : memref<16x12800xf32, #tpu.memory_space<vmem>>, vector<16x128xf32>
    %dot_general3A_1674 = arith.constant dense<0.000000e+00> : vector<16x128xf32>
    %dot_general3A_1675 = tpu.matmul %get3A_1670, %get3A_1673, %dot_general3A_1674 {dimension_numbers = #tpu.dot_dimension_numbers<[1], [0], [0], [1], [0, 0, 1, 1], [], []>, transpose_lhs_hint = false} : vector<16x16xf32>, vector<16x128xf32>, vector<16x128xf32> -> vector<16x128xf32>
    %get3A_1676 = arith.constant 0 : index
    %get3A_1677 = arith.constant 0 : index
    %get3A_1678 = vector.load %arg3[%get3A_1676, %get3A_1677] : memref<16x1xf32, #tpu.memory_space<vmem>>, vector<16x1xf32>
    %add3A_1679 = vector.broadcast %get3A_1678 : vector<16x1xf32> to vector<16x128xf32>
    %add3A_1680 = arith.addf %dot_general3A_1675, %add3A_1679 : vector<16x128xf32>
    %swap3A_1681 = arith.constant 88 : index
    %swap3A_1682 = arith.constant 0 : index
    %swap3A_1683 = arith.constant 0 : index
    %swap3A_1684 = vector.load %arg4[%swap3A_1681, %swap3A_1682, %swap3A_1683] : memref<100x16x128xf32, #tpu.memory_space<vmem>>, vector<1x16x128xf32>
    %swap3A_1685 = vector.shape_cast %swap3A_1684 : vector<1x16x128xf32> to vector<16x128xf32>
    %swap3A_1686 = vector.shape_cast %add3A_1680 : vector<16x128xf32> to vector<1x16x128xf32>
    tpu.vector_store %arg4[%swap3A_1681, %swap3A_1682, %swap3A_1683], %swap3A_1686 {strides = array<i32>} : memref<100x16x128xf32, #tpu.memory_space<vmem>>, vector<1x16x128xf32>,
    %get3A_1687 = arith.constant 0 : index
    %get3A_1688 = arith.constant 0 : index
    %get3A_1689 = vector.load %arg2[%get3A_1687, %get3A_1688] : memref<16x16xf32, #tpu.memory_space<vmem>>, vector<16x16xf32>
    %get3A_1690 = arith.constant 0 : index
    %get3A_1691 = arith.constant 11392 : index
    %get3A_1692 = vector.load %arg1[%get3A_1690, %get3A_1691] : memref<16x12800xf32, #tpu.memory_space<vmem>>, vector<16x128xf32>
    %dot_general3A_1693 = arith.constant dense<0.000000e+00> : vector<16x128xf32>
    %dot_general3A_1694 = tpu.matmul %get3A_1689, %get3A_1692, %dot_general3A_1693 {dimension_numbers = #tpu.dot_dimension_numbers<[1], [0], [0], [1], [0, 0, 1, 1], [], []>, transpose_lhs_hint = false} : vector<16x16xf32>, vector<16x128xf32>, vector<16x128xf32> -> vector<16x128xf32>
    %get3A_1695 = arith.constant 0 : index
    %get3A_1696 = arith.constant 0 : index
    %get3A_1697 = vector.load %arg3[%get3A_1695, %get3A_1696] : memref<16x1xf32, #tpu.memory_space<vmem>>, vector<16x1xf32>
    %add3A_1698 = vector.broadcast %get3A_1697 : vector<16x1xf32> to vector<16x128xf32>
    %add3A_1699 = arith.addf %dot_general3A_1694, %add3A_1698 : vector<16x128xf32>
    %swap3A_1700 = arith.constant 89 : index
    %swap3A_1701 = arith.constant 0 : index
    %swap3A_1702 = arith.constant 0 : index
    %swap3A_1703 = vector.load %arg4[%swap3A_1700, %swap3A_1701, %swap3A_1702] : memref<100x16x128xf32, #tpu.memory_space<vmem>>, vector<1x16x128xf32>
    %swap3A_1704 = vector.shape_cast %swap3A_1703 : vector<1x16x128xf32> to vector<16x128xf32>
    %swap3A_1705 = vector.shape_cast %add3A_1699 : vector<16x128xf32> to vector<1x16x128xf32>
    tpu.vector_store %arg4[%swap3A_1700, %swap3A_1701, %swap3A_1702], %swap3A_1705 {strides = array<i32>} : memref<100x16x128xf32, #tpu.memory_space<vmem>>, vector<1x16x128xf32>,
    %get3A_1706 = arith.constant 0 : index
    %get3A_1707 = arith.constant 0 : index
    %get3A_1708 = vector.load %arg2[%get3A_1706, %get3A_1707] : memref<16x16xf32, #tpu.memory_space<vmem>>, vector<16x16xf32>
    %get3A_1709 = arith.constant 0 : index
    %get3A_1710 = arith.constant 11520 : index
    %get3A_1711 = vector.load %arg1[%get3A_1709, %get3A_1710] : memref<16x12800xf32, #tpu.memory_space<vmem>>, vector<16x128xf32>
    %dot_general3A_1712 = arith.constant dense<0.000000e+00> : vector<16x128xf32>
    %dot_general3A_1713 = tpu.matmul %get3A_1708, %get3A_1711, %dot_general3A_1712 {dimension_numbers = #tpu.dot_dimension_numbers<[1], [0], [0], [1], [0, 0, 1, 1], [], []>, transpose_lhs_hint = false} : vector<16x16xf32>, vector<16x128xf32>, vector<16x128xf32> -> vector<16x128xf32>
    %get3A_1714 = arith.constant 0 : index
    %get3A_1715 = arith.constant 0 : index
    %get3A_1716 = vector.load %arg3[%get3A_1714, %get3A_1715] : memref<16x1xf32, #tpu.memory_space<vmem>>, vector<16x1xf32>
    %add3A_1717 = vector.broadcast %get3A_1716 : vector<16x1xf32> to vector<16x128xf32>
    %add3A_1718 = arith.addf %dot_general3A_1713, %add3A_1717 : vector<16x128xf32>
    %swap3A_1719 = arith.constant 90 : index
    %swap3A_1720 = arith.constant 0 : index
    %swap3A_1721 = arith.constant 0 : index
    %swap3A_1722 = vector.load %arg4[%swap3A_1719, %swap3A_1720, %swap3A_1721] : memref<100x16x128xf32, #tpu.memory_space<vmem>>, vector<1x16x128xf32>
    %swap3A_1723 = vector.shape_cast %swap3A_1722 : vector<1x16x128xf32> to vector<16x128xf32>
    %swap3A_1724 = vector.shape_cast %add3A_1718 : vector<16x128xf32> to vector<1x16x128xf32>
    tpu.vector_store %arg4[%swap3A_1719, %swap3A_1720, %swap3A_1721], %swap3A_1724 {strides = array<i32>} : memref<100x16x128xf32, #tpu.memory_space<vmem>>, vector<1x16x128xf32>,
    %get3A_1725 = arith.constant 0 : index
    %get3A_1726 = arith.constant 0 : index
    %get3A_1727 = vector.load %arg2[%get3A_1725, %get3A_1726] : memref<16x16xf32, #tpu.memory_space<vmem>>, vector<16x16xf32>
    %get3A_1728 = arith.constant 0 : index
    %get3A_1729 = arith.constant 11648 : index
    %get3A_1730 = vector.load %arg1[%get3A_1728, %get3A_1729] : memref<16x12800xf32, #tpu.memory_space<vmem>>, vector<16x128xf32>
    %dot_general3A_1731 = arith.constant dense<0.000000e+00> : vector<16x128xf32>
    %dot_general3A_1732 = tpu.matmul %get3A_1727, %get3A_1730, %dot_general3A_1731 {dimension_numbers = #tpu.dot_dimension_numbers<[1], [0], [0], [1], [0, 0, 1, 1], [], []>, transpose_lhs_hint = false} : vector<16x16xf32>, vector<16x128xf32>, vector<16x128xf32> -> vector<16x128xf32>
    %get3A_1733 = arith.constant 0 : index
    %get3A_1734 = arith.constant 0 : index
    %get3A_1735 = vector.load %arg3[%get3A_1733, %get3A_1734] : memref<16x1xf32, #tpu.memory_space<vmem>>, vector<16x1xf32>
    %add3A_1736 = vector.broadcast %get3A_1735 : vector<16x1xf32> to vector<16x128xf32>
    %add3A_1737 = arith.addf %dot_general3A_1732, %add3A_1736 : vector<16x128xf32>
    %swap3A_1738 = arith.constant 91 : index
    %swap3A_1739 = arith.constant 0 : index
    %swap3A_1740 = arith.constant 0 : index
    %swap3A_1741 = vector.load %arg4[%swap3A_1738, %swap3A_1739, %swap3A_1740] : memref<100x16x128xf32, #tpu.memory_space<vmem>>, vector<1x16x128xf32>
    %swap3A_1742 = vector.shape_cast %swap3A_1741 : vector<1x16x128xf32> to vector<16x128xf32>
    %swap3A_1743 = vector.shape_cast %add3A_1737 : vector<16x128xf32> to vector<1x16x128xf32>
    tpu.vector_store %arg4[%swap3A_1738, %swap3A_1739, %swap3A_1740], %swap3A_1743 {strides = array<i32>} : memref<100x16x128xf32, #tpu.memory_space<vmem>>, vector<1x16x128xf32>,
    %get3A_1744 = arith.constant 0 : index
    %get3A_1745 = arith.constant 0 : index
    %get3A_1746 = vector.load %arg2[%get3A_1744, %get3A_1745] : memref<16x16xf32, #tpu.memory_space<vmem>>, vector<16x16xf32>
    %get3A_1747 = arith.constant 0 : index
    %get3A_1748 = arith.constant 11776 : index
    %get3A_1749 = vector.load %arg1[%get3A_1747, %get3A_1748] : memref<16x12800xf32, #tpu.memory_space<vmem>>, vector<16x128xf32>
    %dot_general3A_1750 = arith.constant dense<0.000000e+00> : vector<16x128xf32>
    %dot_general3A_1751 = tpu.matmul %get3A_1746, %get3A_1749, %dot_general3A_1750 {dimension_numbers = #tpu.dot_dimension_numbers<[1], [0], [0], [1], [0, 0, 1, 1], [], []>, transpose_lhs_hint = false} : vector<16x16xf32>, vector<16x128xf32>, vector<16x128xf32> -> vector<16x128xf32>
    %get3A_1752 = arith.constant 0 : index
    %get3A_1753 = arith.constant 0 : index
    %get3A_1754 = vector.load %arg3[%get3A_1752, %get3A_1753] : memref<16x1xf32, #tpu.memory_space<vmem>>, vector<16x1xf32>
    %add3A_1755 = vector.broadcast %get3A_1754 : vector<16x1xf32> to vector<16x128xf32>
    %add3A_1756 = arith.addf %dot_general3A_1751, %add3A_1755 : vector<16x128xf32>
    %swap3A_1757 = arith.constant 92 : index
    %swap3A_1758 = arith.constant 0 : index
    %swap3A_1759 = arith.constant 0 : index
    %swap3A_1760 = vector.load %arg4[%swap3A_1757, %swap3A_1758, %swap3A_1759] : memref<100x16x128xf32, #tpu.memory_space<vmem>>, vector<1x16x128xf32>
    %swap3A_1761 = vector.shape_cast %swap3A_1760 : vector<1x16x128xf32> to vector<16x128xf32>
    %swap3A_1762 = vector.shape_cast %add3A_1756 : vector<16x128xf32> to vector<1x16x128xf32>
    tpu.vector_store %arg4[%swap3A_1757, %swap3A_1758, %swap3A_1759], %swap3A_1762 {strides = array<i32>} : memref<100x16x128xf32, #tpu.memory_space<vmem>>, vector<1x16x128xf32>,
    %get3A_1763 = arith.constant 0 : index
    %get3A_1764 = arith.constant 0 : index
    %get3A_1765 = vector.load %arg2[%get3A_1763, %get3A_1764] : memref<16x16xf32, #tpu.memory_space<vmem>>, vector<16x16xf32>
    %get3A_1766 = arith.constant 0 : index
    %get3A_1767 = arith.constant 11904 : index
    %get3A_1768 = vector.load %arg1[%get3A_1766, %get3A_1767] : memref<16x12800xf32, #tpu.memory_space<vmem>>, vector<16x128xf32>
    %dot_general3A_1769 = arith.constant dense<0.000000e+00> : vector<16x128xf32>
    %dot_general3A_1770 = tpu.matmul %get3A_1765, %get3A_1768, %dot_general3A_1769 {dimension_numbers = #tpu.dot_dimension_numbers<[1], [0], [0], [1], [0, 0, 1, 1], [], []>, transpose_lhs_hint = false} : vector<16x16xf32>, vector<16x128xf32>, vector<16x128xf32> -> vector<16x128xf32>
    %get3A_1771 = arith.constant 0 : index
    %get3A_1772 = arith.constant 0 : index
    %get3A_1773 = vector.load %arg3[%get3A_1771, %get3A_1772] : memref<16x1xf32, #tpu.memory_space<vmem>>, vector<16x1xf32>
    %add3A_1774 = vector.broadcast %get3A_1773 : vector<16x1xf32> to vector<16x128xf32>
    %add3A_1775 = arith.addf %dot_general3A_1770, %add3A_1774 : vector<16x128xf32>
    %swap3A_1776 = arith.constant 93 : index
    %swap3A_1777 = arith.constant 0 : index
    %swap3A_1778 = arith.constant 0 : index
    %swap3A_1779 = vector.load %arg4[%swap3A_1776, %swap3A_1777, %swap3A_1778] : memref<100x16x128xf32, #tpu.memory_space<vmem>>, vector<1x16x128xf32>
    %swap3A_1780 = vector.shape_cast %swap3A_1779 : vector<1x16x128xf32> to vector<16x128xf32>
    %swap3A_1781 = vector.shape_cast %add3A_1775 : vector<16x128xf32> to vector<1x16x128xf32>
    tpu.vector_store %arg4[%swap3A_1776, %swap3A_1777, %swap3A_1778], %swap3A_1781 {strides = array<i32>} : memref<100x16x128xf32, #tpu.memory_space<vmem>>, vector<1x16x128xf32>,
    %get3A_1782 = arith.constant 0 : index
    %get3A_1783 = arith.constant 0 : index
    %get3A_1784 = vector.load %arg2[%get3A_1782, %get3A_1783] : memref<16x16xf32, #tpu.memory_space<vmem>>, vector<16x16xf32>
    %get3A_1785 = arith.constant 0 : index
    %get3A_1786 = arith.constant 12032 : index
    %get3A_1787 = vector.load %arg1[%get3A_1785, %get3A_1786] : memref<16x12800xf32, #tpu.memory_space<vmem>>, vector<16x128xf32>
    %dot_general3A_1788 = arith.constant dense<0.000000e+00> : vector<16x128xf32>
    %dot_general3A_1789 = tpu.matmul %get3A_1784, %get3A_1787, %dot_general3A_1788 {dimension_numbers = #tpu.dot_dimension_numbers<[1], [0], [0], [1], [0, 0, 1, 1], [], []>, transpose_lhs_hint = false} : vector<16x16xf32>, vector<16x128xf32>, vector<16x128xf32> -> vector<16x128xf32>
    %get3A_1790 = arith.constant 0 : index
    %get3A_1791 = arith.constant 0 : index
    %get3A_1792 = vector.load %arg3[%get3A_1790, %get3A_1791] : memref<16x1xf32, #tpu.memory_space<vmem>>, vector<16x1xf32>
    %add3A_1793 = vector.broadcast %get3A_1792 : vector<16x1xf32> to vector<16x128xf32>
    %add3A_1794 = arith.addf %dot_general3A_1789, %add3A_1793 : vector<16x128xf32>
    %swap3A_1795 = arith.constant 94 : index
    %swap3A_1796 = arith.constant 0 : index
    %swap3A_1797 = arith.constant 0 : index
    %swap3A_1798 = vector.load %arg4[%swap3A_1795, %swap3A_1796, %swap3A_1797] : memref<100x16x128xf32, #tpu.memory_space<vmem>>, vector<1x16x128xf32>
    %swap3A_1799 = vector.shape_cast %swap3A_1798 : vector<1x16x128xf32> to vector<16x128xf32>
    %swap3A_1800 = vector.shape_cast %add3A_1794 : vector<16x128xf32> to vector<1x16x128xf32>
    tpu.vector_store %arg4[%swap3A_1795, %swap3A_1796, %swap3A_1797], %swap3A_1800 {strides = array<i32>} : memref<100x16x128xf32, #tpu.memory_space<vmem>>, vector<1x16x128xf32>,
    %get3A_1801 = arith.constant 0 : index
    %get3A_1802 = arith.constant 0 : index
    %get3A_1803 = vector.load %arg2[%get3A_1801, %get3A_1802] : memref<16x16xf32, #tpu.memory_space<vmem>>, vector<16x16xf32>
    %get3A_1804 = arith.constant 0 : index
    %get3A_1805 = arith.constant 12160 : index
    %get3A_1806 = vector.load %arg1[%get3A_1804, %get3A_1805] : memref<16x12800xf32, #tpu.memory_space<vmem>>, vector<16x128xf32>
    %dot_general3A_1807 = arith.constant dense<0.000000e+00> : vector<16x128xf32>
    %dot_general3A_1808 = tpu.matmul %get3A_1803, %get3A_1806, %dot_general3A_1807 {dimension_numbers = #tpu.dot_dimension_numbers<[1], [0], [0], [1], [0, 0, 1, 1], [], []>, transpose_lhs_hint = false} : vector<16x16xf32>, vector<16x128xf32>, vector<16x128xf32> -> vector<16x128xf32>
    %get3A_1809 = arith.constant 0 : index
    %get3A_1810 = arith.constant 0 : index
    %get3A_1811 = vector.load %arg3[%get3A_1809, %get3A_1810] : memref<16x1xf32, #tpu.memory_space<vmem>>, vector<16x1xf32>
    %add3A_1812 = vector.broadcast %get3A_1811 : vector<16x1xf32> to vector<16x128xf32>
    %add3A_1813 = arith.addf %dot_general3A_1808, %add3A_1812 : vector<16x128xf32>
    %swap3A_1814 = arith.constant 95 : index
    %swap3A_1815 = arith.constant 0 : index
    %swap3A_1816 = arith.constant 0 : index
    %swap3A_1817 = vector.load %arg4[%swap3A_1814, %swap3A_1815, %swap3A_1816] : memref<100x16x128xf32, #tpu.memory_space<vmem>>, vector<1x16x128xf32>
    %swap3A_1818 = vector.shape_cast %swap3A_1817 : vector<1x16x128xf32> to vector<16x128xf32>
    %swap3A_1819 = vector.shape_cast %add3A_1813 : vector<16x128xf32> to vector<1x16x128xf32>
    tpu.vector_store %arg4[%swap3A_1814, %swap3A_1815, %swap3A_1816], %swap3A_1819 {strides = array<i32>} : memref<100x16x128xf32, #tpu.memory_space<vmem>>, vector<1x16x128xf32>,
    %get3A_1820 = arith.constant 0 : index
    %get3A_1821 = arith.constant 0 : index
    %get3A_1822 = vector.load %arg2[%get3A_1820, %get3A_1821] : memref<16x16xf32, #tpu.memory_space<vmem>>, vector<16x16xf32>
    %get3A_1823 = arith.constant 0 : index
    %get3A_1824 = arith.constant 12288 : index
    %get3A_1825 = vector.load %arg1[%get3A_1823, %get3A_1824] : memref<16x12800xf32, #tpu.memory_space<vmem>>, vector<16x128xf32>
    %dot_general3A_1826 = arith.constant dense<0.000000e+00> : vector<16x128xf32>
    %dot_general3A_1827 = tpu.matmul %get3A_1822, %get3A_1825, %dot_general3A_1826 {dimension_numbers = #tpu.dot_dimension_numbers<[1], [0], [0], [1], [0, 0, 1, 1], [], []>, transpose_lhs_hint = false} : vector<16x16xf32>, vector<16x128xf32>, vector<16x128xf32> -> vector<16x128xf32>
    %get3A_1828 = arith.constant 0 : index
    %get3A_1829 = arith.constant 0 : index
    %get3A_1830 = vector.load %arg3[%get3A_1828, %get3A_1829] : memref<16x1xf32, #tpu.memory_space<vmem>>, vector<16x1xf32>
    %add3A_1831 = vector.broadcast %get3A_1830 : vector<16x1xf32> to vector<16x128xf32>
    %add3A_1832 = arith.addf %dot_general3A_1827, %add3A_1831 : vector<16x128xf32>
    %swap3A_1833 = arith.constant 96 : index
    %swap3A_1834 = arith.constant 0 : index
    %swap3A_1835 = arith.constant 0 : index
    %swap3A_1836 = vector.load %arg4[%swap3A_1833, %swap3A_1834, %swap3A_1835] : memref<100x16x128xf32, #tpu.memory_space<vmem>>, vector<1x16x128xf32>
    %swap3A_1837 = vector.shape_cast %swap3A_1836 : vector<1x16x128xf32> to vector<16x128xf32>
    %swap3A_1838 = vector.shape_cast %add3A_1832 : vector<16x128xf32> to vector<1x16x128xf32>
    tpu.vector_store %arg4[%swap3A_1833, %swap3A_1834, %swap3A_1835], %swap3A_1838 {strides = array<i32>} : memref<100x16x128xf32, #tpu.memory_space<vmem>>, vector<1x16x128xf32>,
    %get3A_1839 = arith.constant 0 : index
    %get3A_1840 = arith.constant 0 : index
    %get3A_1841 = vector.load %arg2[%get3A_1839, %get3A_1840] : memref<16x16xf32, #tpu.memory_space<vmem>>, vector<16x16xf32>
    %get3A_1842 = arith.constant 0 : index
    %get3A_1843 = arith.constant 12416 : index
    %get3A_1844 = vector.load %arg1[%get3A_1842, %get3A_1843] : memref<16x12800xf32, #tpu.memory_space<vmem>>, vector<16x128xf32>
    %dot_general3A_1845 = arith.constant dense<0.000000e+00> : vector<16x128xf32>
    %dot_general3A_1846 = tpu.matmul %get3A_1841, %get3A_1844, %dot_general3A_1845 {dimension_numbers = #tpu.dot_dimension_numbers<[1], [0], [0], [1], [0, 0, 1, 1], [], []>, transpose_lhs_hint = false} : vector<16x16xf32>, vector<16x128xf32>, vector<16x128xf32> -> vector<16x128xf32>
    %get3A_1847 = arith.constant 0 : index
    %get3A_1848 = arith.constant 0 : index
    %get3A_1849 = vector.load %arg3[%get3A_1847, %get3A_1848] : memref<16x1xf32, #tpu.memory_space<vmem>>, vector<16x1xf32>
    %add3A_1850 = vector.broadcast %get3A_1849 : vector<16x1xf32> to vector<16x128xf32>
    %add3A_1851 = arith.addf %dot_general3A_1846, %add3A_1850 : vector<16x128xf32>
    %swap3A_1852 = arith.constant 97 : index
    %swap3A_1853 = arith.constant 0 : index
    %swap3A_1854 = arith.constant 0 : index
    %swap3A_1855 = vector.load %arg4[%swap3A_1852, %swap3A_1853, %swap3A_1854] : memref<100x16x128xf32, #tpu.memory_space<vmem>>, vector<1x16x128xf32>
    %swap3A_1856 = vector.shape_cast %swap3A_1855 : vector<1x16x128xf32> to vector<16x128xf32>
    %swap3A_1857 = vector.shape_cast %add3A_1851 : vector<16x128xf32> to vector<1x16x128xf32>
    tpu.vector_store %arg4[%swap3A_1852, %swap3A_1853, %swap3A_1854], %swap3A_1857 {strides = array<i32>} : memref<100x16x128xf32, #tpu.memory_space<vmem>>, vector<1x16x128xf32>,
    %get3A_1858 = arith.constant 0 : index
    %get3A_1859 = arith.constant 0 : index
    %get3A_1860 = vector.load %arg2[%get3A_1858, %get3A_1859] : memref<16x16xf32, #tpu.memory_space<vmem>>, vector<16x16xf32>
    %get3A_1861 = arith.constant 0 : index
    %get3A_1862 = arith.constant 12544 : index
    %get3A_1863 = vector.load %arg1[%get3A_1861, %get3A_1862] : memref<16x12800xf32, #tpu.memory_space<vmem>>, vector<16x128xf32>
    %dot_general3A_1864 = arith.constant dense<0.000000e+00> : vector<16x128xf32>
    %dot_general3A_1865 = tpu.matmul %get3A_1860, %get3A_1863, %dot_general3A_1864 {dimension_numbers = #tpu.dot_dimension_numbers<[1], [0], [0], [1], [0, 0, 1, 1], [], []>, transpose_lhs_hint = false} : vector<16x16xf32>, vector<16x128xf32>, vector<16x128xf32> -> vector<16x128xf32>
    %get3A_1866 = arith.constant 0 : index
    %get3A_1867 = arith.constant 0 : index
    %get3A_1868 = vector.load %arg3[%get3A_1866, %get3A_1867] : memref<16x1xf32, #tpu.memory_space<vmem>>, vector<16x1xf32>
    %add3A_1869 = vector.broadcast %get3A_1868 : vector<16x1xf32> to vector<16x128xf32>
    %add3A_1870 = arith.addf %dot_general3A_1865, %add3A_1869 : vector<16x128xf32>
    %swap3A_1871 = arith.constant 98 : index
    %swap3A_1872 = arith.constant 0 : index
    %swap3A_1873 = arith.constant 0 : index
    %swap3A_1874 = vector.load %arg4[%swap3A_1871, %swap3A_1872, %swap3A_1873] : memref<100x16x128xf32, #tpu.memory_space<vmem>>, vector<1x16x128xf32>
    %swap3A_1875 = vector.shape_cast %swap3A_1874 : vector<1x16x128xf32> to vector<16x128xf32>
    %swap3A_1876 = vector.shape_cast %add3A_1870 : vector<16x128xf32> to vector<1x16x128xf32>
    tpu.vector_store %arg4[%swap3A_1871, %swap3A_1872, %swap3A_1873], %swap3A_1876 {strides = array<i32>} : memref<100x16x128xf32, #tpu.memory_space<vmem>>, vector<1x16x128xf32>,
    %get3A_1877 = arith.constant 0 : index
    %get3A_1878 = arith.constant 0 : index
    %get3A_1879 = vector.load %arg2[%get3A_1877, %get3A_1878] : memref<16x16xf32, #tpu.memory_space<vmem>>, vector<16x16xf32>
    %get3A_1880 = arith.constant 0 : index
    %get3A_1881 = arith.constant 12672 : index
    %get3A_1882 = vector.load %arg1[%get3A_1880, %get3A_1881] : memref<16x12800xf32, #tpu.memory_space<vmem>>, vector<16x128xf32>
    %dot_general3A_1883 = arith.constant dense<0.000000e+00> : vector<16x128xf32>
    %dot_general3A_1884 = tpu.matmul %get3A_1879, %get3A_1882, %dot_general3A_1883 {dimension_numbers = #tpu.dot_dimension_numbers<[1], [0], [0], [1], [0, 0, 1, 1], [], []>, transpose_lhs_hint = false} : vector<16x16xf32>, vector<16x128xf32>, vector<16x128xf32> -> vector<16x128xf32>
    %get3A_1885 = arith.constant 0 : index
    %get3A_1886 = arith.constant 0 : index
    %get3A_1887 = vector.load %arg3[%get3A_1885, %get3A_1886] : memref<16x1xf32, #tpu.memory_space<vmem>>, vector<16x1xf32>
    %add3A_1888 = vector.broadcast %get3A_1887 : vector<16x1xf32> to vector<16x128xf32>
    %add3A_1889 = arith.addf %dot_general3A_1884, %add3A_1888 : vector<16x128xf32>
    %swap3A_1890 = arith.constant 99 : index
    %swap3A_1891 = arith.constant 0 : index
    %swap3A_1892 = arith.constant 0 : index
    %swap3A_1893 = vector.load %arg4[%swap3A_1890, %swap3A_1891, %swap3A_1892] : memref<100x16x128xf32, #tpu.memory_space<vmem>>, vector<1x16x128xf32>
    %swap3A_1894 = vector.shape_cast %swap3A_1893 : vector<1x16x128xf32> to vector<16x128xf32>
    %swap3A_1895 = vector.shape_cast %add3A_1889 : vector<16x128xf32> to vector<1x16x128xf32>
    tpu.vector_store %arg4[%swap3A_1890, %swap3A_1891, %swap3A_1892], %swap3A_1895 {strides = array<i32>} : memref<100x16x128xf32, #tpu.memory_space<vmem>>, vector<1x16x128xf32>,
    return
  }
  func.func @transform_0(%arg0: i32) -> (i32, i32) {
    %c0_i32 = arith.constant 0 : i32
    %c0_i32_0 = arith.constant 0 : i32
    return %c0_i32, %arg0 : i32, i32
  }
  func.func @transform_1(%arg0: i32) -> (i32, i32) {
    %c0_i32 = arith.constant 0 : i32
    %c0_i32_0 = arith.constant 0 : i32
    %c0_i32_1 = arith.constant 0 : i32
    return %c0_i32, %c0_i32_0 : i32, i32
  }
  func.func @transform_2(%arg0: i32) -> (i32, i32) {
    %c0_i32 = arith.constant 0 : i32
    %c0_i32_0 = arith.constant 0 : i32
    %c0_i32_1 = arith.constant 0 : i32
    return %c0_i32, %c0_i32_0 : i32, i32
  }
  func.func @transform_3(%arg0: i32) -> (i32, i32, i32) {
    %c0_i32 = arith.constant 0 : i32
    %c0_i32_0 = arith.constant 0 : i32
    %c0_i32_1 = arith.constant 0 : i32
    return %arg0, %c0_i32, %c0_i32_0 : i32, i32, i32
  }
}

module attributes {stable_mosaic.version = 14 : i64} {
  func.func @_edge_body(%arg0: i32, %arg1: memref<20x16x128xf32, #tpu.memory_space<vmem>>, %arg2: memref<20x16x128xf32, #tpu.memory_space<vmem>>, %arg3: memref<320x320xf32, #tpu.memory_space<vmem>>, %arg4: memref<320x1xf32, #tpu.memory_space<vmem>>, %arg5: memref<320x320xf32, #tpu.memory_space<vmem>>, %arg6: memref<320x1xf32, #tpu.memory_space<vmem>>, %arg7: memref<20x16x128xf32, #tpu.memory_space<vmem>>) attributes {dimension_semantics = [#tpu.dimension_semantics<arbitrary>], iteration_bounds = array<i64: 125>, scalar_prefetch = 0 : i64, scratch_operands = 0 : i64, tpu.core_type = #tpu.core_type<tc>, window_params = [{transform_indices = @transform_0, window_bounds = array<i64: 20, 16, 128>}, {transform_indices = @transform_1, window_bounds = array<i64: 20, 16, 128>}, {pipeline_mode = #tpu.pipeline_mode<synchronous>, transform_indices = @transform_2, window_bounds = array<i64: 320, 320>}, {pipeline_mode = #tpu.pipeline_mode<synchronous>, transform_indices = @transform_3, window_bounds = array<i64: 320, 1>}, {pipeline_mode = #tpu.pipeline_mode<synchronous>, transform_indices = @transform_4, window_bounds = array<i64: 320, 320>}, {pipeline_mode = #tpu.pipeline_mode<synchronous>, transform_indices = @transform_5, window_bounds = array<i64: 320, 1>}, {transform_indices = @transform_6, window_bounds = array<i64: 20, 16, 128>}]} {
    %get3A = arith.constant 0 : index
    %get3A_0 = arith.constant 0 : index
    %get3A_1 = arith.constant 0 : index
    %get3A_2 = vector.load %arg2[%get3A, %get3A_0, %get3A_1] : memref<20x16x128xf32, #tpu.memory_space<vmem>>, vector<20x16x128xf32>
    %get3A_3 = arith.constant 0 : index
    %get3A_4 = arith.constant 0 : index
    %get3A_5 = arith.constant 0 : index
    %get3A_6 = vector.load %arg1[%get3A_3, %get3A_4, %get3A_5] : memref<20x16x128xf32, #tpu.memory_space<vmem>>, vector<20x16x128xf32>
    %add3A = arith.addf %get3A_2, %get3A_6 : vector<20x16x128xf32>
    %max3A = arith.constant 0.000000e+00 : f32
    %max3A_7 = vector.broadcast %max3A : f32 to vector<20x16x128xf32>
    %max3A_8 = arith.maximumf %add3A, %max3A_7 : vector<20x16x128xf32>
    %reshape3A = vector.shape_cast %max3A_8 : vector<20x16x128xf32> to vector<320x128xf32>
    %get3A_9 = arith.constant 0 : index
    %get3A_10 = arith.constant 0 : index
    %get3A_11 = vector.load %arg3[%get3A_9, %get3A_10] : memref<320x320xf32, #tpu.memory_space<vmem>>, vector<320x320xf32>
    %dot_general3A = arith.constant dense<0.000000e+00> : vector<320x128xf32>
    %dot_general3A_12 = tpu.matmul %get3A_11, %reshape3A, %dot_general3A {dimension_numbers = #tpu.dot_dimension_numbers<[1], [0], [0], [1], [0, 0, 1, 1], [], []>, transpose_lhs_hint = false} : vector<320x320xf32>, vector<320x128xf32>, vector<320x128xf32> -> vector<320x128xf32>
    %get3A_13 = arith.constant 0 : index
    %get3A_14 = arith.constant 0 : index
    %get3A_15 = vector.load %arg4[%get3A_13, %get3A_14] : memref<320x1xf32, #tpu.memory_space<vmem>>, vector<320x1xf32>
    %add3A_16 = vector.broadcast %get3A_15 : vector<320x1xf32> to vector<320x128xf32>
    %add3A_17 = arith.addf %dot_general3A_12, %add3A_16 : vector<320x128xf32>
    %max3A_18 = arith.constant 0.000000e+00 : f32
    %max3A_19 = vector.broadcast %max3A_18 : f32 to vector<320x128xf32>
    %max3A_20 = arith.maximumf %add3A_17, %max3A_19 : vector<320x128xf32>
    %get3A_21 = arith.constant 0 : index
    %get3A_22 = arith.constant 0 : index
    %get3A_23 = vector.load %arg5[%get3A_21, %get3A_22] : memref<320x320xf32, #tpu.memory_space<vmem>>, vector<320x320xf32>
    %dot_general3A_24 = arith.constant dense<0.000000e+00> : vector<320x128xf32>
    %dot_general3A_25 = tpu.matmul %get3A_23, %max3A_20, %dot_general3A_24 {dimension_numbers = #tpu.dot_dimension_numbers<[1], [0], [0], [1], [0, 0, 1, 1], [], []>, transpose_lhs_hint = false} : vector<320x320xf32>, vector<320x128xf32>, vector<320x128xf32> -> vector<320x128xf32>
    %get3A_26 = arith.constant 0 : index
    %get3A_27 = arith.constant 0 : index
    %get3A_28 = vector.load %arg6[%get3A_26, %get3A_27] : memref<320x1xf32, #tpu.memory_space<vmem>>, vector<320x1xf32>
    %add3A_29 = vector.broadcast %get3A_28 : vector<320x1xf32> to vector<320x128xf32>
    %add3A_30 = arith.addf %dot_general3A_25, %add3A_29 : vector<320x128xf32>
    %reshape3A_31 = vector.shape_cast %add3A_30 : vector<320x128xf32> to vector<20x16x128xf32>
    %swap3A = arith.constant 0 : index
    %swap3A_32 = arith.constant 0 : index
    %swap3A_33 = arith.constant 0 : index
    %swap3A_34 = vector.load %arg7[%swap3A, %swap3A_32, %swap3A_33] : memref<20x16x128xf32, #tpu.memory_space<vmem>>, vector<20x16x128xf32>
    tpu.vector_store %arg7[%swap3A, %swap3A_32, %swap3A_33], %reshape3A_31 {strides = array<i32>} : memref<20x16x128xf32, #tpu.memory_space<vmem>>, vector<20x16x128xf32>,
    return
  }
  func.func @transform_0(%arg0: i32) -> (i32, i32, i32) {
    %c0_i32 = arith.constant 0 : i32
    %c0_i32_0 = arith.constant 0 : i32
    %c0_i32_1 = arith.constant 0 : i32
    return %arg0, %c0_i32, %c0_i32_0 : i32, i32, i32
  }
  func.func @transform_1(%arg0: i32) -> (i32, i32, i32) {
    %c0_i32 = arith.constant 0 : i32
    %c0_i32_0 = arith.constant 0 : i32
    %c0_i32_1 = arith.constant 0 : i32
    return %arg0, %c0_i32, %c0_i32_0 : i32, i32, i32
  }
  func.func @transform_2(%arg0: i32) -> (i32, i32) {
    %c0_i32 = arith.constant 0 : i32
    %c0_i32_0 = arith.constant 0 : i32
    %c0_i32_1 = arith.constant 0 : i32
    return %c0_i32, %c0_i32_0 : i32, i32
  }
  func.func @transform_3(%arg0: i32) -> (i32, i32) {
    %c0_i32 = arith.constant 0 : i32
    %c0_i32_0 = arith.constant 0 : i32
    %c0_i32_1 = arith.constant 0 : i32
    return %c0_i32, %c0_i32_0 : i32, i32
  }
  func.func @transform_4(%arg0: i32) -> (i32, i32) {
    %c0_i32 = arith.constant 0 : i32
    %c0_i32_0 = arith.constant 0 : i32
    %c0_i32_1 = arith.constant 0 : i32
    return %c0_i32, %c0_i32_0 : i32, i32
  }
  func.func @transform_5(%arg0: i32) -> (i32, i32) {
    %c0_i32 = arith.constant 0 : i32
    %c0_i32_0 = arith.constant 0 : i32
    %c0_i32_1 = arith.constant 0 : i32
    return %c0_i32, %c0_i32_0 : i32, i32
  }
  func.func @transform_6(%arg0: i32) -> (i32, i32, i32) {
    %c0_i32 = arith.constant 0 : i32
    %c0_i32_0 = arith.constant 0 : i32
    %c0_i32_1 = arith.constant 0 : i32
    return %arg0, %c0_i32, %c0_i32_0 : i32, i32, i32
  }
}

module attributes {stable_mosaic.version = 14 : i64} {
  func.func @_node_body(%arg0: i32, %arg1: memref<2000x128xf32, #tpu.memory_space<vmem>>, %arg2: memref<2000x16xf32, #tpu.memory_space<vmem>>, %arg3: memref<2000x16xf32, #tpu.memory_space<vmem>>, %arg4: memref<16x128xf32, #tpu.memory_space<vmem>>, %arg5: memref<16x16xf32, #tpu.memory_space<vmem>>, %arg6: memref<1x16xf32, #tpu.memory_space<vmem>>, %arg7: memref<16x16xf32, #tpu.memory_space<vmem>>, %arg8: memref<1x16xf32, #tpu.memory_space<vmem>>, %arg9: memref<16x16xf32, #tpu.memory_space<vmem>>, %arg10: memref<1x16xf32, #tpu.memory_space<vmem>>, %arg11: memref<2000x16xf32, #tpu.memory_space<vmem>>) attributes {dimension_semantics = [#tpu.dimension_semantics<arbitrary>], iteration_bounds = array<i64: 5>, scalar_prefetch = 0 : i64, scratch_operands = 0 : i64, tpu.core_type = #tpu.core_type<tc>, window_params = [{transform_indices = @transform_0, window_bounds = array<i64: 2000, 128>}, {transform_indices = @transform_1, window_bounds = array<i64: 2000, 16>}, {transform_indices = @transform_2, window_bounds = array<i64: 2000, 16>}, {pipeline_mode = #tpu.pipeline_mode<synchronous>, transform_indices = @transform_3, window_bounds = array<i64: 16, 128>}, {pipeline_mode = #tpu.pipeline_mode<synchronous>, transform_indices = @transform_4, window_bounds = array<i64: 16, 16>}, {pipeline_mode = #tpu.pipeline_mode<synchronous>, transform_indices = @transform_5, window_bounds = array<i64: 1, 16>}, {pipeline_mode = #tpu.pipeline_mode<synchronous>, transform_indices = @transform_6, window_bounds = array<i64: 16, 16>}, {pipeline_mode = #tpu.pipeline_mode<synchronous>, transform_indices = @transform_7, window_bounds = array<i64: 1, 16>}, {pipeline_mode = #tpu.pipeline_mode<synchronous>, transform_indices = @transform_8, window_bounds = array<i64: 16, 16>}, {pipeline_mode = #tpu.pipeline_mode<synchronous>, transform_indices = @transform_9, window_bounds = array<i64: 1, 16>}, {transform_indices = @transform_10, window_bounds = array<i64: 2000, 16>}]} {
    %get3A = arith.constant 0 : index
    %get3A_0 = arith.constant 0 : index
    %get3A_1 = vector.load %arg2[%get3A, %get3A_0] : memref<2000x16xf32, #tpu.memory_space<vmem>>, vector<2000x16xf32>
    %get3A_2 = arith.constant 0 : index
    %get3A_3 = arith.constant 0 : index
    %get3A_4 = vector.load %arg3[%get3A_2, %get3A_3] : memref<2000x16xf32, #tpu.memory_space<vmem>>, vector<2000x16xf32>
    %add3A = arith.addf %get3A_1, %get3A_4 : vector<2000x16xf32>
    %get3A_5 = arith.constant 0 : index
    %get3A_6 = arith.constant 0 : index
    %get3A_7 = vector.load %arg1[%get3A_5, %get3A_6] : memref<2000x128xf32, #tpu.memory_space<vmem>>, vector<2000x128xf32>
    %get3A_8 = arith.constant 0 : index
    %get3A_9 = arith.constant 0 : index
    %get3A_10 = vector.load %arg4[%get3A_8, %get3A_9] : memref<16x128xf32, #tpu.memory_space<vmem>>, vector<16x128xf32>
    %transpose3A = tpu.transpose %get3A_10, [1, 0] : vector<16x128xf32> -> vector<128x16xf32>
    %dot_general3A = arith.constant dense<0.000000e+00> : vector<2000x16xf32>
    %dot_general3A_11 = tpu.matmul %get3A_7, %transpose3A, %dot_general3A {dimension_numbers = #tpu.dot_dimension_numbers<[1], [0], [0], [1], [0, 0, 1, 1], [], []>, transpose_lhs_hint = false} : vector<2000x128xf32>, vector<128x16xf32>, vector<2000x16xf32> -> vector<2000x16xf32>
    %get3A_12 = arith.constant 0 : index
    %get3A_13 = arith.constant 0 : index
    %get3A_14 = vector.load %arg5[%get3A_12, %get3A_13] : memref<16x16xf32, #tpu.memory_space<vmem>>, vector<16x16xf32>
    %transpose3A_15 = tpu.transpose %get3A_14, [1, 0] : vector<16x16xf32> -> vector<16x16xf32>
    %dot_general3A_16 = arith.constant dense<0.000000e+00> : vector<2000x16xf32>
    %dot_general3A_17 = tpu.matmul %add3A, %transpose3A_15, %dot_general3A_16 {dimension_numbers = #tpu.dot_dimension_numbers<[1], [0], [0], [1], [0, 0, 1, 1], [], []>, transpose_lhs_hint = false} : vector<2000x16xf32>, vector<16x16xf32>, vector<2000x16xf32> -> vector<2000x16xf32>
    %add3A_18 = arith.addf %dot_general3A_11, %dot_general3A_17 : vector<2000x16xf32>
    %get3A_19 = arith.constant 0 : index
    %get3A_20 = arith.constant 0 : index
    %get3A_21 = vector.load %arg6[%get3A_19, %get3A_20] : memref<1x16xf32, #tpu.memory_space<vmem>>, vector<1x16xf32>
    %add3A_22 = vector.broadcast %get3A_21 : vector<1x16xf32> to vector<2000x16xf32>
    %add3A_23 = arith.addf %add3A_18, %add3A_22 : vector<2000x16xf32>
    %max3A = arith.constant 0.000000e+00 : f32
    %max3A_24 = vector.broadcast %max3A : f32 to vector<2000x16xf32>
    %max3A_25 = arith.maximumf %add3A_23, %max3A_24 : vector<2000x16xf32>
    %get3A_26 = arith.constant 0 : index
    %get3A_27 = arith.constant 0 : index
    %get3A_28 = vector.load %arg7[%get3A_26, %get3A_27] : memref<16x16xf32, #tpu.memory_space<vmem>>, vector<16x16xf32>
    %transpose3A_29 = tpu.transpose %get3A_28, [1, 0] : vector<16x16xf32> -> vector<16x16xf32>
    %dot_general3A_30 = arith.constant dense<0.000000e+00> : vector<2000x16xf32>
    %dot_general3A_31 = tpu.matmul %max3A_25, %transpose3A_29, %dot_general3A_30 {dimension_numbers = #tpu.dot_dimension_numbers<[1], [0], [0], [1], [0, 0, 1, 1], [], []>, transpose_lhs_hint = false} : vector<2000x16xf32>, vector<16x16xf32>, vector<2000x16xf32> -> vector<2000x16xf32>
    %get3A_32 = arith.constant 0 : index
    %get3A_33 = arith.constant 0 : index
    %get3A_34 = vector.load %arg8[%get3A_32, %get3A_33] : memref<1x16xf32, #tpu.memory_space<vmem>>, vector<1x16xf32>
    %add3A_35 = vector.broadcast %get3A_34 : vector<1x16xf32> to vector<2000x16xf32>
    %add3A_36 = arith.addf %dot_general3A_31, %add3A_35 : vector<2000x16xf32>
    %max3A_37 = arith.constant 0.000000e+00 : f32
    %max3A_38 = vector.broadcast %max3A_37 : f32 to vector<2000x16xf32>
    %max3A_39 = arith.maximumf %add3A_36, %max3A_38 : vector<2000x16xf32>
    %get3A_40 = arith.constant 0 : index
    %get3A_41 = arith.constant 0 : index
    %get3A_42 = vector.load %arg9[%get3A_40, %get3A_41] : memref<16x16xf32, #tpu.memory_space<vmem>>, vector<16x16xf32>
    %transpose3A_43 = tpu.transpose %get3A_42, [1, 0] : vector<16x16xf32> -> vector<16x16xf32>
    %dot_general3A_44 = arith.constant dense<0.000000e+00> : vector<2000x16xf32>
    %dot_general3A_45 = tpu.matmul %max3A_39, %transpose3A_43, %dot_general3A_44 {dimension_numbers = #tpu.dot_dimension_numbers<[1], [0], [0], [1], [0, 0, 1, 1], [], []>, transpose_lhs_hint = false} : vector<2000x16xf32>, vector<16x16xf32>, vector<2000x16xf32> -> vector<2000x16xf32>
    %get3A_46 = arith.constant 0 : index
    %get3A_47 = arith.constant 0 : index
    %get3A_48 = vector.load %arg10[%get3A_46, %get3A_47] : memref<1x16xf32, #tpu.memory_space<vmem>>, vector<1x16xf32>
    %add3A_49 = vector.broadcast %get3A_48 : vector<1x16xf32> to vector<2000x16xf32>
    %add3A_50 = arith.addf %dot_general3A_45, %add3A_49 : vector<2000x16xf32>
    %swap3A = arith.constant 0 : index
    %swap3A_51 = arith.constant 0 : index
    %swap3A_52 = vector.load %arg11[%swap3A, %swap3A_51] : memref<2000x16xf32, #tpu.memory_space<vmem>>, vector<2000x16xf32>
    tpu.vector_store %arg11[%swap3A, %swap3A_51], %add3A_50 {strides = array<i32>} : memref<2000x16xf32, #tpu.memory_space<vmem>>, vector<2000x16xf32>,
    return
  }
  func.func @transform_0(%arg0: i32) -> (i32, i32) {
    %c0_i32 = arith.constant 0 : i32
    %c0_i32_0 = arith.constant 0 : i32
    return %arg0, %c0_i32 : i32, i32
  }
  func.func @transform_1(%arg0: i32) -> (i32, i32) {
    %c0_i32 = arith.constant 0 : i32
    %c0_i32_0 = arith.constant 0 : i32
    return %arg0, %c0_i32 : i32, i32
  }
  func.func @transform_2(%arg0: i32) -> (i32, i32) {
    %add3A = arith.constant 5 : i32
    %add3A_0 = arith.addi %arg0, %add3A : i32
    %c0_i32 = arith.constant 0 : i32
    %c0_i32_1 = arith.constant 0 : i32
    return %add3A_0, %c0_i32 : i32, i32
  }
  func.func @transform_3(%arg0: i32) -> (i32, i32) {
    %c0_i32 = arith.constant 0 : i32
    %c0_i32_0 = arith.constant 0 : i32
    %c0_i32_1 = arith.constant 0 : i32
    return %c0_i32, %c0_i32_0 : i32, i32
  }
  func.func @transform_4(%arg0: i32) -> (i32, i32) {
    %c0_i32 = arith.constant 0 : i32
    %c0_i32_0 = arith.constant 0 : i32
    %c0_i32_1 = arith.constant 0 : i32
    return %c0_i32, %c0_i32_0 : i32, i32
  }
  func.func @transform_5(%arg0: i32) -> (i32, i32) {
    %c0_i32 = arith.constant 0 : i32
    %c0_i32_0 = arith.constant 0 : i32
    %c0_i32_1 = arith.constant 0 : i32
    return %c0_i32, %c0_i32_0 : i32, i32
  }
  func.func @transform_6(%arg0: i32) -> (i32, i32) {
    %c0_i32 = arith.constant 0 : i32
    %c0_i32_0 = arith.constant 0 : i32
    %c0_i32_1 = arith.constant 0 : i32
    return %c0_i32, %c0_i32_0 : i32, i32
  }
  func.func @transform_7(%arg0: i32) -> (i32, i32) {
    %c0_i32 = arith.constant 0 : i32
    %c0_i32_0 = arith.constant 0 : i32
    %c0_i32_1 = arith.constant 0 : i32
    return %c0_i32, %c0_i32_0 : i32, i32
  }
  func.func @transform_8(%arg0: i32) -> (i32, i32) {
    %c0_i32 = arith.constant 0 : i32
    %c0_i32_0 = arith.constant 0 : i32
    %c0_i32_1 = arith.constant 0 : i32
    return %c0_i32, %c0_i32_0 : i32, i32
  }
  func.func @transform_9(%arg0: i32) -> (i32, i32) {
    %c0_i32 = arith.constant 0 : i32
    %c0_i32_0 = arith.constant 0 : i32
    %c0_i32_1 = arith.constant 0 : i32
    return %c0_i32, %c0_i32_0 : i32, i32
  }
  func.func @transform_10(%arg0: i32) -> (i32, i32) {
    %c0_i32 = arith.constant 0 : i32
    %c0_i32_0 = arith.constant 0 : i32
    return %arg0, %c0_i32 : i32, i32
  }
}

</mosaic_0001>

<sc_bundles>
// kernel: kernel.11.cloned.1.call-start
scs
__scs_entry_jumppad:
0x0: {  	(pc) =	sbr.rel $0x88, $3  }
0x1: {  	(tag) =	ssettag $0x0;
	lr =	simm.s32 $0x1  }
0x2: {  	[smem:$0x3F92] =	sst lr;
	_ =	strace $0xD0000000  }
0x3: {  	_ = 	snop  }
0x4: {  	_ = 	snop  }
0x5: {  	_ = 	snop  }
0x6: {  	_ = 	snop  }
0x7: {  	_ = 	snop  }
__scs_overlays_trampoline_lowered:
0x8: {  	[smem:$0x3FA1] =	sst s0  }
0x9: {  	[smem:$0x3FA2] =	sst s1  }
0xa: {  	[smem:$0x3FA3] =	sst s2  }
0xb: {  	[smem:$0x3FA4] =	sst s3  }
0xc: {  	[smem:$0x3FA5] =	sst s4  }
0xd: {  	[smem:$0x3FA6] =	sst s5  }
0xe: {  	[smem:$0x3FA7] =	sst s6  }
0xf: {  	[smem:$0x3FA8] =	sst s7  }
0x10: {  	[smem:$0x3FA9] =	sst s8  }
0x11: {  	[smem:$0x3FAA] =	sst s9;
	s0 =	simm.s32 @!p0 $0x0  }
0x12: {  	s1 =	sld [smem:$0x3F90];
	s0 =	simm.s32 @p0 $0x1  }
0x13: {  	[smem:$0x3FAB] =	sst s0;
	s0 =	simm.s32 @!p1 $0x0  }
0x14: {  	s2 =	sld [smem:$0x3F8F];
	s0 =	simm.s32 @p1 $0x1  }
0x15: {  	[smem:$0x3FAC] =	sst s0;
	s0 =	simm.s32 @!p2 $0x0  }
0x16: {  	s3 =	sld [smem:$0x3FDB];
	s0 =	simm.s32 @p2 $0x1  }
0x17: {  	s4 =	simm.s32 $0x1BF5;
	[smem:$0x3FAE] =	sst s0  }
0x18: {  	s0 =	sld [smem:$0x3F91];
	_ =	swait.ge [sflag:s4], $0x0  }
0x19: {  	s7 =	sld [smem:$0x3F92]  }
0x1a: {  	s8 =	sadd.s32 $0xFFFFE003, lr  }
0x1b: {  	s9 =	sadd.s32 $0xFFFFFEF7, lr;
	s5 =	simm.s32 $0xFFFFFFFF;
	p2 =	slt.u32 s8, $0xFFFFF086  }
0x1c: {  	p1 =	slt.u32 s9, $0xF7A;
	s5 =	simm.s32 @!p2 $0x0  }
0x1d: {  	s5 =	simm.s32 @p1 $0x1;
	p0 =	seq.s32 s7, s2  }
0x1e: {  	s7 =	smul.u32 @!p0 $0xF7A, s2;
	p2 =	seq.s32 @!p0 s5, $0x0  }
0x1f: {  	s9 =	smul.u32 $0xF7A, s1;
	s8 =	simm.s32 @!p0 $0x1BF5;
	p2 =	por !p2, p0  }
0x20: {  	[sflag:s8] =	ssyncset.s32 @!p0 $0xFFFFF086;
	s6 =	sadd.s32 @!p0 s3, s7;
	s7 =	simm.s32 @!p0 $0x108  }
0x21: {  	s3 =	sadd.s32 s3, s9;
	s6 =	sadd.s32 @!p0 $0x88, s6;
	s7 =	simm.s32 @p2 $0x1082  }
0x22: {  	[simem:s7], [sflag:s8] =	dma.local @!p0 [hbm:s6], $0xF7A  }
0x23: {  	s9 =	sor.u32 $0xD0000000, s2;
	s6 =	simm.s32 $0x108;
	_ =	swait.ge @!p0 [sflag:s8], $0x0  }
0x24: {  	s3 =	sadd.s32 $0x88, s3;
	s6 =	simm.s32 @!p1 $0x1082;
	[sflag:s4] =	ssyncset.s32 $0xFFFFF086  }
0x25: {  	[simem:s6], [sflag:s4] =	dma.local [hbm:s3], $0xF7A  }
0x26: {  	[smem:$0x3F92] =	sst s1;
	(tag) =	ssettag s2;
	_ =	strace s9  }
0x27: {  	s1 =	sld [smem:$0x3FA2]  }
0x28: {  	s2 =	sld [smem:$0x3FA3]  }
0x29: {  	s4 =	sld [smem:$0x3FA5]  }
0x2a: {  	p0 =	seq.s32 s5, $0x0;
	s5 =	sld [smem:$0x3FA6]  }
0x2b: {  	s6 =	sld [smem:$0x3FA7]  }
0x2c: {  	s7 =	sld [smem:$0x3FA8]  }
0x2d: {  	s3 =	simm.s32 $0x108;
	s8 =	sld [smem:$0x3FA9]  }
0x2e: {  	s3 =	simm.s32 @!p0 $0x1082;
	s9 =	sld [smem:$0x3FAA]  }
0x2f: {  	lr =	sadd.s32 s0, s3;
	s0 =	sld [smem:$0x3FA1]  }
0x30: {  	s3 =	sld [smem:$0x3FA4]  }
0x31: {  	[smem:$0x3FAD] =	sst s10  }
0x32: {  	s10 =	sld [smem:$0x3FAB];
	_ =	sdelay $0x3  }
0x33: {  	p0 =	seq.s32 s10, $0x1;
	s10 =	sld [smem:$0x3FAD];
	_ =	sdelay $0x3  }
0x34: {  	[smem:$0x3FAD] =	sst s10  }
0x35: {  	s10 =	sld [smem:$0x3FAC];
	_ =	sdelay $0x3  }
0x36: {  	p1 =	seq.s32 s10, $0x1;
	s10 =	sld [smem:$0x3FAD];
	_ =	sdelay $0x3  }
0x37: {  	[smem:$0x3FAD] =	sst s10  }
0x38: {  	s10 =	sld [smem:$0x3FAE]  }
0x39: {  	_ = 	snop;
	(pc) =	sbr.ind lr, $3  }
0x3a: {  	_ = 	snop  }
0x3b: {  	_ = 	snop  }
0x3c: {  	p2 =	seq.s32 s10, $0x1;
	s10 =	sld [smem:$0x3FAD]  }
0x3d: {  	_ =	shalt  }
0x3e: {  	_ =	shalt  }
0x3f: {  	_ =	shalt  }
0x40: {  	_ =	shalt  }
0x41: {  	_ =	shalt  }
0x42: {  	_ =	shalt  }
0x43: {  	_ =	shalt  }
0x44: {  	_ =	shalt  }
0x45: {  	_ =	shalt  }
0x46: {  	_ =	shalt  }
0x47: {  	_ =	shalt  }
0x48: {  	_ =	shalt  }
0x49: {  	_ =	shalt  }
0x4a: {  	_ =	shalt  }
0x4b: {  	_ =	shalt  }
0x4c: {  	_ =	shalt  }
0x4d: {  	_ =	shalt  }
0x4e: {  	_ =	shalt  }
0x4f: {  	_ =	shalt  }
0x50: {  	_ =	shalt  }
0x51: {  	_ =	shalt  }
0x52: {  	_ =	shalt  }
0x53: {  	_ =	shalt  }
0x54: {  	_ =	shalt  }
0x55: {  	_ =	shalt  }
0x56: {  	_ =	shalt  }
0x57: {  	_ =	shalt  }
0x58: {  	_ =	shalt  }
0x59: {  	_ =	shalt  }
0x5a: {  	_ =	shalt  }
0x5b: {  	_ =	shalt  }
0x5c: {  	_ =	shalt  }
0x5d: {  	_ =	shalt  }
0x5e: {  	_ =	shalt  }
0x5f: {  	_ =	shalt  }
0x60: {  	_ =	shalt  }
0x61: {  	_ =	shalt  }
0x62: {  	_ =	shalt  }
0x63: {  	_ =	shalt  }
0x64: {  	_ =	shalt  }
0x65: {  	_ =	shalt  }
0x66: {  	_ =	shalt  }
0x67: {  	_ =	shalt  }
0x68: {  	_ =	shalt  }
0x69: {  	_ =	shalt  }
0x6a: {  	_ =	shalt  }
0x6b: {  	_ =	shalt  }
0x6c: {  	_ =	shalt  }
0x6d: {  	_ =	shalt  }
0x6e: {  	_ =	shalt  }
0x6f: {  	_ =	shalt  }
0x70: {  	_ =	shalt  }
0x71: {  	_ =	shalt  }
0x72: {  	_ =	shalt  }
0x73: {  	_ =	shalt  }
0x74: {  	_ =	shalt  }
0x75: {  	_ =	shalt  }
0x76: {  	_ =	shalt  }
0x77: {  	_ =	shalt  }
0x78: {  	_ =	shalt  }
0x79: {  	_ =	shalt  }
0x7a: {  	_ =	shalt  }
0x7b: {  	_ =	shalt  }
0x7c: {  	_ =	shalt  }
0x7d: {  	_ =	shalt  }
0x7e: {  	_ =	shalt  }
0x7f: {  	_ =	shalt  }
0x80: {  	_ =	shalt  }
0x81: {  	_ =	shalt  }
0x82: {  	_ =	shalt  }
0x83: {  	_ =	shalt  }
0x84: {  	_ =	shalt  }
0x85: {  	_ =	shalt  }
0x86: {  	_ =	shalt  }
0x87: {  	_ =	shalt  }
.Lfunc_end0:
.L_simem_size_0:
called_computation.1_lowered:
.L_overlay_start_0:
0x88: {  	s2 =	sld [smem:$0x3FD9]  }
0x89: {  	s3 =	sld [smem:$0x3FFE];
	_ =	sdelay $0x1  }
0x8a: {  	s1 =	srdreg.scid  }
0x8b: {  	s0 =	sand.u32 $0x1, s1  }
0x8c: {  	s16 =	sshll.u32 s0, $0xA;
	s2 =	sadd.s32 s3, s2  }
0x8d: {  	s2 =	sadd.s32 s2, s16  }
0x8e: {  	[smem:$0x3FB9] =	sst s2  }
0x8f: {  	_ = 	snop  }
0x90: {  	(tm) =	ssettm $0x1  }
0x91: {  	s17 =	sld [smem:$0x3FFB];
	_ =	sdelay $0x3  }
0x92: {  	_ =	strace s17  }
0x93: {  	s2 =	sld [smem:$0x3FFC];
	_ =	sdelay $0x3  }
0x94: {  	_ =	strace s2  }
0x95: {  	s2 =	sld [smem:$0x3FFD];
	_ =	sdelay $0x3  }
0x96: {  	_ =	strace s2  }
0x97: {  	_ =	strace $0x8FFFFFFF  }
0x98: {  	s18 =	sld [smem:$0x3FDB];
	_ =	sdelay $0x1  }
0x99: {  	s19 =	simm.s32 $_scs_section_size  }
0x9a: {  	s4 =	simm.s32 $_size__tile_overlayer_lowered;
	s5 =	simm.s32 $_tile_overlayer_lowered  }
0x9b: {  	s22 =	simm.s32 $0x1BFF;
	s21 =	sshll.u32 s5, $0x1;
	s2 =	sadd.s32 s19, s18  }
0x9c: {  	s6 =	simm.s32 $0x0;
	s20 =	sshll.u32 s4, $0x1;
	s4 =	sadd.s32 s21, s2  }
0x9d: {  	[timem:s6], [sflag:s22] =	dma.local [hbm:s4], s20  }
0x9e: {  	_ =	swait.ge [sflag:s22], s20  }
0x9f: {  	s3 =	ssub.s32 $0x0, s20;
	[sflag:s22] =	ssyncset.done $0x0  }
0xa0: {  	[sflag:s22] =	ssyncadd.s32 s3;
	_ =	sdelay $0x1  }
0xa1: {  	s23 =	simm.s32 $0x1B8B  }
0xa2: {  	_ =	swait.ge [sflag:s23], $0x1  }
0xa3: {  	[sflag:s23] =	ssyncset.done $0x0  }
0xa4: {  	s25 =	simm.s32 $0x1B8E;
	s24 =	sld [smem:$0x3FFE];
	[sflag:s23] =	ssyncadd.s32 $0xFFFFFFFF  }
0xa5: {  	s26 =	simm.s32 $execute0_lowered;
	[smem:$0x3FD2] =	sst s25  }
0xa6: {  	s4 =	sshll.u32 s26, $0x1;
	_ =	strace $0x80000049;
	[dreg:$0x1] =	wrdreg $0xFFFFFFFF  }
0xa7: {  	s28 =	simm.s32 $_size_execute0_lowered;
	s2 =	sadd.s32 s2, s4;
	[dreg:$0x0] =	wrdreg $0x0  }
0xa8: {  	s4 =	sshll.u32 s28, $0x1;
	[dreg:$0x2] =	wrdreg s2  }
0xa9: {  	[dreg:$0x3] =	wrdreg s4  }
0xaa: {  	[dreg:$0x4] =	wrdreg $0xC0  }
0xab: {  	_ =	task [dreg:s6], $0x5FFFF  }
0xac: {  	[dreg:$0x1] =	wrdreg $0xFFFFFFFF  }
0xad: {  	[dreg:$0x0] =	wrdreg $0x60  }
0xae: {  	[dreg:$0x2] =	wrdreg s24  }
0xaf: {  	[dreg:$0x3] =	wrdreg $0x0  }
0xb0: {  	[dreg:$0x4] =	wrdreg $0x9  }
0xb1: {  	_ =	task.clear_ibuf [dreg:s6], $0x5FFFF;
	_ =	strace $0x90000049  }
0xb2: {  	s29 =	simm.s32 $0x9;
	_ =	strace $0x8000004B  }
0xb3: {  	_ =	swait.ge [sflag:s29], $0x1  }
0xb4: {  	[sflag:s29] =	ssyncadd.s32 $0xFFFFFFFF  }
0xb5: {  	_ =	strace $0x9000004B  }
0xb6: {  	_ =	sfence  }
0xb7: {  	s30 =	sld [smem:$0x0];
	_ =	sdelay $0x2  }
0xb8: {  	s31 =	sshll.u32 s1, $0xD;
	s1 =	sshrl.u32 s1, $0x2  }
0xb9: {  	s3 =	sand.u32 $0x4000, s31;
	s1 =	sadd.s32 s1, s30  }
0xba: {  	s0 =	sor.u32 s3, s0;
	s1 =	sshll.u32 s1, $0x11  }
0xbb: {  	s0 =	sor.u32 s1, s0  }
0xbc: {  	s0 =	sadd.s32 $0x8F2B, s0  }
0xbd: {  	[sflag:s0] =	ssyncadd.remote.s32 $0x1  }
0xbe: {  	_ =	sfence.sel $0xFFFF  }
0xbf: {  	[dreg:$0x0] =	wrdreg $0xFFFFFFFF;
	(pc) =	sbr.abs _section_cstart, $3  }
0xc0: {  	[dreg:$0x1] =	wrdreg $0xFFFFFFFF  }
0xc1: {  	_ =	task.clear_ibuf [dreg:s6], $0x2FFFF;
	_ =	strace $0x9FFFFFFF  }
0xc2: {  	(tm) =	ssettm $0x7FFFFFFF  }
0xc3: {  	_ =	shalt  }
tec
execute0_lowered:
.L_overlay_start_1:
0x0: {  	(tag) =	ssettag $0x1  }
0x1: {  	s6 =	rddreg [dreg:$0x0]  }
0x2: {  	s2 =	rddreg [dreg:$0x1];
	s3 =	simm.s32 $0x0  }
0x3: {  	s4 =	srdreg.scid;
	s1 =	stileid.u32;
	s15 =	simm.s32 $0x6220  }
0x4: {  	s16 =	simm.s32 $0x6C20;
	s17 =	simm.s32 $0x1;
	s18 =	simm.s32 $0x2710  }
0x5: {  	s19 =	simm.s32 $0x3;
	s20 =	simm.s32 $0x7620;
	s21 =	simm.s32 $0x2  }
0x6: {  	s22 =	simm.s32 $0x11620;
	s23 =	simm.s32 $0xA00;
	s24 =	simm.s32 $0x0  }
0x7: {  	s7 =	sand.u32 $0x1, s4;
	s8 =	smul.u32 $0x4E2, s1;
	s25 =	sshll.u32 s1, $0x1  }
0x8: {  	[smem:$0x7FF] =	sst s3;
	s5 =	sadd.s32 $0x15C00, s6;
	s14 =	smul.u32 $0x9C40, s1  }
0x9: {  	s11 =	sadd.s32 $0xBE00, s6;
	s9 =	smul.u32 $0x4E20, s7;
	s4 =	sor.u32 s7, s25  }
0xa: {  	_ =	strace $0x8000004A;
	s7 =	ssub.s32 $0x2, s7;
	s10 =	smul.u32 $0xA00, s4  }
0xb: {  	s26 =	sshrl.u32 s7, $0x1;
	s29 =	smul.u32 $0x140, s4;
	p0 =	slt.u32 s4, $0x1D  }
0xc: {  	s31 =	sshrl.u32 s14, $0x2;
	s14 =	simm.s32 $0x5820;
	s8 =	sadd.s32 s8, s9  }
.Ltmp0:
0xd: {  	s13 =	ssub.s32 s7, s26;
	s28 =	sshrl.u32 s10, $0x3;
	(pc) =	sbr.rel .LBB2_1-.Ltmp0, $4  }
0xe: {  	s12 =	sadd.s32 s8, s6;
	s30 =	sadd.s32 s11, s28;
	s10 =	sadd.s32 $0x7800, s28  }
0xf: {  	s6 =	sadd.s32 s11, s29;
	s7 =	sadd.s32 $0x2800, s30;
	s10 =	simm.s32 @!p0 $0x0  }
0x10: {  	v1 =	vlaneseq.u32;
	s8 =	sadd.s32 $0x5000, s30;
	s9 =	sadd.s32 s11, s10;
	s10 =	sadd.s32 s31, s2  }
0x11: {  	v0 =	vimm.f32 $0.0e+00;
	v1 =	vmul.u32 $0x10, v1;
	s11 =	sadd.s32 $0x2000, s12;
	s12 =	smax.u32 s13, $0x1;
	s13 =	simm.s32 $0x4E20  }
.LBB2_9:
0x12: {  	s24 =	sadd.s32 $0x1, s24  }
0x13: {  	s0 =	sshll.u32 s1, $0x6;
	[bflag:$0x0] =	sbarrier.arrive $0xFFFF;
	p0 =	sne.s32 s24, s12  }
.Ltmp1:
0x14: {  	s25 =	sshrl.u32 s10, $0x3;
	s0 =	sor.u32 $0x1C03, s0;
	(pc) =	sbr.rel @!p0 .LBB2_10-.Ltmp1, $4  }
0x15: {  	[hbm:s11], [sflag:s0] =	dma.local [spmem:s25], $0x4E2  }
0x16: {  	_ =	swait.ge [sflag:s19], $0x4E2  }
0x17: {  	[sflag:s19] =	ssyncset.done $0x0  }
0x18: {  	[sflag:s19] =	ssyncadd.s32 $0xFFFFFB1E  }
.LBB2_1:
0x19: {  	[tilespmem:s13], [sflag:$0x1] =	stream.linear.gather [hbm4b:s6+s3], $0xA00, $0x38;
	[tilespmem:$0x1B620] =	vst v63  }
0x1a: {  	_ = 	snop  }
0x1b: {  	[tilespmem:s14], [sflag:$0x1] =	stream.linear.gather [hbm4b:s7+s3], $0xA00, $0x38;
	[tilespmem:$0x1B620] =	vst v63  }
0x1c: {  	_ = 	snop  }
0x1d: {  	[tilespmem:s15], [sflag:$0x1] =	stream.linear.gather [hbm4b:s8+s3], $0xA00, $0x38;
	[tilespmem:$0x1B620] =	vst v63  }
0x1e: {  	_ = 	snop  }
0x1f: {  	[tilespmem:s16], [sflag:$0x1] =	stream.linear.gather [hbm4b:s9+s3], $0xA00, $0x38;
	[tilespmem:$0x1B620] =	vst v63  }
0x20: {  	_ =	swait.ge [sflag:s17], $0xA00  }
0x21: {  	[sflag:s17] =	ssyncset.done $0x0  }
0x22: {  	[sflag:s17] =	ssyncadd.s32 $0xFFFFF600  }
0x23: {  	_ =	swait.ge [sflag:s17], $0xA00  }
0x24: {  	[sflag:s17] =	ssyncset.done $0x0  }
0x25: {  	[sflag:s17] =	ssyncadd.s32 $0xFFFFF600  }
0x26: {  	_ =	swait.ge [sflag:s17], $0xA00  }
0x27: {  	[sflag:s17] =	ssyncset.done $0x0  }
0x28: {  	[sflag:s17] =	ssyncadd.s32 $0xFFFFF600  }
0x29: {  	_ =	swait.ge [sflag:s17], $0xA00  }
0x2a: {  	[sflag:s17] =	ssyncset.done $0x0  }
0x2b: {  	s25 =	simm.s32 $0x40;
	s26 =	simm.s32 $0x0;
	[sflag:s17] =	ssyncadd.s32 $0xFFFFF600  }
.LBB2_2:
0x2c: {  	p0 =	sne.s32 s25, $0x9C00;
	[tilespmem:s26+$0x2710] =	vst v0;
	s26 =	smov.u32 s25;
	s25 =	sadd.s32 $0x40, s25  }
.Ltmp2:
0x2d: {  	(pc) =	sbr.rel @p0 .LBB2_2-.Ltmp2, $2  }
0x2e: {  	_ =	sdelay $0x2  }
0x2f: {  	s26 =	sshra.s32 s26, $0x2  }
0x30: {  	[tilespmem:s26+$0x2710] =	vst v0  }
0x31: {  	[spmem:s10] =	stream.linear.scatter [tilespmem:s18], [sflag:$0x3], $0x2710, $0x38;
	[tilespmem:$0x1B620] =	vst v63  }
.Ltmp3:
0x32: {  	_ =	swait.ge [sflag:s19], $0x2710;
	(pc) =	sbr.rel .LBB2_4-.Ltmp3, $4  }
0x33: {  	[sflag:s19] =	ssyncset.done $0x0  }
0x34: {  	[sflag:s19] =	ssyncadd.s32 $0xFFFFD8F0  }
0x35: {  	[bflag:$0x0] =	sbarrier.arrive $0xFFFF  }
0x36: {  	s25 =	simm.s32 $0x0  }
.LBB2_8:
0x37: {  	s25 =	sadd.s32 $0x1, s25  }
0x38: {  	p0 =	sne.s32 s25, $0x4  }
.Ltmp4:
0x39: {  	_ = 	snop;
	(pc) =	sbr.rel @!p0 .LBB2_9-.Ltmp4, $1  }
0x3a: {  	_ =	sdelay $0x3  }
.LBB2_4:
0x3b: {  	s26 =	sshll.u32 s25, $0x5  }
0x3c: {  	s26 =	sor.u32 s4, s26  }
0x3d: {  	p0 =	sgt.u32 s26, $0x7C  }
.Ltmp5:
0x3e: {  	_ = 	snop;
	(pc) =	sbr.rel @p0 .LBB2_8-.Ltmp5, $1  }
0x3f: {  	_ =	sdelay $0x3  }
0x40: {  	s26 =	smul.u32 $0x1400, s26;
	_ =	sdelay $0x1  }
0x41: {  	s28 =	simm.s32 $0x0;
	s26 =	sadd.s32 s5, s26  }
0x42: {  	[tilespmem:s20], [sflag:$0x2] =	stream.linear.gather [hbm4b:s26+s28], $0xA000, $0x38;
	[tilespmem:$0x1B620] =	vst v63  }
0x43: {  	s0 =	simm.s32 $0x0;
	s28 =	sand.u32 $0xF800, s28;
	_ =	swait.ge [sflag:s21], $0xA000  }
0x44: {  	v2 =	vmov s0;
	s26 =	sand.u32 $0x60, s0;
	s28 =	sadd.s32 $0x7620, s28;
	[sflag:s21] =	ssyncset.done $0x0  }
0x45: {  	v2 =	vshll.u32 v2, $0x4;
	s26 =	sadd.s32 s26, s28;
	[sflag:s21] =	ssyncadd.s32 $0xFFFF6000  }
0x46: {  	v2 =	vor.u32 v1, v2;
	v3 =	vld [tilespmem:s26+$0x0];
	_ =	sdelay $0x4  }
0x47: {  	[tilespmem:v2+s22+$0x0] =	vst.idx.msk $0xffff, v3  }
0x48: {  	v4 =	vor.u32 $0x1, v2;
	v3 =	vld [tilespmem:s26+$0x80];
	_ =	sdelay $0x4  }
0x49: {  	[tilespmem:v4+s22+$0x0] =	vst.idx.msk $0xffff, v3  }
0x4a: {  	v4 =	vor.u32 $0x2, v2;
	v3 =	vld [tilespmem:s26+$0x100];
	_ =	sdelay $0x4  }
0x4b: {  	[tilespmem:v4+s22+$0x0] =	vst.idx.msk $0xffff, v3  }
0x4c: {  	v4 =	vor.u32 $0x3, v2;
	v3 =	vld [tilespmem:s26+$0x180];
	_ =	sdelay $0x4  }
0x4d: {  	[tilespmem:v4+s22+$0x0] =	vst.idx.msk $0xffff, v3  }
0x4e: {  	v4 =	vor.u32 $0x4, v2;
	v3 =	vld [tilespmem:s26+$0x200];
	_ =	sdelay $0x4  }
0x4f: {  	[tilespmem:v4+s22+$0x0] =	vst.idx.msk $0xffff, v3  }
0x50: {  	v4 =	vor.u32 $0x5, v2;
	v3 =	vld [tilespmem:s26+$0x280];
	_ =	sdelay $0x4  }
0x51: {  	[tilespmem:v4+s22+$0x0] =	vst.idx.msk $0xffff, v3  }
0x52: {  	v4 =	vor.u32 $0x6, v2;
	v3 =	vld [tilespmem:s26+$0x300];
	_ =	sdelay $0x4  }
0x53: {  	[tilespmem:v4+s22+$0x0] =	vst.idx.msk $0xffff, v3  }
0x54: {  	v4 =	vor.u32 $0x7, v2;
	v3 =	vld [tilespmem:s26+$0x380];
	_ =	sdelay $0x4  }
0x55: {  	[tilespmem:v4+s22+$0x0] =	vst.idx.msk $0xffff, v3  }
0x56: {  	v4 =	vor.u32 $0x8, v2;
	v3 =	vld [tilespmem:s26+$0x400];
	_ =	sdelay $0x4  }
0x57: {  	[tilespmem:v4+s22+$0x0] =	vst.idx.msk $0xffff, v3  }
0x58: {  	v4 =	vor.u32 $0x9, v2;
	v3 =	vld [tilespmem:s26+$0x480];
	_ =	sdelay $0x4  }
0x59: {  	[tilespmem:v4+s22+$0x0] =	vst.idx.msk $0xffff, v3  }
0x5a: {  	v4 =	vor.u32 $0xA, v2;
	v3 =	vld [tilespmem:s26+$0x500];
	_ =	sdelay $0x4  }
0x5b: {  	[tilespmem:v4+s22+$0x0] =	vst.idx.msk $0xffff, v3  }
0x5c: {  	v4 =	vor.u32 $0xB, v2;
	v3 =	vld [tilespmem:s26+$0x580];
	_ =	sdelay $0x4  }
0x5d: {  	[tilespmem:v4+s22+$0x0] =	vst.idx.msk $0xffff, v3  }
0x5e: {  	v4 =	vor.u32 $0xC, v2;
	v3 =	vld [tilespmem:s26+$0x600];
	_ =	sdelay $0x4  }
0x5f: {  	[tilespmem:v4+s22+$0x0] =	vst.idx.msk $0xffff, v3  }
0x60: {  	v4 =	vor.u32 $0xD, v2;
	v3 =	vld [tilespmem:s26+$0x680];
	_ =	sdelay $0x4  }
0x61: {  	[tilespmem:v4+s22+$0x0] =	vst.idx.msk $0xffff, v3  }
0x62: {  	v4 =	vor.u32 $0xE, v2;
	v3 =	vld [tilespmem:s26+$0x700];
	_ =	sdelay $0x4  }
0x63: {  	[tilespmem:v4+s22+$0x0] =	vst.idx.msk $0xffff, v3  }
0x64: {  	v2 =	vor.u32 $0xF, v2;
	v3 =	vld [tilespmem:s26+$0x780];
	_ =	sdelay $0x2  }
0x65: {  	s0 =	simm.s32 $0x10  }
0x66: {  	v4 =	vmov s0;
	s26 =	sand.u32 $0x70, s0  }
0x67: {  	s29 =	sadd.s32 s26, s28;
	[tilespmem:v2+s22+$0x0] =	vst.idx.msk $0xffff, v3;
	v2 =	vshll.u32 v4, $0x4  }
0x68: {  	v3 =	vld [tilespmem:s29+$0x0];
	v2 =	vor.u32 v1, v2;
	_ =	sdelay $0x4  }
0x69: {  	[tilespmem:v2+s22+$0x0] =	vst.idx.msk $0xffff, v3  }
0x6a: {  	v4 =	vor.u32 $0x1, v2;
	v3 =	vld [tilespmem:s29+$0x80];
	_ =	sdelay $0x4  }
0x6b: {  	[tilespmem:v4+s22+$0x0] =	vst.idx.msk $0xffff, v3  }
0x6c: {  	v4 =	vor.u32 $0x2, v2;
	v3 =	vld [tilespmem:s29+$0x100];
	_ =	sdelay $0x4  }
0x6d: {  	[tilespmem:v4+s22+$0x0] =	vst.idx.msk $0xffff, v3  }
0x6e: {  	v4 =	vor.u32 $0x3, v2;
	v3 =	vld [tilespmem:s29+$0x180];
	_ =	sdelay $0x4  }
0x6f: {  	[tilespmem:v4+s22+$0x0] =	vst.idx.msk $0xffff, v3  }
0x70: {  	v4 =	vor.u32 $0x4, v2;
	v3 =	vld [tilespmem:s29+$0x200];
	_ =	sdelay $0x4  }
0x71: {  	[tilespmem:v4+s22+$0x0] =	vst.idx.msk $0xffff, v3  }
0x72: {  	v4 =	vor.u32 $0x5, v2;
	v3 =	vld [tilespmem:s29+$0x280];
	_ =	sdelay $0x4  }
0x73: {  	[tilespmem:v4+s22+$0x0] =	vst.idx.msk $0xffff, v3  }
0x74: {  	v4 =	vor.u32 $0x6, v2;
	v3 =	vld [tilespmem:s29+$0x300];
	_ =	sdelay $0x4  }
0x75: {  	[tilespmem:v4+s22+$0x0] =	vst.idx.msk $0xffff, v3  }
0x76: {  	v4 =	vor.u32 $0x7, v2;
	v3 =	vld [tilespmem:s29+$0x380];
	_ =	sdelay $0x4  }
0x77: {  	[tilespmem:v4+s22+$0x0] =	vst.idx.msk $0xffff, v3  }
0x78: {  	v4 =	vor.u32 $0x8, v2;
	v3 =	vld [tilespmem:s29+$0x400];
	_ =	sdelay $0x4  }
0x79: {  	[tilespmem:v4+s22+$0x0] =	vst.idx.msk $0xffff, v3  }
0x7a: {  	v4 =	vor.u32 $0x9, v2;
	v3 =	vld [tilespmem:s29+$0x480];
	_ =	sdelay $0x4  }
0x7b: {  	[tilespmem:v4+s22+$0x0] =	vst.idx.msk $0xffff, v3  }
0x7c: {  	v4 =	vor.u32 $0xA, v2;
	v3 =	vld [tilespmem:s29+$0x500];
	_ =	sdelay $0x4  }
0x7d: {  	[tilespmem:v4+s22+$0x0] =	vst.idx.msk $0xffff, v3  }
0x7e: {  	v4 =	vor.u32 $0xB, v2;
	v3 =	vld [tilespmem:s29+$0x580];
	_ =	sdelay $0x4  }
0x7f: {  	[tilespmem:v4+s22+$0x0] =	vst.idx.msk $0xffff, v3  }
0x80: {  	v4 =	vor.u32 $0xC, v2;
	v3 =	vld [tilespmem:s29+$0x600];
	_ =	sdelay $0x4  }
0x81: {  	[tilespmem:v4+s22+$0x0] =	vst.idx.msk $0xffff, v3  }
0x82: {  	v4 =	vor.u32 $0xD, v2;
	v3 =	vld [tilespmem:s29+$0x680];
	_ =	sdelay $0x4  }
0x83: {  	[tilespmem:v4+s22+$0x0] =	vst.idx.msk $0xffff, v3  }
0x84: {  	v4 =	vor.u32 $0xE, v2;
	v3 =	vld [tilespmem:s29+$0x700];
	_ =	sdelay $0x4  }
0x85: {  	[tilespmem:v4+s22+$0x0] =	vst.idx.msk $0xffff, v3  }
0x86: {  	v2 =	vor.u32 $0xF, v2;
	v3 =	vld [tilespmem:s29+$0x780];
	_ =	sdelay $0x1  }
0x87: {  	s30 =	simm.s32 $0x20;
	s28 =	simm.s32 $0x200  }
0x88: {  	s26 =	simm.s32 $0x30;
	s31 =	sand.u32 $0xF800, s28;
	s29 =	simm.s32 $0x50  }
.LBB2_6:
0x89: {  	p0 =	sne.s32 s29, $0x9F0;
	v4 =	vmov s30;
	s0 =	sand.u32 $0x60, s30;
	s30 =	sadd.s32 $0x7620, s31  }
0x8a: {  	v4 =	vshll.u32 v4, $0x4;
	s31 =	sadd.s32 s0, s30;
	[tilespmem:v2+s22+$0x0] =	vst.idx.msk $0xffff, v3  }
0x8b: {  	v3 =	vld [tilespmem:s31+$0x0];
	v2 =	vor.u32 v1, v4;
	_ =	sdelay $0x4  }
0x8c: {  	[tilespmem:v2+s22+$0x0] =	vst.idx.msk $0xffff, v3  }
0x8d: {  	v4 =	vor.u32 $0x1, v2;
	v3 =	vld [tilespmem:s31+$0x80];
	_ =	sdelay $0x4  }
0x8e: {  	[tilespmem:v4+s22+$0x0] =	vst.idx.msk $0xffff, v3  }
0x8f: {  	v4 =	vor.u32 $0x2, v2;
	v3 =	vld [tilespmem:s31+$0x100];
	_ =	sdelay $0x4  }
0x90: {  	[tilespmem:v4+s22+$0x0] =	vst.idx.msk $0xffff, v3  }
0x91: {  	v4 =	vor.u32 $0x3, v2;
	v3 =	vld [tilespmem:s31+$0x180];
	_ =	sdelay $0x4  }
0x92: {  	[tilespmem:v4+s22+$0x0] =	vst.idx.msk $0xffff, v3  }
0x93: {  	v4 =	vor.u32 $0x4, v2;
	v3 =	vld [tilespmem:s31+$0x200];
	_ =	sdelay $0x4  }
0x94: {  	[tilespmem:v4+s22+$0x0] =	vst.idx.msk $0xffff, v3  }
0x95: {  	v4 =	vor.u32 $0x5, v2;
	v3 =	vld [tilespmem:s31+$0x280];
	_ =	sdelay $0x4  }
0x96: {  	[tilespmem:v4+s22+$0x0] =	vst.idx.msk $0xffff, v3  }
0x97: {  	v4 =	vor.u32 $0x6, v2;
	v3 =	vld [tilespmem:s31+$0x300];
	_ =	sdelay $0x4  }
0x98: {  	[tilespmem:v4+s22+$0x0] =	vst.idx.msk $0xffff, v3  }
0x99: {  	v4 =	vor.u32 $0x7, v2;
	v3 =	vld [tilespmem:s31+$0x380];
	_ =	sdelay $0x4  }
0x9a: {  	[tilespmem:v4+s22+$0x0] =	vst.idx.msk $0xffff, v3  }
0x9b: {  	v4 =	vor.u32 $0x8, v2;
	v3 =	vld [tilespmem:s31+$0x400];
	_ =	sdelay $0x4  }
0x9c: {  	[tilespmem:v4+s22+$0x0] =	vst.idx.msk $0xffff, v3  }
0x9d: {  	v4 =	vor.u32 $0x9, v2;
	v3 =	vld [tilespmem:s31+$0x480];
	_ =	sdelay $0x4  }
0x9e: {  	[tilespmem:v4+s22+$0x0] =	vst.idx.msk $0xffff, v3  }
0x9f: {  	v4 =	vor.u32 $0xA, v2;
	v3 =	vld [tilespmem:s31+$0x500];
	_ =	sdelay $0x4  }
0xa0: {  	[tilespmem:v4+s22+$0x0] =	vst.idx.msk $0xffff, v3  }
0xa1: {  	v4 =	vor.u32 $0xB, v2;
	v3 =	vld [tilespmem:s31+$0x580];
	_ =	sdelay $0x4  }
0xa2: {  	[tilespmem:v4+s22+$0x0] =	vst.idx.msk $0xffff, v3  }
0xa3: {  	v4 =	vor.u32 $0xC, v2;
	v3 =	vld [tilespmem:s31+$0x600];
	_ =	sdelay $0x4  }
0xa4: {  	[tilespmem:v4+s22+$0x0] =	vst.idx.msk $0xffff, v3  }
0xa5: {  	v4 =	vor.u32 $0xD, v2;
	v3 =	vld [tilespmem:s31+$0x680];
	_ =	sdelay $0x4  }
0xa6: {  	[tilespmem:v4+s22+$0x0] =	vst.idx.msk $0xffff, v3  }
0xa7: {  	v4 =	vor.u32 $0xE, v2;
	v3 =	vld [tilespmem:s31+$0x700];
	_ =	sdelay $0x4  }
0xa8: {  	[tilespmem:v4+s22+$0x0] =	vst.idx.msk $0xffff, v3  }
0xa9: {  	v2 =	vor.u32 $0xF, v2;
	v3 =	vld [tilespmem:s31+$0x780];
	_ =	sdelay $0x3  }
0xaa: {  	s0 =	sand.u32 $0x70, s26;
	v4 =	vmov s26;
	s26 =	smov.u32 s29  }
0xab: {  	s30 =	sadd.s32 s0, s30;
	[tilespmem:v2+s22+$0x0] =	vst.idx.msk $0xffff, v3;
	v2 =	vshll.u32 v4, $0x4  }
0xac: {  	v3 =	vld [tilespmem:s30+$0x0];
	v2 =	vor.u32 v1, v2;
	_ =	sdelay $0x4  }
0xad: {  	[tilespmem:v2+s22+$0x0] =	vst.idx.msk $0xffff, v3  }
0xae: {  	v4 =	vor.u32 $0x1, v2;
	v3 =	vld [tilespmem:s30+$0x80];
	_ =	sdelay $0x4  }
0xaf: {  	[tilespmem:v4+s22+$0x0] =	vst.idx.msk $0xffff, v3  }
0xb0: {  	v4 =	vor.u32 $0x2, v2;
	v3 =	vld [tilespmem:s30+$0x100];
	_ =	sdelay $0x4  }
0xb1: {  	[tilespmem:v4+s22+$0x0] =	vst.idx.msk $0xffff, v3  }
0xb2: {  	v4 =	vor.u32 $0x3, v2;
	v3 =	vld [tilespmem:s30+$0x180];
	_ =	sdelay $0x4  }
0xb3: {  	[tilespmem:v4+s22+$0x0] =	vst.idx.msk $0xffff, v3  }
0xb4: {  	v4 =	vor.u32 $0x4, v2;
	v3 =	vld [tilespmem:s30+$0x200];
	_ =	sdelay $0x4  }
0xb5: {  	[tilespmem:v4+s22+$0x0] =	vst.idx.msk $0xffff, v3  }
0xb6: {  	v4 =	vor.u32 $0x5, v2;
	v3 =	vld [tilespmem:s30+$0x280];
	_ =	sdelay $0x4  }
0xb7: {  	[tilespmem:v4+s22+$0x0] =	vst.idx.msk $0xffff, v3  }
0xb8: {  	v4 =	vor.u32 $0x6, v2;
	v3 =	vld [tilespmem:s30+$0x300];
	_ =	sdelay $0x4  }
0xb9: {  	[tilespmem:v4+s22+$0x0] =	vst.idx.msk $0xffff, v3  }
0xba: {  	v4 =	vor.u32 $0x7, v2;
	v3 =	vld [tilespmem:s30+$0x380];
	_ =	sdelay $0x4  }
0xbb: {  	[tilespmem:v4+s22+$0x0] =	vst.idx.msk $0xffff, v3  }
0xbc: {  	v4 =	vor.u32 $0x8, v2;
	v3 =	vld [tilespmem:s30+$0x400];
	_ =	sdelay $0x4  }
0xbd: {  	[tilespmem:v4+s22+$0x0] =	vst.idx.msk $0xffff, v3  }
0xbe: {  	v4 =	vor.u32 $0x9, v2;
	v3 =	vld [tilespmem:s30+$0x480];
	_ =	sdelay $0x4  }
0xbf: {  	[tilespmem:v4+s22+$0x0] =	vst.idx.msk $0xffff, v3  }
0xc0: {  	v4 =	vor.u32 $0xA, v2;
	v3 =	vld [tilespmem:s30+$0x500];
	_ =	sdelay $0x4  }
0xc1: {  	[tilespmem:v4+s22+$0x0] =	vst.idx.msk $0xffff, v3  }
0xc2: {  	v4 =	vor.u32 $0xB, v2;
	v3 =	vld [tilespmem:s30+$0x580];
	_ =	sdelay $0x4  }
0xc3: {  	[tilespmem:v4+s22+$0x0] =	vst.idx.msk $0xffff, v3  }
0xc4: {  	v4 =	vor.u32 $0xC, v2;
	v3 =	vld [tilespmem:s30+$0x600];
	_ =	sdelay $0x4  }
0xc5: {  	[tilespmem:v4+s22+$0x0] =	vst.idx.msk $0xffff, v3  }
0xc6: {  	v4 =	vor.u32 $0xD, v2;
	v3 =	vld [tilespmem:s30+$0x680];
	_ =	sdelay $0x4  }
0xc7: {  	[tilespmem:v4+s22+$0x0] =	vst.idx.msk $0xffff, v3  }
0xc8: {  	v4 =	vor.u32 $0xE, v2;
	v3 =	vld [tilespmem:s30+$0x700];
	_ =	sdelay $0x4  }
.Ltmp6:
0xc9: {  	[tilespmem:v4+s22+$0x0] =	vst.idx.msk $0xffff, v3;
	(pc) =	sbr.rel @p0 .LBB2_6-.Ltmp6, $3  }
0xca: {  	v2 =	vor.u32 $0xF, v2;
	v3 =	vld [tilespmem:s30+$0x780];
	_ =	sdelay $0x1  }
0xcb: {  	s28 =	sadd.s32 $0x200, s28  }
0xcc: {  	s29 =	sadd.s32 $0x20, s29;
	s31 =	sand.u32 $0xF800, s28;
	s30 =	sadd.s32 $0xFFFFFFF0, s26  }
0xcd: {  	_ =	sdelay $0x2  }
0xce: {  	v4 =	vmov s30;
	s0 =	sand.u32 $0x60, s30;
	s28 =	sadd.s32 $0x7620, s31  }
0xcf: {  	v4 =	vshll.u32 v4, $0x4;
	s0 =	sadd.s32 s0, s28;
	[tilespmem:v2+s22+$0x0] =	vst.idx.msk $0xffff, v3  }
0xd0: {  	v2 =	vld [tilespmem:s0+$0x0];
	v3 =	vor.u32 v1, v4;
	_ =	sdelay $0x4  }
0xd1: {  	[tilespmem:v3+s22+$0x0] =	vst.idx.msk $0xffff, v2  }
0xd2: {  	v4 =	vor.u32 $0x1, v3;
	v2 =	vld [tilespmem:s0+$0x80];
	_ =	sdelay $0x4  }
0xd3: {  	[tilespmem:v4+s22+$0x0] =	vst.idx.msk $0xffff, v2  }
0xd4: {  	v36 =	vor.u32 $0x2, v3;
	v2 =	vld [tilespmem:s0+$0x100];
	_ =	sdelay $0x4  }
0xd5: {  	[tilespmem:v36+s22+$0x0] =	vst.idx.msk $0xffff, v2  }
0xd6: {  	v37 =	vor.u32 $0x3, v3;
	v2 =	vld [tilespmem:s0+$0x180];
	_ =	sdelay $0x4  }
0xd7: {  	[tilespmem:v37+s22+$0x0] =	vst.idx.msk $0xffff, v2  }
0xd8: {  	v38 =	vor.u32 $0x4, v3;
	v2 =	vld [tilespmem:s0+$0x200];
	_ =	sdelay $0x4  }
0xd9: {  	[tilespmem:v38+s22+$0x0] =	vst.idx.msk $0xffff, v2  }
0xda: {  	v39 =	vor.u32 $0x5, v3;
	v2 =	vld [tilespmem:s0+$0x280];
	_ =	sdelay $0x4  }
0xdb: {  	[tilespmem:v39+s22+$0x0] =	vst.idx.msk $0xffff, v2  }
0xdc: {  	v40 =	vor.u32 $0x6, v3;
	v2 =	vld [tilespmem:s0+$0x300];
	_ =	sdelay $0x4  }
0xdd: {  	[tilespmem:v40+s22+$0x0] =	vst.idx.msk $0xffff, v2  }
0xde: {  	v41 =	vor.u32 $0x7, v3;
	v2 =	vld [tilespmem:s0+$0x380];
	_ =	sdelay $0x4  }
0xdf: {  	[tilespmem:v41+s22+$0x0] =	vst.idx.msk $0xffff, v2  }
0xe0: {  	v42 =	vor.u32 $0x8, v3;
	v2 =	vld [tilespmem:s0+$0x400];
	_ =	sdelay $0x4  }
0xe1: {  	[tilespmem:v42+s22+$0x0] =	vst.idx.msk $0xffff, v2  }
0xe2: {  	v43 =	vor.u32 $0x9, v3;
	v2 =	vld [tilespmem:s0+$0x480];
	_ =	sdelay $0x4  }
0xe3: {  	[tilespmem:v43+s22+$0x0] =	vst.idx.msk $0xffff, v2  }
0xe4: {  	v44 =	vor.u32 $0xA, v3;
	v2 =	vld [tilespmem:s0+$0x500];
	_ =	sdelay $0x4  }
0xe5: {  	[tilespmem:v44+s22+$0x0] =	vst.idx.msk $0xffff, v2  }
0xe6: {  	v45 =	vor.u32 $0xB, v3;
	v2 =	vld [tilespmem:s0+$0x580];
	_ =	sdelay $0x4  }
0xe7: {  	[tilespmem:v45+s22+$0x0] =	vst.idx.msk $0xffff, v2  }
0xe8: {  	v46 =	vor.u32 $0xC, v3;
	v2 =	vld [tilespmem:s0+$0x600];
	_ =	sdelay $0x4  }
0xe9: {  	[tilespmem:v46+s22+$0x0] =	vst.idx.msk $0xffff, v2  }
0xea: {  	v47 =	vor.u32 $0xD, v3;
	v2 =	vld [tilespmem:s0+$0x680];
	_ =	sdelay $0x4  }
0xeb: {  	[tilespmem:v47+s22+$0x0] =	vst.idx.msk $0xffff, v2  }
0xec: {  	v48 =	vor.u32 $0xE, v3;
	v2 =	vld [tilespmem:s0+$0x700];
	_ =	sdelay $0x4  }
0xed: {  	[tilespmem:v48+s22+$0x0] =	vst.idx.msk $0xffff, v2  }
0xee: {  	v3 =	vor.u32 $0xF, v3;
	v2 =	vld [tilespmem:s0+$0x780];
	_ =	sdelay $0x3  }
0xef: {  	v49 =	vmov s26;
	s30 =	sand.u32 $0x70, s26  }
0xf0: {  	s0 =	sadd.s32 s30, s28;
	[tilespmem:v3+s22+$0x0] =	vst.idx.msk $0xffff, v2;
	v2 =	vshll.u32 v49, $0x4  }
0xf1: {  	v3 =	vld [tilespmem:s0+$0x0];
	v2 =	vor.u32 v1, v2;
	_ =	sdelay $0x4  }
0xf2: {  	[tilespmem:v2+s22+$0x0] =	vst.idx.msk $0xffff, v3  }
0xf3: {  	v50 =	vor.u32 $0x1, v2;
	v3 =	vld [tilespmem:s0+$0x80];
	_ =	sdelay $0x4  }
0xf4: {  	[tilespmem:v50+s22+$0x0] =	vst.idx.msk $0xffff, v3  }
0xf5: {  	v51 =	vor.u32 $0x2, v2;
	v3 =	vld [tilespmem:s0+$0x100];
	_ =	sdelay $0x4  }
0xf6: {  	[tilespmem:v51+s22+$0x0] =	vst.idx.msk $0xffff, v3  }
0xf7: {  	v52 =	vor.u32 $0x3, v2;
	v3 =	vld [tilespmem:s0+$0x180];
	_ =	sdelay $0x4  }
0xf8: {  	[tilespmem:v52+s22+$0x0] =	vst.idx.msk $0xffff, v3  }
0xf9: {  	v53 =	vor.u32 $0x4, v2;
	v3 =	vld [tilespmem:s0+$0x200];
	_ =	sdelay $0x4  }
0xfa: {  	[tilespmem:v53+s22+$0x0] =	vst.idx.msk $0xffff, v3  }
0xfb: {  	v54 =	vor.u32 $0x5, v2;
	v3 =	vld [tilespmem:s0+$0x280];
	_ =	sdelay $0x4  }
0xfc: {  	[tilespmem:v54+s22+$0x0] =	vst.idx.msk $0xffff, v3  }
0xfd: {  	v55 =	vor.u32 $0x6, v2;
	v3 =	vld [tilespmem:s0+$0x300];
	_ =	sdelay $0x4  }
0xfe: {  	[tilespmem:v55+s22+$0x0] =	vst.idx.msk $0xffff, v3  }
0xff: {  	v56 =	vor.u32 $0x7, v2;
	v3 =	vld [tilespmem:s0+$0x380];
	_ =	sdelay $0x4  }
0x100: {  	[tilespmem:v56+s22+$0x0] =	vst.idx.msk $0xffff, v3  }
0x101: {  	v57 =	vor.u32 $0x8, v2;
	v3 =	vld [tilespmem:s0+$0x400];
	_ =	sdelay $0x4  }
0x102: {  	[tilespmem:v57+s22+$0x0] =	vst.idx.msk $0xffff, v3  }
0x103: {  	v58 =	vor.u32 $0x9, v2;
	v3 =	vld [tilespmem:s0+$0x480];
	_ =	sdelay $0x4  }
0x104: {  	[tilespmem:v58+s22+$0x0] =	vst.idx.msk $0xffff, v3  }
0x105: {  	v59 =	vor.u32 $0xA, v2;
	v3 =	vld [tilespmem:s0+$0x500];
	_ =	sdelay $0x4  }
0x106: {  	[tilespmem:v59+s22+$0x0] =	vst.idx.msk $0xffff, v3  }
0x107: {  	v60 =	vor.u32 $0xB, v2;
	v3 =	vld [tilespmem:s0+$0x580];
	_ =	sdelay $0x4  }
0x108: {  	[tilespmem:v60+s22+$0x0] =	vst.idx.msk $0xffff, v3  }
0x109: {  	v61 =	vor.u32 $0xC, v2;
	v3 =	vld [tilespmem:s0+$0x600];
	_ =	sdelay $0x4  }
0x10a: {  	[tilespmem:v61+s22+$0x0] =	vst.idx.msk $0xffff, v3  }
0x10b: {  	v62 =	vor.u32 $0xD, v2;
	v3 =	vld [tilespmem:s0+$0x680];
	_ =	sdelay $0x4  }
0x10c: {  	[tilespmem:v62+s22+$0x0] =	vst.idx.msk $0xffff, v3  }
0x10d: {  	v63 =	vor.u32 $0xE, v2;
	v3 =	vld [tilespmem:s0+$0x700];
	_ =	sdelay $0x4  }
0x10e: {  	[tilespmem:v63+s22+$0x0] =	vst.idx.msk $0xffff, v3  }
0x10f: {  	v2 =	vor.u32 $0xF, v2;
	v3 =	vld [tilespmem:s0+$0x780];
	_ =	sdelay $0x1  }
0x110: {  	s31 =	smul.u32 $0x2800, s25;
	_ =	sdelay $0x1  }
0x111: {  	s0 =	sshra.s32 s31, $0x2  }
.Ltmp7:
0x112: {  	s0 =	sadd.s32 $0x4E20, s0;
	[tilespmem:v2+s22+$0x0] =	vst.idx.msk $0xffff, v3;
	(pc) =	sbr.rel .LBB2_8-.Ltmp7, $4  }
0x113: {  	[spmem:s2] =	stream.indirect.scatter.add.f32 [tilespmem:s22], [sflag:$0x3], $0x10, s0, s23, $0xb8;
	[tilespmem:$0x1B620] =	vst v63  }
0x114: {  	_ =	swait.ge [sflag:s19], $0xA000  }
0x115: {  	[sflag:s19] =	ssyncset.done $0x0  }
0x116: {  	[sflag:s19] =	ssyncadd.s32 $0xFFFF6000  }
.LBB2_10:
0x117: {  	_ =	sfence.sel $0x180000  }
0x118: {  	[bflag:$0x0] =	sbarrier.arrive $0xFFFF  }
0x119: {  	_ =	strace $0x9000004A  }
0x11a: {  	[bflag:$0x2] =	sbarrier.arrive $0xFFFF  }
0x11b: {  	p0 =	sne.s32 s1, $0x0;
	s0 =	rddreg [dreg:$0x2]  }
0x11c: {  	s0 =	sadd.s32 @!p0 $0x100000, s0  }
0x11d: {  	[sflag:s0] =	ssyncadd.tile.s32 @!p0 $0x1;
	_ =	shalt  }
.Lfunc_end2:
_tile_overlayer_lowered:
.L_overlay_start_2:
0x11e: {  	(tag) =	ssettag $0x2  }
0x11f: {  	s0 =	rddreg [dreg:$0x0];
	s2 =	stileid.u32  }
0x120: {  	s1 =	rddreg [dreg:$0x1];
	p0 =	sne.s32 s2, $0x0  }
0x121: {  	s3 =	rddreg [dreg:$0x2];
	[bflag:$0x3] =	sbarrier.arrive $0xFFFF;
	s2 =	simm.s32 @!p0 $0x1C03  }
0x122: {  	[timem:s3], [sflag:s2] =	dma.local @!p0 [hbm:s0], s1  }
0x123: {  	s0 =	simm.s32 @!p0 $0x3  }
0x124: {  	_ =	swait.ge @!p0 [sflag:s0], s1  }
0x125: {  	s1 =	ssub.s32 @!p0 $0x0, s1;
	[sflag:s0] =	ssyncset.done @!p0 $0x0  }
0x126: {  	[sflag:s0] =	ssyncadd.s32 @!p0 s1  }
0x127: {  	[bflag:$0x3] =	sbarrier.arrive $0xFFFF  }
0x128: {  	_ =	shalt  }

// kernel: kernel.8.cloned.1.call-start
scs
__scs_entry_jumppad:
0x0: {  	(pc) =	sbr.rel $0x88, $3  }
0x1: {  	(tag) =	ssettag $0x0;
	lr =	simm.s32 $0x1  }
0x2: {  	[smem:$0x3F92] =	sst lr;
	_ =	strace $0xD0000000  }
0x3: {  	_ = 	snop  }
0x4: {  	_ = 	snop  }
0x5: {  	_ = 	snop  }
0x6: {  	_ = 	snop  }
0x7: {  	_ = 	snop  }
__scs_overlays_trampoline_lowered:
0x8: {  	[smem:$0x3FA1] =	sst s0  }
0x9: {  	[smem:$0x3FA2] =	sst s1  }
0xa: {  	[smem:$0x3FA3] =	sst s2  }
0xb: {  	[smem:$0x3FA4] =	sst s3  }
0xc: {  	[smem:$0x3FA5] =	sst s4  }
0xd: {  	[smem:$0x3FA6] =	sst s5  }
0xe: {  	[smem:$0x3FA7] =	sst s6  }
0xf: {  	[smem:$0x3FA8] =	sst s7  }
0x10: {  	[smem:$0x3FA9] =	sst s8  }
0x11: {  	[smem:$0x3FAA] =	sst s9;
	s0 =	simm.s32 @!p0 $0x0  }
0x12: {  	s1 =	sld [smem:$0x3F90];
	s0 =	simm.s32 @p0 $0x1  }
0x13: {  	[smem:$0x3FAB] =	sst s0;
	s0 =	simm.s32 @!p1 $0x0  }
0x14: {  	s2 =	sld [smem:$0x3F8F];
	s0 =	simm.s32 @p1 $0x1  }
0x15: {  	[smem:$0x3FAC] =	sst s0;
	s0 =	simm.s32 @!p2 $0x0  }
0x16: {  	s3 =	sld [smem:$0x3FDB];
	s0 =	simm.s32 @p2 $0x1  }
0x17: {  	s4 =	simm.s32 $0x1BF5;
	[smem:$0x3FAE] =	sst s0  }
0x18: {  	s0 =	sld [smem:$0x3F91];
	_ =	swait.ge [sflag:s4], $0x0  }
0x19: {  	s7 =	sld [smem:$0x3F92]  }
0x1a: {  	s8 =	sadd.s32 $0xFFFFE003, lr  }
0x1b: {  	s9 =	sadd.s32 $0xFFFFFEF7, lr;
	s5 =	simm.s32 $0xFFFFFFFF;
	p2 =	slt.u32 s8, $0xFFFFF086  }
0x1c: {  	p1 =	slt.u32 s9, $0xF7A;
	s5 =	simm.s32 @!p2 $0x0  }
0x1d: {  	s5 =	simm.s32 @p1 $0x1;
	p0 =	seq.s32 s7, s2  }
0x1e: {  	s7 =	smul.u32 @!p0 $0xF7A, s2;
	p2 =	seq.s32 @!p0 s5, $0x0  }
0x1f: {  	s9 =	smul.u32 $0xF7A, s1;
	s8 =	simm.s32 @!p0 $0x1BF5;
	p2 =	por !p2, p0  }
0x20: {  	[sflag:s8] =	ssyncset.s32 @!p0 $0xFFFFF086;
	s6 =	sadd.s32 @!p0 s3, s7;
	s7 =	simm.s32 @!p0 $0x108  }
0x21: {  	s3 =	sadd.s32 s3, s9;
	s6 =	sadd.s32 @!p0 $0x88, s6;
	s7 =	simm.s32 @p2 $0x1082  }
0x22: {  	[simem:s7], [sflag:s8] =	dma.local @!p0 [hbm:s6], $0xF7A  }
0x23: {  	s9 =	sor.u32 $0xD0000000, s2;
	s6 =	simm.s32 $0x108;
	_ =	swait.ge @!p0 [sflag:s8], $0x0  }
0x24: {  	s3 =	sadd.s32 $0x88, s3;
	s6 =	simm.s32 @!p1 $0x1082;
	[sflag:s4] =	ssyncset.s32 $0xFFFFF086  }
0x25: {  	[simem:s6], [sflag:s4] =	dma.local [hbm:s3], $0xF7A  }
0x26: {  	[smem:$0x3F92] =	sst s1;
	(tag) =	ssettag s2;
	_ =	strace s9  }
0x27: {  	s1 =	sld [smem:$0x3FA2]  }
0x28: {  	s2 =	sld [smem:$0x3FA3]  }
0x29: {  	s4 =	sld [smem:$0x3FA5]  }
0x2a: {  	p0 =	seq.s32 s5, $0x0;
	s5 =	sld [smem:$0x3FA6]  }
0x2b: {  	s6 =	sld [smem:$0x3FA7]  }
0x2c: {  	s7 =	sld [smem:$0x3FA8]  }
0x2d: {  	s3 =	simm.s32 $0x108;
	s8 =	sld [smem:$0x3FA9]  }
0x2e: {  	s3 =	simm.s32 @!p0 $0x1082;
	s9 =	sld [smem:$0x3FAA]  }
0x2f: {  	lr =	sadd.s32 s0, s3;
	s0 =	sld [smem:$0x3FA1]  }
0x30: {  	s3 =	sld [smem:$0x3FA4]  }
0x31: {  	[smem:$0x3FAD] =	sst s10  }
0x32: {  	s10 =	sld [smem:$0x3FAB];
	_ =	sdelay $0x3  }
0x33: {  	p0 =	seq.s32 s10, $0x1;
	s10 =	sld [smem:$0x3FAD];
	_ =	sdelay $0x3  }
0x34: {  	[smem:$0x3FAD] =	sst s10  }
0x35: {  	s10 =	sld [smem:$0x3FAC];
	_ =	sdelay $0x3  }
0x36: {  	p1 =	seq.s32 s10, $0x1;
	s10 =	sld [smem:$0x3FAD];
	_ =	sdelay $0x3  }
0x37: {  	[smem:$0x3FAD] =	sst s10  }
0x38: {  	s10 =	sld [smem:$0x3FAE]  }
0x39: {  	_ = 	snop;
	(pc) =	sbr.ind lr, $3  }
0x3a: {  	_ = 	snop  }
0x3b: {  	_ = 	snop  }
0x3c: {  	p2 =	seq.s32 s10, $0x1;
	s10 =	sld [smem:$0x3FAD]  }
0x3d: {  	_ =	shalt  }
0x3e: {  	_ =	shalt  }
0x3f: {  	_ =	shalt  }
0x40: {  	_ =	shalt  }
0x41: {  	_ =	shalt  }
0x42: {  	_ =	shalt  }
0x43: {  	_ =	shalt  }
0x44: {  	_ =	shalt  }
0x45: {  	_ =	shalt  }
0x46: {  	_ =	shalt  }
0x47: {  	_ =	shalt  }
0x48: {  	_ =	shalt  }
0x49: {  	_ =	shalt  }
0x4a: {  	_ =	shalt  }
0x4b: {  	_ =	shalt  }
0x4c: {  	_ =	shalt  }
0x4d: {  	_ =	shalt  }
0x4e: {  	_ =	shalt  }
0x4f: {  	_ =	shalt  }
0x50: {  	_ =	shalt  }
0x51: {  	_ =	shalt  }
0x52: {  	_ =	shalt  }
0x53: {  	_ =	shalt  }
0x54: {  	_ =	shalt  }
0x55: {  	_ =	shalt  }
0x56: {  	_ =	shalt  }
0x57: {  	_ =	shalt  }
0x58: {  	_ =	shalt  }
0x59: {  	_ =	shalt  }
0x5a: {  	_ =	shalt  }
0x5b: {  	_ =	shalt  }
0x5c: {  	_ =	shalt  }
0x5d: {  	_ =	shalt  }
0x5e: {  	_ =	shalt  }
0x5f: {  	_ =	shalt  }
0x60: {  	_ =	shalt  }
0x61: {  	_ =	shalt  }
0x62: {  	_ =	shalt  }
0x63: {  	_ =	shalt  }
0x64: {  	_ =	shalt  }
0x65: {  	_ =	shalt  }
0x66: {  	_ =	shalt  }
0x67: {  	_ =	shalt  }
0x68: {  	_ =	shalt  }
0x69: {  	_ =	shalt  }
0x6a: {  	_ =	shalt  }
0x6b: {  	_ =	shalt  }
0x6c: {  	_ =	shalt  }
0x6d: {  	_ =	shalt  }
0x6e: {  	_ =	shalt  }
0x6f: {  	_ =	shalt  }
0x70: {  	_ =	shalt  }
0x71: {  	_ =	shalt  }
0x72: {  	_ =	shalt  }
0x73: {  	_ =	shalt  }
0x74: {  	_ =	shalt  }
0x75: {  	_ =	shalt  }
0x76: {  	_ =	shalt  }
0x77: {  	_ =	shalt  }
0x78: {  	_ =	shalt  }
0x79: {  	_ =	shalt  }
0x7a: {  	_ =	shalt  }
0x7b: {  	_ =	shalt  }
0x7c: {  	_ =	shalt  }
0x7d: {  	_ =	shalt  }
0x7e: {  	_ =	shalt  }
0x7f: {  	_ =	shalt  }
0x80: {  	_ =	shalt  }
0x81: {  	_ =	shalt  }
0x82: {  	_ =	shalt  }
0x83: {  	_ =	shalt  }
0x84: {  	_ =	shalt  }
0x85: {  	_ =	shalt  }
0x86: {  	_ =	shalt  }
0x87: {  	_ =	shalt  }
.Lfunc_end0:
.L_simem_size_0:
called_computation_lowered:
.L_overlay_start_0:
0x88: {  	s2 =	sld [smem:$0x3FD9]  }
0x89: {  	s3 =	sld [smem:$0x3FFE];
	_ =	sdelay $0x1  }
0x8a: {  	s1 =	srdreg.scid  }
0x8b: {  	s0 =	sand.u32 $0x1, s1  }
0x8c: {  	s17 =	sshll.u32 s0, $0xA;
	s2 =	sadd.s32 s3, s2  }
0x8d: {  	s2 =	sadd.s32 s2, s17  }
0x8e: {  	[smem:$0x3FB9] =	sst s2  }
0x8f: {  	_ = 	snop  }
0x90: {  	s2 =	sld [smem:$0x3FD0];
	(tm) =	ssettm $0x1  }
0x91: {  	s18 =	sld [smem:$0x3FFB];
	_ =	sdelay $0x3  }
0x92: {  	_ =	strace s18  }
0x93: {  	s3 =	sld [smem:$0x3FFC];
	_ =	sdelay $0x3  }
0x94: {  	_ =	strace s3  }
0x95: {  	s3 =	sld [smem:$0x3FFD];
	_ =	sdelay $0x3  }
0x96: {  	_ =	strace s3  }
0x97: {  	_ =	strace $0x8FFFFFFF  }
0x98: {  	s19 =	sld [smem:$0x3FDB];
	_ =	sdelay $0x1  }
0x99: {  	s4 =	simm.s32 $_scs_section_size  }
0x9a: {  	s5 =	simm.s32 $_size__tile_overlayer_lowered;
	s6 =	simm.s32 $_tile_overlayer_lowered  }
0x9b: {  	s22 =	simm.s32 $0x1BFF;
	s21 =	sshll.u32 s6, $0x1;
	s3 =	sadd.s32 s4, s19  }
0x9c: {  	s7 =	simm.s32 $0x0;
	s20 =	sshll.u32 s5, $0x1;
	s5 =	sadd.s32 s21, s3  }
0x9d: {  	[timem:s7], [sflag:s22] =	dma.local [hbm:s5], s20  }
0x9e: {  	_ =	swait.ge [sflag:s22], s20  }
0x9f: {  	s4 =	ssub.s32 $0x0, s20;
	[sflag:s22] =	ssyncset.done $0x0  }
0xa0: {  	[sflag:s22] =	ssyncadd.s32 s4;
	_ =	sdelay $0x1  }
0xa1: {  	s23 =	simm.s32 $0x1B8B  }
0xa2: {  	_ =	swait.ge [sflag:s23], $0x1  }
0xa3: {  	[sflag:s23] =	ssyncset.done $0x0  }
0xa4: {  	s25 =	simm.s32 $0x1B8E;
	s24 =	sld [smem:$0x3FFE];
	[sflag:s23] =	ssyncadd.s32 $0xFFFFFFFF  }
0xa5: {  	s26 =	simm.s32 $execute0_lowered;
	[smem:$0x3FD2] =	sst s25  }
0xa6: {  	s5 =	sshll.u32 s26, $0x1;
	_ =	strace $0x80000046;
	[dreg:$0x1] =	wrdreg $0xFFFFFFFF  }
0xa7: {  	s28 =	simm.s32 $_size_execute0_lowered;
	s3 =	sadd.s32 s3, s5;
	[dreg:$0x0] =	wrdreg $0x0  }
0xa8: {  	s5 =	sshll.u32 s28, $0x1;
	[dreg:$0x2] =	wrdreg s3  }
0xa9: {  	[dreg:$0x3] =	wrdreg s5  }
0xaa: {  	[dreg:$0x4] =	wrdreg $0xC0  }
0xab: {  	_ =	task [dreg:s7], $0x5FFFF  }
0xac: {  	[dreg:$0x1] =	wrdreg $0xFFFFFFFF  }
0xad: {  	[dreg:$0x0] =	wrdreg $0x60  }
0xae: {  	[dreg:$0x2] =	wrdreg s2  }
0xaf: {  	[dreg:$0x3] =	wrdreg s24  }
0xb0: {  	[dreg:$0x4] =	wrdreg $0x9  }
0xb1: {  	_ =	task.clear_ibuf [dreg:s7], $0x5FFFF;
	_ =	strace $0x90000046  }
0xb2: {  	s29 =	simm.s32 $0x9;
	_ =	strace $0x80000048  }
0xb3: {  	_ =	swait.ge [sflag:s29], $0x1  }
0xb4: {  	[sflag:s29] =	ssyncadd.s32 $0xFFFFFFFF  }
0xb5: {  	_ =	strace $0x90000048  }
0xb6: {  	_ =	sfence  }
0xb7: {  	s30 =	sld [smem:$0x0];
	_ =	sdelay $0x2  }
0xb8: {  	s31 =	sshll.u32 s1, $0xD;
	s1 =	sshrl.u32 s1, $0x2  }
0xb9: {  	s3 =	sand.u32 $0x4000, s31;
	s1 =	sadd.s32 s1, s30  }
0xba: {  	s0 =	sor.u32 s3, s0;
	s1 =	sshll.u32 s1, $0x11  }
0xbb: {  	s0 =	sor.u32 s1, s0  }
0xbc: {  	s0 =	sadd.s32 $0x8F2B, s0  }
0xbd: {  	[sflag:s0] =	ssyncadd.remote.s32 $0x1  }
0xbe: {  	_ =	sfence.sel $0xFFFF  }
0xbf: {  	[dreg:$0x0] =	wrdreg $0xFFFFFFFF;
	(pc) =	sbr.abs _section_cstart, $3  }
0xc0: {  	[dreg:$0x1] =	wrdreg $0xFFFFFFFF  }
0xc1: {  	_ =	task.clear_ibuf [dreg:s7], $0x2FFFF;
	_ =	strace $0x9FFFFFFF  }
0xc2: {  	(tm) =	ssettm $0x7FFFFFFF  }
0xc3: {  	_ =	shalt  }
tec
execute0_lowered:
.L_overlay_start_1:
0x0: {  	(tag) =	ssettag $0x1  }
0x1: {  	s2 =	rddreg [dreg:$0x0]  }
0x2: {  	s5 =	rddreg [dreg:$0x1]  }
0x3: {  	s0 =	rddreg [dreg:$0x2]  }
0x4: {  	s4 =	srdreg.scid;
	s1 =	stileid.u32  }
0x5: {  	s3 =	simm.s32 $0x0;
	s12 =	simm.s32 $0x1400;
	s13 =	simm.s32 $0x1E00  }
0x6: {  	s14 =	simm.s32 $0x1;
	s15 =	simm.s32 $0x2800;
	s16 =	simm.s32 $0x2  }
0x7: {  	s17 =	simm.s32 $0xC800;
	s6 =	sand.u32 $0x1, s4;
	s29 =	sshll.u32 s1, $0x1  }
0x8: {  	s18 =	simm.s32 $0x3;
	s19 =	simm.s32 $0x0;
	s4 =	sor.u32 s6, s29  }
0x9: {  	[smem:$0x7FF] =	sst s3;
	s9 =	sadd.s32 $0x2000, s5;
	s7 =	smul.u32 $0xA00, s4  }
0xa: {  	s5 =	sadd.s32 $0x15C00, s5;
	s6 =	ssub.s32 $0x2, s6;
	s30 =	smul.u32 $0x140, s4  }
.Ltmp0:
0xb: {  	_ =	strace $0x80000047;
	s8 =	sshrl.u32 s6, $0x1;
	(pc) =	sbr.rel .LBB2_1-.Ltmp0, $4  }
0xc: {  	p0 =	slt.u32 s4, $0x1D;
	s10 =	ssub.s32 s6, s8;
	s7 =	sshrl.u32 s7, $0x3  }
0xd: {  	s6 =	sadd.s32 s9, s30;
	s31 =	sadd.s32 s9, s7;
	s11 =	sadd.s32 $0x7800, s7  }
0xe: {  	v0 =	vlaneseq.u32;
	s10 =	smax.u32 s10, $0x1;
	s7 =	sadd.s32 $0x2800, s31;
	s11 =	simm.s32 @!p0 $0x0  }
0xf: {  	v0 =	vmul.u32 $0x10, v0;
	s8 =	sadd.s32 $0x5000, s31;
	s9 =	sadd.s32 s9, s11;
	s11 =	simm.s32 $0xA00  }
.LBB2_7:
0x10: {  	s19 =	sadd.s32 $0x1, s19  }
0x11: {  	p0 =	sne.s32 s19, s10  }
.Ltmp1:
0x12: {  	_ = 	snop;
	(pc) =	sbr.rel @!p0 .LBB2_8-.Ltmp1, $1  }
0x13: {  	_ =	sdelay $0x3  }
.LBB2_1:
0x14: {  	[tilespmem:s3], [sflag:$0x1] =	stream.linear.gather [hbm4b:s6+s3], $0xA00, $0x38;
	[tilespmem:$0x16800] =	vst v63  }
0x15: {  	_ = 	snop  }
0x16: {  	[tilespmem:s11], [sflag:$0x1] =	stream.linear.gather [hbm4b:s7+s3], $0xA00, $0x38;
	[tilespmem:$0x16800] =	vst v63  }
0x17: {  	_ = 	snop  }
0x18: {  	[tilespmem:s12], [sflag:$0x1] =	stream.linear.gather [hbm4b:s8+s3], $0xA00, $0x38;
	[tilespmem:$0x16800] =	vst v63  }
.Ltmp2:
0x19: {  	_ = 	snop;
	(pc) =	sbr.rel .LBB2_2-.Ltmp2, $4  }
0x1a: {  	[tilespmem:s13], [sflag:$0x1] =	stream.linear.gather [hbm4b:s9+s3], $0xA00, $0x38;
	[tilespmem:$0x16800] =	vst v63  }
0x1b: {  	_ =	swait.ge [sflag:s14], $0x2800  }
0x1c: {  	[sflag:s14] =	ssyncset.done $0x0  }
0x1d: {  	s20 =	simm.s32 $0x0;
	[sflag:s14] =	ssyncadd.s32 $0xFFFFD800  }
.LBB2_6:
0x1e: {  	s20 =	sadd.s32 $0x1, s20  }
0x1f: {  	p0 =	sne.s32 s20, $0x4  }
.Ltmp3:
0x20: {  	_ = 	snop;
	(pc) =	sbr.rel @!p0 .LBB2_7-.Ltmp3, $1  }
0x21: {  	_ =	sdelay $0x3  }
.LBB2_2:
0x22: {  	s21 =	sshll.u32 s20, $0x5  }
0x23: {  	s21 =	sor.u32 s4, s21  }
0x24: {  	p0 =	sgt.u32 s21, $0x7C  }
.Ltmp4:
0x25: {  	_ = 	snop;
	(pc) =	sbr.rel @p0 .LBB2_6-.Ltmp4, $1  }
0x26: {  	_ =	sdelay $0x3  }
0x27: {  	s23 =	simm.s32 $0x0  }
0x28: {  	s22 =	smul.u32 $0x2800, s20;
	v1 =	vmov s23  }
0x29: {  	v1 =	vshll.u32 v1, $0x4  }
0x2a: {  	s22 =	sshra.s32 s22, $0x2;
	v1 =	vor.u32 v0, v1  }
0x2b: {  	[tilespmem:s15], [sflag:$0x2] =	stream.indirect.gather [hbm4b:s2+s11], $0x10, s22, s11, $0xb8;
	[tilespmem:$0x16800] =	vst v63  }
0x2c: {  	_ =	swait.ge [sflag:s16], $0xA000  }
0x2d: {  	[sflag:s16] =	ssyncset.done $0x0  }
0x2e: {  	[sflag:s16] =	ssyncadd.s32 $0xFFFF6000  }
0x2f: {  	v2 =	vld.idx.msk [tilespmem:v1+s15+$0x0], $0xffff  }
0x30: {  	s22 =	simm.s32 $0x0;
	v3 =	vor.u32 $0x1, v1  }
0x31: {  	s24 =	sand.u32 $0xF800, s22  }
0x32: {  	s23 =	sand.u32 $0x60, s23;
	s24 =	sadd.s32 $0xC800, s24  }
0x33: {  	s23 =	sor.u32 s23, s24  }
0x34: {  	[tilespmem:s23+$0x0] =	vst v2  }
0x35: {  	v2 =	vld.idx.msk [tilespmem:v3+s15+$0x0], $0xffff  }
0x36: {  	v3 =	vor.u32 $0x2, v1;
	_ =	sdelay $0x3  }
0x37: {  	[tilespmem:s23+$0x80] =	vst v2  }
0x38: {  	v2 =	vld.idx.msk [tilespmem:v3+s15+$0x0], $0xffff  }
0x39: {  	v3 =	vor.u32 $0x3, v1;
	_ =	sdelay $0x3  }
0x3a: {  	[tilespmem:s23+$0x100] =	vst v2  }
0x3b: {  	v2 =	vld.idx.msk [tilespmem:v3+s15+$0x0], $0xffff  }
0x3c: {  	v3 =	vor.u32 $0x4, v1;
	_ =	sdelay $0x3  }
0x3d: {  	[tilespmem:s23+$0x180] =	vst v2  }
0x3e: {  	v2 =	vld.idx.msk [tilespmem:v3+s15+$0x0], $0xffff  }
0x3f: {  	v3 =	vor.u32 $0x5, v1;
	_ =	sdelay $0x3  }
0x40: {  	[tilespmem:s23+$0x200] =	vst v2  }
0x41: {  	v2 =	vld.idx.msk [tilespmem:v3+s15+$0x0], $0xffff  }
0x42: {  	v3 =	vor.u32 $0x6, v1;
	_ =	sdelay $0x3  }
0x43: {  	[tilespmem:s23+$0x280] =	vst v2  }
0x44: {  	v2 =	vld.idx.msk [tilespmem:v3+s15+$0x0], $0xffff  }
0x45: {  	v3 =	vor.u32 $0x7, v1;
	_ =	sdelay $0x3  }
0x46: {  	[tilespmem:s23+$0x300] =	vst v2  }
0x47: {  	v2 =	vld.idx.msk [tilespmem:v3+s15+$0x0], $0xffff  }
0x48: {  	v3 =	vor.u32 $0x8, v1;
	_ =	sdelay $0x3  }
0x49: {  	[tilespmem:s23+$0x380] =	vst v2  }
0x4a: {  	v2 =	vld.idx.msk [tilespmem:v3+s15+$0x0], $0xffff  }
0x4b: {  	v3 =	vor.u32 $0x9, v1;
	_ =	sdelay $0x3  }
0x4c: {  	[tilespmem:s23+$0x400] =	vst v2  }
0x4d: {  	v2 =	vld.idx.msk [tilespmem:v3+s15+$0x0], $0xffff  }
0x4e: {  	v3 =	vor.u32 $0xA, v1;
	_ =	sdelay $0x3  }
0x4f: {  	[tilespmem:s23+$0x480] =	vst v2  }
0x50: {  	v2 =	vld.idx.msk [tilespmem:v3+s15+$0x0], $0xffff  }
0x51: {  	v3 =	vor.u32 $0xB, v1;
	_ =	sdelay $0x3  }
0x52: {  	[tilespmem:s23+$0x500] =	vst v2  }
0x53: {  	v2 =	vld.idx.msk [tilespmem:v3+s15+$0x0], $0xffff  }
0x54: {  	v3 =	vor.u32 $0xC, v1;
	_ =	sdelay $0x3  }
0x55: {  	[tilespmem:s23+$0x580] =	vst v2  }
0x56: {  	v2 =	vld.idx.msk [tilespmem:v3+s15+$0x0], $0xffff  }
0x57: {  	v3 =	vor.u32 $0xD, v1;
	_ =	sdelay $0x3  }
0x58: {  	[tilespmem:s23+$0x600] =	vst v2  }
0x59: {  	v2 =	vld.idx.msk [tilespmem:v3+s15+$0x0], $0xffff  }
0x5a: {  	v3 =	vor.u32 $0xE, v1;
	_ =	sdelay $0x3  }
0x5b: {  	[tilespmem:s23+$0x680] =	vst v2  }
0x5c: {  	v2 =	vld.idx.msk [tilespmem:v3+s15+$0x0], $0xffff  }
0x5d: {  	v1 =	vor.u32 $0xF, v1;
	_ =	sdelay $0x2  }
0x5e: {  	s25 =	simm.s32 $0x10  }
0x5f: {  	[tilespmem:s23+$0x700] =	vst v2;
	v2 =	vmov s25  }
0x60: {  	v1 =	vld.idx.msk [tilespmem:v1+s15+$0x0], $0xffff;
	v2 =	vshll.u32 v2, $0x4  }
0x61: {  	v2 =	vor.u32 v0, v2;
	_ =	sdelay $0x3  }
0x62: {  	[tilespmem:s23+$0x780] =	vst v1  }
0x63: {  	v1 =	vld.idx.msk [tilespmem:v2+s15+$0x0], $0xffff  }
0x64: {  	v3 =	vor.u32 $0x1, v2;
	_ =	sdelay $0x1  }
0x65: {  	s31 =	sand.u32 $0x70, s25  }
0x66: {  	s25 =	sor.u32 s31, s24  }
0x67: {  	[tilespmem:s25+$0x0] =	vst v1  }
0x68: {  	v1 =	vld.idx.msk [tilespmem:v3+s15+$0x0], $0xffff  }
0x69: {  	v3 =	vor.u32 $0x2, v2;
	_ =	sdelay $0x3  }
0x6a: {  	[tilespmem:s25+$0x80] =	vst v1  }
0x6b: {  	v1 =	vld.idx.msk [tilespmem:v3+s15+$0x0], $0xffff  }
0x6c: {  	v3 =	vor.u32 $0x3, v2;
	_ =	sdelay $0x3  }
0x6d: {  	[tilespmem:s25+$0x100] =	vst v1  }
0x6e: {  	v1 =	vld.idx.msk [tilespmem:v3+s15+$0x0], $0xffff  }
0x6f: {  	v3 =	vor.u32 $0x4, v2;
	_ =	sdelay $0x3  }
0x70: {  	[tilespmem:s25+$0x180] =	vst v1  }
0x71: {  	v1 =	vld.idx.msk [tilespmem:v3+s15+$0x0], $0xffff  }
0x72: {  	v3 =	vor.u32 $0x5, v2;
	_ =	sdelay $0x3  }
0x73: {  	[tilespmem:s25+$0x200] =	vst v1  }
0x74: {  	v1 =	vld.idx.msk [tilespmem:v3+s15+$0x0], $0xffff  }
0x75: {  	v3 =	vor.u32 $0x6, v2;
	_ =	sdelay $0x3  }
0x76: {  	[tilespmem:s25+$0x280] =	vst v1  }
0x77: {  	v1 =	vld.idx.msk [tilespmem:v3+s15+$0x0], $0xffff  }
0x78: {  	v3 =	vor.u32 $0x7, v2;
	_ =	sdelay $0x3  }
0x79: {  	[tilespmem:s25+$0x300] =	vst v1  }
0x7a: {  	v1 =	vld.idx.msk [tilespmem:v3+s15+$0x0], $0xffff  }
0x7b: {  	v3 =	vor.u32 $0x8, v2;
	_ =	sdelay $0x3  }
0x7c: {  	[tilespmem:s25+$0x380] =	vst v1  }
0x7d: {  	v1 =	vld.idx.msk [tilespmem:v3+s15+$0x0], $0xffff  }
0x7e: {  	v3 =	vor.u32 $0x9, v2;
	_ =	sdelay $0x3  }
0x7f: {  	[tilespmem:s25+$0x400] =	vst v1  }
0x80: {  	v1 =	vld.idx.msk [tilespmem:v3+s15+$0x0], $0xffff  }
0x81: {  	v3 =	vor.u32 $0xA, v2;
	_ =	sdelay $0x3  }
0x82: {  	[tilespmem:s25+$0x480] =	vst v1  }
0x83: {  	v1 =	vld.idx.msk [tilespmem:v3+s15+$0x0], $0xffff  }
0x84: {  	v3 =	vor.u32 $0xB, v2;
	_ =	sdelay $0x3  }
0x85: {  	[tilespmem:s25+$0x500] =	vst v1  }
0x86: {  	v1 =	vld.idx.msk [tilespmem:v3+s15+$0x0], $0xffff  }
0x87: {  	v3 =	vor.u32 $0xC, v2;
	_ =	sdelay $0x3  }
0x88: {  	[tilespmem:s25+$0x580] =	vst v1  }
0x89: {  	v1 =	vld.idx.msk [tilespmem:v3+s15+$0x0], $0xffff  }
0x8a: {  	v3 =	vor.u32 $0xD, v2;
	_ =	sdelay $0x3  }
0x8b: {  	[tilespmem:s25+$0x600] =	vst v1  }
0x8c: {  	v1 =	vld.idx.msk [tilespmem:v3+s15+$0x0], $0xffff  }
0x8d: {  	v3 =	vor.u32 $0xE, v2;
	_ =	sdelay $0x3  }
0x8e: {  	[tilespmem:s25+$0x680] =	vst v1  }
0x8f: {  	v3 =	vld.idx.msk [tilespmem:v3+s15+$0x0], $0xffff  }
0x90: {  	v1 =	vor.u32 $0xF, v2;
	_ =	sdelay $0x3  }
0x91: {  	s26 =	simm.s32 $0x20;
	s24 =	simm.s32 $0x50;
	s23 =	simm.s32 $0x30;
	[tilespmem:s25+$0x700] =	vst v3  }
.LBB2_4:
0x92: {  	p0 =	sne.s32 s24, $0x9F0;
	v2 =	vmov s26;
	v3 =	vld.idx.msk [tilespmem:v1+s15+$0x0], $0xffff  }
0x93: {  	v1 =	vshll.u32 v2, $0x4  }
0x94: {  	v1 =	vor.u32 v0, v1;
	_ =	sdelay $0x3  }
0x95: {  	[tilespmem:s25+$0x780] =	vst v3  }
0x96: {  	v2 =	vld.idx.msk [tilespmem:v1+s15+$0x0], $0xffff;
	_ =	sdelay $0x1  }
0x97: {  	s22 =	sadd.s32 $0x200, s22;
	v3 =	vor.u32 $0x1, v1  }
0x98: {  	s25 =	sand.u32 $0xF800, s22  }
0x99: {  	s26 =	sand.u32 $0x60, s26;
	s25 =	sadd.s32 $0xC800, s25  }
0x9a: {  	s26 =	sor.u32 s26, s25  }
0x9b: {  	[tilespmem:s26+$0x0] =	vst v2  }
0x9c: {  	v2 =	vld.idx.msk [tilespmem:v3+s15+$0x0], $0xffff;
	_ =	sdelay $0x1  }
0x9d: {  	v3 =	vor.u32 $0x2, v1;
	_ =	sdelay $0x3  }
0x9e: {  	[tilespmem:s26+$0x80] =	vst v2  }
0x9f: {  	v2 =	vld.idx.msk [tilespmem:v3+s15+$0x0], $0xffff;
	_ =	sdelay $0x1  }
0xa0: {  	v3 =	vor.u32 $0x3, v1;
	_ =	sdelay $0x3  }
0xa1: {  	[tilespmem:s26+$0x100] =	vst v2  }
0xa2: {  	v2 =	vld.idx.msk [tilespmem:v3+s15+$0x0], $0xffff;
	_ =	sdelay $0x1  }
0xa3: {  	v3 =	vor.u32 $0x4, v1;
	_ =	sdelay $0x3  }
0xa4: {  	[tilespmem:s26+$0x180] =	vst v2  }
0xa5: {  	v2 =	vld.idx.msk [tilespmem:v3+s15+$0x0], $0xffff;
	_ =	sdelay $0x1  }
0xa6: {  	v3 =	vor.u32 $0x5, v1;
	_ =	sdelay $0x3  }
0xa7: {  	[tilespmem:s26+$0x200] =	vst v2  }
0xa8: {  	v2 =	vld.idx.msk [tilespmem:v3+s15+$0x0], $0xffff;
	_ =	sdelay $0x1  }
0xa9: {  	v3 =	vor.u32 $0x6, v1;
	_ =	sdelay $0x3  }
0xaa: {  	[tilespmem:s26+$0x280] =	vst v2  }
0xab: {  	v2 =	vld.idx.msk [tilespmem:v3+s15+$0x0], $0xffff;
	_ =	sdelay $0x1  }
0xac: {  	v3 =	vor.u32 $0x7, v1;
	_ =	sdelay $0x3  }
0xad: {  	[tilespmem:s26+$0x300] =	vst v2  }
0xae: {  	v2 =	vld.idx.msk [tilespmem:v3+s15+$0x0], $0xffff;
	_ =	sdelay $0x1  }
0xaf: {  	v3 =	vor.u32 $0x8, v1;
	_ =	sdelay $0x3  }
0xb0: {  	[tilespmem:s26+$0x380] =	vst v2  }
0xb1: {  	v2 =	vld.idx.msk [tilespmem:v3+s15+$0x0], $0xffff;
	_ =	sdelay $0x1  }
0xb2: {  	v3 =	vor.u32 $0x9, v1;
	_ =	sdelay $0x3  }
0xb3: {  	[tilespmem:s26+$0x400] =	vst v2  }
0xb4: {  	v2 =	vld.idx.msk [tilespmem:v3+s15+$0x0], $0xffff;
	_ =	sdelay $0x1  }
0xb5: {  	v3 =	vor.u32 $0xA, v1;
	_ =	sdelay $0x3  }
0xb6: {  	[tilespmem:s26+$0x480] =	vst v2  }
0xb7: {  	v2 =	vld.idx.msk [tilespmem:v3+s15+$0x0], $0xffff;
	_ =	sdelay $0x1  }
0xb8: {  	v3 =	vor.u32 $0xB, v1;
	_ =	sdelay $0x3  }
0xb9: {  	[tilespmem:s26+$0x500] =	vst v2  }
0xba: {  	v2 =	vld.idx.msk [tilespmem:v3+s15+$0x0], $0xffff;
	_ =	sdelay $0x1  }
0xbb: {  	v3 =	vor.u32 $0xC, v1;
	_ =	sdelay $0x3  }
0xbc: {  	[tilespmem:s26+$0x580] =	vst v2  }
0xbd: {  	v2 =	vld.idx.msk [tilespmem:v3+s15+$0x0], $0xffff;
	_ =	sdelay $0x1  }
0xbe: {  	v3 =	vor.u32 $0xD, v1;
	_ =	sdelay $0x3  }
0xbf: {  	[tilespmem:s26+$0x600] =	vst v2  }
0xc0: {  	v2 =	vld.idx.msk [tilespmem:v3+s15+$0x0], $0xffff;
	_ =	sdelay $0x1  }
0xc1: {  	v3 =	vor.u32 $0xE, v1;
	_ =	sdelay $0x3  }
0xc2: {  	[tilespmem:s26+$0x680] =	vst v2  }
0xc3: {  	v2 =	vld.idx.msk [tilespmem:v3+s15+$0x0], $0xffff;
	_ =	sdelay $0x1  }
0xc4: {  	v1 =	vor.u32 $0xF, v1;
	_ =	sdelay $0x3  }
0xc5: {  	[tilespmem:s26+$0x700] =	vst v2  }
0xc6: {  	v2 =	vld.idx.msk [tilespmem:v1+s15+$0x0], $0xffff;
	v1 =	vmov s23  }
0xc7: {  	v1 =	vshll.u32 v1, $0x4  }
0xc8: {  	v1 =	vor.u32 v0, v1;
	_ =	sdelay $0x3  }
0xc9: {  	[tilespmem:s26+$0x780] =	vst v2  }
0xca: {  	v2 =	vld.idx.msk [tilespmem:v1+s15+$0x0], $0xffff;
	_ =	sdelay $0x1  }
0xcb: {  	v3 =	vor.u32 $0x1, v1;
	_ =	sdelay $0x1  }
0xcc: {  	s26 =	sand.u32 $0x70, s23;
	s23 =	smov.u32 s24  }
0xcd: {  	s25 =	sor.u32 s26, s25  }
0xce: {  	[tilespmem:s25+$0x0] =	vst v2  }
0xcf: {  	v2 =	vld.idx.msk [tilespmem:v3+s15+$0x0], $0xffff;
	_ =	sdelay $0x1  }
0xd0: {  	v3 =	vor.u32 $0x2, v1;
	_ =	sdelay $0x3  }
0xd1: {  	[tilespmem:s25+$0x80] =	vst v2  }
0xd2: {  	v2 =	vld.idx.msk [tilespmem:v3+s15+$0x0], $0xffff;
	_ =	sdelay $0x1  }
0xd3: {  	v3 =	vor.u32 $0x3, v1;
	_ =	sdelay $0x3  }
0xd4: {  	[tilespmem:s25+$0x100] =	vst v2  }
0xd5: {  	v2 =	vld.idx.msk [tilespmem:v3+s15+$0x0], $0xffff;
	_ =	sdelay $0x1  }
0xd6: {  	v3 =	vor.u32 $0x4, v1;
	_ =	sdelay $0x3  }
0xd7: {  	[tilespmem:s25+$0x180] =	vst v2  }
0xd8: {  	v2 =	vld.idx.msk [tilespmem:v3+s15+$0x0], $0xffff;
	_ =	sdelay $0x1  }
0xd9: {  	v3 =	vor.u32 $0x5, v1;
	_ =	sdelay $0x3  }
0xda: {  	[tilespmem:s25+$0x200] =	vst v2  }
0xdb: {  	v2 =	vld.idx.msk [tilespmem:v3+s15+$0x0], $0xffff;
	_ =	sdelay $0x1  }
0xdc: {  	v3 =	vor.u32 $0x6, v1;
	_ =	sdelay $0x3  }
0xdd: {  	[tilespmem:s25+$0x280] =	vst v2  }
0xde: {  	v2 =	vld.idx.msk [tilespmem:v3+s15+$0x0], $0xffff;
	_ =	sdelay $0x1  }
0xdf: {  	v3 =	vor.u32 $0x7, v1;
	_ =	sdelay $0x3  }
0xe0: {  	[tilespmem:s25+$0x300] =	vst v2  }
0xe1: {  	v2 =	vld.idx.msk [tilespmem:v3+s15+$0x0], $0xffff;
	_ =	sdelay $0x1  }
0xe2: {  	v3 =	vor.u32 $0x8, v1;
	_ =	sdelay $0x3  }
0xe3: {  	[tilespmem:s25+$0x380] =	vst v2  }
0xe4: {  	v2 =	vld.idx.msk [tilespmem:v3+s15+$0x0], $0xffff;
	_ =	sdelay $0x1  }
0xe5: {  	v3 =	vor.u32 $0x9, v1;
	_ =	sdelay $0x3  }
0xe6: {  	[tilespmem:s25+$0x400] =	vst v2  }
0xe7: {  	v2 =	vld.idx.msk [tilespmem:v3+s15+$0x0], $0xffff;
	_ =	sdelay $0x1  }
0xe8: {  	v3 =	vor.u32 $0xA, v1;
	_ =	sdelay $0x3  }
0xe9: {  	[tilespmem:s25+$0x480] =	vst v2  }
0xea: {  	v2 =	vld.idx.msk [tilespmem:v3+s15+$0x0], $0xffff;
	_ =	sdelay $0x1  }
0xeb: {  	v3 =	vor.u32 $0xB, v1;
	_ =	sdelay $0x3  }
0xec: {  	[tilespmem:s25+$0x500] =	vst v2  }
0xed: {  	v2 =	vld.idx.msk [tilespmem:v3+s15+$0x0], $0xffff;
	_ =	sdelay $0x1  }
0xee: {  	v3 =	vor.u32 $0xC, v1;
	_ =	sdelay $0x3  }
0xef: {  	[tilespmem:s25+$0x580] =	vst v2  }
0xf0: {  	v2 =	vld.idx.msk [tilespmem:v3+s15+$0x0], $0xffff;
	_ =	sdelay $0x1  }
0xf1: {  	v3 =	vor.u32 $0xD, v1;
	_ =	sdelay $0x3  }
0xf2: {  	[tilespmem:s25+$0x600] =	vst v2  }
0xf3: {  	v2 =	vld.idx.msk [tilespmem:v3+s15+$0x0], $0xffff;
	_ =	sdelay $0x1  }
0xf4: {  	v3 =	vor.u32 $0xE, v1;
	_ =	sdelay $0x3  }
0xf5: {  	[tilespmem:s25+$0x680] =	vst v2  }
0xf6: {  	v2 =	vld.idx.msk [tilespmem:v3+s15+$0x0], $0xffff;
	_ =	sdelay $0x1  }
.Ltmp5:
0xf7: {  	v1 =	vor.u32 $0xF, v1;
	(pc) =	sbr.rel @p0 .LBB2_4-.Ltmp5, $2  }
0xf8: {  	_ =	sdelay $0x2  }
0xf9: {  	s24 =	sadd.s32 $0x20, s24;
	s26 =	sadd.s32 $0xFFFFFFF0, s23;
	[tilespmem:s25+$0x700] =	vst v2  }
0xfa: {  	_ =	sdelay $0x2  }
0xfb: {  	v2 =	vmov s26  }
0xfc: {  	v1 =	vld.idx.msk [tilespmem:v1+s15+$0x0], $0xffff;
	v2 =	vshll.u32 v2, $0x4  }
0xfd: {  	v2 =	vor.u32 v0, v2;
	_ =	sdelay $0x3  }
0xfe: {  	[tilespmem:s25+$0x780] =	vst v1  }
0xff: {  	v1 =	vld.idx.msk [tilespmem:v2+s15+$0x0], $0xffff  }
0x100: {  	s22 =	sadd.s32 $0x200, s22;
	v3 =	vor.u32 $0x1, v2  }
0x101: {  	s22 =	sand.u32 $0xF800, s22  }
0x102: {  	s24 =	sand.u32 $0x60, s26;
	s22 =	sadd.s32 $0xC800, s22  }
0x103: {  	s24 =	sor.u32 s24, s22  }
0x104: {  	[tilespmem:s24+$0x0] =	vst v1  }
0x105: {  	v1 =	vld.idx.msk [tilespmem:v3+s15+$0x0], $0xffff  }
0x106: {  	v3 =	vor.u32 $0x2, v2;
	_ =	sdelay $0x3  }
0x107: {  	[tilespmem:s24+$0x80] =	vst v1  }
0x108: {  	v1 =	vld.idx.msk [tilespmem:v3+s15+$0x0], $0xffff  }
0x109: {  	v3 =	vor.u32 $0x3, v2;
	_ =	sdelay $0x3  }
0x10a: {  	[tilespmem:s24+$0x100] =	vst v1  }
0x10b: {  	v1 =	vld.idx.msk [tilespmem:v3+s15+$0x0], $0xffff  }
0x10c: {  	v3 =	vor.u32 $0x4, v2;
	_ =	sdelay $0x3  }
0x10d: {  	[tilespmem:s24+$0x180] =	vst v1  }
0x10e: {  	v1 =	vld.idx.msk [tilespmem:v3+s15+$0x0], $0xffff  }
0x10f: {  	v3 =	vor.u32 $0x5, v2;
	_ =	sdelay $0x3  }
0x110: {  	[tilespmem:s24+$0x200] =	vst v1  }
0x111: {  	v1 =	vld.idx.msk [tilespmem:v3+s15+$0x0], $0xffff  }
0x112: {  	v3 =	vor.u32 $0x6, v2;
	_ =	sdelay $0x3  }
0x113: {  	[tilespmem:s24+$0x280] =	vst v1  }
0x114: {  	v1 =	vld.idx.msk [tilespmem:v3+s15+$0x0], $0xffff  }
0x115: {  	v3 =	vor.u32 $0x7, v2;
	_ =	sdelay $0x3  }
0x116: {  	[tilespmem:s24+$0x300] =	vst v1  }
0x117: {  	v1 =	vld.idx.msk [tilespmem:v3+s15+$0x0], $0xffff  }
0x118: {  	v3 =	vor.u32 $0x8, v2;
	_ =	sdelay $0x3  }
0x119: {  	[tilespmem:s24+$0x380] =	vst v1  }
0x11a: {  	v1 =	vld.idx.msk [tilespmem:v3+s15+$0x0], $0xffff  }
0x11b: {  	v3 =	vor.u32 $0x9, v2;
	_ =	sdelay $0x3  }
0x11c: {  	[tilespmem:s24+$0x400] =	vst v1  }
0x11d: {  	v1 =	vld.idx.msk [tilespmem:v3+s15+$0x0], $0xffff  }
0x11e: {  	v3 =	vor.u32 $0xA, v2;
	_ =	sdelay $0x3  }
0x11f: {  	[tilespmem:s24+$0x480] =	vst v1  }
0x120: {  	v1 =	vld.idx.msk [tilespmem:v3+s15+$0x0], $0xffff  }
0x121: {  	v3 =	vor.u32 $0xB, v2;
	_ =	sdelay $0x3  }
0x122: {  	[tilespmem:s24+$0x500] =	vst v1  }
0x123: {  	v1 =	vld.idx.msk [tilespmem:v3+s15+$0x0], $0xffff  }
0x124: {  	v3 =	vor.u32 $0xC, v2;
	_ =	sdelay $0x3  }
0x125: {  	[tilespmem:s24+$0x580] =	vst v1  }
0x126: {  	v1 =	vld.idx.msk [tilespmem:v3+s15+$0x0], $0xffff  }
0x127: {  	v3 =	vor.u32 $0xD, v2;
	_ =	sdelay $0x3  }
0x128: {  	[tilespmem:s24+$0x600] =	vst v1  }
0x129: {  	v1 =	vld.idx.msk [tilespmem:v3+s15+$0x0], $0xffff  }
0x12a: {  	v3 =	vor.u32 $0xE, v2;
	_ =	sdelay $0x3  }
0x12b: {  	[tilespmem:s24+$0x680] =	vst v1  }
0x12c: {  	v1 =	vld.idx.msk [tilespmem:v3+s15+$0x0], $0xffff  }
0x12d: {  	v2 =	vor.u32 $0xF, v2;
	_ =	sdelay $0x3  }
0x12e: {  	[tilespmem:s24+$0x700] =	vst v1;
	v1 =	vmov s23  }
0x12f: {  	v2 =	vld.idx.msk [tilespmem:v2+s15+$0x0], $0xffff;
	v1 =	vshll.u32 v1, $0x4  }
0x130: {  	v1 =	vor.u32 v0, v1;
	_ =	sdelay $0x3  }
0x131: {  	[tilespmem:s24+$0x780] =	vst v2  }
0x132: {  	v2 =	vld.idx.msk [tilespmem:v1+s15+$0x0], $0xffff  }
0x133: {  	v3 =	vor.u32 $0x1, v1;
	_ =	sdelay $0x1  }
0x134: {  	s31 =	sand.u32 $0x70, s23  }
0x135: {  	s22 =	sor.u32 s31, s22  }
0x136: {  	[tilespmem:s22+$0x0] =	vst v2  }
0x137: {  	v2 =	vld.idx.msk [tilespmem:v3+s15+$0x0], $0xffff  }
0x138: {  	v3 =	vor.u32 $0x2, v1;
	_ =	sdelay $0x3  }
0x139: {  	[tilespmem:s22+$0x80] =	vst v2  }
0x13a: {  	v2 =	vld.idx.msk [tilespmem:v3+s15+$0x0], $0xffff  }
0x13b: {  	v3 =	vor.u32 $0x3, v1;
	_ =	sdelay $0x3  }
0x13c: {  	[tilespmem:s22+$0x100] =	vst v2  }
0x13d: {  	v2 =	vld.idx.msk [tilespmem:v3+s15+$0x0], $0xffff  }
0x13e: {  	v3 =	vor.u32 $0x4, v1;
	_ =	sdelay $0x3  }
0x13f: {  	[tilespmem:s22+$0x180] =	vst v2  }
0x140: {  	v2 =	vld.idx.msk [tilespmem:v3+s15+$0x0], $0xffff  }
0x141: {  	v3 =	vor.u32 $0x5, v1;
	_ =	sdelay $0x3  }
0x142: {  	[tilespmem:s22+$0x200] =	vst v2  }
0x143: {  	v2 =	vld.idx.msk [tilespmem:v3+s15+$0x0], $0xffff  }
0x144: {  	v3 =	vor.u32 $0x6, v1;
	_ =	sdelay $0x3  }
0x145: {  	[tilespmem:s22+$0x280] =	vst v2  }
0x146: {  	v2 =	vld.idx.msk [tilespmem:v3+s15+$0x0], $0xffff  }
0x147: {  	v3 =	vor.u32 $0x7, v1;
	_ =	sdelay $0x3  }
0x148: {  	[tilespmem:s22+$0x300] =	vst v2  }
0x149: {  	v2 =	vld.idx.msk [tilespmem:v3+s15+$0x0], $0xffff  }
0x14a: {  	v3 =	vor.u32 $0x8, v1;
	_ =	sdelay $0x3  }
0x14b: {  	[tilespmem:s22+$0x380] =	vst v2  }
0x14c: {  	v2 =	vld.idx.msk [tilespmem:v3+s15+$0x0], $0xffff  }
0x14d: {  	v3 =	vor.u32 $0x9, v1;
	_ =	sdelay $0x3  }
0x14e: {  	[tilespmem:s22+$0x400] =	vst v2  }
0x14f: {  	v2 =	vld.idx.msk [tilespmem:v3+s15+$0x0], $0xffff  }
0x150: {  	v3 =	vor.u32 $0xA, v1;
	_ =	sdelay $0x3  }
0x151: {  	[tilespmem:s22+$0x480] =	vst v2  }
0x152: {  	v2 =	vld.idx.msk [tilespmem:v3+s15+$0x0], $0xffff  }
0x153: {  	v3 =	vor.u32 $0xB, v1;
	_ =	sdelay $0x3  }
0x154: {  	[tilespmem:s22+$0x500] =	vst v2  }
0x155: {  	v2 =	vld.idx.msk [tilespmem:v3+s15+$0x0], $0xffff  }
0x156: {  	v3 =	vor.u32 $0xC, v1;
	_ =	sdelay $0x3  }
0x157: {  	[tilespmem:s22+$0x580] =	vst v2  }
0x158: {  	v2 =	vld.idx.msk [tilespmem:v3+s15+$0x0], $0xffff  }
0x159: {  	v3 =	vor.u32 $0xD, v1;
	_ =	sdelay $0x3  }
0x15a: {  	[tilespmem:s22+$0x600] =	vst v2  }
0x15b: {  	v2 =	vld.idx.msk [tilespmem:v3+s15+$0x0], $0xffff  }
0x15c: {  	v3 =	vor.u32 $0xE, v1;
	_ =	sdelay $0x3  }
0x15d: {  	[tilespmem:s22+$0x680] =	vst v2  }
0x15e: {  	v2 =	vld.idx.msk [tilespmem:v3+s15+$0x0], $0xffff  }
0x15f: {  	v1 =	vor.u32 $0xF, v1;
	_ =	sdelay $0x3  }
0x160: {  	[tilespmem:s22+$0x700] =	vst v2  }
0x161: {  	v1 =	vld.idx.msk [tilespmem:v1+s15+$0x0], $0xffff;
	_ =	sdelay $0x2  }
0x162: {  	s21 =	smul.u32 $0x1400, s21;
	_ =	sdelay $0x1  }
.Ltmp6:
0x163: {  	s21 =	sadd.s32 s5, s21;
	[tilespmem:s22+$0x780] =	vst v1;
	(pc) =	sbr.rel .LBB2_6-.Ltmp6, $4  }
0x164: {  	[hbm4b:s21+s3] =	stream.linear.scatter [tilespmem:s17], [sflag:$0x3], $0xA000, $0x38;
	[tilespmem:$0x16800] =	vst v63  }
0x165: {  	_ =	swait.ge [sflag:s18], $0xA000  }
0x166: {  	[sflag:s18] =	ssyncset.done $0x0  }
0x167: {  	[sflag:s18] =	ssyncadd.s32 $0xFFFF6000  }
.LBB2_8:
0x168: {  	_ =	sfence.sel $0x180000  }
0x169: {  	[bflag:$0x0] =	sbarrier.arrive $0xFFFF  }
0x16a: {  	p0 =	sne.s32 s1, $0x0;
	_ =	strace $0x90000047  }
0x16b: {  	s0 =	sadd.s32 @!p0 $0x100000, s0;
	[bflag:$0x2] =	sbarrier.arrive $0xFFFF  }
0x16c: {  	[sflag:s0] =	ssyncadd.tile.s32 @!p0 $0x1;
	_ =	shalt  }
.Lfunc_end2:
_tile_overlayer_lowered:
.L_overlay_start_2:
0x16d: {  	(tag) =	ssettag $0x2  }
0x16e: {  	s0 =	rddreg [dreg:$0x0];
	s2 =	stileid.u32  }
0x16f: {  	s1 =	rddreg [dreg:$0x1];
	p0 =	sne.s32 s2, $0x0  }
0x170: {  	s3 =	rddreg [dreg:$0x2];
	[bflag:$0x3] =	sbarrier.arrive $0xFFFF;
	s2 =	simm.s32 @!p0 $0x1C03  }
0x171: {  	[timem:s3], [sflag:s2] =	dma.local @!p0 [hbm:s0], s1  }
0x172: {  	s0 =	simm.s32 @!p0 $0x3  }
0x173: {  	_ =	swait.ge @!p0 [sflag:s0], s1  }
0x174: {  	s1 =	ssub.s32 @!p0 $0x0, s1;
	[sflag:s0] =	ssyncset.done @!p0 $0x0  }
0x175: {  	[sflag:s0] =	ssyncadd.s32 @!p0 s1  }
0x176: {  	[bflag:$0x3] =	sbarrier.arrive $0xFFFF  }
0x177: {  	_ =	shalt  }

</sc_bundles>
